<compile_context>
chip_gen: v7x
topology: tpu7x:2x2x1
jax: 0.10.2.dev20260603
libtpu: 0.0.44.dev20260713+nightly
codegen_flags: <defaults>
</compile_context>

<pallas_src>
import functools

import jax
import jax.numpy as jnp
from jax import lax
from jax.experimental import pallas as pl
from jax.experimental.pallas import tpu as pltpu
from jax.experimental.pallas import tpu_sc as plsc

B = 4
N = 8192
M = 8192

QS = 2048
TCQ = N - QS


NW = 32
WPB = NW // B
QPW = QS // WPB
L = 16


def _sc_body(q_hbm, r_hbm, out_hbm, qx, qy, qz, rx, ry, rz, oi):
    c = lax.axis_index("c")
    s = lax.axis_index("s")
    wid = s * 2 + c
    b = wid // WPB
    qbase = TCQ + (wid % WPB) * QPW

    pltpu.sync_copy(q_hbm.at[pl.ds(b * 3 * N + 0 * N + qbase, QPW)], qx)
    pltpu.sync_copy(q_hbm.at[pl.ds(b * 3 * N + 1 * N + qbase, QPW)], qy)
    pltpu.sync_copy(q_hbm.at[pl.ds(b * 3 * N + 2 * N + qbase, QPW)], qz)
    pltpu.sync_copy(r_hbm.at[pl.ds(b * 3 * M + 0 * M, M)], rx)
    pltpu.sync_copy(r_hbm.at[pl.ds(b * 3 * M + 1 * M, M)], ry)
    pltpu.sync_copy(r_hbm.at[pl.ds(b * 3 * M + 2 * M, M)], rz)

    NA = 1
    GV = 8

    def per_group(g, carry):
        qv = [
            (
                qx[pl.ds((g * GV + k) * L, L)],
                qy[pl.ds((g * GV + k) * L, L)],
                qz[pl.ds((g * GV + k) * L, L)],
            )
            for k in range(GV)
        ]

        def per_refvec(j, mc):
            acc = [list(a) for a in zip(mc[0::2], mc[1::2])]
            rxv = rx[pl.ds(j * L, L)]
            ryv = ry[pl.ds(j * L, L)]
            rzv = rz[pl.ds(j * L, L)]
            base = jnp.full((L,), j * L, jnp.int32)
            for t in range(L):
                tv = jnp.full((L,), t, jnp.int32)
                bx = jnp.take(rxv, tv)
                by = jnp.take(ryv, tv)
                bz = jnp.take(rzv, tv)
                for k in range(GV):
                    dx = qv[k][0] - bx
                    dy = qv[k][1] - by
                    dz = qv[k][2] - bz
                    d = dx * dx + dy * dy + dz * dz
                    a = k * NA + t % NA
                    m, mi = acc[a]
                    p = d < m
                    acc[a][0] = jnp.minimum(m, d)
                    acc[a][1] = jnp.where(p, base + t, mi)
            return tuple(x for a in acc for x in a)

        init = []
        for _ in range(GV * NA):
            init.append(jnp.full((L,), jnp.inf, jnp.float32))
            init.append(jnp.zeros((L,), jnp.int32))
        accs = lax.fori_loop(0, M // L, per_refvec, tuple(init))

        for k in range(GV):
            m, mi = accs[2 * k * NA], accs[2 * k * NA + 1]
            for a in range(1, NA):
                mb = accs[2 * (k * NA + a)]
                ib = accs[2 * (k * NA + a) + 1]
                takeb = (mb < m) | ((mb == m) & (ib < mi))
                m = jnp.minimum(m, mb)
                mi = jnp.where(takeb, ib, mi)
            oi[pl.ds((g * GV + k) * L, L)] = mi
        return carry

    lax.fori_loop(0, QPW // (GV * L), per_group, 0)
    pltpu.sync_copy(oi, out_hbm.at[pl.ds(wid * QPW, QPW)])


_sc_nn = functools.partial(
    pl.kernel,
    out_type=jax.ShapeDtypeStruct((B * QS,), jnp.int32),
    mesh=plsc.VectorSubcoreMesh(core_axis_name="c", subcore_axis_name="s"),
    scratch_types=[
        pltpu.VMEM((QPW,), jnp.float32),
        pltpu.VMEM((QPW,), jnp.float32),
        pltpu.VMEM((QPW,), jnp.float32),
        pltpu.VMEM((M,), jnp.float32),
        pltpu.VMEM((M,), jnp.float32),
        pltpu.VMEM((M,), jnp.float32),
        pltpu.VMEM((QPW,), jnp.int32),
    ],
)(_sc_body)


CH = 2048
KT = 6
QG = KT * 1024


def _tc_body(qx_ref, qy_ref, qz_ref, rx_ref, ry_ref, rz_ref, out_ref, m_ref, mi_ref):
    r = pl.program_id(2)

    @pl.when(r == 0)
    def _():
        m_ref[...] = jnp.full((KT * 8, 128), jnp.inf, jnp.float32)
        mi_ref[...] = jnp.zeros((KT * 8, 128), jnp.int32)

    qxt = qx_ref[0, 0]
    qyt = qy_ref[0, 0]
    qzt = qz_ref[0, 0]
    base = r * CH

    def step(j, mc):
        m, mi = mc
        rx = rx_ref[0, 0, j]
        ry = ry_ref[0, 0, j]
        rz = rz_ref[0, 0, j]
        dx = qxt - rx
        dy = qyt - ry
        dz = qzt - rz
        d = dx * dx + dy * dy + dz * dz
        p = d < m
        m = jnp.minimum(m, d)
        mi = jnp.where(p, jnp.full((KT * 8, 128), base + j, jnp.int32), mi)
        return m, mi

    m, mi = lax.fori_loop(0, CH, step, (m_ref[...], mi_ref[...]), unroll=64)
    m_ref[...] = m
    mi_ref[...] = mi

    @pl.when(r == M // CH - 1)
    def _():
        out_ref[0] = mi


def _tc_nn(q, r, nb):
    qt = q.reshape(nb, 3, N // 128, 128)
    nrc = M // CH
    rt = r.reshape(nb * 3 * nrc, 1, CH)
    grid = (nb, TCQ // QG, nrc)

    def rmap(c):
        return lambda b, i, j: ((b * 3 + c) * nrc + j, 0, 0)

    out = pl.pallas_call(
        _tc_body,
        grid=grid,
        in_specs=[
            pl.BlockSpec((1, 1, QG // 128, 128), lambda b, i, j: (b, 0, i, 0)),
            pl.BlockSpec((1, 1, QG // 128, 128), lambda b, i, j: (b, 1, i, 0)),
            pl.BlockSpec((1, 1, QG // 128, 128), lambda b, i, j: (b, 2, i, 0)),
            pl.BlockSpec((1, 1, CH), rmap(0), memory_space=pltpu.SMEM),
            pl.BlockSpec((1, 1, CH), rmap(1), memory_space=pltpu.SMEM),
            pl.BlockSpec((1, 1, CH), rmap(2), memory_space=pltpu.SMEM),
        ],
        out_specs=pl.BlockSpec((1, QG // 128, 128), lambda b, i, j: (b, i, 0)),
        out_shape=jax.ShapeDtypeStruct((nb, TCQ // 128, 128), jnp.int32),
        scratch_shapes=[
            pltpu.VMEM((KT * 8, 128), jnp.float32),
            pltpu.VMEM((KT * 8, 128), jnp.int32),
        ],
        compiler_params=pltpu.CompilerParams(
            dimension_semantics=("arbitrary", "arbitrary", "arbitrary"),
        ),
    )(qt, qt, qt, rt, rt, rt)
    return out.reshape(nb, TCQ)


def kernel(S1, S2):
    q = S1.transpose(0, 2, 1)
    r = S2.transpose(0, 2, 1)
    idx_sc = _sc_nn(q.reshape(-1), r.reshape(-1)).reshape(B, QS)
    idx_tc = _tc_nn(q, r, B)
    idx = jnp.concatenate([idx_tc, idx_sc], axis=1)
    return idx.astype(jnp.int64)

# --- scband reference (transcript-rebuilt; emitter-appended) ---
"""Pipeline reference for scband-sided-distance-42872363549144 (READ-ONLY COPY).

The authoritative reference and input builder live on the scoring server;
editing this copy changes nothing except your own understanding.
"""

import jax, jax.numpy as jnp
import numpy as np

CHUNK = 1024

def _sided_nn(s1, s2):
    # s1: [N,3], s2: [M,3] -> int32 idx [N] of nearest point in s2
    def chunk_fn(q):
        # q: [CHUNK, 3]
        d = jnp.sum((q[:, None, :] - s2[None, :, :]) ** 2, axis=-1)  # [CHUNK, M]
        return jnp.argmin(d, axis=-1)
    qs = s1.reshape(-1, CHUNK, 3)
    idx = jax.lax.map(chunk_fn, qs)
    return idx.reshape(-1)


def setup_inputs(seed: int = 0) -> dict:
    key = jax.random.key(seed)
    k1, k2 = jax.random.split(key)
    S1 = jax.random.uniform(k1, (4, 8192, 3), dtype=jnp.float32)
    S2 = jax.random.uniform(k2, (4, 8192, 3), dtype=jnp.float32)
    return {"S1": S1, "S2": S2}


def reference(S1, S2):
    # For every point in S1 find the index of the closest point in S2.
    # Matches SidedDistance.forward: returns long indices [B, N].
    assert S1.ndim == 3 and S2.ndim == 3
    idx = jax.vmap(_sided_nn)(S1, S2)
    return idx.astype(jnp.int64)

if __name__ == "__main__":
    import jax
    _d = setup_inputs()
    print(jax.jit(kernel)(*tuple(_d.values())))

</pallas_src>

<mosaic_0001>
#map = affine_map<(d0, d1) -> (0)>
module attributes {stable_mosaic.version = 14 : i64} {
  func.func @_sc_body(%arg0: i32, %arg1: i32, %arg2: memref<98304xf32, #tpu.memory_space<hbm>>, %arg3: memref<98304xf32, #tpu.memory_space<hbm>>, %arg4: memref<8192xi32, #tpu.memory_space<hbm>>, %arg5: memref<256xf32, #tpu.memory_space<vmem>>, %arg6: memref<256xf32, #tpu.memory_space<vmem>>, %arg7: memref<256xf32, #tpu.memory_space<vmem>>, %arg8: memref<8192xf32, #tpu.memory_space<vmem>>, %arg9: memref<8192xf32, #tpu.memory_space<vmem>>, %arg10: memref<8192xf32, #tpu.memory_space<vmem>>, %arg11: memref<256xi32, #tpu.memory_space<vmem>>) attributes {dimension_semantics = [#tpu.dimension_semantics<core_parallel>, #tpu.dimension_semantics<subcore_parallel>], iteration_bounds = array<i64: 2, 16>, scalar_prefetch = 0 : i64, scratch_operands = 7 : i64, tpu.core_type = #tpu.core_type<sc_vector_subcore>, window_params = [{transform_indices = #map}, {transform_indices = #map}, {transform_indices = #map}]} {
    %mul3A = arith.constant 2 : i32
    %mul3A_0 = arith.muli %arg1, %mul3A : i32
    %add3A = arith.addi %mul3A_0, %arg0 : i32
    %jit3A = arith.constant 8 : i32
    %div3A = arith.divsi %add3A, %jit3A : i32
    %sign3A = arith.constant 0 : i32
    %sign3A_1 = arith.cmpi sgt, %add3A, %sign3A : i32
    %sign3A_2 = arith.extui %sign3A_1 : i1 to i32
    %sign3A_3 = arith.constant 0 : i32
    %sign3A_4 = arith.cmpi slt, %add3A, %sign3A_3 : i32
    %sign3A_5 = arith.extui %sign3A_4 : i1 to i32
    %sign3A_6 = arith.subi %sign3A_2, %sign3A_5 : i32
    %sign3A_7 = arith.constant 0 : i32
    %sign3A_8 = arith.cmpi sgt, %jit3A, %sign3A_7 : i32
    %sign3A_9 = arith.extui %sign3A_8 : i1 to i32
    %sign3A_10 = arith.constant 0 : i32
    %sign3A_11 = arith.cmpi slt, %jit3A, %sign3A_10 : i32
    %sign3A_12 = arith.extui %sign3A_11 : i1 to i32
    %sign3A_13 = arith.subi %sign3A_9, %sign3A_12 : i32
    %ne3A = arith.cmpi ne, %sign3A_6, %sign3A_13 : i32
    %rem3A = arith.remsi %add3A, %jit3A : i32
    %ne3A_14 = arith.constant 0 : i32
    %ne3A_15 = arith.cmpi ne, %rem3A, %ne3A_14 : i32
    %and3A = arith.andi %ne3A, %ne3A_15 : i1
    %sub3A = arith.constant 1 : i32
    %sub3A_16 = arith.subi %div3A, %sub3A : i32
    %select_n3A = arith.select %and3A, %sub3A_16, %div3A : i32
    %jit3A_17 = arith.constant 8 : i32
    %eq3A = arith.constant 0 : i32
    %eq3A_18 = arith.cmpi eq, %jit3A_17, %eq3A : i32
    %jit3A_19 = arith.constant 1 : i32
    %select_n3A_20 = arith.select %eq3A_18, %jit3A_19, %jit3A_17 : i32
    %rem3A_21 = arith.remsi %add3A, %select_n3A_20 : i32
    %ne3A_22 = arith.constant 0 : i32
    %ne3A_23 = arith.cmpi ne, %rem3A_21, %ne3A_22 : i32
    %lt3A = arith.constant 0 : i32
    %lt3A_24 = arith.cmpi slt, %rem3A_21, %lt3A : i32
    %lt3A_25 = arith.constant 0 : i32
    %lt3A_26 = arith.cmpi slt, %select_n3A_20, %lt3A_25 : i32
    %ne3A_27 = arith.xori %lt3A_24, %lt3A_26 : i1
    %and3A_28 = arith.andi %ne3A_27, %ne3A_23 : i1
    %add3A_29 = arith.addi %rem3A_21, %select_n3A_20 : i32
    %select_n3A_30 = arith.select %and3A_28, %add3A_29, %rem3A_21 : i32
    %mul3A_31 = arith.constant 256 : i32
    %mul3A_32 = arith.muli %select_n3A_30, %mul3A_31 : i32
    %add3A_33 = arith.constant 6144 : i32
    %add3A_34 = arith.addi %add3A_33, %mul3A_32 : i32
    %mul3A_35 = arith.constant 3 : i32
    %mul3A_36 = arith.muli %select_n3A, %mul3A_35 : i32
    %mul3A_37 = arith.constant 8192 : i32
    %mul3A_38 = arith.muli %mul3A_36, %mul3A_37 : i32
    %add3A_39 = arith.constant 0 : i32
    %add3A_40 = arith.addi %mul3A_38, %add3A_39 : i32
    %add3A_41 = arith.addi %add3A_40, %add3A_34 : i32
    "tpu.region"() ({
      %run_scoped3A = tpu.sem_alloc : memref<!tpu.dma_semaphore, #tpu.memory_space<semaphore_mem>>
      %dma_start3A = tpu.memref_slice %arg2[%add3A_41] : memref<98304xf32, #tpu.memory_space<hbm>> -> memref<256xf32, #tpu.memory_space<hbm>>
      %dma_start3A_81 = tpu.memref_slice %arg2[%add3A_41] : memref<98304xf32, #tpu.memory_space<hbm>> -> memref<256xf32, #tpu.memory_space<hbm>>
      tpu.enqueue_dma source(%dma_start3A_81 : memref<256xf32, #tpu.memory_space<hbm>>) target(%arg5 : memref<256xf32, #tpu.memory_space<vmem>>) target_semaphore(%run_scoped3A : memref<!tpu.dma_semaphore, #tpu.memory_space<semaphore_mem>>)
      %dma_wait3A = tpu.memref_slice %arg2[%add3A_41] : memref<98304xf32, #tpu.memory_space<hbm>> -> memref<256xf32, #tpu.memory_space<hbm>>
      %dma_wait3A_82 = tpu.memref_slice %arg2[%add3A_41] : memref<98304xf32, #tpu.memory_space<hbm>> -> memref<256xf32, #tpu.memory_space<hbm>>
      tpu.wait_dma2 semaphore(%run_scoped3A : memref<!tpu.dma_semaphore, #tpu.memory_space<semaphore_mem>>) src(%dma_wait3A_82 : memref<256xf32, #tpu.memory_space<hbm>>) dst(%arg5 : memref<256xf32, #tpu.memory_space<vmem>>)
      tpu.yield
    }) : () -> ()
    %mul3A_42 = arith.constant 3 : i32
    %mul3A_43 = arith.muli %select_n3A, %mul3A_42 : i32
    %mul3A_44 = arith.constant 8192 : i32
    %mul3A_45 = arith.muli %mul3A_43, %mul3A_44 : i32
    %add3A_46 = arith.constant 8192 : i32
    %add3A_47 = arith.addi %mul3A_45, %add3A_46 : i32
    %add3A_48 = arith.addi %add3A_47, %add3A_34 : i32
    "tpu.region"() ({
      %run_scoped3A = tpu.sem_alloc : memref<!tpu.dma_semaphore, #tpu.memory_space<semaphore_mem>>
      %dma_start3A = tpu.memref_slice %arg2[%add3A_48] : memref<98304xf32, #tpu.memory_space<hbm>> -> memref<256xf32, #tpu.memory_space<hbm>>
      %dma_start3A_81 = tpu.memref_slice %arg2[%add3A_48] : memref<98304xf32, #tpu.memory_space<hbm>> -> memref<256xf32, #tpu.memory_space<hbm>>
      tpu.enqueue_dma source(%dma_start3A_81 : memref<256xf32, #tpu.memory_space<hbm>>) target(%arg6 : memref<256xf32, #tpu.memory_space<vmem>>) target_semaphore(%run_scoped3A : memref<!tpu.dma_semaphore, #tpu.memory_space<semaphore_mem>>)
      %dma_wait3A = tpu.memref_slice %arg2[%add3A_48] : memref<98304xf32, #tpu.memory_space<hbm>> -> memref<256xf32, #tpu.memory_space<hbm>>
      %dma_wait3A_82 = tpu.memref_slice %arg2[%add3A_48] : memref<98304xf32, #tpu.memory_space<hbm>> -> memref<256xf32, #tpu.memory_space<hbm>>
      tpu.wait_dma2 semaphore(%run_scoped3A : memref<!tpu.dma_semaphore, #tpu.memory_space<semaphore_mem>>) src(%dma_wait3A_82 : memref<256xf32, #tpu.memory_space<hbm>>) dst(%arg6 : memref<256xf32, #tpu.memory_space<vmem>>)
      tpu.yield
    }) : () -> ()
    %mul3A_49 = arith.constant 3 : i32
    %mul3A_50 = arith.muli %select_n3A, %mul3A_49 : i32
    %mul3A_51 = arith.constant 8192 : i32
    %mul3A_52 = arith.muli %mul3A_50, %mul3A_51 : i32
    %add3A_53 = arith.constant 16384 : i32
    %add3A_54 = arith.addi %mul3A_52, %add3A_53 : i32
    %add3A_55 = arith.addi %add3A_54, %add3A_34 : i32
    "tpu.region"() ({
      %run_scoped3A = tpu.sem_alloc : memref<!tpu.dma_semaphore, #tpu.memory_space<semaphore_mem>>
      %dma_start3A = tpu.memref_slice %arg2[%add3A_55] : memref<98304xf32, #tpu.memory_space<hbm>> -> memref<256xf32, #tpu.memory_space<hbm>>
      %dma_start3A_81 = tpu.memref_slice %arg2[%add3A_55] : memref<98304xf32, #tpu.memory_space<hbm>> -> memref<256xf32, #tpu.memory_space<hbm>>
      tpu.enqueue_dma source(%dma_start3A_81 : memref<256xf32, #tpu.memory_space<hbm>>) target(%arg7 : memref<256xf32, #tpu.memory_space<vmem>>) target_semaphore(%run_scoped3A : memref<!tpu.dma_semaphore, #tpu.memory_space<semaphore_mem>>)
      %dma_wait3A = tpu.memref_slice %arg2[%add3A_55] : memref<98304xf32, #tpu.memory_space<hbm>> -> memref<256xf32, #tpu.memory_space<hbm>>
      %dma_wait3A_82 = tpu.memref_slice %arg2[%add3A_55] : memref<98304xf32, #tpu.memory_space<hbm>> -> memref<256xf32, #tpu.memory_space<hbm>>
      tpu.wait_dma2 semaphore(%run_scoped3A : memref<!tpu.dma_semaphore, #tpu.memory_space<semaphore_mem>>) src(%dma_wait3A_82 : memref<256xf32, #tpu.memory_space<hbm>>) dst(%arg7 : memref<256xf32, #tpu.memory_space<vmem>>)
      tpu.yield
    }) : () -> ()
    %mul3A_56 = arith.constant 3 : i32
    %mul3A_57 = arith.muli %select_n3A, %mul3A_56 : i32
    %mul3A_58 = arith.constant 8192 : i32
    %mul3A_59 = arith.muli %mul3A_57, %mul3A_58 : i32
    %add3A_60 = arith.constant 0 : i32
    %add3A_61 = arith.addi %mul3A_59, %add3A_60 : i32
    "tpu.region"() ({
      %run_scoped3A = tpu.sem_alloc : memref<!tpu.dma_semaphore, #tpu.memory_space<semaphore_mem>>
      %dma_start3A = tpu.memref_slice %arg3[%add3A_61] : memref<98304xf32, #tpu.memory_space<hbm>> -> memref<8192xf32, #tpu.memory_space<hbm>>
      %dma_start3A_81 = tpu.memref_slice %arg3[%add3A_61] : memref<98304xf32, #tpu.memory_space<hbm>> -> memref<8192xf32, #tpu.memory_space<hbm>>
      tpu.enqueue_dma source(%dma_start3A_81 : memref<8192xf32, #tpu.memory_space<hbm>>) target(%arg8 : memref<8192xf32, #tpu.memory_space<vmem>>) target_semaphore(%run_scoped3A : memref<!tpu.dma_semaphore, #tpu.memory_space<semaphore_mem>>)
      %dma_wait3A = tpu.memref_slice %arg3[%add3A_61] : memref<98304xf32, #tpu.memory_space<hbm>> -> memref<8192xf32, #tpu.memory_space<hbm>>
      %dma_wait3A_82 = tpu.memref_slice %arg3[%add3A_61] : memref<98304xf32, #tpu.memory_space<hbm>> -> memref<8192xf32, #tpu.memory_space<hbm>>
      tpu.wait_dma2 semaphore(%run_scoped3A : memref<!tpu.dma_semaphore, #tpu.memory_space<semaphore_mem>>) src(%dma_wait3A_82 : memref<8192xf32, #tpu.memory_space<hbm>>) dst(%arg8 : memref<8192xf32, #tpu.memory_space<vmem>>)
      tpu.yield
    }) : () -> ()
    %mul3A_62 = arith.constant 3 : i32
    %mul3A_63 = arith.muli %select_n3A, %mul3A_62 : i32
    %mul3A_64 = arith.constant 8192 : i32
    %mul3A_65 = arith.muli %mul3A_63, %mul3A_64 : i32
    %add3A_66 = arith.constant 8192 : i32
    %add3A_67 = arith.addi %mul3A_65, %add3A_66 : i32
    "tpu.region"() ({
      %run_scoped3A = tpu.sem_alloc : memref<!tpu.dma_semaphore, #tpu.memory_space<semaphore_mem>>
      %dma_start3A = tpu.memref_slice %arg3[%add3A_67] : memref<98304xf32, #tpu.memory_space<hbm>> -> memref<8192xf32, #tpu.memory_space<hbm>>
      %dma_start3A_81 = tpu.memref_slice %arg3[%add3A_67] : memref<98304xf32, #tpu.memory_space<hbm>> -> memref<8192xf32, #tpu.memory_space<hbm>>
      tpu.enqueue_dma source(%dma_start3A_81 : memref<8192xf32, #tpu.memory_space<hbm>>) target(%arg9 : memref<8192xf32, #tpu.memory_space<vmem>>) target_semaphore(%run_scoped3A : memref<!tpu.dma_semaphore, #tpu.memory_space<semaphore_mem>>)
      %dma_wait3A = tpu.memref_slice %arg3[%add3A_67] : memref<98304xf32, #tpu.memory_space<hbm>> -> memref<8192xf32, #tpu.memory_space<hbm>>
      %dma_wait3A_82 = tpu.memref_slice %arg3[%add3A_67] : memref<98304xf32, #tpu.memory_space<hbm>> -> memref<8192xf32, #tpu.memory_space<hbm>>
      tpu.wait_dma2 semaphore(%run_scoped3A : memref<!tpu.dma_semaphore, #tpu.memory_space<semaphore_mem>>) src(%dma_wait3A_82 : memref<8192xf32, #tpu.memory_space<hbm>>) dst(%arg9 : memref<8192xf32, #tpu.memory_space<vmem>>)
      tpu.yield
    }) : () -> ()
    %mul3A_68 = arith.constant 3 : i32
    %mul3A_69 = arith.muli %select_n3A, %mul3A_68 : i32
    %mul3A_70 = arith.constant 8192 : i32
    %mul3A_71 = arith.muli %mul3A_69, %mul3A_70 : i32
    %add3A_72 = arith.constant 16384 : i32
    %add3A_73 = arith.addi %mul3A_71, %add3A_72 : i32
    "tpu.region"() ({
      %run_scoped3A = tpu.sem_alloc : memref<!tpu.dma_semaphore, #tpu.memory_space<semaphore_mem>>
      %dma_start3A = tpu.memref_slice %arg3[%add3A_73] : memref<98304xf32, #tpu.memory_space<hbm>> -> memref<8192xf32, #tpu.memory_space<hbm>>
      %dma_start3A_81 = tpu.memref_slice %arg3[%add3A_73] : memref<98304xf32, #tpu.memory_space<hbm>> -> memref<8192xf32, #tpu.memory_space<hbm>>
      tpu.enqueue_dma source(%dma_start3A_81 : memref<8192xf32, #tpu.memory_space<hbm>>) target(%arg10 : memref<8192xf32, #tpu.memory_space<vmem>>) target_semaphore(%run_scoped3A : memref<!tpu.dma_semaphore, #tpu.memory_space<semaphore_mem>>)
      %dma_wait3A = tpu.memref_slice %arg3[%add3A_73] : memref<98304xf32, #tpu.memory_space<hbm>> -> memref<8192xf32, #tpu.memory_space<hbm>>
      %dma_wait3A_82 = tpu.memref_slice %arg3[%add3A_73] : memref<98304xf32, #tpu.memory_space<hbm>> -> memref<8192xf32, #tpu.memory_space<hbm>>
      tpu.wait_dma2 semaphore(%run_scoped3A : memref<!tpu.dma_semaphore, #tpu.memory_space<semaphore_mem>>) src(%dma_wait3A_82 : memref<8192xf32, #tpu.memory_space<hbm>>) dst(%arg10 : memref<8192xf32, #tpu.memory_space<vmem>>)
      tpu.yield
    }) : () -> ()
    %scan3A = arith.constant 0 : i32
    %scan3A_74 = arith.constant 0 : i32
    %scan3A_75 = arith.constant 2 : i32
    %scan3A_76 = arith.addi %scan3A_74, %scan3A_75 : i32
    %scan3A_77 = arith.constant 1 : i32
    scf.for %scan3A_81 = %scan3A_74 to %scan3A_76 step %scan3A_77  : i32 {
      %mul3A_82 = arith.constant 8 : i32
      %mul3A_83 = arith.muli %scan3A_81, %mul3A_82 : i32
      %add3A_84 = arith.constant 0 : i32
      %add3A_85 = arith.addi %mul3A_83, %add3A_84 : i32
      %mul3A_86 = arith.constant 16 : i32
      %mul3A_87 = arith.muli %add3A_85, %mul3A_86 : i32
      %get3A = arith.index_cast %mul3A_87 : i32 to index
      %get3A_88 = tpu.vector_load %arg5[%get3A] {strides = array<i32>} : memref<256xf32, #tpu.memory_space<vmem>>, vector<16xf32>,
      %get3A_89 = vector.shape_cast %get3A_88 : vector<16xf32> to vector<16xf32>
      %mul3A_90 = arith.constant 8 : i32
      %mul3A_91 = arith.muli %scan3A_81, %mul3A_90 : i32
      %add3A_92 = arith.constant 0 : i32
      %add3A_93 = arith.addi %mul3A_91, %add3A_92 : i32
      %mul3A_94 = arith.constant 16 : i32
      %mul3A_95 = arith.muli %add3A_93, %mul3A_94 : i32
      %get3A_96 = arith.index_cast %mul3A_95 : i32 to index
      %get3A_97 = tpu.vector_load %arg6[%get3A_96] {strides = array<i32>} : memref<256xf32, #tpu.memory_space<vmem>>, vector<16xf32>,
      %get3A_98 = vector.shape_cast %get3A_97 : vector<16xf32> to vector<16xf32>
      %mul3A_99 = arith.constant 8 : i32
      %mul3A_100 = arith.muli %scan3A_81, %mul3A_99 : i32
      %add3A_101 = arith.constant 0 : i32
      %add3A_102 = arith.addi %mul3A_100, %add3A_101 : i32
      %mul3A_103 = arith.constant 16 : i32
      %mul3A_104 = arith.muli %add3A_102, %mul3A_103 : i32
      %get3A_105 = arith.index_cast %mul3A_104 : i32 to index
      %get3A_106 = tpu.vector_load %arg7[%get3A_105] {strides = array<i32>} : memref<256xf32, #tpu.memory_space<vmem>>, vector<16xf32>,
      %get3A_107 = vector.shape_cast %get3A_106 : vector<16xf32> to vector<16xf32>
      %mul3A_108 = arith.constant 8 : i32
      %mul3A_109 = arith.muli %scan3A_81, %mul3A_108 : i32
      %add3A_110 = arith.constant 1 : i32
      %add3A_111 = arith.addi %mul3A_109, %add3A_110 : i32
      %mul3A_112 = arith.constant 16 : i32
      %mul3A_113 = arith.muli %add3A_111, %mul3A_112 : i32
      %get3A_114 = arith.index_cast %mul3A_113 : i32 to index
      %get3A_115 = tpu.vector_load %arg5[%get3A_114] {strides = array<i32>} : memref<256xf32, #tpu.memory_space<vmem>>, vector<16xf32>,
      %get3A_116 = vector.shape_cast %get3A_115 : vector<16xf32> to vector<16xf32>
      %mul3A_117 = arith.constant 8 : i32
      %mul3A_118 = arith.muli %scan3A_81, %mul3A_117 : i32
      %add3A_119 = arith.constant 1 : i32
      %add3A_120 = arith.addi %mul3A_118, %add3A_119 : i32
      %mul3A_121 = arith.constant 16 : i32
      %mul3A_122 = arith.muli %add3A_120, %mul3A_121 : i32
      %get3A_123 = arith.index_cast %mul3A_122 : i32 to index
      %get3A_124 = tpu.vector_load %arg6[%get3A_123] {strides = array<i32>} : memref<256xf32, #tpu.memory_space<vmem>>, vector<16xf32>,
      %get3A_125 = vector.shape_cast %get3A_124 : vector<16xf32> to vector<16xf32>
      %mul3A_126 = arith.constant 8 : i32
      %mul3A_127 = arith.muli %scan3A_81, %mul3A_126 : i32
      %add3A_128 = arith.constant 1 : i32
      %add3A_129 = arith.addi %mul3A_127, %add3A_128 : i32
      %mul3A_130 = arith.constant 16 : i32
      %mul3A_131 = arith.muli %add3A_129, %mul3A_130 : i32
      %get3A_132 = arith.index_cast %mul3A_131 : i32 to index
      %get3A_133 = tpu.vector_load %arg7[%get3A_132] {strides = array<i32>} : memref<256xf32, #tpu.memory_space<vmem>>, vector<16xf32>,
      %get3A_134 = vector.shape_cast %get3A_133 : vector<16xf32> to vector<16xf32>
      %mul3A_135 = arith.constant 8 : i32
      %mul3A_136 = arith.muli %scan3A_81, %mul3A_135 : i32
      %add3A_137 = arith.constant 2 : i32
      %add3A_138 = arith.addi %mul3A_136, %add3A_137 : i32
      %mul3A_139 = arith.constant 16 : i32
      %mul3A_140 = arith.muli %add3A_138, %mul3A_139 : i32
      %get3A_141 = arith.index_cast %mul3A_140 : i32 to index
      %get3A_142 = tpu.vector_load %arg5[%get3A_141] {strides = array<i32>} : memref<256xf32, #tpu.memory_space<vmem>>, vector<16xf32>,
      %get3A_143 = vector.shape_cast %get3A_142 : vector<16xf32> to vector<16xf32>
      %mul3A_144 = arith.constant 8 : i32
      %mul3A_145 = arith.muli %scan3A_81, %mul3A_144 : i32
      %add3A_146 = arith.constant 2 : i32
      %add3A_147 = arith.addi %mul3A_145, %add3A_146 : i32
      %mul3A_148 = arith.constant 16 : i32
      %mul3A_149 = arith.muli %add3A_147, %mul3A_148 : i32
      %get3A_150 = arith.index_cast %mul3A_149 : i32 to index
      %get3A_151 = tpu.vector_load %arg6[%get3A_150] {strides = array<i32>} : memref<256xf32, #tpu.memory_space<vmem>>, vector<16xf32>,
      %get3A_152 = vector.shape_cast %get3A_151 : vector<16xf32> to vector<16xf32>
      %mul3A_153 = arith.constant 8 : i32
      %mul3A_154 = arith.muli %scan3A_81, %mul3A_153 : i32
      %add3A_155 = arith.constant 2 : i32
      %add3A_156 = arith.addi %mul3A_154, %add3A_155 : i32
      %mul3A_157 = arith.constant 16 : i32
      %mul3A_158 = arith.muli %add3A_156, %mul3A_157 : i32
      %get3A_159 = arith.index_cast %mul3A_158 : i32 to index
      %get3A_160 = tpu.vector_load %arg7[%get3A_159] {strides = array<i32>} : memref<256xf32, #tpu.memory_space<vmem>>, vector<16xf32>,
      %get3A_161 = vector.shape_cast %get3A_160 : vector<16xf32> to vector<16xf32>
      %mul3A_162 = arith.constant 8 : i32
      %mul3A_163 = arith.muli %scan3A_81, %mul3A_162 : i32
      %add3A_164 = arith.constant 3 : i32
      %add3A_165 = arith.addi %mul3A_163, %add3A_164 : i32
      %mul3A_166 = arith.constant 16 : i32
      %mul3A_167 = arith.muli %add3A_165, %mul3A_166 : i32
      %get3A_168 = arith.index_cast %mul3A_167 : i32 to index
      %get3A_169 = tpu.vector_load %arg5[%get3A_168] {strides = array<i32>} : memref<256xf32, #tpu.memory_space<vmem>>, vector<16xf32>,
      %get3A_170 = vector.shape_cast %get3A_169 : vector<16xf32> to vector<16xf32>
      %mul3A_171 = arith.constant 8 : i32
      %mul3A_172 = arith.muli %scan3A_81, %mul3A_171 : i32
      %add3A_173 = arith.constant 3 : i32
      %add3A_174 = arith.addi %mul3A_172, %add3A_173 : i32
      %mul3A_175 = arith.constant 16 : i32
      %mul3A_176 = arith.muli %add3A_174, %mul3A_175 : i32
      %get3A_177 = arith.index_cast %mul3A_176 : i32 to index
      %get3A_178 = tpu.vector_load %arg6[%get3A_177] {strides = array<i32>} : memref<256xf32, #tpu.memory_space<vmem>>, vector<16xf32>,
      %get3A_179 = vector.shape_cast %get3A_178 : vector<16xf32> to vector<16xf32>
      %mul3A_180 = arith.constant 8 : i32
      %mul3A_181 = arith.muli %scan3A_81, %mul3A_180 : i32
      %add3A_182 = arith.constant 3 : i32
      %add3A_183 = arith.addi %mul3A_181, %add3A_182 : i32
      %mul3A_184 = arith.constant 16 : i32
      %mul3A_185 = arith.muli %add3A_183, %mul3A_184 : i32
      %get3A_186 = arith.index_cast %mul3A_185 : i32 to index
      %get3A_187 = tpu.vector_load %arg7[%get3A_186] {strides = array<i32>} : memref<256xf32, #tpu.memory_space<vmem>>, vector<16xf32>,
      %get3A_188 = vector.shape_cast %get3A_187 : vector<16xf32> to vector<16xf32>
      %mul3A_189 = arith.constant 8 : i32
      %mul3A_190 = arith.muli %scan3A_81, %mul3A_189 : i32
      %add3A_191 = arith.constant 4 : i32
      %add3A_192 = arith.addi %mul3A_190, %add3A_191 : i32
      %mul3A_193 = arith.constant 16 : i32
      %mul3A_194 = arith.muli %add3A_192, %mul3A_193 : i32
      %get3A_195 = arith.index_cast %mul3A_194 : i32 to index
      %get3A_196 = tpu.vector_load %arg5[%get3A_195] {strides = array<i32>} : memref<256xf32, #tpu.memory_space<vmem>>, vector<16xf32>,
      %get3A_197 = vector.shape_cast %get3A_196 : vector<16xf32> to vector<16xf32>
      %mul3A_198 = arith.constant 8 : i32
      %mul3A_199 = arith.muli %scan3A_81, %mul3A_198 : i32
      %add3A_200 = arith.constant 4 : i32
      %add3A_201 = arith.addi %mul3A_199, %add3A_200 : i32
      %mul3A_202 = arith.constant 16 : i32
      %mul3A_203 = arith.muli %add3A_201, %mul3A_202 : i32
      %get3A_204 = arith.index_cast %mul3A_203 : i32 to index
      %get3A_205 = tpu.vector_load %arg6[%get3A_204] {strides = array<i32>} : memref<256xf32, #tpu.memory_space<vmem>>, vector<16xf32>,
      %get3A_206 = vector.shape_cast %get3A_205 : vector<16xf32> to vector<16xf32>
      %mul3A_207 = arith.constant 8 : i32
      %mul3A_208 = arith.muli %scan3A_81, %mul3A_207 : i32
      %add3A_209 = arith.constant 4 : i32
      %add3A_210 = arith.addi %mul3A_208, %add3A_209 : i32
      %mul3A_211 = arith.constant 16 : i32
      %mul3A_212 = arith.muli %add3A_210, %mul3A_211 : i32
      %get3A_213 = arith.index_cast %mul3A_212 : i32 to index
      %get3A_214 = tpu.vector_load %arg7[%get3A_213] {strides = array<i32>} : memref<256xf32, #tpu.memory_space<vmem>>, vector<16xf32>,
      %get3A_215 = vector.shape_cast %get3A_214 : vector<16xf32> to vector<16xf32>
      %mul3A_216 = arith.constant 8 : i32
      %mul3A_217 = arith.muli %scan3A_81, %mul3A_216 : i32
      %add3A_218 = arith.constant 5 : i32
      %add3A_219 = arith.addi %mul3A_217, %add3A_218 : i32
      %mul3A_220 = arith.constant 16 : i32
      %mul3A_221 = arith.muli %add3A_219, %mul3A_220 : i32
      %get3A_222 = arith.index_cast %mul3A_221 : i32 to index
      %get3A_223 = tpu.vector_load %arg5[%get3A_222] {strides = array<i32>} : memref<256xf32, #tpu.memory_space<vmem>>, vector<16xf32>,
      %get3A_224 = vector.shape_cast %get3A_223 : vector<16xf32> to vector<16xf32>
      %mul3A_225 = arith.constant 8 : i32
      %mul3A_226 = arith.muli %scan3A_81, %mul3A_225 : i32
      %add3A_227 = arith.constant 5 : i32
      %add3A_228 = arith.addi %mul3A_226, %add3A_227 : i32
      %mul3A_229 = arith.constant 16 : i32
      %mul3A_230 = arith.muli %add3A_228, %mul3A_229 : i32
      %get3A_231 = arith.index_cast %mul3A_230 : i32 to index
      %get3A_232 = tpu.vector_load %arg6[%get3A_231] {strides = array<i32>} : memref<256xf32, #tpu.memory_space<vmem>>, vector<16xf32>,
      %get3A_233 = vector.shape_cast %get3A_232 : vector<16xf32> to vector<16xf32>
      %mul3A_234 = arith.constant 8 : i32
      %mul3A_235 = arith.muli %scan3A_81, %mul3A_234 : i32
      %add3A_236 = arith.constant 5 : i32
      %add3A_237 = arith.addi %mul3A_235, %add3A_236 : i32
      %mul3A_238 = arith.constant 16 : i32
      %mul3A_239 = arith.muli %add3A_237, %mul3A_238 : i32
      %get3A_240 = arith.index_cast %mul3A_239 : i32 to index
      %get3A_241 = tpu.vector_load %arg7[%get3A_240] {strides = array<i32>} : memref<256xf32, #tpu.memory_space<vmem>>, vector<16xf32>,
      %get3A_242 = vector.shape_cast %get3A_241 : vector<16xf32> to vector<16xf32>
      %mul3A_243 = arith.constant 8 : i32
      %mul3A_244 = arith.muli %scan3A_81, %mul3A_243 : i32
      %add3A_245 = arith.constant 6 : i32
      %add3A_246 = arith.addi %mul3A_244, %add3A_245 : i32
      %mul3A_247 = arith.constant 16 : i32
      %mul3A_248 = arith.muli %add3A_246, %mul3A_247 : i32
      %get3A_249 = arith.index_cast %mul3A_248 : i32 to index
      %get3A_250 = tpu.vector_load %arg5[%get3A_249] {strides = array<i32>} : memref<256xf32, #tpu.memory_space<vmem>>, vector<16xf32>,
      %get3A_251 = vector.shape_cast %get3A_250 : vector<16xf32> to vector<16xf32>
      %mul3A_252 = arith.constant 8 : i32
      %mul3A_253 = arith.muli %scan3A_81, %mul3A_252 : i32
      %add3A_254 = arith.constant 6 : i32
      %add3A_255 = arith.addi %mul3A_253, %add3A_254 : i32
      %mul3A_256 = arith.constant 16 : i32
      %mul3A_257 = arith.muli %add3A_255, %mul3A_256 : i32
      %get3A_258 = arith.index_cast %mul3A_257 : i32 to index
      %get3A_259 = tpu.vector_load %arg6[%get3A_258] {strides = array<i32>} : memref<256xf32, #tpu.memory_space<vmem>>, vector<16xf32>,
      %get3A_260 = vector.shape_cast %get3A_259 : vector<16xf32> to vector<16xf32>
      %mul3A_261 = arith.constant 8 : i32
      %mul3A_262 = arith.muli %scan3A_81, %mul3A_261 : i32
      %add3A_263 = arith.constant 6 : i32
      %add3A_264 = arith.addi %mul3A_262, %add3A_263 : i32
      %mul3A_265 = arith.constant 16 : i32
      %mul3A_266 = arith.muli %add3A_264, %mul3A_265 : i32
      %get3A_267 = arith.index_cast %mul3A_266 : i32 to index
      %get3A_268 = tpu.vector_load %arg7[%get3A_267] {strides = array<i32>} : memref<256xf32, #tpu.memory_space<vmem>>, vector<16xf32>,
      %get3A_269 = vector.shape_cast %get3A_268 : vector<16xf32> to vector<16xf32>
      %mul3A_270 = arith.constant 8 : i32
      %mul3A_271 = arith.muli %scan3A_81, %mul3A_270 : i32
      %add3A_272 = arith.constant 7 : i32
      %add3A_273 = arith.addi %mul3A_271, %add3A_272 : i32
      %mul3A_274 = arith.constant 16 : i32
      %mul3A_275 = arith.muli %add3A_273, %mul3A_274 : i32
      %get3A_276 = arith.index_cast %mul3A_275 : i32 to index
      %get3A_277 = tpu.vector_load %arg5[%get3A_276] {strides = array<i32>} : memref<256xf32, #tpu.memory_space<vmem>>, vector<16xf32>,
      %get3A_278 = vector.shape_cast %get3A_277 : vector<16xf32> to vector<16xf32>
      %mul3A_279 = arith.constant 8 : i32
      %mul3A_280 = arith.muli %scan3A_81, %mul3A_279 : i32
      %add3A_281 = arith.constant 7 : i32
      %add3A_282 = arith.addi %mul3A_280, %add3A_281 : i32
      %mul3A_283 = arith.constant 16 : i32
      %mul3A_284 = arith.muli %add3A_282, %mul3A_283 : i32
      %get3A_285 = arith.index_cast %mul3A_284 : i32 to index
      %get3A_286 = tpu.vector_load %arg6[%get3A_285] {strides = array<i32>} : memref<256xf32, #tpu.memory_space<vmem>>, vector<16xf32>,
      %get3A_287 = vector.shape_cast %get3A_286 : vector<16xf32> to vector<16xf32>
      %mul3A_288 = arith.constant 8 : i32
      %mul3A_289 = arith.muli %scan3A_81, %mul3A_288 : i32
      %add3A_290 = arith.constant 7 : i32
      %add3A_291 = arith.addi %mul3A_289, %add3A_290 : i32
      %mul3A_292 = arith.constant 16 : i32
      %mul3A_293 = arith.muli %add3A_291, %mul3A_292 : i32
      %get3A_294 = arith.index_cast %mul3A_293 : i32 to index
      %get3A_295 = tpu.vector_load %arg7[%get3A_294] {strides = array<i32>} : memref<256xf32, #tpu.memory_space<vmem>>, vector<16xf32>,
      %get3A_296 = vector.shape_cast %get3A_295 : vector<16xf32> to vector<16xf32>
      %broadcast_in_dim3A = arith.constant 0x7F800000 : f32
      %broadcast_in_dim3A_297 = vector.broadcast %broadcast_in_dim3A : f32 to vector<16xf32>
      %broadcast_in_dim3A_298 = arith.constant 0 : i32
      %broadcast_in_dim3A_299 = vector.broadcast %broadcast_in_dim3A_298 : i32 to vector<16xi32>
      %broadcast_in_dim3A_300 = arith.constant 0x7F800000 : f32
      %broadcast_in_dim3A_301 = vector.broadcast %broadcast_in_dim3A_300 : f32 to vector<16xf32>
      %broadcast_in_dim3A_302 = arith.constant 0 : i32
      %broadcast_in_dim3A_303 = vector.broadcast %broadcast_in_dim3A_302 : i32 to vector<16xi32>
      %broadcast_in_dim3A_304 = arith.constant 0x7F800000 : f32
      %broadcast_in_dim3A_305 = vector.broadcast %broadcast_in_dim3A_304 : f32 to vector<16xf32>
      %broadcast_in_dim3A_306 = arith.constant 0 : i32
      %broadcast_in_dim3A_307 = vector.broadcast %broadcast_in_dim3A_306 : i32 to vector<16xi32>
      %broadcast_in_dim3A_308 = arith.constant 0x7F800000 : f32
      %broadcast_in_dim3A_309 = vector.broadcast %broadcast_in_dim3A_308 : f32 to vector<16xf32>
      %broadcast_in_dim3A_310 = arith.constant 0 : i32
      %broadcast_in_dim3A_311 = vector.broadcast %broadcast_in_dim3A_310 : i32 to vector<16xi32>
      %broadcast_in_dim3A_312 = arith.constant 0x7F800000 : f32
      %broadcast_in_dim3A_313 = vector.broadcast %broadcast_in_dim3A_312 : f32 to vector<16xf32>
      %broadcast_in_dim3A_314 = arith.constant 0 : i32
      %broadcast_in_dim3A_315 = vector.broadcast %broadcast_in_dim3A_314 : i32 to vector<16xi32>
      %broadcast_in_dim3A_316 = arith.constant 0x7F800000 : f32
      %broadcast_in_dim3A_317 = vector.broadcast %broadcast_in_dim3A_316 : f32 to vector<16xf32>
      %broadcast_in_dim3A_318 = arith.constant 0 : i32
      %broadcast_in_dim3A_319 = vector.broadcast %broadcast_in_dim3A_318 : i32 to vector<16xi32>
      %broadcast_in_dim3A_320 = arith.constant 0x7F800000 : f32
      %broadcast_in_dim3A_321 = vector.broadcast %broadcast_in_dim3A_320 : f32 to vector<16xf32>
      %broadcast_in_dim3A_322 = arith.constant 0 : i32
      %broadcast_in_dim3A_323 = vector.broadcast %broadcast_in_dim3A_322 : i32 to vector<16xi32>
      %broadcast_in_dim3A_324 = arith.constant 0x7F800000 : f32
      %broadcast_in_dim3A_325 = vector.broadcast %broadcast_in_dim3A_324 : f32 to vector<16xf32>
      %broadcast_in_dim3A_326 = arith.constant 0 : i32
      %broadcast_in_dim3A_327 = vector.broadcast %broadcast_in_dim3A_326 : i32 to vector<16xi32>
      %scan3A_328 = arith.constant 0 : i32
      %scan3A_329 = arith.constant 512 : i32
      %scan3A_330 = arith.addi %scan3A_328, %scan3A_329 : i32
      %scan3A_331 = arith.constant 1 : i32
      %scan3A_332:16 = scf.for %scan3A_413 = %scan3A_328 to %scan3A_330 step %scan3A_331 iter_args(%scan3A_414 = %broadcast_in_dim3A_297, %scan3A_415 = %broadcast_in_dim3A_299, %scan3A_416 = %broadcast_in_dim3A_301, %scan3A_417 = %broadcast_in_dim3A_303, %scan3A_418 = %broadcast_in_dim3A_305, %scan3A_419 = %broadcast_in_dim3A_307, %scan3A_420 = %broadcast_in_dim3A_309, %scan3A_421 = %broadcast_in_dim3A_311, %scan3A_422 = %broadcast_in_dim3A_313, %scan3A_423 = %broadcast_in_dim3A_315, %scan3A_424 = %broadcast_in_dim3A_317, %scan3A_425 = %broadcast_in_dim3A_319, %scan3A_426 = %broadcast_in_dim3A_321, %scan3A_427 = %broadcast_in_dim3A_323, %scan3A_428 = %broadcast_in_dim3A_325, %scan3A_429 = %broadcast_in_dim3A_327) -> (vector<16xf32>, vector<16xi32>, vector<16xf32>, vector<16xi32>, vector<16xf32>, vector<16xi32>, vector<16xf32>, vector<16xi32>, vector<16xf32>, vector<16xi32>, vector<16xf32>, vector<16xi32>, vector<16xf32>, vector<16xi32>, vector<16xf32>, vector<16xi32>)  : i32 {
        %mul3A_430 = arith.constant 16 : i32
        %mul3A_431 = arith.muli %scan3A_413, %mul3A_430 : i32
        %get3A_432 = arith.index_cast %mul3A_431 : i32 to index
        %get3A_433 = tpu.vector_load %arg8[%get3A_432] {strides = array<i32>} : memref<8192xf32, #tpu.memory_space<vmem>>, vector<16xf32>,
        %get3A_434 = vector.shape_cast %get3A_433 : vector<16xf32> to vector<16xf32>
        %mul3A_435 = arith.constant 16 : i32
        %mul3A_436 = arith.muli %scan3A_413, %mul3A_435 : i32
        %get3A_437 = arith.index_cast %mul3A_436 : i32 to index
        %get3A_438 = tpu.vector_load %arg9[%get3A_437] {strides = array<i32>} : memref<8192xf32, #tpu.memory_space<vmem>>, vector<16xf32>,
        %get3A_439 = vector.shape_cast %get3A_438 : vector<16xf32> to vector<16xf32>
        %mul3A_440 = arith.constant 16 : i32
        %mul3A_441 = arith.muli %scan3A_413, %mul3A_440 : i32
        %get3A_442 = arith.index_cast %mul3A_441 : i32 to index
        %get3A_443 = tpu.vector_load %arg10[%get3A_442] {strides = array<i32>} : memref<8192xf32, #tpu.memory_space<vmem>>, vector<16xf32>,
        %get3A_444 = vector.shape_cast %get3A_443 : vector<16xf32> to vector<16xf32>
        %mul3A_445 = arith.constant 16 : i32
        %mul3A_446 = arith.muli %scan3A_413, %mul3A_445 : i32
        %broadcast_in_dim3A_447 = vector.broadcast %mul3A_446 : i32 to vector<16xi32>
        %broadcast_in_dim3A_448 = arith.constant 0 : i32
        %broadcast_in_dim3A_449 = vector.broadcast %broadcast_in_dim3A_448 : i32 to vector<16xi32>
        %lt3A_450 = arith.constant 0 : i32
        %lt3A_451 = vector.broadcast %lt3A_450 : i32 to vector<16xi32>
        %lt3A_452 = arith.cmpi slt, %broadcast_in_dim3A_449, %lt3A_451 : vector<16xi32>
        %add3A_453 = arith.constant 16 : i32
        %add3A_454 = vector.broadcast %add3A_453 : i32 to vector<16xi32>
        %add3A_455 = arith.addi %broadcast_in_dim3A_449, %add3A_454 : vector<16xi32>
        %select_n3A_456 = arith.select %lt3A_452, %add3A_455, %broadcast_in_dim3A_449 : vector<16xi1>, vector<16xi32>
        %broadcast_in_dim3A_457 = vector.shape_cast %select_n3A_456 : vector<16xi32> to vector<16x1xi32>
        %gather3A = vector.shape_cast %broadcast_in_dim3A_457 : vector<16x1xi32> to vector<16xi32>
        %gather3A_458 = tpu.dynamic_gather %get3A_434[%gather3A] in [0] : vector<16xf32>, vector<16xi32> -> vector<16xf32>
        %lt3A_459 = arith.constant 0 : i32
        %lt3A_460 = vector.broadcast %lt3A_459 : i32 to vector<16xi32>
        %lt3A_461 = arith.cmpi slt, %broadcast_in_dim3A_449, %lt3A_460 : vector<16xi32>
        %add3A_462 = arith.constant 16 : i32
        %add3A_463 = vector.broadcast %add3A_462 : i32 to vector<16xi32>
        %add3A_464 = arith.addi %broadcast_in_dim3A_449, %add3A_463 : vector<16xi32>
        %select_n3A_465 = arith.select %lt3A_461, %add3A_464, %broadcast_in_dim3A_449 : vector<16xi1>, vector<16xi32>
        %broadcast_in_dim3A_466 = vector.shape_cast %select_n3A_465 : vector<16xi32> to vector<16x1xi32>
        %gather3A_467 = vector.shape_cast %broadcast_in_dim3A_466 : vector<16x1xi32> to vector<16xi32>
        %gather3A_468 = tpu.dynamic_gather %get3A_439[%gather3A_467] in [0] : vector<16xf32>, vector<16xi32> -> vector<16xf32>
        %lt3A_469 = arith.constant 0 : i32
        %lt3A_470 = vector.broadcast %lt3A_469 : i32 to vector<16xi32>
        %lt3A_471 = arith.cmpi slt, %broadcast_in_dim3A_449, %lt3A_470 : vector<16xi32>
        %add3A_472 = arith.constant 16 : i32
        %add3A_473 = vector.broadcast %add3A_472 : i32 to vector<16xi32>
        %add3A_474 = arith.addi %broadcast_in_dim3A_449, %add3A_473 : vector<16xi32>
        %select_n3A_475 = arith.select %lt3A_471, %add3A_474, %broadcast_in_dim3A_449 : vector<16xi1>, vector<16xi32>
        %broadcast_in_dim3A_476 = vector.shape_cast %select_n3A_475 : vector<16xi32> to vector<16x1xi32>
        %gather3A_477 = vector.shape_cast %broadcast_in_dim3A_476 : vector<16x1xi32> to vector<16xi32>
        %gather3A_478 = tpu.dynamic_gather %get3A_444[%gather3A_477] in [0] : vector<16xf32>, vector<16xi32> -> vector<16xf32>
        %sub3A_479 = arith.subf %get3A_89, %gather3A_458 : vector<16xf32>
        %sub3A_480 = arith.subf %get3A_98, %gather3A_468 : vector<16xf32>
        %sub3A_481 = arith.subf %get3A_107, %gather3A_478 : vector<16xf32>
        %mul3A_482 = arith.mulf %sub3A_479, %sub3A_479 : vector<16xf32>
        %mul3A_483 = arith.mulf %sub3A_480, %sub3A_480 : vector<16xf32>
        %add3A_484 = arith.addf %mul3A_482, %mul3A_483 : vector<16xf32>
        %mul3A_485 = arith.mulf %sub3A_481, %sub3A_481 : vector<16xf32>
        %add3A_486 = arith.addf %add3A_484, %mul3A_485 : vector<16xf32>
        %lt3A_487 = arith.cmpf olt, %add3A_486, %scan3A_414 : vector<16xf32>
        %min3A = arith.minimumf %scan3A_414, %add3A_486 : vector<16xf32>
        %add3A_488 = arith.constant 0 : i32
        %add3A_489 = vector.broadcast %add3A_488 : i32 to vector<16xi32>
        %add3A_490 = arith.addi %broadcast_in_dim3A_447, %add3A_489 : vector<16xi32>
        %select_n3A_491 = arith.select %lt3A_487, %add3A_490, %scan3A_415 : vector<16xi1>, vector<16xi32>
        %sub3A_492 = arith.subf %get3A_116, %gather3A_458 : vector<16xf32>
        %sub3A_493 = arith.subf %get3A_125, %gather3A_468 : vector<16xf32>
        %sub3A_494 = arith.subf %get3A_134, %gather3A_478 : vector<16xf32>
        %mul3A_495 = arith.mulf %sub3A_492, %sub3A_492 : vector<16xf32>
        %mul3A_496 = arith.mulf %sub3A_493, %sub3A_493 : vector<16xf32>
        %add3A_497 = arith.addf %mul3A_495, %mul3A_496 : vector<16xf32>
        %mul3A_498 = arith.mulf %sub3A_494, %sub3A_494 : vector<16xf32>
        %add3A_499 = arith.addf %add3A_497, %mul3A_498 : vector<16xf32>
        %lt3A_500 = arith.cmpf olt, %add3A_499, %scan3A_416 : vector<16xf32>
        %min3A_501 = arith.minimumf %scan3A_416, %add3A_499 : vector<16xf32>
        %add3A_502 = arith.constant 0 : i32
        %add3A_503 = vector.broadcast %add3A_502 : i32 to vector<16xi32>
        %add3A_504 = arith.addi %broadcast_in_dim3A_447, %add3A_503 : vector<16xi32>
        %select_n3A_505 = arith.select %lt3A_500, %add3A_504, %scan3A_417 : vector<16xi1>, vector<16xi32>
        %sub3A_506 = arith.subf %get3A_143, %gather3A_458 : vector<16xf32>
        %sub3A_507 = arith.subf %get3A_152, %gather3A_468 : vector<16xf32>
        %sub3A_508 = arith.subf %get3A_161, %gather3A_478 : vector<16xf32>
        %mul3A_509 = arith.mulf %sub3A_506, %sub3A_506 : vector<16xf32>
        %mul3A_510 = arith.mulf %sub3A_507, %sub3A_507 : vector<16xf32>
        %add3A_511 = arith.addf %mul3A_509, %mul3A_510 : vector<16xf32>
        %mul3A_512 = arith.mulf %sub3A_508, %sub3A_508 : vector<16xf32>
        %add3A_513 = arith.addf %add3A_511, %mul3A_512 : vector<16xf32>
        %lt3A_514 = arith.cmpf olt, %add3A_513, %scan3A_418 : vector<16xf32>
        %min3A_515 = arith.minimumf %scan3A_418, %add3A_513 : vector<16xf32>
        %add3A_516 = arith.constant 0 : i32
        %add3A_517 = vector.broadcast %add3A_516 : i32 to vector<16xi32>
        %add3A_518 = arith.addi %broadcast_in_dim3A_447, %add3A_517 : vector<16xi32>
        %select_n3A_519 = arith.select %lt3A_514, %add3A_518, %scan3A_419 : vector<16xi1>, vector<16xi32>
        %sub3A_520 = arith.subf %get3A_170, %gather3A_458 : vector<16xf32>
        %sub3A_521 = arith.subf %get3A_179, %gather3A_468 : vector<16xf32>
        %sub3A_522 = arith.subf %get3A_188, %gather3A_478 : vector<16xf32>
        %mul3A_523 = arith.mulf %sub3A_520, %sub3A_520 : vector<16xf32>
        %mul3A_524 = arith.mulf %sub3A_521, %sub3A_521 : vector<16xf32>
        %add3A_525 = arith.addf %mul3A_523, %mul3A_524 : vector<16xf32>
        %mul3A_526 = arith.mulf %sub3A_522, %sub3A_522 : vector<16xf32>
        %add3A_527 = arith.addf %add3A_525, %mul3A_526 : vector<16xf32>
        %lt3A_528 = arith.cmpf olt, %add3A_527, %scan3A_420 : vector<16xf32>
        %min3A_529 = arith.minimumf %scan3A_420, %add3A_527 : vector<16xf32>
        %add3A_530 = arith.constant 0 : i32
        %add3A_531 = vector.broadcast %add3A_530 : i32 to vector<16xi32>
        %add3A_532 = arith.addi %broadcast_in_dim3A_447, %add3A_531 : vector<16xi32>
        %select_n3A_533 = arith.select %lt3A_528, %add3A_532, %scan3A_421 : vector<16xi1>, vector<16xi32>
        %sub3A_534 = arith.subf %get3A_197, %gather3A_458 : vector<16xf32>
        %sub3A_535 = arith.subf %get3A_206, %gather3A_468 : vector<16xf32>
        %sub3A_536 = arith.subf %get3A_215, %gather3A_478 : vector<16xf32>
        %mul3A_537 = arith.mulf %sub3A_534, %sub3A_534 : vector<16xf32>
        %mul3A_538 = arith.mulf %sub3A_535, %sub3A_535 : vector<16xf32>
        %add3A_539 = arith.addf %mul3A_537, %mul3A_538 : vector<16xf32>
        %mul3A_540 = arith.mulf %sub3A_536, %sub3A_536 : vector<16xf32>
        %add3A_541 = arith.addf %add3A_539, %mul3A_540 : vector<16xf32>
        %lt3A_542 = arith.cmpf olt, %add3A_541, %scan3A_422 : vector<16xf32>
        %min3A_543 = arith.minimumf %scan3A_422, %add3A_541 : vector<16xf32>
        %add3A_544 = arith.constant 0 : i32
        %add3A_545 = vector.broadcast %add3A_544 : i32 to vector<16xi32>
        %add3A_546 = arith.addi %broadcast_in_dim3A_447, %add3A_545 : vector<16xi32>
        %select_n3A_547 = arith.select %lt3A_542, %add3A_546, %scan3A_423 : vector<16xi1>, vector<16xi32>
        %sub3A_548 = arith.subf %get3A_224, %gather3A_458 : vector<16xf32>
        %sub3A_549 = arith.subf %get3A_233, %gather3A_468 : vector<16xf32>
        %sub3A_550 = arith.subf %get3A_242, %gather3A_478 : vector<16xf32>
        %mul3A_551 = arith.mulf %sub3A_548, %sub3A_548 : vector<16xf32>
        %mul3A_552 = arith.mulf %sub3A_549, %sub3A_549 : vector<16xf32>
        %add3A_553 = arith.addf %mul3A_551, %mul3A_552 : vector<16xf32>
        %mul3A_554 = arith.mulf %sub3A_550, %sub3A_550 : vector<16xf32>
        %add3A_555 = arith.addf %add3A_553, %mul3A_554 : vector<16xf32>
        %lt3A_556 = arith.cmpf olt, %add3A_555, %scan3A_424 : vector<16xf32>
        %min3A_557 = arith.minimumf %scan3A_424, %add3A_555 : vector<16xf32>
        %add3A_558 = arith.constant 0 : i32
        %add3A_559 = vector.broadcast %add3A_558 : i32 to vector<16xi32>
        %add3A_560 = arith.addi %broadcast_in_dim3A_447, %add3A_559 : vector<16xi32>
        %select_n3A_561 = arith.select %lt3A_556, %add3A_560, %scan3A_425 : vector<16xi1>, vector<16xi32>
        %sub3A_562 = arith.subf %get3A_251, %gather3A_458 : vector<16xf32>
        %sub3A_563 = arith.subf %get3A_260, %gather3A_468 : vector<16xf32>
        %sub3A_564 = arith.subf %get3A_269, %gather3A_478 : vector<16xf32>
        %mul3A_565 = arith.mulf %sub3A_562, %sub3A_562 : vector<16xf32>
        %mul3A_566 = arith.mulf %sub3A_563, %sub3A_563 : vector<16xf32>
        %add3A_567 = arith.addf %mul3A_565, %mul3A_566 : vector<16xf32>
        %mul3A_568 = arith.mulf %sub3A_564, %sub3A_564 : vector<16xf32>
        %add3A_569 = arith.addf %add3A_567, %mul3A_568 : vector<16xf32>
        %lt3A_570 = arith.cmpf olt, %add3A_569, %scan3A_426 : vector<16xf32>
        %min3A_571 = arith.minimumf %scan3A_426, %add3A_569 : vector<16xf32>
        %add3A_572 = arith.constant 0 : i32
        %add3A_573 = vector.broadcast %add3A_572 : i32 to vector<16xi32>
        %add3A_574 = arith.addi %broadcast_in_dim3A_447, %add3A_573 : vector<16xi32>
        %select_n3A_575 = arith.select %lt3A_570, %add3A_574, %scan3A_427 : vector<16xi1>, vector<16xi32>
        %sub3A_576 = arith.subf %get3A_278, %gather3A_458 : vector<16xf32>
        %sub3A_577 = arith.subf %get3A_287, %gather3A_468 : vector<16xf32>
        %sub3A_578 = arith.subf %get3A_296, %gather3A_478 : vector<16xf32>
        %mul3A_579 = arith.mulf %sub3A_576, %sub3A_576 : vector<16xf32>
        %mul3A_580 = arith.mulf %sub3A_577, %sub3A_577 : vector<16xf32>
        %add3A_581 = arith.addf %mul3A_579, %mul3A_580 : vector<16xf32>
        %mul3A_582 = arith.mulf %sub3A_578, %sub3A_578 : vector<16xf32>
        %add3A_583 = arith.addf %add3A_581, %mul3A_582 : vector<16xf32>
        %lt3A_584 = arith.cmpf olt, %add3A_583, %scan3A_428 : vector<16xf32>
        %min3A_585 = arith.minimumf %scan3A_428, %add3A_583 : vector<16xf32>
        %add3A_586 = arith.constant 0 : i32
        %add3A_587 = vector.broadcast %add3A_586 : i32 to vector<16xi32>
        %add3A_588 = arith.addi %broadcast_in_dim3A_447, %add3A_587 : vector<16xi32>
        %select_n3A_589 = arith.select %lt3A_584, %add3A_588, %scan3A_429 : vector<16xi1>, vector<16xi32>
        %broadcast_in_dim3A_590 = arith.constant 1 : i32
        %broadcast_in_dim3A_591 = vector.broadcast %broadcast_in_dim3A_590 : i32 to vector<16xi32>
        %lt3A_592 = arith.constant 0 : i32
        %lt3A_593 = vector.broadcast %lt3A_592 : i32 to vector<16xi32>
        %lt3A_594 = arith.cmpi slt, %broadcast_in_dim3A_591, %lt3A_593 : vector<16xi32>
        %add3A_595 = arith.constant 16 : i32
        %add3A_596 = vector.broadcast %add3A_595 : i32 to vector<16xi32>
        %add3A_597 = arith.addi %broadcast_in_dim3A_591, %add3A_596 : vector<16xi32>
        %select_n3A_598 = arith.select %lt3A_594, %add3A_597, %broadcast_in_dim3A_591 : vector<16xi1>, vector<16xi32>
        %broadcast_in_dim3A_599 = vector.shape_cast %select_n3A_598 : vector<16xi32> to vector<16x1xi32>
        %gather3A_600 = vector.shape_cast %broadcast_in_dim3A_599 : vector<16x1xi32> to vector<16xi32>
        %gather3A_601 = tpu.dynamic_gather %get3A_434[%gather3A_600] in [0] : vector<16xf32>, vector<16xi32> -> vector<16xf32>
        %lt3A_602 = arith.constant 0 : i32
        %lt3A_603 = vector.broadcast %lt3A_602 : i32 to vector<16xi32>
        %lt3A_604 = arith.cmpi slt, %broadcast_in_dim3A_591, %lt3A_603 : vector<16xi32>
        %add3A_605 = arith.constant 16 : i32
        %add3A_606 = vector.broadcast %add3A_605 : i32 to vector<16xi32>
        %add3A_607 = arith.addi %broadcast_in_dim3A_591, %add3A_606 : vector<16xi32>
        %select_n3A_608 = arith.select %lt3A_604, %add3A_607, %broadcast_in_dim3A_591 : vector<16xi1>, vector<16xi32>
        %broadcast_in_dim3A_609 = vector.shape_cast %select_n3A_608 : vector<16xi32> to vector<16x1xi32>
        %gather3A_610 = vector.shape_cast %broadcast_in_dim3A_609 : vector<16x1xi32> to vector<16xi32>
        %gather3A_611 = tpu.dynamic_gather %get3A_439[%gather3A_610] in [0] : vector<16xf32>, vector<16xi32> -> vector<16xf32>
        %lt3A_612 = arith.constant 0 : i32
        %lt3A_613 = vector.broadcast %lt3A_612 : i32 to vector<16xi32>
        %lt3A_614 = arith.cmpi slt, %broadcast_in_dim3A_591, %lt3A_613 : vector<16xi32>
        %add3A_615 = arith.constant 16 : i32
        %add3A_616 = vector.broadcast %add3A_615 : i32 to vector<16xi32>
        %add3A_617 = arith.addi %broadcast_in_dim3A_591, %add3A_616 : vector<16xi32>
        %select_n3A_618 = arith.select %lt3A_614, %add3A_617, %broadcast_in_dim3A_591 : vector<16xi1>, vector<16xi32>
        %broadcast_in_dim3A_619 = vector.shape_cast %select_n3A_618 : vector<16xi32> to vector<16x1xi32>
        %gather3A_620 = vector.shape_cast %broadcast_in_dim3A_619 : vector<16x1xi32> to vector<16xi32>
        %gather3A_621 = tpu.dynamic_gather %get3A_444[%gather3A_620] in [0] : vector<16xf32>, vector<16xi32> -> vector<16xf32>
        %sub3A_622 = arith.subf %get3A_89, %gather3A_601 : vector<16xf32>
        %sub3A_623 = arith.subf %get3A_98, %gather3A_611 : vector<16xf32>
        %sub3A_624 = arith.subf %get3A_107, %gather3A_621 : vector<16xf32>
        %mul3A_625 = arith.mulf %sub3A_622, %sub3A_622 : vector<16xf32>
        %mul3A_626 = arith.mulf %sub3A_623, %sub3A_623 : vector<16xf32>
        %add3A_627 = arith.addf %mul3A_625, %mul3A_626 : vector<16xf32>
        %mul3A_628 = arith.mulf %sub3A_624, %sub3A_624 : vector<16xf32>
        %add3A_629 = arith.addf %add3A_627, %mul3A_628 : vector<16xf32>
        %lt3A_630 = arith.cmpf olt, %add3A_629, %min3A : vector<16xf32>
        %min3A_631 = arith.minimumf %min3A, %add3A_629 : vector<16xf32>
        %add3A_632 = arith.constant 1 : i32
        %add3A_633 = vector.broadcast %add3A_632 : i32 to vector<16xi32>
        %add3A_634 = arith.addi %broadcast_in_dim3A_447, %add3A_633 : vector<16xi32>
        %select_n3A_635 = arith.select %lt3A_630, %add3A_634, %select_n3A_491 : vector<16xi1>, vector<16xi32>
        %sub3A_636 = arith.subf %get3A_116, %gather3A_601 : vector<16xf32>
        %sub3A_637 = arith.subf %get3A_125, %gather3A_611 : vector<16xf32>
        %sub3A_638 = arith.subf %get3A_134, %gather3A_621 : vector<16xf32>
        %mul3A_639 = arith.mulf %sub3A_636, %sub3A_636 : vector<16xf32>
        %mul3A_640 = arith.mulf %sub3A_637, %sub3A_637 : vector<16xf32>
        %add3A_641 = arith.addf %mul3A_639, %mul3A_640 : vector<16xf32>
        %mul3A_642 = arith.mulf %sub3A_638, %sub3A_638 : vector<16xf32>
        %add3A_643 = arith.addf %add3A_641, %mul3A_642 : vector<16xf32>
        %lt3A_644 = arith.cmpf olt, %add3A_643, %min3A_501 : vector<16xf32>
        %min3A_645 = arith.minimumf %min3A_501, %add3A_643 : vector<16xf32>
        %add3A_646 = arith.constant 1 : i32
        %add3A_647 = vector.broadcast %add3A_646 : i32 to vector<16xi32>
        %add3A_648 = arith.addi %broadcast_in_dim3A_447, %add3A_647 : vector<16xi32>
        %select_n3A_649 = arith.select %lt3A_644, %add3A_648, %select_n3A_505 : vector<16xi1>, vector<16xi32>
        %sub3A_650 = arith.subf %get3A_143, %gather3A_601 : vector<16xf32>
        %sub3A_651 = arith.subf %get3A_152, %gather3A_611 : vector<16xf32>
        %sub3A_652 = arith.subf %get3A_161, %gather3A_621 : vector<16xf32>
        %mul3A_653 = arith.mulf %sub3A_650, %sub3A_650 : vector<16xf32>
        %mul3A_654 = arith.mulf %sub3A_651, %sub3A_651 : vector<16xf32>
        %add3A_655 = arith.addf %mul3A_653, %mul3A_654 : vector<16xf32>
        %mul3A_656 = arith.mulf %sub3A_652, %sub3A_652 : vector<16xf32>
        %add3A_657 = arith.addf %add3A_655, %mul3A_656 : vector<16xf32>
        %lt3A_658 = arith.cmpf olt, %add3A_657, %min3A_515 : vector<16xf32>
        %min3A_659 = arith.minimumf %min3A_515, %add3A_657 : vector<16xf32>
        %add3A_660 = arith.constant 1 : i32
        %add3A_661 = vector.broadcast %add3A_660 : i32 to vector<16xi32>
        %add3A_662 = arith.addi %broadcast_in_dim3A_447, %add3A_661 : vector<16xi32>
        %select_n3A_663 = arith.select %lt3A_658, %add3A_662, %select_n3A_519 : vector<16xi1>, vector<16xi32>
        %sub3A_664 = arith.subf %get3A_170, %gather3A_601 : vector<16xf32>
        %sub3A_665 = arith.subf %get3A_179, %gather3A_611 : vector<16xf32>
        %sub3A_666 = arith.subf %get3A_188, %gather3A_621 : vector<16xf32>
        %mul3A_667 = arith.mulf %sub3A_664, %sub3A_664 : vector<16xf32>
        %mul3A_668 = arith.mulf %sub3A_665, %sub3A_665 : vector<16xf32>
        %add3A_669 = arith.addf %mul3A_667, %mul3A_668 : vector<16xf32>
        %mul3A_670 = arith.mulf %sub3A_666, %sub3A_666 : vector<16xf32>
        %add3A_671 = arith.addf %add3A_669, %mul3A_670 : vector<16xf32>
        %lt3A_672 = arith.cmpf olt, %add3A_671, %min3A_529 : vector<16xf32>
        %min3A_673 = arith.minimumf %min3A_529, %add3A_671 : vector<16xf32>
        %add3A_674 = arith.constant 1 : i32
        %add3A_675 = vector.broadcast %add3A_674 : i32 to vector<16xi32>
        %add3A_676 = arith.addi %broadcast_in_dim3A_447, %add3A_675 : vector<16xi32>
        %select_n3A_677 = arith.select %lt3A_672, %add3A_676, %select_n3A_533 : vector<16xi1>, vector<16xi32>
        %sub3A_678 = arith.subf %get3A_197, %gather3A_601 : vector<16xf32>
        %sub3A_679 = arith.subf %get3A_206, %gather3A_611 : vector<16xf32>
        %sub3A_680 = arith.subf %get3A_215, %gather3A_621 : vector<16xf32>
        %mul3A_681 = arith.mulf %sub3A_678, %sub3A_678 : vector<16xf32>
        %mul3A_682 = arith.mulf %sub3A_679, %sub3A_679 : vector<16xf32>
        %add3A_683 = arith.addf %mul3A_681, %mul3A_682 : vector<16xf32>
        %mul3A_684 = arith.mulf %sub3A_680, %sub3A_680 : vector<16xf32>
        %add3A_685 = arith.addf %add3A_683, %mul3A_684 : vector<16xf32>
        %lt3A_686 = arith.cmpf olt, %add3A_685, %min3A_543 : vector<16xf32>
        %min3A_687 = arith.minimumf %min3A_543, %add3A_685 : vector<16xf32>
        %add3A_688 = arith.constant 1 : i32
        %add3A_689 = vector.broadcast %add3A_688 : i32 to vector<16xi32>
        %add3A_690 = arith.addi %broadcast_in_dim3A_447, %add3A_689 : vector<16xi32>
        %select_n3A_691 = arith.select %lt3A_686, %add3A_690, %select_n3A_547 : vector<16xi1>, vector<16xi32>
        %sub3A_692 = arith.subf %get3A_224, %gather3A_601 : vector<16xf32>
        %sub3A_693 = arith.subf %get3A_233, %gather3A_611 : vector<16xf32>
        %sub3A_694 = arith.subf %get3A_242, %gather3A_621 : vector<16xf32>
        %mul3A_695 = arith.mulf %sub3A_692, %sub3A_692 : vector<16xf32>
        %mul3A_696 = arith.mulf %sub3A_693, %sub3A_693 : vector<16xf32>
        %add3A_697 = arith.addf %mul3A_695, %mul3A_696 : vector<16xf32>
        %mul3A_698 = arith.mulf %sub3A_694, %sub3A_694 : vector<16xf32>
        %add3A_699 = arith.addf %add3A_697, %mul3A_698 : vector<16xf32>
        %lt3A_700 = arith.cmpf olt, %add3A_699, %min3A_557 : vector<16xf32>
        %min3A_701 = arith.minimumf %min3A_557, %add3A_699 : vector<16xf32>
        %add3A_702 = arith.constant 1 : i32
        %add3A_703 = vector.broadcast %add3A_702 : i32 to vector<16xi32>
        %add3A_704 = arith.addi %broadcast_in_dim3A_447, %add3A_703 : vector<16xi32>
        %select_n3A_705 = arith.select %lt3A_700, %add3A_704, %select_n3A_561 : vector<16xi1>, vector<16xi32>
        %sub3A_706 = arith.subf %get3A_251, %gather3A_601 : vector<16xf32>
        %sub3A_707 = arith.subf %get3A_260, %gather3A_611 : vector<16xf32>
        %sub3A_708 = arith.subf %get3A_269, %gather3A_621 : vector<16xf32>
        %mul3A_709 = arith.mulf %sub3A_706, %sub3A_706 : vector<16xf32>
        %mul3A_710 = arith.mulf %sub3A_707, %sub3A_707 : vector<16xf32>
        %add3A_711 = arith.addf %mul3A_709, %mul3A_710 : vector<16xf32>
        %mul3A_712 = arith.mulf %sub3A_708, %sub3A_708 : vector<16xf32>
        %add3A_713 = arith.addf %add3A_711, %mul3A_712 : vector<16xf32>
        %lt3A_714 = arith.cmpf olt, %add3A_713, %min3A_571 : vector<16xf32>
        %min3A_715 = arith.minimumf %min3A_571, %add3A_713 : vector<16xf32>
        %add3A_716 = arith.constant 1 : i32
        %add3A_717 = vector.broadcast %add3A_716 : i32 to vector<16xi32>
        %add3A_718 = arith.addi %broadcast_in_dim3A_447, %add3A_717 : vector<16xi32>
        %select_n3A_719 = arith.select %lt3A_714, %add3A_718, %select_n3A_575 : vector<16xi1>, vector<16xi32>
        %sub3A_720 = arith.subf %get3A_278, %gather3A_601 : vector<16xf32>
        %sub3A_721 = arith.subf %get3A_287, %gather3A_611 : vector<16xf32>
        %sub3A_722 = arith.subf %get3A_296, %gather3A_621 : vector<16xf32>
        %mul3A_723 = arith.mulf %sub3A_720, %sub3A_720 : vector<16xf32>
        %mul3A_724 = arith.mulf %sub3A_721, %sub3A_721 : vector<16xf32>
        %add3A_725 = arith.addf %mul3A_723, %mul3A_724 : vector<16xf32>
        %mul3A_726 = arith.mulf %sub3A_722, %sub3A_722 : vector<16xf32>
        %add3A_727 = arith.addf %add3A_725, %mul3A_726 : vector<16xf32>
        %lt3A_728 = arith.cmpf olt, %add3A_727, %min3A_585 : vector<16xf32>
        %min3A_729 = arith.minimumf %min3A_585, %add3A_727 : vector<16xf32>
        %add3A_730 = arith.constant 1 : i32
        %add3A_731 = vector.broadcast %add3A_730 : i32 to vector<16xi32>
        %add3A_732 = arith.addi %broadcast_in_dim3A_447, %add3A_731 : vector<16xi32>
        %select_n3A_733 = arith.select %lt3A_728, %add3A_732, %select_n3A_589 : vector<16xi1>, vector<16xi32>
        %broadcast_in_dim3A_734 = arith.constant 2 : i32
        %broadcast_in_dim3A_735 = vector.broadcast %broadcast_in_dim3A_734 : i32 to vector<16xi32>
        %lt3A_736 = arith.constant 0 : i32
        %lt3A_737 = vector.broadcast %lt3A_736 : i32 to vector<16xi32>
        %lt3A_738 = arith.cmpi slt, %broadcast_in_dim3A_735, %lt3A_737 : vector<16xi32>
        %add3A_739 = arith.constant 16 : i32
        %add3A_740 = vector.broadcast %add3A_739 : i32 to vector<16xi32>
        %add3A_741 = arith.addi %broadcast_in_dim3A_735, %add3A_740 : vector<16xi32>
        %select_n3A_742 = arith.select %lt3A_738, %add3A_741, %broadcast_in_dim3A_735 : vector<16xi1>, vector<16xi32>
        %broadcast_in_dim3A_743 = vector.shape_cast %select_n3A_742 : vector<16xi32> to vector<16x1xi32>
        %gather3A_744 = vector.shape_cast %broadcast_in_dim3A_743 : vector<16x1xi32> to vector<16xi32>
        %gather3A_745 = tpu.dynamic_gather %get3A_434[%gather3A_744] in [0] : vector<16xf32>, vector<16xi32> -> vector<16xf32>
        %lt3A_746 = arith.constant 0 : i32
        %lt3A_747 = vector.broadcast %lt3A_746 : i32 to vector<16xi32>
        %lt3A_748 = arith.cmpi slt, %broadcast_in_dim3A_735, %lt3A_747 : vector<16xi32>
        %add3A_749 = arith.constant 16 : i32
        %add3A_750 = vector.broadcast %add3A_749 : i32 to vector<16xi32>
        %add3A_751 = arith.addi %broadcast_in_dim3A_735, %add3A_750 : vector<16xi32>
        %select_n3A_752 = arith.select %lt3A_748, %add3A_751, %broadcast_in_dim3A_735 : vector<16xi1>, vector<16xi32>
        %broadcast_in_dim3A_753 = vector.shape_cast %select_n3A_752 : vector<16xi32> to vector<16x1xi32>
        %gather3A_754 = vector.shape_cast %broadcast_in_dim3A_753 : vector<16x1xi32> to vector<16xi32>
        %gather3A_755 = tpu.dynamic_gather %get3A_439[%gather3A_754] in [0] : vector<16xf32>, vector<16xi32> -> vector<16xf32>
        %lt3A_756 = arith.constant 0 : i32
        %lt3A_757 = vector.broadcast %lt3A_756 : i32 to vector<16xi32>
        %lt3A_758 = arith.cmpi slt, %broadcast_in_dim3A_735, %lt3A_757 : vector<16xi32>
        %add3A_759 = arith.constant 16 : i32
        %add3A_760 = vector.broadcast %add3A_759 : i32 to vector<16xi32>
        %add3A_761 = arith.addi %broadcast_in_dim3A_735, %add3A_760 : vector<16xi32>
        %select_n3A_762 = arith.select %lt3A_758, %add3A_761, %broadcast_in_dim3A_735 : vector<16xi1>, vector<16xi32>
        %broadcast_in_dim3A_763 = vector.shape_cast %select_n3A_762 : vector<16xi32> to vector<16x1xi32>
        %gather3A_764 = vector.shape_cast %broadcast_in_dim3A_763 : vector<16x1xi32> to vector<16xi32>
        %gather3A_765 = tpu.dynamic_gather %get3A_444[%gather3A_764] in [0] : vector<16xf32>, vector<16xi32> -> vector<16xf32>
        %sub3A_766 = arith.subf %get3A_89, %gather3A_745 : vector<16xf32>
        %sub3A_767 = arith.subf %get3A_98, %gather3A_755 : vector<16xf32>
        %sub3A_768 = arith.subf %get3A_107, %gather3A_765 : vector<16xf32>
        %mul3A_769 = arith.mulf %sub3A_766, %sub3A_766 : vector<16xf32>
        %mul3A_770 = arith.mulf %sub3A_767, %sub3A_767 : vector<16xf32>
        %add3A_771 = arith.addf %mul3A_769, %mul3A_770 : vector<16xf32>
        %mul3A_772 = arith.mulf %sub3A_768, %sub3A_768 : vector<16xf32>
        %add3A_773 = arith.addf %add3A_771, %mul3A_772 : vector<16xf32>
        %lt3A_774 = arith.cmpf olt, %add3A_773, %min3A_631 : vector<16xf32>
        %min3A_775 = arith.minimumf %min3A_631, %add3A_773 : vector<16xf32>
        %add3A_776 = arith.constant 2 : i32
        %add3A_777 = vector.broadcast %add3A_776 : i32 to vector<16xi32>
        %add3A_778 = arith.addi %broadcast_in_dim3A_447, %add3A_777 : vector<16xi32>
        %select_n3A_779 = arith.select %lt3A_774, %add3A_778, %select_n3A_635 : vector<16xi1>, vector<16xi32>
        %sub3A_780 = arith.subf %get3A_116, %gather3A_745 : vector<16xf32>
        %sub3A_781 = arith.subf %get3A_125, %gather3A_755 : vector<16xf32>
        %sub3A_782 = arith.subf %get3A_134, %gather3A_765 : vector<16xf32>
        %mul3A_783 = arith.mulf %sub3A_780, %sub3A_780 : vector<16xf32>
        %mul3A_784 = arith.mulf %sub3A_781, %sub3A_781 : vector<16xf32>
        %add3A_785 = arith.addf %mul3A_783, %mul3A_784 : vector<16xf32>
        %mul3A_786 = arith.mulf %sub3A_782, %sub3A_782 : vector<16xf32>
        %add3A_787 = arith.addf %add3A_785, %mul3A_786 : vector<16xf32>
        %lt3A_788 = arith.cmpf olt, %add3A_787, %min3A_645 : vector<16xf32>
        %min3A_789 = arith.minimumf %min3A_645, %add3A_787 : vector<16xf32>
        %add3A_790 = arith.constant 2 : i32
        %add3A_791 = vector.broadcast %add3A_790 : i32 to vector<16xi32>
        %add3A_792 = arith.addi %broadcast_in_dim3A_447, %add3A_791 : vector<16xi32>
        %select_n3A_793 = arith.select %lt3A_788, %add3A_792, %select_n3A_649 : vector<16xi1>, vector<16xi32>
        %sub3A_794 = arith.subf %get3A_143, %gather3A_745 : vector<16xf32>
        %sub3A_795 = arith.subf %get3A_152, %gather3A_755 : vector<16xf32>
        %sub3A_796 = arith.subf %get3A_161, %gather3A_765 : vector<16xf32>
        %mul3A_797 = arith.mulf %sub3A_794, %sub3A_794 : vector<16xf32>
        %mul3A_798 = arith.mulf %sub3A_795, %sub3A_795 : vector<16xf32>
        %add3A_799 = arith.addf %mul3A_797, %mul3A_798 : vector<16xf32>
        %mul3A_800 = arith.mulf %sub3A_796, %sub3A_796 : vector<16xf32>
        %add3A_801 = arith.addf %add3A_799, %mul3A_800 : vector<16xf32>
        %lt3A_802 = arith.cmpf olt, %add3A_801, %min3A_659 : vector<16xf32>
        %min3A_803 = arith.minimumf %min3A_659, %add3A_801 : vector<16xf32>
        %add3A_804 = arith.constant 2 : i32
        %add3A_805 = vector.broadcast %add3A_804 : i32 to vector<16xi32>
        %add3A_806 = arith.addi %broadcast_in_dim3A_447, %add3A_805 : vector<16xi32>
        %select_n3A_807 = arith.select %lt3A_802, %add3A_806, %select_n3A_663 : vector<16xi1>, vector<16xi32>
        %sub3A_808 = arith.subf %get3A_170, %gather3A_745 : vector<16xf32>
        %sub3A_809 = arith.subf %get3A_179, %gather3A_755 : vector<16xf32>
        %sub3A_810 = arith.subf %get3A_188, %gather3A_765 : vector<16xf32>
        %mul3A_811 = arith.mulf %sub3A_808, %sub3A_808 : vector<16xf32>
        %mul3A_812 = arith.mulf %sub3A_809, %sub3A_809 : vector<16xf32>
        %add3A_813 = arith.addf %mul3A_811, %mul3A_812 : vector<16xf32>
        %mul3A_814 = arith.mulf %sub3A_810, %sub3A_810 : vector<16xf32>
        %add3A_815 = arith.addf %add3A_813, %mul3A_814 : vector<16xf32>
        %lt3A_816 = arith.cmpf olt, %add3A_815, %min3A_673 : vector<16xf32>
        %min3A_817 = arith.minimumf %min3A_673, %add3A_815 : vector<16xf32>
        %add3A_818 = arith.constant 2 : i32
        %add3A_819 = vector.broadcast %add3A_818 : i32 to vector<16xi32>
        %add3A_820 = arith.addi %broadcast_in_dim3A_447, %add3A_819 : vector<16xi32>
        %select_n3A_821 = arith.select %lt3A_816, %add3A_820, %select_n3A_677 : vector<16xi1>, vector<16xi32>
        %sub3A_822 = arith.subf %get3A_197, %gather3A_745 : vector<16xf32>
        %sub3A_823 = arith.subf %get3A_206, %gather3A_755 : vector<16xf32>
        %sub3A_824 = arith.subf %get3A_215, %gather3A_765 : vector<16xf32>
        %mul3A_825 = arith.mulf %sub3A_822, %sub3A_822 : vector<16xf32>
        %mul3A_826 = arith.mulf %sub3A_823, %sub3A_823 : vector<16xf32>
        %add3A_827 = arith.addf %mul3A_825, %mul3A_826 : vector<16xf32>
        %mul3A_828 = arith.mulf %sub3A_824, %sub3A_824 : vector<16xf32>
        %add3A_829 = arith.addf %add3A_827, %mul3A_828 : vector<16xf32>
        %lt3A_830 = arith.cmpf olt, %add3A_829, %min3A_687 : vector<16xf32>
        %min3A_831 = arith.minimumf %min3A_687, %add3A_829 : vector<16xf32>
        %add3A_832 = arith.constant 2 : i32
        %add3A_833 = vector.broadcast %add3A_832 : i32 to vector<16xi32>
        %add3A_834 = arith.addi %broadcast_in_dim3A_447, %add3A_833 : vector<16xi32>
        %select_n3A_835 = arith.select %lt3A_830, %add3A_834, %select_n3A_691 : vector<16xi1>, vector<16xi32>
        %sub3A_836 = arith.subf %get3A_224, %gather3A_745 : vector<16xf32>
        %sub3A_837 = arith.subf %get3A_233, %gather3A_755 : vector<16xf32>
        %sub3A_838 = arith.subf %get3A_242, %gather3A_765 : vector<16xf32>
        %mul3A_839 = arith.mulf %sub3A_836, %sub3A_836 : vector<16xf32>
        %mul3A_840 = arith.mulf %sub3A_837, %sub3A_837 : vector<16xf32>
        %add3A_841 = arith.addf %mul3A_839, %mul3A_840 : vector<16xf32>
        %mul3A_842 = arith.mulf %sub3A_838, %sub3A_838 : vector<16xf32>
        %add3A_843 = arith.addf %add3A_841, %mul3A_842 : vector<16xf32>
        %lt3A_844 = arith.cmpf olt, %add3A_843, %min3A_701 : vector<16xf32>
        %min3A_845 = arith.minimumf %min3A_701, %add3A_843 : vector<16xf32>
        %add3A_846 = arith.constant 2 : i32
        %add3A_847 = vector.broadcast %add3A_846 : i32 to vector<16xi32>
        %add3A_848 = arith.addi %broadcast_in_dim3A_447, %add3A_847 : vector<16xi32>
        %select_n3A_849 = arith.select %lt3A_844, %add3A_848, %select_n3A_705 : vector<16xi1>, vector<16xi32>
        %sub3A_850 = arith.subf %get3A_251, %gather3A_745 : vector<16xf32>
        %sub3A_851 = arith.subf %get3A_260, %gather3A_755 : vector<16xf32>
        %sub3A_852 = arith.subf %get3A_269, %gather3A_765 : vector<16xf32>
        %mul3A_853 = arith.mulf %sub3A_850, %sub3A_850 : vector<16xf32>
        %mul3A_854 = arith.mulf %sub3A_851, %sub3A_851 : vector<16xf32>
        %add3A_855 = arith.addf %mul3A_853, %mul3A_854 : vector<16xf32>
        %mul3A_856 = arith.mulf %sub3A_852, %sub3A_852 : vector<16xf32>
        %add3A_857 = arith.addf %add3A_855, %mul3A_856 : vector<16xf32>
        %lt3A_858 = arith.cmpf olt, %add3A_857, %min3A_715 : vector<16xf32>
        %min3A_859 = arith.minimumf %min3A_715, %add3A_857 : vector<16xf32>
        %add3A_860 = arith.constant 2 : i32
        %add3A_861 = vector.broadcast %add3A_860 : i32 to vector<16xi32>
        %add3A_862 = arith.addi %broadcast_in_dim3A_447, %add3A_861 : vector<16xi32>
        %select_n3A_863 = arith.select %lt3A_858, %add3A_862, %select_n3A_719 : vector<16xi1>, vector<16xi32>
        %sub3A_864 = arith.subf %get3A_278, %gather3A_745 : vector<16xf32>
        %sub3A_865 = arith.subf %get3A_287, %gather3A_755 : vector<16xf32>
        %sub3A_866 = arith.subf %get3A_296, %gather3A_765 : vector<16xf32>
        %mul3A_867 = arith.mulf %sub3A_864, %sub3A_864 : vector<16xf32>
        %mul3A_868 = arith.mulf %sub3A_865, %sub3A_865 : vector<16xf32>
        %add3A_869 = arith.addf %mul3A_867, %mul3A_868 : vector<16xf32>
        %mul3A_870 = arith.mulf %sub3A_866, %sub3A_866 : vector<16xf32>
        %add3A_871 = arith.addf %add3A_869, %mul3A_870 : vector<16xf32>
        %lt3A_872 = arith.cmpf olt, %add3A_871, %min3A_729 : vector<16xf32>
        %min3A_873 = arith.minimumf %min3A_729, %add3A_871 : vector<16xf32>
        %add3A_874 = arith.constant 2 : i32
        %add3A_875 = vector.broadcast %add3A_874 : i32 to vector<16xi32>
        %add3A_876 = arith.addi %broadcast_in_dim3A_447, %add3A_875 : vector<16xi32>
        %select_n3A_877 = arith.select %lt3A_872, %add3A_876, %select_n3A_733 : vector<16xi1>, vector<16xi32>
        %broadcast_in_dim3A_878 = arith.constant 3 : i32
        %broadcast_in_dim3A_879 = vector.broadcast %broadcast_in_dim3A_878 : i32 to vector<16xi32>
        %lt3A_880 = arith.constant 0 : i32
        %lt3A_881 = vector.broadcast %lt3A_880 : i32 to vector<16xi32>
        %lt3A_882 = arith.cmpi slt, %broadcast_in_dim3A_879, %lt3A_881 : vector<16xi32>
        %add3A_883 = arith.constant 16 : i32
        %add3A_884 = vector.broadcast %add3A_883 : i32 to vector<16xi32>
        %add3A_885 = arith.addi %broadcast_in_dim3A_879, %add3A_884 : vector<16xi32>
        %select_n3A_886 = arith.select %lt3A_882, %add3A_885, %broadcast_in_dim3A_879 : vector<16xi1>, vector<16xi32>
        %broadcast_in_dim3A_887 = vector.shape_cast %select_n3A_886 : vector<16xi32> to vector<16x1xi32>
        %gather3A_888 = vector.shape_cast %broadcast_in_dim3A_887 : vector<16x1xi32> to vector<16xi32>
        %gather3A_889 = tpu.dynamic_gather %get3A_434[%gather3A_888] in [0] : vector<16xf32>, vector<16xi32> -> vector<16xf32>
        %lt3A_890 = arith.constant 0 : i32
        %lt3A_891 = vector.broadcast %lt3A_890 : i32 to vector<16xi32>
        %lt3A_892 = arith.cmpi slt, %broadcast_in_dim3A_879, %lt3A_891 : vector<16xi32>
        %add3A_893 = arith.constant 16 : i32
        %add3A_894 = vector.broadcast %add3A_893 : i32 to vector<16xi32>
        %add3A_895 = arith.addi %broadcast_in_dim3A_879, %add3A_894 : vector<16xi32>
        %select_n3A_896 = arith.select %lt3A_892, %add3A_895, %broadcast_in_dim3A_879 : vector<16xi1>, vector<16xi32>
        %broadcast_in_dim3A_897 = vector.shape_cast %select_n3A_896 : vector<16xi32> to vector<16x1xi32>
        %gather3A_898 = vector.shape_cast %broadcast_in_dim3A_897 : vector<16x1xi32> to vector<16xi32>
        %gather3A_899 = tpu.dynamic_gather %get3A_439[%gather3A_898] in [0] : vector<16xf32>, vector<16xi32> -> vector<16xf32>
        %lt3A_900 = arith.constant 0 : i32
        %lt3A_901 = vector.broadcast %lt3A_900 : i32 to vector<16xi32>
        %lt3A_902 = arith.cmpi slt, %broadcast_in_dim3A_879, %lt3A_901 : vector<16xi32>
        %add3A_903 = arith.constant 16 : i32
        %add3A_904 = vector.broadcast %add3A_903 : i32 to vector<16xi32>
        %add3A_905 = arith.addi %broadcast_in_dim3A_879, %add3A_904 : vector<16xi32>
        %select_n3A_906 = arith.select %lt3A_902, %add3A_905, %broadcast_in_dim3A_879 : vector<16xi1>, vector<16xi32>
        %broadcast_in_dim3A_907 = vector.shape_cast %select_n3A_906 : vector<16xi32> to vector<16x1xi32>
        %gather3A_908 = vector.shape_cast %broadcast_in_dim3A_907 : vector<16x1xi32> to vector<16xi32>
        %gather3A_909 = tpu.dynamic_gather %get3A_444[%gather3A_908] in [0] : vector<16xf32>, vector<16xi32> -> vector<16xf32>
        %sub3A_910 = arith.subf %get3A_89, %gather3A_889 : vector<16xf32>
        %sub3A_911 = arith.subf %get3A_98, %gather3A_899 : vector<16xf32>
        %sub3A_912 = arith.subf %get3A_107, %gather3A_909 : vector<16xf32>
        %mul3A_913 = arith.mulf %sub3A_910, %sub3A_910 : vector<16xf32>
        %mul3A_914 = arith.mulf %sub3A_911, %sub3A_911 : vector<16xf32>
        %add3A_915 = arith.addf %mul3A_913, %mul3A_914 : vector<16xf32>
        %mul3A_916 = arith.mulf %sub3A_912, %sub3A_912 : vector<16xf32>
        %add3A_917 = arith.addf %add3A_915, %mul3A_916 : vector<16xf32>
        %lt3A_918 = arith.cmpf olt, %add3A_917, %min3A_775 : vector<16xf32>
        %min3A_919 = arith.minimumf %min3A_775, %add3A_917 : vector<16xf32>
        %add3A_920 = arith.constant 3 : i32
        %add3A_921 = vector.broadcast %add3A_920 : i32 to vector<16xi32>
        %add3A_922 = arith.addi %broadcast_in_dim3A_447, %add3A_921 : vector<16xi32>
        %select_n3A_923 = arith.select %lt3A_918, %add3A_922, %select_n3A_779 : vector<16xi1>, vector<16xi32>
        %sub3A_924 = arith.subf %get3A_116, %gather3A_889 : vector<16xf32>
        %sub3A_925 = arith.subf %get3A_125, %gather3A_899 : vector<16xf32>
        %sub3A_926 = arith.subf %get3A_134, %gather3A_909 : vector<16xf32>
        %mul3A_927 = arith.mulf %sub3A_924, %sub3A_924 : vector<16xf32>
        %mul3A_928 = arith.mulf %sub3A_925, %sub3A_925 : vector<16xf32>
        %add3A_929 = arith.addf %mul3A_927, %mul3A_928 : vector<16xf32>
        %mul3A_930 = arith.mulf %sub3A_926, %sub3A_926 : vector<16xf32>
        %add3A_931 = arith.addf %add3A_929, %mul3A_930 : vector<16xf32>
        %lt3A_932 = arith.cmpf olt, %add3A_931, %min3A_789 : vector<16xf32>
        %min3A_933 = arith.minimumf %min3A_789, %add3A_931 : vector<16xf32>
        %add3A_934 = arith.constant 3 : i32
        %add3A_935 = vector.broadcast %add3A_934 : i32 to vector<16xi32>
        %add3A_936 = arith.addi %broadcast_in_dim3A_447, %add3A_935 : vector<16xi32>
        %select_n3A_937 = arith.select %lt3A_932, %add3A_936, %select_n3A_793 : vector<16xi1>, vector<16xi32>
        %sub3A_938 = arith.subf %get3A_143, %gather3A_889 : vector<16xf32>
        %sub3A_939 = arith.subf %get3A_152, %gather3A_899 : vector<16xf32>
        %sub3A_940 = arith.subf %get3A_161, %gather3A_909 : vector<16xf32>
        %mul3A_941 = arith.mulf %sub3A_938, %sub3A_938 : vector<16xf32>
        %mul3A_942 = arith.mulf %sub3A_939, %sub3A_939 : vector<16xf32>
        %add3A_943 = arith.addf %mul3A_941, %mul3A_942 : vector<16xf32>
        %mul3A_944 = arith.mulf %sub3A_940, %sub3A_940 : vector<16xf32>
        %add3A_945 = arith.addf %add3A_943, %mul3A_944 : vector<16xf32>
        %lt3A_946 = arith.cmpf olt, %add3A_945, %min3A_803 : vector<16xf32>
        %min3A_947 = arith.minimumf %min3A_803, %add3A_945 : vector<16xf32>
        %add3A_948 = arith.constant 3 : i32
        %add3A_949 = vector.broadcast %add3A_948 : i32 to vector<16xi32>
        %add3A_950 = arith.addi %broadcast_in_dim3A_447, %add3A_949 : vector<16xi32>
        %select_n3A_951 = arith.select %lt3A_946, %add3A_950, %select_n3A_807 : vector<16xi1>, vector<16xi32>
        %sub3A_952 = arith.subf %get3A_170, %gather3A_889 : vector<16xf32>
        %sub3A_953 = arith.subf %get3A_179, %gather3A_899 : vector<16xf32>
        %sub3A_954 = arith.subf %get3A_188, %gather3A_909 : vector<16xf32>
        %mul3A_955 = arith.mulf %sub3A_952, %sub3A_952 : vector<16xf32>
        %mul3A_956 = arith.mulf %sub3A_953, %sub3A_953 : vector<16xf32>
        %add3A_957 = arith.addf %mul3A_955, %mul3A_956 : vector<16xf32>
        %mul3A_958 = arith.mulf %sub3A_954, %sub3A_954 : vector<16xf32>
        %add3A_959 = arith.addf %add3A_957, %mul3A_958 : vector<16xf32>
        %lt3A_960 = arith.cmpf olt, %add3A_959, %min3A_817 : vector<16xf32>
        %min3A_961 = arith.minimumf %min3A_817, %add3A_959 : vector<16xf32>
        %add3A_962 = arith.constant 3 : i32
        %add3A_963 = vector.broadcast %add3A_962 : i32 to vector<16xi32>
        %add3A_964 = arith.addi %broadcast_in_dim3A_447, %add3A_963 : vector<16xi32>
        %select_n3A_965 = arith.select %lt3A_960, %add3A_964, %select_n3A_821 : vector<16xi1>, vector<16xi32>
        %sub3A_966 = arith.subf %get3A_197, %gather3A_889 : vector<16xf32>
        %sub3A_967 = arith.subf %get3A_206, %gather3A_899 : vector<16xf32>
        %sub3A_968 = arith.subf %get3A_215, %gather3A_909 : vector<16xf32>
        %mul3A_969 = arith.mulf %sub3A_966, %sub3A_966 : vector<16xf32>
        %mul3A_970 = arith.mulf %sub3A_967, %sub3A_967 : vector<16xf32>
        %add3A_971 = arith.addf %mul3A_969, %mul3A_970 : vector<16xf32>
        %mul3A_972 = arith.mulf %sub3A_968, %sub3A_968 : vector<16xf32>
        %add3A_973 = arith.addf %add3A_971, %mul3A_972 : vector<16xf32>
        %lt3A_974 = arith.cmpf olt, %add3A_973, %min3A_831 : vector<16xf32>
        %min3A_975 = arith.minimumf %min3A_831, %add3A_973 : vector<16xf32>
        %add3A_976 = arith.constant 3 : i32
        %add3A_977 = vector.broadcast %add3A_976 : i32 to vector<16xi32>
        %add3A_978 = arith.addi %broadcast_in_dim3A_447, %add3A_977 : vector<16xi32>
        %select_n3A_979 = arith.select %lt3A_974, %add3A_978, %select_n3A_835 : vector<16xi1>, vector<16xi32>
        %sub3A_980 = arith.subf %get3A_224, %gather3A_889 : vector<16xf32>
        %sub3A_981 = arith.subf %get3A_233, %gather3A_899 : vector<16xf32>
        %sub3A_982 = arith.subf %get3A_242, %gather3A_909 : vector<16xf32>
        %mul3A_983 = arith.mulf %sub3A_980, %sub3A_980 : vector<16xf32>
        %mul3A_984 = arith.mulf %sub3A_981, %sub3A_981 : vector<16xf32>
        %add3A_985 = arith.addf %mul3A_983, %mul3A_984 : vector<16xf32>
        %mul3A_986 = arith.mulf %sub3A_982, %sub3A_982 : vector<16xf32>
        %add3A_987 = arith.addf %add3A_985, %mul3A_986 : vector<16xf32>
        %lt3A_988 = arith.cmpf olt, %add3A_987, %min3A_845 : vector<16xf32>
        %min3A_989 = arith.minimumf %min3A_845, %add3A_987 : vector<16xf32>
        %add3A_990 = arith.constant 3 : i32
        %add3A_991 = vector.broadcast %add3A_990 : i32 to vector<16xi32>
        %add3A_992 = arith.addi %broadcast_in_dim3A_447, %add3A_991 : vector<16xi32>
        %select_n3A_993 = arith.select %lt3A_988, %add3A_992, %select_n3A_849 : vector<16xi1>, vector<16xi32>
        %sub3A_994 = arith.subf %get3A_251, %gather3A_889 : vector<16xf32>
        %sub3A_995 = arith.subf %get3A_260, %gather3A_899 : vector<16xf32>
        %sub3A_996 = arith.subf %get3A_269, %gather3A_909 : vector<16xf32>
        %mul3A_997 = arith.mulf %sub3A_994, %sub3A_994 : vector<16xf32>
        %mul3A_998 = arith.mulf %sub3A_995, %sub3A_995 : vector<16xf32>
        %add3A_999 = arith.addf %mul3A_997, %mul3A_998 : vector<16xf32>
        %mul3A_1000 = arith.mulf %sub3A_996, %sub3A_996 : vector<16xf32>
        %add3A_1001 = arith.addf %add3A_999, %mul3A_1000 : vector<16xf32>
        %lt3A_1002 = arith.cmpf olt, %add3A_1001, %min3A_859 : vector<16xf32>
        %min3A_1003 = arith.minimumf %min3A_859, %add3A_1001 : vector<16xf32>
        %add3A_1004 = arith.constant 3 : i32
        %add3A_1005 = vector.broadcast %add3A_1004 : i32 to vector<16xi32>
        %add3A_1006 = arith.addi %broadcast_in_dim3A_447, %add3A_1005 : vector<16xi32>
        %select_n3A_1007 = arith.select %lt3A_1002, %add3A_1006, %select_n3A_863 : vector<16xi1>, vector<16xi32>
        %sub3A_1008 = arith.subf %get3A_278, %gather3A_889 : vector<16xf32>
        %sub3A_1009 = arith.subf %get3A_287, %gather3A_899 : vector<16xf32>
        %sub3A_1010 = arith.subf %get3A_296, %gather3A_909 : vector<16xf32>
        %mul3A_1011 = arith.mulf %sub3A_1008, %sub3A_1008 : vector<16xf32>
        %mul3A_1012 = arith.mulf %sub3A_1009, %sub3A_1009 : vector<16xf32>
        %add3A_1013 = arith.addf %mul3A_1011, %mul3A_1012 : vector<16xf32>
        %mul3A_1014 = arith.mulf %sub3A_1010, %sub3A_1010 : vector<16xf32>
        %add3A_1015 = arith.addf %add3A_1013, %mul3A_1014 : vector<16xf32>
        %lt3A_1016 = arith.cmpf olt, %add3A_1015, %min3A_873 : vector<16xf32>
        %min3A_1017 = arith.minimumf %min3A_873, %add3A_1015 : vector<16xf32>
        %add3A_1018 = arith.constant 3 : i32
        %add3A_1019 = vector.broadcast %add3A_1018 : i32 to vector<16xi32>
        %add3A_1020 = arith.addi %broadcast_in_dim3A_447, %add3A_1019 : vector<16xi32>
        %select_n3A_1021 = arith.select %lt3A_1016, %add3A_1020, %select_n3A_877 : vector<16xi1>, vector<16xi32>
        %broadcast_in_dim3A_1022 = arith.constant 4 : i32
        %broadcast_in_dim3A_1023 = vector.broadcast %broadcast_in_dim3A_1022 : i32 to vector<16xi32>
        %lt3A_1024 = arith.constant 0 : i32
        %lt3A_1025 = vector.broadcast %lt3A_1024 : i32 to vector<16xi32>
        %lt3A_1026 = arith.cmpi slt, %broadcast_in_dim3A_1023, %lt3A_1025 : vector<16xi32>
        %add3A_1027 = arith.constant 16 : i32
        %add3A_1028 = vector.broadcast %add3A_1027 : i32 to vector<16xi32>
        %add3A_1029 = arith.addi %broadcast_in_dim3A_1023, %add3A_1028 : vector<16xi32>
        %select_n3A_1030 = arith.select %lt3A_1026, %add3A_1029, %broadcast_in_dim3A_1023 : vector<16xi1>, vector<16xi32>
        %broadcast_in_dim3A_1031 = vector.shape_cast %select_n3A_1030 : vector<16xi32> to vector<16x1xi32>
        %gather3A_1032 = vector.shape_cast %broadcast_in_dim3A_1031 : vector<16x1xi32> to vector<16xi32>
        %gather3A_1033 = tpu.dynamic_gather %get3A_434[%gather3A_1032] in [0] : vector<16xf32>, vector<16xi32> -> vector<16xf32>
        %lt3A_1034 = arith.constant 0 : i32
        %lt3A_1035 = vector.broadcast %lt3A_1034 : i32 to vector<16xi32>
        %lt3A_1036 = arith.cmpi slt, %broadcast_in_dim3A_1023, %lt3A_1035 : vector<16xi32>
        %add3A_1037 = arith.constant 16 : i32
        %add3A_1038 = vector.broadcast %add3A_1037 : i32 to vector<16xi32>
        %add3A_1039 = arith.addi %broadcast_in_dim3A_1023, %add3A_1038 : vector<16xi32>
        %select_n3A_1040 = arith.select %lt3A_1036, %add3A_1039, %broadcast_in_dim3A_1023 : vector<16xi1>, vector<16xi32>
        %broadcast_in_dim3A_1041 = vector.shape_cast %select_n3A_1040 : vector<16xi32> to vector<16x1xi32>
        %gather3A_1042 = vector.shape_cast %broadcast_in_dim3A_1041 : vector<16x1xi32> to vector<16xi32>
        %gather3A_1043 = tpu.dynamic_gather %get3A_439[%gather3A_1042] in [0] : vector<16xf32>, vector<16xi32> -> vector<16xf32>
        %lt3A_1044 = arith.constant 0 : i32
        %lt3A_1045 = vector.broadcast %lt3A_1044 : i32 to vector<16xi32>
        %lt3A_1046 = arith.cmpi slt, %broadcast_in_dim3A_1023, %lt3A_1045 : vector<16xi32>
        %add3A_1047 = arith.constant 16 : i32
        %add3A_1048 = vector.broadcast %add3A_1047 : i32 to vector<16xi32>
        %add3A_1049 = arith.addi %broadcast_in_dim3A_1023, %add3A_1048 : vector<16xi32>
        %select_n3A_1050 = arith.select %lt3A_1046, %add3A_1049, %broadcast_in_dim3A_1023 : vector<16xi1>, vector<16xi32>
        %broadcast_in_dim3A_1051 = vector.shape_cast %select_n3A_1050 : vector<16xi32> to vector<16x1xi32>
        %gather3A_1052 = vector.shape_cast %broadcast_in_dim3A_1051 : vector<16x1xi32> to vector<16xi32>
        %gather3A_1053 = tpu.dynamic_gather %get3A_444[%gather3A_1052] in [0] : vector<16xf32>, vector<16xi32> -> vector<16xf32>
        %sub3A_1054 = arith.subf %get3A_89, %gather3A_1033 : vector<16xf32>
        %sub3A_1055 = arith.subf %get3A_98, %gather3A_1043 : vector<16xf32>
        %sub3A_1056 = arith.subf %get3A_107, %gather3A_1053 : vector<16xf32>
        %mul3A_1057 = arith.mulf %sub3A_1054, %sub3A_1054 : vector<16xf32>
        %mul3A_1058 = arith.mulf %sub3A_1055, %sub3A_1055 : vector<16xf32>
        %add3A_1059 = arith.addf %mul3A_1057, %mul3A_1058 : vector<16xf32>
        %mul3A_1060 = arith.mulf %sub3A_1056, %sub3A_1056 : vector<16xf32>
        %add3A_1061 = arith.addf %add3A_1059, %mul3A_1060 : vector<16xf32>
        %lt3A_1062 = arith.cmpf olt, %add3A_1061, %min3A_919 : vector<16xf32>
        %min3A_1063 = arith.minimumf %min3A_919, %add3A_1061 : vector<16xf32>
        %add3A_1064 = arith.constant 4 : i32
        %add3A_1065 = vector.broadcast %add3A_1064 : i32 to vector<16xi32>
        %add3A_1066 = arith.addi %broadcast_in_dim3A_447, %add3A_1065 : vector<16xi32>
        %select_n3A_1067 = arith.select %lt3A_1062, %add3A_1066, %select_n3A_923 : vector<16xi1>, vector<16xi32>
        %sub3A_1068 = arith.subf %get3A_116, %gather3A_1033 : vector<16xf32>
        %sub3A_1069 = arith.subf %get3A_125, %gather3A_1043 : vector<16xf32>
        %sub3A_1070 = arith.subf %get3A_134, %gather3A_1053 : vector<16xf32>
        %mul3A_1071 = arith.mulf %sub3A_1068, %sub3A_1068 : vector<16xf32>
        %mul3A_1072 = arith.mulf %sub3A_1069, %sub3A_1069 : vector<16xf32>
        %add3A_1073 = arith.addf %mul3A_1071, %mul3A_1072 : vector<16xf32>
        %mul3A_1074 = arith.mulf %sub3A_1070, %sub3A_1070 : vector<16xf32>
        %add3A_1075 = arith.addf %add3A_1073, %mul3A_1074 : vector<16xf32>
        %lt3A_1076 = arith.cmpf olt, %add3A_1075, %min3A_933 : vector<16xf32>
        %min3A_1077 = arith.minimumf %min3A_933, %add3A_1075 : vector<16xf32>
        %add3A_1078 = arith.constant 4 : i32
        %add3A_1079 = vector.broadcast %add3A_1078 : i32 to vector<16xi32>
        %add3A_1080 = arith.addi %broadcast_in_dim3A_447, %add3A_1079 : vector<16xi32>
        %select_n3A_1081 = arith.select %lt3A_1076, %add3A_1080, %select_n3A_937 : vector<16xi1>, vector<16xi32>
        %sub3A_1082 = arith.subf %get3A_143, %gather3A_1033 : vector<16xf32>
        %sub3A_1083 = arith.subf %get3A_152, %gather3A_1043 : vector<16xf32>
        %sub3A_1084 = arith.subf %get3A_161, %gather3A_1053 : vector<16xf32>
        %mul3A_1085 = arith.mulf %sub3A_1082, %sub3A_1082 : vector<16xf32>
        %mul3A_1086 = arith.mulf %sub3A_1083, %sub3A_1083 : vector<16xf32>
        %add3A_1087 = arith.addf %mul3A_1085, %mul3A_1086 : vector<16xf32>
        %mul3A_1088 = arith.mulf %sub3A_1084, %sub3A_1084 : vector<16xf32>
        %add3A_1089 = arith.addf %add3A_1087, %mul3A_1088 : vector<16xf32>
        %lt3A_1090 = arith.cmpf olt, %add3A_1089, %min3A_947 : vector<16xf32>
        %min3A_1091 = arith.minimumf %min3A_947, %add3A_1089 : vector<16xf32>
        %add3A_1092 = arith.constant 4 : i32
        %add3A_1093 = vector.broadcast %add3A_1092 : i32 to vector<16xi32>
        %add3A_1094 = arith.addi %broadcast_in_dim3A_447, %add3A_1093 : vector<16xi32>
        %select_n3A_1095 = arith.select %lt3A_1090, %add3A_1094, %select_n3A_951 : vector<16xi1>, vector<16xi32>
        %sub3A_1096 = arith.subf %get3A_170, %gather3A_1033 : vector<16xf32>
        %sub3A_1097 = arith.subf %get3A_179, %gather3A_1043 : vector<16xf32>
        %sub3A_1098 = arith.subf %get3A_188, %gather3A_1053 : vector<16xf32>
        %mul3A_1099 = arith.mulf %sub3A_1096, %sub3A_1096 : vector<16xf32>
        %mul3A_1100 = arith.mulf %sub3A_1097, %sub3A_1097 : vector<16xf32>
        %add3A_1101 = arith.addf %mul3A_1099, %mul3A_1100 : vector<16xf32>
        %mul3A_1102 = arith.mulf %sub3A_1098, %sub3A_1098 : vector<16xf32>
        %add3A_1103 = arith.addf %add3A_1101, %mul3A_1102 : vector<16xf32>
        %lt3A_1104 = arith.cmpf olt, %add3A_1103, %min3A_961 : vector<16xf32>
        %min3A_1105 = arith.minimumf %min3A_961, %add3A_1103 : vector<16xf32>
        %add3A_1106 = arith.constant 4 : i32
        %add3A_1107 = vector.broadcast %add3A_1106 : i32 to vector<16xi32>
        %add3A_1108 = arith.addi %broadcast_in_dim3A_447, %add3A_1107 : vector<16xi32>
        %select_n3A_1109 = arith.select %lt3A_1104, %add3A_1108, %select_n3A_965 : vector<16xi1>, vector<16xi32>
        %sub3A_1110 = arith.subf %get3A_197, %gather3A_1033 : vector<16xf32>
        %sub3A_1111 = arith.subf %get3A_206, %gather3A_1043 : vector<16xf32>
        %sub3A_1112 = arith.subf %get3A_215, %gather3A_1053 : vector<16xf32>
        %mul3A_1113 = arith.mulf %sub3A_1110, %sub3A_1110 : vector<16xf32>
        %mul3A_1114 = arith.mulf %sub3A_1111, %sub3A_1111 : vector<16xf32>
        %add3A_1115 = arith.addf %mul3A_1113, %mul3A_1114 : vector<16xf32>
        %mul3A_1116 = arith.mulf %sub3A_1112, %sub3A_1112 : vector<16xf32>
        %add3A_1117 = arith.addf %add3A_1115, %mul3A_1116 : vector<16xf32>
        %lt3A_1118 = arith.cmpf olt, %add3A_1117, %min3A_975 : vector<16xf32>
        %min3A_1119 = arith.minimumf %min3A_975, %add3A_1117 : vector<16xf32>
        %add3A_1120 = arith.constant 4 : i32
        %add3A_1121 = vector.broadcast %add3A_1120 : i32 to vector<16xi32>
        %add3A_1122 = arith.addi %broadcast_in_dim3A_447, %add3A_1121 : vector<16xi32>
        %select_n3A_1123 = arith.select %lt3A_1118, %add3A_1122, %select_n3A_979 : vector<16xi1>, vector<16xi32>
        %sub3A_1124 = arith.subf %get3A_224, %gather3A_1033 : vector<16xf32>
        %sub3A_1125 = arith.subf %get3A_233, %gather3A_1043 : vector<16xf32>
        %sub3A_1126 = arith.subf %get3A_242, %gather3A_1053 : vector<16xf32>
        %mul3A_1127 = arith.mulf %sub3A_1124, %sub3A_1124 : vector<16xf32>
        %mul3A_1128 = arith.mulf %sub3A_1125, %sub3A_1125 : vector<16xf32>
        %add3A_1129 = arith.addf %mul3A_1127, %mul3A_1128 : vector<16xf32>
        %mul3A_1130 = arith.mulf %sub3A_1126, %sub3A_1126 : vector<16xf32>
        %add3A_1131 = arith.addf %add3A_1129, %mul3A_1130 : vector<16xf32>
        %lt3A_1132 = arith.cmpf olt, %add3A_1131, %min3A_989 : vector<16xf32>
        %min3A_1133 = arith.minimumf %min3A_989, %add3A_1131 : vector<16xf32>
        %add3A_1134 = arith.constant 4 : i32
        %add3A_1135 = vector.broadcast %add3A_1134 : i32 to vector<16xi32>
        %add3A_1136 = arith.addi %broadcast_in_dim3A_447, %add3A_1135 : vector<16xi32>
        %select_n3A_1137 = arith.select %lt3A_1132, %add3A_1136, %select_n3A_993 : vector<16xi1>, vector<16xi32>
        %sub3A_1138 = arith.subf %get3A_251, %gather3A_1033 : vector<16xf32>
        %sub3A_1139 = arith.subf %get3A_260, %gather3A_1043 : vector<16xf32>
        %sub3A_1140 = arith.subf %get3A_269, %gather3A_1053 : vector<16xf32>
        %mul3A_1141 = arith.mulf %sub3A_1138, %sub3A_1138 : vector<16xf32>
        %mul3A_1142 = arith.mulf %sub3A_1139, %sub3A_1139 : vector<16xf32>
        %add3A_1143 = arith.addf %mul3A_1141, %mul3A_1142 : vector<16xf32>
        %mul3A_1144 = arith.mulf %sub3A_1140, %sub3A_1140 : vector<16xf32>
        %add3A_1145 = arith.addf %add3A_1143, %mul3A_1144 : vector<16xf32>
        %lt3A_1146 = arith.cmpf olt, %add3A_1145, %min3A_1003 : vector<16xf32>
        %min3A_1147 = arith.minimumf %min3A_1003, %add3A_1145 : vector<16xf32>
        %add3A_1148 = arith.constant 4 : i32
        %add3A_1149 = vector.broadcast %add3A_1148 : i32 to vector<16xi32>
        %add3A_1150 = arith.addi %broadcast_in_dim3A_447, %add3A_1149 : vector<16xi32>
        %select_n3A_1151 = arith.select %lt3A_1146, %add3A_1150, %select_n3A_1007 : vector<16xi1>, vector<16xi32>
        %sub3A_1152 = arith.subf %get3A_278, %gather3A_1033 : vector<16xf32>
        %sub3A_1153 = arith.subf %get3A_287, %gather3A_1043 : vector<16xf32>
        %sub3A_1154 = arith.subf %get3A_296, %gather3A_1053 : vector<16xf32>
        %mul3A_1155 = arith.mulf %sub3A_1152, %sub3A_1152 : vector<16xf32>
        %mul3A_1156 = arith.mulf %sub3A_1153, %sub3A_1153 : vector<16xf32>
        %add3A_1157 = arith.addf %mul3A_1155, %mul3A_1156 : vector<16xf32>
        %mul3A_1158 = arith.mulf %sub3A_1154, %sub3A_1154 : vector<16xf32>
        %add3A_1159 = arith.addf %add3A_1157, %mul3A_1158 : vector<16xf32>
        %lt3A_1160 = arith.cmpf olt, %add3A_1159, %min3A_1017 : vector<16xf32>
        %min3A_1161 = arith.minimumf %min3A_1017, %add3A_1159 : vector<16xf32>
        %add3A_1162 = arith.constant 4 : i32
        %add3A_1163 = vector.broadcast %add3A_1162 : i32 to vector<16xi32>
        %add3A_1164 = arith.addi %broadcast_in_dim3A_447, %add3A_1163 : vector<16xi32>
        %select_n3A_1165 = arith.select %lt3A_1160, %add3A_1164, %select_n3A_1021 : vector<16xi1>, vector<16xi32>
        %broadcast_in_dim3A_1166 = arith.constant 5 : i32
        %broadcast_in_dim3A_1167 = vector.broadcast %broadcast_in_dim3A_1166 : i32 to vector<16xi32>
        %lt3A_1168 = arith.constant 0 : i32
        %lt3A_1169 = vector.broadcast %lt3A_1168 : i32 to vector<16xi32>
        %lt3A_1170 = arith.cmpi slt, %broadcast_in_dim3A_1167, %lt3A_1169 : vector<16xi32>
        %add3A_1171 = arith.constant 16 : i32
        %add3A_1172 = vector.broadcast %add3A_1171 : i32 to vector<16xi32>
        %add3A_1173 = arith.addi %broadcast_in_dim3A_1167, %add3A_1172 : vector<16xi32>
        %select_n3A_1174 = arith.select %lt3A_1170, %add3A_1173, %broadcast_in_dim3A_1167 : vector<16xi1>, vector<16xi32>
        %broadcast_in_dim3A_1175 = vector.shape_cast %select_n3A_1174 : vector<16xi32> to vector<16x1xi32>
        %gather3A_1176 = vector.shape_cast %broadcast_in_dim3A_1175 : vector<16x1xi32> to vector<16xi32>
        %gather3A_1177 = tpu.dynamic_gather %get3A_434[%gather3A_1176] in [0] : vector<16xf32>, vector<16xi32> -> vector<16xf32>
        %lt3A_1178 = arith.constant 0 : i32
        %lt3A_1179 = vector.broadcast %lt3A_1178 : i32 to vector<16xi32>
        %lt3A_1180 = arith.cmpi slt, %broadcast_in_dim3A_1167, %lt3A_1179 : vector<16xi32>
        %add3A_1181 = arith.constant 16 : i32
        %add3A_1182 = vector.broadcast %add3A_1181 : i32 to vector<16xi32>
        %add3A_1183 = arith.addi %broadcast_in_dim3A_1167, %add3A_1182 : vector<16xi32>
        %select_n3A_1184 = arith.select %lt3A_1180, %add3A_1183, %broadcast_in_dim3A_1167 : vector<16xi1>, vector<16xi32>
        %broadcast_in_dim3A_1185 = vector.shape_cast %select_n3A_1184 : vector<16xi32> to vector<16x1xi32>
        %gather3A_1186 = vector.shape_cast %broadcast_in_dim3A_1185 : vector<16x1xi32> to vector<16xi32>
        %gather3A_1187 = tpu.dynamic_gather %get3A_439[%gather3A_1186] in [0] : vector<16xf32>, vector<16xi32> -> vector<16xf32>
        %lt3A_1188 = arith.constant 0 : i32
        %lt3A_1189 = vector.broadcast %lt3A_1188 : i32 to vector<16xi32>
        %lt3A_1190 = arith.cmpi slt, %broadcast_in_dim3A_1167, %lt3A_1189 : vector<16xi32>
        %add3A_1191 = arith.constant 16 : i32
        %add3A_1192 = vector.broadcast %add3A_1191 : i32 to vector<16xi32>
        %add3A_1193 = arith.addi %broadcast_in_dim3A_1167, %add3A_1192 : vector<16xi32>
        %select_n3A_1194 = arith.select %lt3A_1190, %add3A_1193, %broadcast_in_dim3A_1167 : vector<16xi1>, vector<16xi32>
        %broadcast_in_dim3A_1195 = vector.shape_cast %select_n3A_1194 : vector<16xi32> to vector<16x1xi32>
        %gather3A_1196 = vector.shape_cast %broadcast_in_dim3A_1195 : vector<16x1xi32> to vector<16xi32>
        %gather3A_1197 = tpu.dynamic_gather %get3A_444[%gather3A_1196] in [0] : vector<16xf32>, vector<16xi32> -> vector<16xf32>
        %sub3A_1198 = arith.subf %get3A_89, %gather3A_1177 : vector<16xf32>
        %sub3A_1199 = arith.subf %get3A_98, %gather3A_1187 : vector<16xf32>
        %sub3A_1200 = arith.subf %get3A_107, %gather3A_1197 : vector<16xf32>
        %mul3A_1201 = arith.mulf %sub3A_1198, %sub3A_1198 : vector<16xf32>
        %mul3A_1202 = arith.mulf %sub3A_1199, %sub3A_1199 : vector<16xf32>
        %add3A_1203 = arith.addf %mul3A_1201, %mul3A_1202 : vector<16xf32>
        %mul3A_1204 = arith.mulf %sub3A_1200, %sub3A_1200 : vector<16xf32>
        %add3A_1205 = arith.addf %add3A_1203, %mul3A_1204 : vector<16xf32>
        %lt3A_1206 = arith.cmpf olt, %add3A_1205, %min3A_1063 : vector<16xf32>
        %min3A_1207 = arith.minimumf %min3A_1063, %add3A_1205 : vector<16xf32>
        %add3A_1208 = arith.constant 5 : i32
        %add3A_1209 = vector.broadcast %add3A_1208 : i32 to vector<16xi32>
        %add3A_1210 = arith.addi %broadcast_in_dim3A_447, %add3A_1209 : vector<16xi32>
        %select_n3A_1211 = arith.select %lt3A_1206, %add3A_1210, %select_n3A_1067 : vector<16xi1>, vector<16xi32>
        %sub3A_1212 = arith.subf %get3A_116, %gather3A_1177 : vector<16xf32>
        %sub3A_1213 = arith.subf %get3A_125, %gather3A_1187 : vector<16xf32>
        %sub3A_1214 = arith.subf %get3A_134, %gather3A_1197 : vector<16xf32>
        %mul3A_1215 = arith.mulf %sub3A_1212, %sub3A_1212 : vector<16xf32>
        %mul3A_1216 = arith.mulf %sub3A_1213, %sub3A_1213 : vector<16xf32>
        %add3A_1217 = arith.addf %mul3A_1215, %mul3A_1216 : vector<16xf32>
        %mul3A_1218 = arith.mulf %sub3A_1214, %sub3A_1214 : vector<16xf32>
        %add3A_1219 = arith.addf %add3A_1217, %mul3A_1218 : vector<16xf32>
        %lt3A_1220 = arith.cmpf olt, %add3A_1219, %min3A_1077 : vector<16xf32>
        %min3A_1221 = arith.minimumf %min3A_1077, %add3A_1219 : vector<16xf32>
        %add3A_1222 = arith.constant 5 : i32
        %add3A_1223 = vector.broadcast %add3A_1222 : i32 to vector<16xi32>
        %add3A_1224 = arith.addi %broadcast_in_dim3A_447, %add3A_1223 : vector<16xi32>
        %select_n3A_1225 = arith.select %lt3A_1220, %add3A_1224, %select_n3A_1081 : vector<16xi1>, vector<16xi32>
        %sub3A_1226 = arith.subf %get3A_143, %gather3A_1177 : vector<16xf32>
        %sub3A_1227 = arith.subf %get3A_152, %gather3A_1187 : vector<16xf32>
        %sub3A_1228 = arith.subf %get3A_161, %gather3A_1197 : vector<16xf32>
        %mul3A_1229 = arith.mulf %sub3A_1226, %sub3A_1226 : vector<16xf32>
        %mul3A_1230 = arith.mulf %sub3A_1227, %sub3A_1227 : vector<16xf32>
        %add3A_1231 = arith.addf %mul3A_1229, %mul3A_1230 : vector<16xf32>
        %mul3A_1232 = arith.mulf %sub3A_1228, %sub3A_1228 : vector<16xf32>
        %add3A_1233 = arith.addf %add3A_1231, %mul3A_1232 : vector<16xf32>
        %lt3A_1234 = arith.cmpf olt, %add3A_1233, %min3A_1091 : vector<16xf32>
        %min3A_1235 = arith.minimumf %min3A_1091, %add3A_1233 : vector<16xf32>
        %add3A_1236 = arith.constant 5 : i32
        %add3A_1237 = vector.broadcast %add3A_1236 : i32 to vector<16xi32>
        %add3A_1238 = arith.addi %broadcast_in_dim3A_447, %add3A_1237 : vector<16xi32>
        %select_n3A_1239 = arith.select %lt3A_1234, %add3A_1238, %select_n3A_1095 : vector<16xi1>, vector<16xi32>
        %sub3A_1240 = arith.subf %get3A_170, %gather3A_1177 : vector<16xf32>
        %sub3A_1241 = arith.subf %get3A_179, %gather3A_1187 : vector<16xf32>
        %sub3A_1242 = arith.subf %get3A_188, %gather3A_1197 : vector<16xf32>
        %mul3A_1243 = arith.mulf %sub3A_1240, %sub3A_1240 : vector<16xf32>
        %mul3A_1244 = arith.mulf %sub3A_1241, %sub3A_1241 : vector<16xf32>
        %add3A_1245 = arith.addf %mul3A_1243, %mul3A_1244 : vector<16xf32>
        %mul3A_1246 = arith.mulf %sub3A_1242, %sub3A_1242 : vector<16xf32>
        %add3A_1247 = arith.addf %add3A_1245, %mul3A_1246 : vector<16xf32>
        %lt3A_1248 = arith.cmpf olt, %add3A_1247, %min3A_1105 : vector<16xf32>
        %min3A_1249 = arith.minimumf %min3A_1105, %add3A_1247 : vector<16xf32>
        %add3A_1250 = arith.constant 5 : i32
        %add3A_1251 = vector.broadcast %add3A_1250 : i32 to vector<16xi32>
        %add3A_1252 = arith.addi %broadcast_in_dim3A_447, %add3A_1251 : vector<16xi32>
        %select_n3A_1253 = arith.select %lt3A_1248, %add3A_1252, %select_n3A_1109 : vector<16xi1>, vector<16xi32>
        %sub3A_1254 = arith.subf %get3A_197, %gather3A_1177 : vector<16xf32>
        %sub3A_1255 = arith.subf %get3A_206, %gather3A_1187 : vector<16xf32>
        %sub3A_1256 = arith.subf %get3A_215, %gather3A_1197 : vector<16xf32>
        %mul3A_1257 = arith.mulf %sub3A_1254, %sub3A_1254 : vector<16xf32>
        %mul3A_1258 = arith.mulf %sub3A_1255, %sub3A_1255 : vector<16xf32>
        %add3A_1259 = arith.addf %mul3A_1257, %mul3A_1258 : vector<16xf32>
        %mul3A_1260 = arith.mulf %sub3A_1256, %sub3A_1256 : vector<16xf32>
        %add3A_1261 = arith.addf %add3A_1259, %mul3A_1260 : vector<16xf32>
        %lt3A_1262 = arith.cmpf olt, %add3A_1261, %min3A_1119 : vector<16xf32>
        %min3A_1263 = arith.minimumf %min3A_1119, %add3A_1261 : vector<16xf32>
        %add3A_1264 = arith.constant 5 : i32
        %add3A_1265 = vector.broadcast %add3A_1264 : i32 to vector<16xi32>
        %add3A_1266 = arith.addi %broadcast_in_dim3A_447, %add3A_1265 : vector<16xi32>
        %select_n3A_1267 = arith.select %lt3A_1262, %add3A_1266, %select_n3A_1123 : vector<16xi1>, vector<16xi32>
        %sub3A_1268 = arith.subf %get3A_224, %gather3A_1177 : vector<16xf32>
        %sub3A_1269 = arith.subf %get3A_233, %gather3A_1187 : vector<16xf32>
        %sub3A_1270 = arith.subf %get3A_242, %gather3A_1197 : vector<16xf32>
        %mul3A_1271 = arith.mulf %sub3A_1268, %sub3A_1268 : vector<16xf32>
        %mul3A_1272 = arith.mulf %sub3A_1269, %sub3A_1269 : vector<16xf32>
        %add3A_1273 = arith.addf %mul3A_1271, %mul3A_1272 : vector<16xf32>
        %mul3A_1274 = arith.mulf %sub3A_1270, %sub3A_1270 : vector<16xf32>
        %add3A_1275 = arith.addf %add3A_1273, %mul3A_1274 : vector<16xf32>
        %lt3A_1276 = arith.cmpf olt, %add3A_1275, %min3A_1133 : vector<16xf32>
        %min3A_1277 = arith.minimumf %min3A_1133, %add3A_1275 : vector<16xf32>
        %add3A_1278 = arith.constant 5 : i32
        %add3A_1279 = vector.broadcast %add3A_1278 : i32 to vector<16xi32>
        %add3A_1280 = arith.addi %broadcast_in_dim3A_447, %add3A_1279 : vector<16xi32>
        %select_n3A_1281 = arith.select %lt3A_1276, %add3A_1280, %select_n3A_1137 : vector<16xi1>, vector<16xi32>
        %sub3A_1282 = arith.subf %get3A_251, %gather3A_1177 : vector<16xf32>
        %sub3A_1283 = arith.subf %get3A_260, %gather3A_1187 : vector<16xf32>
        %sub3A_1284 = arith.subf %get3A_269, %gather3A_1197 : vector<16xf32>
        %mul3A_1285 = arith.mulf %sub3A_1282, %sub3A_1282 : vector<16xf32>
        %mul3A_1286 = arith.mulf %sub3A_1283, %sub3A_1283 : vector<16xf32>
        %add3A_1287 = arith.addf %mul3A_1285, %mul3A_1286 : vector<16xf32>
        %mul3A_1288 = arith.mulf %sub3A_1284, %sub3A_1284 : vector<16xf32>
        %add3A_1289 = arith.addf %add3A_1287, %mul3A_1288 : vector<16xf32>
        %lt3A_1290 = arith.cmpf olt, %add3A_1289, %min3A_1147 : vector<16xf32>
        %min3A_1291 = arith.minimumf %min3A_1147, %add3A_1289 : vector<16xf32>
        %add3A_1292 = arith.constant 5 : i32
        %add3A_1293 = vector.broadcast %add3A_1292 : i32 to vector<16xi32>
        %add3A_1294 = arith.addi %broadcast_in_dim3A_447, %add3A_1293 : vector<16xi32>
        %select_n3A_1295 = arith.select %lt3A_1290, %add3A_1294, %select_n3A_1151 : vector<16xi1>, vector<16xi32>
        %sub3A_1296 = arith.subf %get3A_278, %gather3A_1177 : vector<16xf32>
        %sub3A_1297 = arith.subf %get3A_287, %gather3A_1187 : vector<16xf32>
        %sub3A_1298 = arith.subf %get3A_296, %gather3A_1197 : vector<16xf32>
        %mul3A_1299 = arith.mulf %sub3A_1296, %sub3A_1296 : vector<16xf32>
        %mul3A_1300 = arith.mulf %sub3A_1297, %sub3A_1297 : vector<16xf32>
        %add3A_1301 = arith.addf %mul3A_1299, %mul3A_1300 : vector<16xf32>
        %mul3A_1302 = arith.mulf %sub3A_1298, %sub3A_1298 : vector<16xf32>
        %add3A_1303 = arith.addf %add3A_1301, %mul3A_1302 : vector<16xf32>
        %lt3A_1304 = arith.cmpf olt, %add3A_1303, %min3A_1161 : vector<16xf32>
        %min3A_1305 = arith.minimumf %min3A_1161, %add3A_1303 : vector<16xf32>
        %add3A_1306 = arith.constant 5 : i32
        %add3A_1307 = vector.broadcast %add3A_1306 : i32 to vector<16xi32>
        %add3A_1308 = arith.addi %broadcast_in_dim3A_447, %add3A_1307 : vector<16xi32>
        %select_n3A_1309 = arith.select %lt3A_1304, %add3A_1308, %select_n3A_1165 : vector<16xi1>, vector<16xi32>
        %broadcast_in_dim3A_1310 = arith.constant 6 : i32
        %broadcast_in_dim3A_1311 = vector.broadcast %broadcast_in_dim3A_1310 : i32 to vector<16xi32>
        %lt3A_1312 = arith.constant 0 : i32
        %lt3A_1313 = vector.broadcast %lt3A_1312 : i32 to vector<16xi32>
        %lt3A_1314 = arith.cmpi slt, %broadcast_in_dim3A_1311, %lt3A_1313 : vector<16xi32>
        %add3A_1315 = arith.constant 16 : i32
        %add3A_1316 = vector.broadcast %add3A_1315 : i32 to vector<16xi32>
        %add3A_1317 = arith.addi %broadcast_in_dim3A_1311, %add3A_1316 : vector<16xi32>
        %select_n3A_1318 = arith.select %lt3A_1314, %add3A_1317, %broadcast_in_dim3A_1311 : vector<16xi1>, vector<16xi32>
        %broadcast_in_dim3A_1319 = vector.shape_cast %select_n3A_1318 : vector<16xi32> to vector<16x1xi32>
        %gather3A_1320 = vector.shape_cast %broadcast_in_dim3A_1319 : vector<16x1xi32> to vector<16xi32>
        %gather3A_1321 = tpu.dynamic_gather %get3A_434[%gather3A_1320] in [0] : vector<16xf32>, vector<16xi32> -> vector<16xf32>
        %lt3A_1322 = arith.constant 0 : i32
        %lt3A_1323 = vector.broadcast %lt3A_1322 : i32 to vector<16xi32>
        %lt3A_1324 = arith.cmpi slt, %broadcast_in_dim3A_1311, %lt3A_1323 : vector<16xi32>
        %add3A_1325 = arith.constant 16 : i32
        %add3A_1326 = vector.broadcast %add3A_1325 : i32 to vector<16xi32>
        %add3A_1327 = arith.addi %broadcast_in_dim3A_1311, %add3A_1326 : vector<16xi32>
        %select_n3A_1328 = arith.select %lt3A_1324, %add3A_1327, %broadcast_in_dim3A_1311 : vector<16xi1>, vector<16xi32>
        %broadcast_in_dim3A_1329 = vector.shape_cast %select_n3A_1328 : vector<16xi32> to vector<16x1xi32>
        %gather3A_1330 = vector.shape_cast %broadcast_in_dim3A_1329 : vector<16x1xi32> to vector<16xi32>
        %gather3A_1331 = tpu.dynamic_gather %get3A_439[%gather3A_1330] in [0] : vector<16xf32>, vector<16xi32> -> vector<16xf32>
        %lt3A_1332 = arith.constant 0 : i32
        %lt3A_1333 = vector.broadcast %lt3A_1332 : i32 to vector<16xi32>
        %lt3A_1334 = arith.cmpi slt, %broadcast_in_dim3A_1311, %lt3A_1333 : vector<16xi32>
        %add3A_1335 = arith.constant 16 : i32
        %add3A_1336 = vector.broadcast %add3A_1335 : i32 to vector<16xi32>
        %add3A_1337 = arith.addi %broadcast_in_dim3A_1311, %add3A_1336 : vector<16xi32>
        %select_n3A_1338 = arith.select %lt3A_1334, %add3A_1337, %broadcast_in_dim3A_1311 : vector<16xi1>, vector<16xi32>
        %broadcast_in_dim3A_1339 = vector.shape_cast %select_n3A_1338 : vector<16xi32> to vector<16x1xi32>
        %gather3A_1340 = vector.shape_cast %broadcast_in_dim3A_1339 : vector<16x1xi32> to vector<16xi32>
        %gather3A_1341 = tpu.dynamic_gather %get3A_444[%gather3A_1340] in [0] : vector<16xf32>, vector<16xi32> -> vector<16xf32>
        %sub3A_1342 = arith.subf %get3A_89, %gather3A_1321 : vector<16xf32>
        %sub3A_1343 = arith.subf %get3A_98, %gather3A_1331 : vector<16xf32>
        %sub3A_1344 = arith.subf %get3A_107, %gather3A_1341 : vector<16xf32>
        %mul3A_1345 = arith.mulf %sub3A_1342, %sub3A_1342 : vector<16xf32>
        %mul3A_1346 = arith.mulf %sub3A_1343, %sub3A_1343 : vector<16xf32>
        %add3A_1347 = arith.addf %mul3A_1345, %mul3A_1346 : vector<16xf32>
        %mul3A_1348 = arith.mulf %sub3A_1344, %sub3A_1344 : vector<16xf32>
        %add3A_1349 = arith.addf %add3A_1347, %mul3A_1348 : vector<16xf32>
        %lt3A_1350 = arith.cmpf olt, %add3A_1349, %min3A_1207 : vector<16xf32>
        %min3A_1351 = arith.minimumf %min3A_1207, %add3A_1349 : vector<16xf32>
        %add3A_1352 = arith.constant 6 : i32
        %add3A_1353 = vector.broadcast %add3A_1352 : i32 to vector<16xi32>
        %add3A_1354 = arith.addi %broadcast_in_dim3A_447, %add3A_1353 : vector<16xi32>
        %select_n3A_1355 = arith.select %lt3A_1350, %add3A_1354, %select_n3A_1211 : vector<16xi1>, vector<16xi32>
        %sub3A_1356 = arith.subf %get3A_116, %gather3A_1321 : vector<16xf32>
        %sub3A_1357 = arith.subf %get3A_125, %gather3A_1331 : vector<16xf32>
        %sub3A_1358 = arith.subf %get3A_134, %gather3A_1341 : vector<16xf32>
        %mul3A_1359 = arith.mulf %sub3A_1356, %sub3A_1356 : vector<16xf32>
        %mul3A_1360 = arith.mulf %sub3A_1357, %sub3A_1357 : vector<16xf32>
        %add3A_1361 = arith.addf %mul3A_1359, %mul3A_1360 : vector<16xf32>
        %mul3A_1362 = arith.mulf %sub3A_1358, %sub3A_1358 : vector<16xf32>
        %add3A_1363 = arith.addf %add3A_1361, %mul3A_1362 : vector<16xf32>
        %lt3A_1364 = arith.cmpf olt, %add3A_1363, %min3A_1221 : vector<16xf32>
        %min3A_1365 = arith.minimumf %min3A_1221, %add3A_1363 : vector<16xf32>
        %add3A_1366 = arith.constant 6 : i32
        %add3A_1367 = vector.broadcast %add3A_1366 : i32 to vector<16xi32>
        %add3A_1368 = arith.addi %broadcast_in_dim3A_447, %add3A_1367 : vector<16xi32>
        %select_n3A_1369 = arith.select %lt3A_1364, %add3A_1368, %select_n3A_1225 : vector<16xi1>, vector<16xi32>
        %sub3A_1370 = arith.subf %get3A_143, %gather3A_1321 : vector<16xf32>
        %sub3A_1371 = arith.subf %get3A_152, %gather3A_1331 : vector<16xf32>
        %sub3A_1372 = arith.subf %get3A_161, %gather3A_1341 : vector<16xf32>
        %mul3A_1373 = arith.mulf %sub3A_1370, %sub3A_1370 : vector<16xf32>
        %mul3A_1374 = arith.mulf %sub3A_1371, %sub3A_1371 : vector<16xf32>
        %add3A_1375 = arith.addf %mul3A_1373, %mul3A_1374 : vector<16xf32>
        %mul3A_1376 = arith.mulf %sub3A_1372, %sub3A_1372 : vector<16xf32>
        %add3A_1377 = arith.addf %add3A_1375, %mul3A_1376 : vector<16xf32>
        %lt3A_1378 = arith.cmpf olt, %add3A_1377, %min3A_1235 : vector<16xf32>
        %min3A_1379 = arith.minimumf %min3A_1235, %add3A_1377 : vector<16xf32>
        %add3A_1380 = arith.constant 6 : i32
        %add3A_1381 = vector.broadcast %add3A_1380 : i32 to vector<16xi32>
        %add3A_1382 = arith.addi %broadcast_in_dim3A_447, %add3A_1381 : vector<16xi32>
        %select_n3A_1383 = arith.select %lt3A_1378, %add3A_1382, %select_n3A_1239 : vector<16xi1>, vector<16xi32>
        %sub3A_1384 = arith.subf %get3A_170, %gather3A_1321 : vector<16xf32>
        %sub3A_1385 = arith.subf %get3A_179, %gather3A_1331 : vector<16xf32>
        %sub3A_1386 = arith.subf %get3A_188, %gather3A_1341 : vector<16xf32>
        %mul3A_1387 = arith.mulf %sub3A_1384, %sub3A_1384 : vector<16xf32>
        %mul3A_1388 = arith.mulf %sub3A_1385, %sub3A_1385 : vector<16xf32>
        %add3A_1389 = arith.addf %mul3A_1387, %mul3A_1388 : vector<16xf32>
        %mul3A_1390 = arith.mulf %sub3A_1386, %sub3A_1386 : vector<16xf32>
        %add3A_1391 = arith.addf %add3A_1389, %mul3A_1390 : vector<16xf32>
        %lt3A_1392 = arith.cmpf olt, %add3A_1391, %min3A_1249 : vector<16xf32>
        %min3A_1393 = arith.minimumf %min3A_1249, %add3A_1391 : vector<16xf32>
        %add3A_1394 = arith.constant 6 : i32
        %add3A_1395 = vector.broadcast %add3A_1394 : i32 to vector<16xi32>
        %add3A_1396 = arith.addi %broadcast_in_dim3A_447, %add3A_1395 : vector<16xi32>
        %select_n3A_1397 = arith.select %lt3A_1392, %add3A_1396, %select_n3A_1253 : vector<16xi1>, vector<16xi32>
        %sub3A_1398 = arith.subf %get3A_197, %gather3A_1321 : vector<16xf32>
        %sub3A_1399 = arith.subf %get3A_206, %gather3A_1331 : vector<16xf32>
        %sub3A_1400 = arith.subf %get3A_215, %gather3A_1341 : vector<16xf32>
        %mul3A_1401 = arith.mulf %sub3A_1398, %sub3A_1398 : vector<16xf32>
        %mul3A_1402 = arith.mulf %sub3A_1399, %sub3A_1399 : vector<16xf32>
        %add3A_1403 = arith.addf %mul3A_1401, %mul3A_1402 : vector<16xf32>
        %mul3A_1404 = arith.mulf %sub3A_1400, %sub3A_1400 : vector<16xf32>
        %add3A_1405 = arith.addf %add3A_1403, %mul3A_1404 : vector<16xf32>
        %lt3A_1406 = arith.cmpf olt, %add3A_1405, %min3A_1263 : vector<16xf32>
        %min3A_1407 = arith.minimumf %min3A_1263, %add3A_1405 : vector<16xf32>
        %add3A_1408 = arith.constant 6 : i32
        %add3A_1409 = vector.broadcast %add3A_1408 : i32 to vector<16xi32>
        %add3A_1410 = arith.addi %broadcast_in_dim3A_447, %add3A_1409 : vector<16xi32>
        %select_n3A_1411 = arith.select %lt3A_1406, %add3A_1410, %select_n3A_1267 : vector<16xi1>, vector<16xi32>
        %sub3A_1412 = arith.subf %get3A_224, %gather3A_1321 : vector<16xf32>
        %sub3A_1413 = arith.subf %get3A_233, %gather3A_1331 : vector<16xf32>
        %sub3A_1414 = arith.subf %get3A_242, %gather3A_1341 : vector<16xf32>
        %mul3A_1415 = arith.mulf %sub3A_1412, %sub3A_1412 : vector<16xf32>
        %mul3A_1416 = arith.mulf %sub3A_1413, %sub3A_1413 : vector<16xf32>
        %add3A_1417 = arith.addf %mul3A_1415, %mul3A_1416 : vector<16xf32>
        %mul3A_1418 = arith.mulf %sub3A_1414, %sub3A_1414 : vector<16xf32>
        %add3A_1419 = arith.addf %add3A_1417, %mul3A_1418 : vector<16xf32>
        %lt3A_1420 = arith.cmpf olt, %add3A_1419, %min3A_1277 : vector<16xf32>
        %min3A_1421 = arith.minimumf %min3A_1277, %add3A_1419 : vector<16xf32>
        %add3A_1422 = arith.constant 6 : i32
        %add3A_1423 = vector.broadcast %add3A_1422 : i32 to vector<16xi32>
        %add3A_1424 = arith.addi %broadcast_in_dim3A_447, %add3A_1423 : vector<16xi32>
        %select_n3A_1425 = arith.select %lt3A_1420, %add3A_1424, %select_n3A_1281 : vector<16xi1>, vector<16xi32>
        %sub3A_1426 = arith.subf %get3A_251, %gather3A_1321 : vector<16xf32>
        %sub3A_1427 = arith.subf %get3A_260, %gather3A_1331 : vector<16xf32>
        %sub3A_1428 = arith.subf %get3A_269, %gather3A_1341 : vector<16xf32>
        %mul3A_1429 = arith.mulf %sub3A_1426, %sub3A_1426 : vector<16xf32>
        %mul3A_1430 = arith.mulf %sub3A_1427, %sub3A_1427 : vector<16xf32>
        %add3A_1431 = arith.addf %mul3A_1429, %mul3A_1430 : vector<16xf32>
        %mul3A_1432 = arith.mulf %sub3A_1428, %sub3A_1428 : vector<16xf32>
        %add3A_1433 = arith.addf %add3A_1431, %mul3A_1432 : vector<16xf32>
        %lt3A_1434 = arith.cmpf olt, %add3A_1433, %min3A_1291 : vector<16xf32>
        %min3A_1435 = arith.minimumf %min3A_1291, %add3A_1433 : vector<16xf32>
        %add3A_1436 = arith.constant 6 : i32
        %add3A_1437 = vector.broadcast %add3A_1436 : i32 to vector<16xi32>
        %add3A_1438 = arith.addi %broadcast_in_dim3A_447, %add3A_1437 : vector<16xi32>
        %select_n3A_1439 = arith.select %lt3A_1434, %add3A_1438, %select_n3A_1295 : vector<16xi1>, vector<16xi32>
        %sub3A_1440 = arith.subf %get3A_278, %gather3A_1321 : vector<16xf32>
        %sub3A_1441 = arith.subf %get3A_287, %gather3A_1331 : vector<16xf32>
        %sub3A_1442 = arith.subf %get3A_296, %gather3A_1341 : vector<16xf32>
        %mul3A_1443 = arith.mulf %sub3A_1440, %sub3A_1440 : vector<16xf32>
        %mul3A_1444 = arith.mulf %sub3A_1441, %sub3A_1441 : vector<16xf32>
        %add3A_1445 = arith.addf %mul3A_1443, %mul3A_1444 : vector<16xf32>
        %mul3A_1446 = arith.mulf %sub3A_1442, %sub3A_1442 : vector<16xf32>
        %add3A_1447 = arith.addf %add3A_1445, %mul3A_1446 : vector<16xf32>
        %lt3A_1448 = arith.cmpf olt, %add3A_1447, %min3A_1305 : vector<16xf32>
        %min3A_1449 = arith.minimumf %min3A_1305, %add3A_1447 : vector<16xf32>
        %add3A_1450 = arith.constant 6 : i32
        %add3A_1451 = vector.broadcast %add3A_1450 : i32 to vector<16xi32>
        %add3A_1452 = arith.addi %broadcast_in_dim3A_447, %add3A_1451 : vector<16xi32>
        %select_n3A_1453 = arith.select %lt3A_1448, %add3A_1452, %select_n3A_1309 : vector<16xi1>, vector<16xi32>
        %broadcast_in_dim3A_1454 = arith.constant 7 : i32
        %broadcast_in_dim3A_1455 = vector.broadcast %broadcast_in_dim3A_1454 : i32 to vector<16xi32>
        %lt3A_1456 = arith.constant 0 : i32
        %lt3A_1457 = vector.broadcast %lt3A_1456 : i32 to vector<16xi32>
        %lt3A_1458 = arith.cmpi slt, %broadcast_in_dim3A_1455, %lt3A_1457 : vector<16xi32>
        %add3A_1459 = arith.constant 16 : i32
        %add3A_1460 = vector.broadcast %add3A_1459 : i32 to vector<16xi32>
        %add3A_1461 = arith.addi %broadcast_in_dim3A_1455, %add3A_1460 : vector<16xi32>
        %select_n3A_1462 = arith.select %lt3A_1458, %add3A_1461, %broadcast_in_dim3A_1455 : vector<16xi1>, vector<16xi32>
        %broadcast_in_dim3A_1463 = vector.shape_cast %select_n3A_1462 : vector<16xi32> to vector<16x1xi32>
        %gather3A_1464 = vector.shape_cast %broadcast_in_dim3A_1463 : vector<16x1xi32> to vector<16xi32>
        %gather3A_1465 = tpu.dynamic_gather %get3A_434[%gather3A_1464] in [0] : vector<16xf32>, vector<16xi32> -> vector<16xf32>
        %lt3A_1466 = arith.constant 0 : i32
        %lt3A_1467 = vector.broadcast %lt3A_1466 : i32 to vector<16xi32>
        %lt3A_1468 = arith.cmpi slt, %broadcast_in_dim3A_1455, %lt3A_1467 : vector<16xi32>
        %add3A_1469 = arith.constant 16 : i32
        %add3A_1470 = vector.broadcast %add3A_1469 : i32 to vector<16xi32>
        %add3A_1471 = arith.addi %broadcast_in_dim3A_1455, %add3A_1470 : vector<16xi32>
        %select_n3A_1472 = arith.select %lt3A_1468, %add3A_1471, %broadcast_in_dim3A_1455 : vector<16xi1>, vector<16xi32>
        %broadcast_in_dim3A_1473 = vector.shape_cast %select_n3A_1472 : vector<16xi32> to vector<16x1xi32>
        %gather3A_1474 = vector.shape_cast %broadcast_in_dim3A_1473 : vector<16x1xi32> to vector<16xi32>
        %gather3A_1475 = tpu.dynamic_gather %get3A_439[%gather3A_1474] in [0] : vector<16xf32>, vector<16xi32> -> vector<16xf32>
        %lt3A_1476 = arith.constant 0 : i32
        %lt3A_1477 = vector.broadcast %lt3A_1476 : i32 to vector<16xi32>
        %lt3A_1478 = arith.cmpi slt, %broadcast_in_dim3A_1455, %lt3A_1477 : vector<16xi32>
        %add3A_1479 = arith.constant 16 : i32
        %add3A_1480 = vector.broadcast %add3A_1479 : i32 to vector<16xi32>
        %add3A_1481 = arith.addi %broadcast_in_dim3A_1455, %add3A_1480 : vector<16xi32>
        %select_n3A_1482 = arith.select %lt3A_1478, %add3A_1481, %broadcast_in_dim3A_1455 : vector<16xi1>, vector<16xi32>
        %broadcast_in_dim3A_1483 = vector.shape_cast %select_n3A_1482 : vector<16xi32> to vector<16x1xi32>
        %gather3A_1484 = vector.shape_cast %broadcast_in_dim3A_1483 : vector<16x1xi32> to vector<16xi32>
        %gather3A_1485 = tpu.dynamic_gather %get3A_444[%gather3A_1484] in [0] : vector<16xf32>, vector<16xi32> -> vector<16xf32>
        %sub3A_1486 = arith.subf %get3A_89, %gather3A_1465 : vector<16xf32>
        %sub3A_1487 = arith.subf %get3A_98, %gather3A_1475 : vector<16xf32>
        %sub3A_1488 = arith.subf %get3A_107, %gather3A_1485 : vector<16xf32>
        %mul3A_1489 = arith.mulf %sub3A_1486, %sub3A_1486 : vector<16xf32>
        %mul3A_1490 = arith.mulf %sub3A_1487, %sub3A_1487 : vector<16xf32>
        %add3A_1491 = arith.addf %mul3A_1489, %mul3A_1490 : vector<16xf32>
        %mul3A_1492 = arith.mulf %sub3A_1488, %sub3A_1488 : vector<16xf32>
        %add3A_1493 = arith.addf %add3A_1491, %mul3A_1492 : vector<16xf32>
        %lt3A_1494 = arith.cmpf olt, %add3A_1493, %min3A_1351 : vector<16xf32>
        %min3A_1495 = arith.minimumf %min3A_1351, %add3A_1493 : vector<16xf32>
        %add3A_1496 = arith.constant 7 : i32
        %add3A_1497 = vector.broadcast %add3A_1496 : i32 to vector<16xi32>
        %add3A_1498 = arith.addi %broadcast_in_dim3A_447, %add3A_1497 : vector<16xi32>
        %select_n3A_1499 = arith.select %lt3A_1494, %add3A_1498, %select_n3A_1355 : vector<16xi1>, vector<16xi32>
        %sub3A_1500 = arith.subf %get3A_116, %gather3A_1465 : vector<16xf32>
        %sub3A_1501 = arith.subf %get3A_125, %gather3A_1475 : vector<16xf32>
        %sub3A_1502 = arith.subf %get3A_134, %gather3A_1485 : vector<16xf32>
        %mul3A_1503 = arith.mulf %sub3A_1500, %sub3A_1500 : vector<16xf32>
        %mul3A_1504 = arith.mulf %sub3A_1501, %sub3A_1501 : vector<16xf32>
        %add3A_1505 = arith.addf %mul3A_1503, %mul3A_1504 : vector<16xf32>
        %mul3A_1506 = arith.mulf %sub3A_1502, %sub3A_1502 : vector<16xf32>
        %add3A_1507 = arith.addf %add3A_1505, %mul3A_1506 : vector<16xf32>
        %lt3A_1508 = arith.cmpf olt, %add3A_1507, %min3A_1365 : vector<16xf32>
        %min3A_1509 = arith.minimumf %min3A_1365, %add3A_1507 : vector<16xf32>
        %add3A_1510 = arith.constant 7 : i32
        %add3A_1511 = vector.broadcast %add3A_1510 : i32 to vector<16xi32>
        %add3A_1512 = arith.addi %broadcast_in_dim3A_447, %add3A_1511 : vector<16xi32>
        %select_n3A_1513 = arith.select %lt3A_1508, %add3A_1512, %select_n3A_1369 : vector<16xi1>, vector<16xi32>
        %sub3A_1514 = arith.subf %get3A_143, %gather3A_1465 : vector<16xf32>
        %sub3A_1515 = arith.subf %get3A_152, %gather3A_1475 : vector<16xf32>
        %sub3A_1516 = arith.subf %get3A_161, %gather3A_1485 : vector<16xf32>
        %mul3A_1517 = arith.mulf %sub3A_1514, %sub3A_1514 : vector<16xf32>
        %mul3A_1518 = arith.mulf %sub3A_1515, %sub3A_1515 : vector<16xf32>
        %add3A_1519 = arith.addf %mul3A_1517, %mul3A_1518 : vector<16xf32>
        %mul3A_1520 = arith.mulf %sub3A_1516, %sub3A_1516 : vector<16xf32>
        %add3A_1521 = arith.addf %add3A_1519, %mul3A_1520 : vector<16xf32>
        %lt3A_1522 = arith.cmpf olt, %add3A_1521, %min3A_1379 : vector<16xf32>
        %min3A_1523 = arith.minimumf %min3A_1379, %add3A_1521 : vector<16xf32>
        %add3A_1524 = arith.constant 7 : i32
        %add3A_1525 = vector.broadcast %add3A_1524 : i32 to vector<16xi32>
        %add3A_1526 = arith.addi %broadcast_in_dim3A_447, %add3A_1525 : vector<16xi32>
        %select_n3A_1527 = arith.select %lt3A_1522, %add3A_1526, %select_n3A_1383 : vector<16xi1>, vector<16xi32>
        %sub3A_1528 = arith.subf %get3A_170, %gather3A_1465 : vector<16xf32>
        %sub3A_1529 = arith.subf %get3A_179, %gather3A_1475 : vector<16xf32>
        %sub3A_1530 = arith.subf %get3A_188, %gather3A_1485 : vector<16xf32>
        %mul3A_1531 = arith.mulf %sub3A_1528, %sub3A_1528 : vector<16xf32>
        %mul3A_1532 = arith.mulf %sub3A_1529, %sub3A_1529 : vector<16xf32>
        %add3A_1533 = arith.addf %mul3A_1531, %mul3A_1532 : vector<16xf32>
        %mul3A_1534 = arith.mulf %sub3A_1530, %sub3A_1530 : vector<16xf32>
        %add3A_1535 = arith.addf %add3A_1533, %mul3A_1534 : vector<16xf32>
        %lt3A_1536 = arith.cmpf olt, %add3A_1535, %min3A_1393 : vector<16xf32>
        %min3A_1537 = arith.minimumf %min3A_1393, %add3A_1535 : vector<16xf32>
        %add3A_1538 = arith.constant 7 : i32
        %add3A_1539 = vector.broadcast %add3A_1538 : i32 to vector<16xi32>
        %add3A_1540 = arith.addi %broadcast_in_dim3A_447, %add3A_1539 : vector<16xi32>
        %select_n3A_1541 = arith.select %lt3A_1536, %add3A_1540, %select_n3A_1397 : vector<16xi1>, vector<16xi32>
        %sub3A_1542 = arith.subf %get3A_197, %gather3A_1465 : vector<16xf32>
        %sub3A_1543 = arith.subf %get3A_206, %gather3A_1475 : vector<16xf32>
        %sub3A_1544 = arith.subf %get3A_215, %gather3A_1485 : vector<16xf32>
        %mul3A_1545 = arith.mulf %sub3A_1542, %sub3A_1542 : vector<16xf32>
        %mul3A_1546 = arith.mulf %sub3A_1543, %sub3A_1543 : vector<16xf32>
        %add3A_1547 = arith.addf %mul3A_1545, %mul3A_1546 : vector<16xf32>
        %mul3A_1548 = arith.mulf %sub3A_1544, %sub3A_1544 : vector<16xf32>
        %add3A_1549 = arith.addf %add3A_1547, %mul3A_1548 : vector<16xf32>
        %lt3A_1550 = arith.cmpf olt, %add3A_1549, %min3A_1407 : vector<16xf32>
        %min3A_1551 = arith.minimumf %min3A_1407, %add3A_1549 : vector<16xf32>
        %add3A_1552 = arith.constant 7 : i32
        %add3A_1553 = vector.broadcast %add3A_1552 : i32 to vector<16xi32>
        %add3A_1554 = arith.addi %broadcast_in_dim3A_447, %add3A_1553 : vector<16xi32>
        %select_n3A_1555 = arith.select %lt3A_1550, %add3A_1554, %select_n3A_1411 : vector<16xi1>, vector<16xi32>
        %sub3A_1556 = arith.subf %get3A_224, %gather3A_1465 : vector<16xf32>
        %sub3A_1557 = arith.subf %get3A_233, %gather3A_1475 : vector<16xf32>
        %sub3A_1558 = arith.subf %get3A_242, %gather3A_1485 : vector<16xf32>
        %mul3A_1559 = arith.mulf %sub3A_1556, %sub3A_1556 : vector<16xf32>
        %mul3A_1560 = arith.mulf %sub3A_1557, %sub3A_1557 : vector<16xf32>
        %add3A_1561 = arith.addf %mul3A_1559, %mul3A_1560 : vector<16xf32>
        %mul3A_1562 = arith.mulf %sub3A_1558, %sub3A_1558 : vector<16xf32>
        %add3A_1563 = arith.addf %add3A_1561, %mul3A_1562 : vector<16xf32>
        %lt3A_1564 = arith.cmpf olt, %add3A_1563, %min3A_1421 : vector<16xf32>
        %min3A_1565 = arith.minimumf %min3A_1421, %add3A_1563 : vector<16xf32>
        %add3A_1566 = arith.constant 7 : i32
        %add3A_1567 = vector.broadcast %add3A_1566 : i32 to vector<16xi32>
        %add3A_1568 = arith.addi %broadcast_in_dim3A_447, %add3A_1567 : vector<16xi32>
        %select_n3A_1569 = arith.select %lt3A_1564, %add3A_1568, %select_n3A_1425 : vector<16xi1>, vector<16xi32>
        %sub3A_1570 = arith.subf %get3A_251, %gather3A_1465 : vector<16xf32>
        %sub3A_1571 = arith.subf %get3A_260, %gather3A_1475 : vector<16xf32>
        %sub3A_1572 = arith.subf %get3A_269, %gather3A_1485 : vector<16xf32>
        %mul3A_1573 = arith.mulf %sub3A_1570, %sub3A_1570 : vector<16xf32>
        %mul3A_1574 = arith.mulf %sub3A_1571, %sub3A_1571 : vector<16xf32>
        %add3A_1575 = arith.addf %mul3A_1573, %mul3A_1574 : vector<16xf32>
        %mul3A_1576 = arith.mulf %sub3A_1572, %sub3A_1572 : vector<16xf32>
        %add3A_1577 = arith.addf %add3A_1575, %mul3A_1576 : vector<16xf32>
        %lt3A_1578 = arith.cmpf olt, %add3A_1577, %min3A_1435 : vector<16xf32>
        %min3A_1579 = arith.minimumf %min3A_1435, %add3A_1577 : vector<16xf32>
        %add3A_1580 = arith.constant 7 : i32
        %add3A_1581 = vector.broadcast %add3A_1580 : i32 to vector<16xi32>
        %add3A_1582 = arith.addi %broadcast_in_dim3A_447, %add3A_1581 : vector<16xi32>
        %select_n3A_1583 = arith.select %lt3A_1578, %add3A_1582, %select_n3A_1439 : vector<16xi1>, vector<16xi32>
        %sub3A_1584 = arith.subf %get3A_278, %gather3A_1465 : vector<16xf32>
        %sub3A_1585 = arith.subf %get3A_287, %gather3A_1475 : vector<16xf32>
        %sub3A_1586 = arith.subf %get3A_296, %gather3A_1485 : vector<16xf32>
        %mul3A_1587 = arith.mulf %sub3A_1584, %sub3A_1584 : vector<16xf32>
        %mul3A_1588 = arith.mulf %sub3A_1585, %sub3A_1585 : vector<16xf32>
        %add3A_1589 = arith.addf %mul3A_1587, %mul3A_1588 : vector<16xf32>
        %mul3A_1590 = arith.mulf %sub3A_1586, %sub3A_1586 : vector<16xf32>
        %add3A_1591 = arith.addf %add3A_1589, %mul3A_1590 : vector<16xf32>
        %lt3A_1592 = arith.cmpf olt, %add3A_1591, %min3A_1449 : vector<16xf32>
        %min3A_1593 = arith.minimumf %min3A_1449, %add3A_1591 : vector<16xf32>
        %add3A_1594 = arith.constant 7 : i32
        %add3A_1595 = vector.broadcast %add3A_1594 : i32 to vector<16xi32>
        %add3A_1596 = arith.addi %broadcast_in_dim3A_447, %add3A_1595 : vector<16xi32>
        %select_n3A_1597 = arith.select %lt3A_1592, %add3A_1596, %select_n3A_1453 : vector<16xi1>, vector<16xi32>
        %broadcast_in_dim3A_1598 = arith.constant 8 : i32
        %broadcast_in_dim3A_1599 = vector.broadcast %broadcast_in_dim3A_1598 : i32 to vector<16xi32>
        %lt3A_1600 = arith.constant 0 : i32
        %lt3A_1601 = vector.broadcast %lt3A_1600 : i32 to vector<16xi32>
        %lt3A_1602 = arith.cmpi slt, %broadcast_in_dim3A_1599, %lt3A_1601 : vector<16xi32>
        %add3A_1603 = arith.constant 16 : i32
        %add3A_1604 = vector.broadcast %add3A_1603 : i32 to vector<16xi32>
        %add3A_1605 = arith.addi %broadcast_in_dim3A_1599, %add3A_1604 : vector<16xi32>
        %select_n3A_1606 = arith.select %lt3A_1602, %add3A_1605, %broadcast_in_dim3A_1599 : vector<16xi1>, vector<16xi32>
        %broadcast_in_dim3A_1607 = vector.shape_cast %select_n3A_1606 : vector<16xi32> to vector<16x1xi32>
        %gather3A_1608 = vector.shape_cast %broadcast_in_dim3A_1607 : vector<16x1xi32> to vector<16xi32>
        %gather3A_1609 = tpu.dynamic_gather %get3A_434[%gather3A_1608] in [0] : vector<16xf32>, vector<16xi32> -> vector<16xf32>
        %lt3A_1610 = arith.constant 0 : i32
        %lt3A_1611 = vector.broadcast %lt3A_1610 : i32 to vector<16xi32>
        %lt3A_1612 = arith.cmpi slt, %broadcast_in_dim3A_1599, %lt3A_1611 : vector<16xi32>
        %add3A_1613 = arith.constant 16 : i32
        %add3A_1614 = vector.broadcast %add3A_1613 : i32 to vector<16xi32>
        %add3A_1615 = arith.addi %broadcast_in_dim3A_1599, %add3A_1614 : vector<16xi32>
        %select_n3A_1616 = arith.select %lt3A_1612, %add3A_1615, %broadcast_in_dim3A_1599 : vector<16xi1>, vector<16xi32>
        %broadcast_in_dim3A_1617 = vector.shape_cast %select_n3A_1616 : vector<16xi32> to vector<16x1xi32>
        %gather3A_1618 = vector.shape_cast %broadcast_in_dim3A_1617 : vector<16x1xi32> to vector<16xi32>
        %gather3A_1619 = tpu.dynamic_gather %get3A_439[%gather3A_1618] in [0] : vector<16xf32>, vector<16xi32> -> vector<16xf32>
        %lt3A_1620 = arith.constant 0 : i32
        %lt3A_1621 = vector.broadcast %lt3A_1620 : i32 to vector<16xi32>
        %lt3A_1622 = arith.cmpi slt, %broadcast_in_dim3A_1599, %lt3A_1621 : vector<16xi32>
        %add3A_1623 = arith.constant 16 : i32
        %add3A_1624 = vector.broadcast %add3A_1623 : i32 to vector<16xi32>
        %add3A_1625 = arith.addi %broadcast_in_dim3A_1599, %add3A_1624 : vector<16xi32>
        %select_n3A_1626 = arith.select %lt3A_1622, %add3A_1625, %broadcast_in_dim3A_1599 : vector<16xi1>, vector<16xi32>
        %broadcast_in_dim3A_1627 = vector.shape_cast %select_n3A_1626 : vector<16xi32> to vector<16x1xi32>
        %gather3A_1628 = vector.shape_cast %broadcast_in_dim3A_1627 : vector<16x1xi32> to vector<16xi32>
        %gather3A_1629 = tpu.dynamic_gather %get3A_444[%gather3A_1628] in [0] : vector<16xf32>, vector<16xi32> -> vector<16xf32>
        %sub3A_1630 = arith.subf %get3A_89, %gather3A_1609 : vector<16xf32>
        %sub3A_1631 = arith.subf %get3A_98, %gather3A_1619 : vector<16xf32>
        %sub3A_1632 = arith.subf %get3A_107, %gather3A_1629 : vector<16xf32>
        %mul3A_1633 = arith.mulf %sub3A_1630, %sub3A_1630 : vector<16xf32>
        %mul3A_1634 = arith.mulf %sub3A_1631, %sub3A_1631 : vector<16xf32>
        %add3A_1635 = arith.addf %mul3A_1633, %mul3A_1634 : vector<16xf32>
        %mul3A_1636 = arith.mulf %sub3A_1632, %sub3A_1632 : vector<16xf32>
        %add3A_1637 = arith.addf %add3A_1635, %mul3A_1636 : vector<16xf32>
        %lt3A_1638 = arith.cmpf olt, %add3A_1637, %min3A_1495 : vector<16xf32>
        %min3A_1639 = arith.minimumf %min3A_1495, %add3A_1637 : vector<16xf32>
        %add3A_1640 = arith.constant 8 : i32
        %add3A_1641 = vector.broadcast %add3A_1640 : i32 to vector<16xi32>
        %add3A_1642 = arith.addi %broadcast_in_dim3A_447, %add3A_1641 : vector<16xi32>
        %select_n3A_1643 = arith.select %lt3A_1638, %add3A_1642, %select_n3A_1499 : vector<16xi1>, vector<16xi32>
        %sub3A_1644 = arith.subf %get3A_116, %gather3A_1609 : vector<16xf32>
        %sub3A_1645 = arith.subf %get3A_125, %gather3A_1619 : vector<16xf32>
        %sub3A_1646 = arith.subf %get3A_134, %gather3A_1629 : vector<16xf32>
        %mul3A_1647 = arith.mulf %sub3A_1644, %sub3A_1644 : vector<16xf32>
        %mul3A_1648 = arith.mulf %sub3A_1645, %sub3A_1645 : vector<16xf32>
        %add3A_1649 = arith.addf %mul3A_1647, %mul3A_1648 : vector<16xf32>
        %mul3A_1650 = arith.mulf %sub3A_1646, %sub3A_1646 : vector<16xf32>
        %add3A_1651 = arith.addf %add3A_1649, %mul3A_1650 : vector<16xf32>
        %lt3A_1652 = arith.cmpf olt, %add3A_1651, %min3A_1509 : vector<16xf32>
        %min3A_1653 = arith.minimumf %min3A_1509, %add3A_1651 : vector<16xf32>
        %add3A_1654 = arith.constant 8 : i32
        %add3A_1655 = vector.broadcast %add3A_1654 : i32 to vector<16xi32>
        %add3A_1656 = arith.addi %broadcast_in_dim3A_447, %add3A_1655 : vector<16xi32>
        %select_n3A_1657 = arith.select %lt3A_1652, %add3A_1656, %select_n3A_1513 : vector<16xi1>, vector<16xi32>
        %sub3A_1658 = arith.subf %get3A_143, %gather3A_1609 : vector<16xf32>
        %sub3A_1659 = arith.subf %get3A_152, %gather3A_1619 : vector<16xf32>
        %sub3A_1660 = arith.subf %get3A_161, %gather3A_1629 : vector<16xf32>
        %mul3A_1661 = arith.mulf %sub3A_1658, %sub3A_1658 : vector<16xf32>
        %mul3A_1662 = arith.mulf %sub3A_1659, %sub3A_1659 : vector<16xf32>
        %add3A_1663 = arith.addf %mul3A_1661, %mul3A_1662 : vector<16xf32>
        %mul3A_1664 = arith.mulf %sub3A_1660, %sub3A_1660 : vector<16xf32>
        %add3A_1665 = arith.addf %add3A_1663, %mul3A_1664 : vector<16xf32>
        %lt3A_1666 = arith.cmpf olt, %add3A_1665, %min3A_1523 : vector<16xf32>
        %min3A_1667 = arith.minimumf %min3A_1523, %add3A_1665 : vector<16xf32>
        %add3A_1668 = arith.constant 8 : i32
        %add3A_1669 = vector.broadcast %add3A_1668 : i32 to vector<16xi32>
        %add3A_1670 = arith.addi %broadcast_in_dim3A_447, %add3A_1669 : vector<16xi32>
        %select_n3A_1671 = arith.select %lt3A_1666, %add3A_1670, %select_n3A_1527 : vector<16xi1>, vector<16xi32>
        %sub3A_1672 = arith.subf %get3A_170, %gather3A_1609 : vector<16xf32>
        %sub3A_1673 = arith.subf %get3A_179, %gather3A_1619 : vector<16xf32>
        %sub3A_1674 = arith.subf %get3A_188, %gather3A_1629 : vector<16xf32>
        %mul3A_1675 = arith.mulf %sub3A_1672, %sub3A_1672 : vector<16xf32>
        %mul3A_1676 = arith.mulf %sub3A_1673, %sub3A_1673 : vector<16xf32>
        %add3A_1677 = arith.addf %mul3A_1675, %mul3A_1676 : vector<16xf32>
        %mul3A_1678 = arith.mulf %sub3A_1674, %sub3A_1674 : vector<16xf32>
        %add3A_1679 = arith.addf %add3A_1677, %mul3A_1678 : vector<16xf32>
        %lt3A_1680 = arith.cmpf olt, %add3A_1679, %min3A_1537 : vector<16xf32>
        %min3A_1681 = arith.minimumf %min3A_1537, %add3A_1679 : vector<16xf32>
        %add3A_1682 = arith.constant 8 : i32
        %add3A_1683 = vector.broadcast %add3A_1682 : i32 to vector<16xi32>
        %add3A_1684 = arith.addi %broadcast_in_dim3A_447, %add3A_1683 : vector<16xi32>
        %select_n3A_1685 = arith.select %lt3A_1680, %add3A_1684, %select_n3A_1541 : vector<16xi1>, vector<16xi32>
        %sub3A_1686 = arith.subf %get3A_197, %gather3A_1609 : vector<16xf32>
        %sub3A_1687 = arith.subf %get3A_206, %gather3A_1619 : vector<16xf32>
        %sub3A_1688 = arith.subf %get3A_215, %gather3A_1629 : vector<16xf32>
        %mul3A_1689 = arith.mulf %sub3A_1686, %sub3A_1686 : vector<16xf32>
        %mul3A_1690 = arith.mulf %sub3A_1687, %sub3A_1687 : vector<16xf32>
        %add3A_1691 = arith.addf %mul3A_1689, %mul3A_1690 : vector<16xf32>
        %mul3A_1692 = arith.mulf %sub3A_1688, %sub3A_1688 : vector<16xf32>
        %add3A_1693 = arith.addf %add3A_1691, %mul3A_1692 : vector<16xf32>
        %lt3A_1694 = arith.cmpf olt, %add3A_1693, %min3A_1551 : vector<16xf32>
        %min3A_1695 = arith.minimumf %min3A_1551, %add3A_1693 : vector<16xf32>
        %add3A_1696 = arith.constant 8 : i32
        %add3A_1697 = vector.broadcast %add3A_1696 : i32 to vector<16xi32>
        %add3A_1698 = arith.addi %broadcast_in_dim3A_447, %add3A_1697 : vector<16xi32>
        %select_n3A_1699 = arith.select %lt3A_1694, %add3A_1698, %select_n3A_1555 : vector<16xi1>, vector<16xi32>
        %sub3A_1700 = arith.subf %get3A_224, %gather3A_1609 : vector<16xf32>
        %sub3A_1701 = arith.subf %get3A_233, %gather3A_1619 : vector<16xf32>
        %sub3A_1702 = arith.subf %get3A_242, %gather3A_1629 : vector<16xf32>
        %mul3A_1703 = arith.mulf %sub3A_1700, %sub3A_1700 : vector<16xf32>
        %mul3A_1704 = arith.mulf %sub3A_1701, %sub3A_1701 : vector<16xf32>
        %add3A_1705 = arith.addf %mul3A_1703, %mul3A_1704 : vector<16xf32>
        %mul3A_1706 = arith.mulf %sub3A_1702, %sub3A_1702 : vector<16xf32>
        %add3A_1707 = arith.addf %add3A_1705, %mul3A_1706 : vector<16xf32>
        %lt3A_1708 = arith.cmpf olt, %add3A_1707, %min3A_1565 : vector<16xf32>
        %min3A_1709 = arith.minimumf %min3A_1565, %add3A_1707 : vector<16xf32>
        %add3A_1710 = arith.constant 8 : i32
        %add3A_1711 = vector.broadcast %add3A_1710 : i32 to vector<16xi32>
        %add3A_1712 = arith.addi %broadcast_in_dim3A_447, %add3A_1711 : vector<16xi32>
        %select_n3A_1713 = arith.select %lt3A_1708, %add3A_1712, %select_n3A_1569 : vector<16xi1>, vector<16xi32>
        %sub3A_1714 = arith.subf %get3A_251, %gather3A_1609 : vector<16xf32>
        %sub3A_1715 = arith.subf %get3A_260, %gather3A_1619 : vector<16xf32>
        %sub3A_1716 = arith.subf %get3A_269, %gather3A_1629 : vector<16xf32>
        %mul3A_1717 = arith.mulf %sub3A_1714, %sub3A_1714 : vector<16xf32>
        %mul3A_1718 = arith.mulf %sub3A_1715, %sub3A_1715 : vector<16xf32>
        %add3A_1719 = arith.addf %mul3A_1717, %mul3A_1718 : vector<16xf32>
        %mul3A_1720 = arith.mulf %sub3A_1716, %sub3A_1716 : vector<16xf32>
        %add3A_1721 = arith.addf %add3A_1719, %mul3A_1720 : vector<16xf32>
        %lt3A_1722 = arith.cmpf olt, %add3A_1721, %min3A_1579 : vector<16xf32>
        %min3A_1723 = arith.minimumf %min3A_1579, %add3A_1721 : vector<16xf32>
        %add3A_1724 = arith.constant 8 : i32
        %add3A_1725 = vector.broadcast %add3A_1724 : i32 to vector<16xi32>
        %add3A_1726 = arith.addi %broadcast_in_dim3A_447, %add3A_1725 : vector<16xi32>
        %select_n3A_1727 = arith.select %lt3A_1722, %add3A_1726, %select_n3A_1583 : vector<16xi1>, vector<16xi32>
        %sub3A_1728 = arith.subf %get3A_278, %gather3A_1609 : vector<16xf32>
        %sub3A_1729 = arith.subf %get3A_287, %gather3A_1619 : vector<16xf32>
        %sub3A_1730 = arith.subf %get3A_296, %gather3A_1629 : vector<16xf32>
        %mul3A_1731 = arith.mulf %sub3A_1728, %sub3A_1728 : vector<16xf32>
        %mul3A_1732 = arith.mulf %sub3A_1729, %sub3A_1729 : vector<16xf32>
        %add3A_1733 = arith.addf %mul3A_1731, %mul3A_1732 : vector<16xf32>
        %mul3A_1734 = arith.mulf %sub3A_1730, %sub3A_1730 : vector<16xf32>
        %add3A_1735 = arith.addf %add3A_1733, %mul3A_1734 : vector<16xf32>
        %lt3A_1736 = arith.cmpf olt, %add3A_1735, %min3A_1593 : vector<16xf32>
        %min3A_1737 = arith.minimumf %min3A_1593, %add3A_1735 : vector<16xf32>
        %add3A_1738 = arith.constant 8 : i32
        %add3A_1739 = vector.broadcast %add3A_1738 : i32 to vector<16xi32>
        %add3A_1740 = arith.addi %broadcast_in_dim3A_447, %add3A_1739 : vector<16xi32>
        %select_n3A_1741 = arith.select %lt3A_1736, %add3A_1740, %select_n3A_1597 : vector<16xi1>, vector<16xi32>
        %broadcast_in_dim3A_1742 = arith.constant 9 : i32
        %broadcast_in_dim3A_1743 = vector.broadcast %broadcast_in_dim3A_1742 : i32 to vector<16xi32>
        %lt3A_1744 = arith.constant 0 : i32
        %lt3A_1745 = vector.broadcast %lt3A_1744 : i32 to vector<16xi32>
        %lt3A_1746 = arith.cmpi slt, %broadcast_in_dim3A_1743, %lt3A_1745 : vector<16xi32>
        %add3A_1747 = arith.constant 16 : i32
        %add3A_1748 = vector.broadcast %add3A_1747 : i32 to vector<16xi32>
        %add3A_1749 = arith.addi %broadcast_in_dim3A_1743, %add3A_1748 : vector<16xi32>
        %select_n3A_1750 = arith.select %lt3A_1746, %add3A_1749, %broadcast_in_dim3A_1743 : vector<16xi1>, vector<16xi32>
        %broadcast_in_dim3A_1751 = vector.shape_cast %select_n3A_1750 : vector<16xi32> to vector<16x1xi32>
        %gather3A_1752 = vector.shape_cast %broadcast_in_dim3A_1751 : vector<16x1xi32> to vector<16xi32>
        %gather3A_1753 = tpu.dynamic_gather %get3A_434[%gather3A_1752] in [0] : vector<16xf32>, vector<16xi32> -> vector<16xf32>
        %lt3A_1754 = arith.constant 0 : i32
        %lt3A_1755 = vector.broadcast %lt3A_1754 : i32 to vector<16xi32>
        %lt3A_1756 = arith.cmpi slt, %broadcast_in_dim3A_1743, %lt3A_1755 : vector<16xi32>
        %add3A_1757 = arith.constant 16 : i32
        %add3A_1758 = vector.broadcast %add3A_1757 : i32 to vector<16xi32>
        %add3A_1759 = arith.addi %broadcast_in_dim3A_1743, %add3A_1758 : vector<16xi32>
        %select_n3A_1760 = arith.select %lt3A_1756, %add3A_1759, %broadcast_in_dim3A_1743 : vector<16xi1>, vector<16xi32>
        %broadcast_in_dim3A_1761 = vector.shape_cast %select_n3A_1760 : vector<16xi32> to vector<16x1xi32>
        %gather3A_1762 = vector.shape_cast %broadcast_in_dim3A_1761 : vector<16x1xi32> to vector<16xi32>
        %gather3A_1763 = tpu.dynamic_gather %get3A_439[%gather3A_1762] in [0] : vector<16xf32>, vector<16xi32> -> vector<16xf32>
        %lt3A_1764 = arith.constant 0 : i32
        %lt3A_1765 = vector.broadcast %lt3A_1764 : i32 to vector<16xi32>
        %lt3A_1766 = arith.cmpi slt, %broadcast_in_dim3A_1743, %lt3A_1765 : vector<16xi32>
        %add3A_1767 = arith.constant 16 : i32
        %add3A_1768 = vector.broadcast %add3A_1767 : i32 to vector<16xi32>
        %add3A_1769 = arith.addi %broadcast_in_dim3A_1743, %add3A_1768 : vector<16xi32>
        %select_n3A_1770 = arith.select %lt3A_1766, %add3A_1769, %broadcast_in_dim3A_1743 : vector<16xi1>, vector<16xi32>
        %broadcast_in_dim3A_1771 = vector.shape_cast %select_n3A_1770 : vector<16xi32> to vector<16x1xi32>
        %gather3A_1772 = vector.shape_cast %broadcast_in_dim3A_1771 : vector<16x1xi32> to vector<16xi32>
        %gather3A_1773 = tpu.dynamic_gather %get3A_444[%gather3A_1772] in [0] : vector<16xf32>, vector<16xi32> -> vector<16xf32>
        %sub3A_1774 = arith.subf %get3A_89, %gather3A_1753 : vector<16xf32>
        %sub3A_1775 = arith.subf %get3A_98, %gather3A_1763 : vector<16xf32>
        %sub3A_1776 = arith.subf %get3A_107, %gather3A_1773 : vector<16xf32>
        %mul3A_1777 = arith.mulf %sub3A_1774, %sub3A_1774 : vector<16xf32>
        %mul3A_1778 = arith.mulf %sub3A_1775, %sub3A_1775 : vector<16xf32>
        %add3A_1779 = arith.addf %mul3A_1777, %mul3A_1778 : vector<16xf32>
        %mul3A_1780 = arith.mulf %sub3A_1776, %sub3A_1776 : vector<16xf32>
        %add3A_1781 = arith.addf %add3A_1779, %mul3A_1780 : vector<16xf32>
        %lt3A_1782 = arith.cmpf olt, %add3A_1781, %min3A_1639 : vector<16xf32>
        %min3A_1783 = arith.minimumf %min3A_1639, %add3A_1781 : vector<16xf32>
        %add3A_1784 = arith.constant 9 : i32
        %add3A_1785 = vector.broadcast %add3A_1784 : i32 to vector<16xi32>
        %add3A_1786 = arith.addi %broadcast_in_dim3A_447, %add3A_1785 : vector<16xi32>
        %select_n3A_1787 = arith.select %lt3A_1782, %add3A_1786, %select_n3A_1643 : vector<16xi1>, vector<16xi32>
        %sub3A_1788 = arith.subf %get3A_116, %gather3A_1753 : vector<16xf32>
        %sub3A_1789 = arith.subf %get3A_125, %gather3A_1763 : vector<16xf32>
        %sub3A_1790 = arith.subf %get3A_134, %gather3A_1773 : vector<16xf32>
        %mul3A_1791 = arith.mulf %sub3A_1788, %sub3A_1788 : vector<16xf32>
        %mul3A_1792 = arith.mulf %sub3A_1789, %sub3A_1789 : vector<16xf32>
        %add3A_1793 = arith.addf %mul3A_1791, %mul3A_1792 : vector<16xf32>
        %mul3A_1794 = arith.mulf %sub3A_1790, %sub3A_1790 : vector<16xf32>
        %add3A_1795 = arith.addf %add3A_1793, %mul3A_1794 : vector<16xf32>
        %lt3A_1796 = arith.cmpf olt, %add3A_1795, %min3A_1653 : vector<16xf32>
        %min3A_1797 = arith.minimumf %min3A_1653, %add3A_1795 : vector<16xf32>
        %add3A_1798 = arith.constant 9 : i32
        %add3A_1799 = vector.broadcast %add3A_1798 : i32 to vector<16xi32>
        %add3A_1800 = arith.addi %broadcast_in_dim3A_447, %add3A_1799 : vector<16xi32>
        %select_n3A_1801 = arith.select %lt3A_1796, %add3A_1800, %select_n3A_1657 : vector<16xi1>, vector<16xi32>
        %sub3A_1802 = arith.subf %get3A_143, %gather3A_1753 : vector<16xf32>
        %sub3A_1803 = arith.subf %get3A_152, %gather3A_1763 : vector<16xf32>
        %sub3A_1804 = arith.subf %get3A_161, %gather3A_1773 : vector<16xf32>
        %mul3A_1805 = arith.mulf %sub3A_1802, %sub3A_1802 : vector<16xf32>
        %mul3A_1806 = arith.mulf %sub3A_1803, %sub3A_1803 : vector<16xf32>
        %add3A_1807 = arith.addf %mul3A_1805, %mul3A_1806 : vector<16xf32>
        %mul3A_1808 = arith.mulf %sub3A_1804, %sub3A_1804 : vector<16xf32>
        %add3A_1809 = arith.addf %add3A_1807, %mul3A_1808 : vector<16xf32>
        %lt3A_1810 = arith.cmpf olt, %add3A_1809, %min3A_1667 : vector<16xf32>
        %min3A_1811 = arith.minimumf %min3A_1667, %add3A_1809 : vector<16xf32>
        %add3A_1812 = arith.constant 9 : i32
        %add3A_1813 = vector.broadcast %add3A_1812 : i32 to vector<16xi32>
        %add3A_1814 = arith.addi %broadcast_in_dim3A_447, %add3A_1813 : vector<16xi32>
        %select_n3A_1815 = arith.select %lt3A_1810, %add3A_1814, %select_n3A_1671 : vector<16xi1>, vector<16xi32>
        %sub3A_1816 = arith.subf %get3A_170, %gather3A_1753 : vector<16xf32>
        %sub3A_1817 = arith.subf %get3A_179, %gather3A_1763 : vector<16xf32>
        %sub3A_1818 = arith.subf %get3A_188, %gather3A_1773 : vector<16xf32>
        %mul3A_1819 = arith.mulf %sub3A_1816, %sub3A_1816 : vector<16xf32>
        %mul3A_1820 = arith.mulf %sub3A_1817, %sub3A_1817 : vector<16xf32>
        %add3A_1821 = arith.addf %mul3A_1819, %mul3A_1820 : vector<16xf32>
        %mul3A_1822 = arith.mulf %sub3A_1818, %sub3A_1818 : vector<16xf32>
        %add3A_1823 = arith.addf %add3A_1821, %mul3A_1822 : vector<16xf32>
        %lt3A_1824 = arith.cmpf olt, %add3A_1823, %min3A_1681 : vector<16xf32>
        %min3A_1825 = arith.minimumf %min3A_1681, %add3A_1823 : vector<16xf32>
        %add3A_1826 = arith.constant 9 : i32
        %add3A_1827 = vector.broadcast %add3A_1826 : i32 to vector<16xi32>
        %add3A_1828 = arith.addi %broadcast_in_dim3A_447, %add3A_1827 : vector<16xi32>
        %select_n3A_1829 = arith.select %lt3A_1824, %add3A_1828, %select_n3A_1685 : vector<16xi1>, vector<16xi32>
        %sub3A_1830 = arith.subf %get3A_197, %gather3A_1753 : vector<16xf32>
        %sub3A_1831 = arith.subf %get3A_206, %gather3A_1763 : vector<16xf32>
        %sub3A_1832 = arith.subf %get3A_215, %gather3A_1773 : vector<16xf32>
        %mul3A_1833 = arith.mulf %sub3A_1830, %sub3A_1830 : vector<16xf32>
        %mul3A_1834 = arith.mulf %sub3A_1831, %sub3A_1831 : vector<16xf32>
        %add3A_1835 = arith.addf %mul3A_1833, %mul3A_1834 : vector<16xf32>
        %mul3A_1836 = arith.mulf %sub3A_1832, %sub3A_1832 : vector<16xf32>
        %add3A_1837 = arith.addf %add3A_1835, %mul3A_1836 : vector<16xf32>
        %lt3A_1838 = arith.cmpf olt, %add3A_1837, %min3A_1695 : vector<16xf32>
        %min3A_1839 = arith.minimumf %min3A_1695, %add3A_1837 : vector<16xf32>
        %add3A_1840 = arith.constant 9 : i32
        %add3A_1841 = vector.broadcast %add3A_1840 : i32 to vector<16xi32>
        %add3A_1842 = arith.addi %broadcast_in_dim3A_447, %add3A_1841 : vector<16xi32>
        %select_n3A_1843 = arith.select %lt3A_1838, %add3A_1842, %select_n3A_1699 : vector<16xi1>, vector<16xi32>
        %sub3A_1844 = arith.subf %get3A_224, %gather3A_1753 : vector<16xf32>
        %sub3A_1845 = arith.subf %get3A_233, %gather3A_1763 : vector<16xf32>
        %sub3A_1846 = arith.subf %get3A_242, %gather3A_1773 : vector<16xf32>
        %mul3A_1847 = arith.mulf %sub3A_1844, %sub3A_1844 : vector<16xf32>
        %mul3A_1848 = arith.mulf %sub3A_1845, %sub3A_1845 : vector<16xf32>
        %add3A_1849 = arith.addf %mul3A_1847, %mul3A_1848 : vector<16xf32>
        %mul3A_1850 = arith.mulf %sub3A_1846, %sub3A_1846 : vector<16xf32>
        %add3A_1851 = arith.addf %add3A_1849, %mul3A_1850 : vector<16xf32>
        %lt3A_1852 = arith.cmpf olt, %add3A_1851, %min3A_1709 : vector<16xf32>
        %min3A_1853 = arith.minimumf %min3A_1709, %add3A_1851 : vector<16xf32>
        %add3A_1854 = arith.constant 9 : i32
        %add3A_1855 = vector.broadcast %add3A_1854 : i32 to vector<16xi32>
        %add3A_1856 = arith.addi %broadcast_in_dim3A_447, %add3A_1855 : vector<16xi32>
        %select_n3A_1857 = arith.select %lt3A_1852, %add3A_1856, %select_n3A_1713 : vector<16xi1>, vector<16xi32>
        %sub3A_1858 = arith.subf %get3A_251, %gather3A_1753 : vector<16xf32>
        %sub3A_1859 = arith.subf %get3A_260, %gather3A_1763 : vector<16xf32>
        %sub3A_1860 = arith.subf %get3A_269, %gather3A_1773 : vector<16xf32>
        %mul3A_1861 = arith.mulf %sub3A_1858, %sub3A_1858 : vector<16xf32>
        %mul3A_1862 = arith.mulf %sub3A_1859, %sub3A_1859 : vector<16xf32>
        %add3A_1863 = arith.addf %mul3A_1861, %mul3A_1862 : vector<16xf32>
        %mul3A_1864 = arith.mulf %sub3A_1860, %sub3A_1860 : vector<16xf32>
        %add3A_1865 = arith.addf %add3A_1863, %mul3A_1864 : vector<16xf32>
        %lt3A_1866 = arith.cmpf olt, %add3A_1865, %min3A_1723 : vector<16xf32>
        %min3A_1867 = arith.minimumf %min3A_1723, %add3A_1865 : vector<16xf32>
        %add3A_1868 = arith.constant 9 : i32
        %add3A_1869 = vector.broadcast %add3A_1868 : i32 to vector<16xi32>
        %add3A_1870 = arith.addi %broadcast_in_dim3A_447, %add3A_1869 : vector<16xi32>
        %select_n3A_1871 = arith.select %lt3A_1866, %add3A_1870, %select_n3A_1727 : vector<16xi1>, vector<16xi32>
        %sub3A_1872 = arith.subf %get3A_278, %gather3A_1753 : vector<16xf32>
        %sub3A_1873 = arith.subf %get3A_287, %gather3A_1763 : vector<16xf32>
        %sub3A_1874 = arith.subf %get3A_296, %gather3A_1773 : vector<16xf32>
        %mul3A_1875 = arith.mulf %sub3A_1872, %sub3A_1872 : vector<16xf32>
        %mul3A_1876 = arith.mulf %sub3A_1873, %sub3A_1873 : vector<16xf32>
        %add3A_1877 = arith.addf %mul3A_1875, %mul3A_1876 : vector<16xf32>
        %mul3A_1878 = arith.mulf %sub3A_1874, %sub3A_1874 : vector<16xf32>
        %add3A_1879 = arith.addf %add3A_1877, %mul3A_1878 : vector<16xf32>
        %lt3A_1880 = arith.cmpf olt, %add3A_1879, %min3A_1737 : vector<16xf32>
        %min3A_1881 = arith.minimumf %min3A_1737, %add3A_1879 : vector<16xf32>
        %add3A_1882 = arith.constant 9 : i32
        %add3A_1883 = vector.broadcast %add3A_1882 : i32 to vector<16xi32>
        %add3A_1884 = arith.addi %broadcast_in_dim3A_447, %add3A_1883 : vector<16xi32>
        %select_n3A_1885 = arith.select %lt3A_1880, %add3A_1884, %select_n3A_1741 : vector<16xi1>, vector<16xi32>
        %broadcast_in_dim3A_1886 = arith.constant 10 : i32
        %broadcast_in_dim3A_1887 = vector.broadcast %broadcast_in_dim3A_1886 : i32 to vector<16xi32>
        %lt3A_1888 = arith.constant 0 : i32
        %lt3A_1889 = vector.broadcast %lt3A_1888 : i32 to vector<16xi32>
        %lt3A_1890 = arith.cmpi slt, %broadcast_in_dim3A_1887, %lt3A_1889 : vector<16xi32>
        %add3A_1891 = arith.constant 16 : i32
        %add3A_1892 = vector.broadcast %add3A_1891 : i32 to vector<16xi32>
        %add3A_1893 = arith.addi %broadcast_in_dim3A_1887, %add3A_1892 : vector<16xi32>
        %select_n3A_1894 = arith.select %lt3A_1890, %add3A_1893, %broadcast_in_dim3A_1887 : vector<16xi1>, vector<16xi32>
        %broadcast_in_dim3A_1895 = vector.shape_cast %select_n3A_1894 : vector<16xi32> to vector<16x1xi32>
        %gather3A_1896 = vector.shape_cast %broadcast_in_dim3A_1895 : vector<16x1xi32> to vector<16xi32>
        %gather3A_1897 = tpu.dynamic_gather %get3A_434[%gather3A_1896] in [0] : vector<16xf32>, vector<16xi32> -> vector<16xf32>
        %lt3A_1898 = arith.constant 0 : i32
        %lt3A_1899 = vector.broadcast %lt3A_1898 : i32 to vector<16xi32>
        %lt3A_1900 = arith.cmpi slt, %broadcast_in_dim3A_1887, %lt3A_1899 : vector<16xi32>
        %add3A_1901 = arith.constant 16 : i32
        %add3A_1902 = vector.broadcast %add3A_1901 : i32 to vector<16xi32>
        %add3A_1903 = arith.addi %broadcast_in_dim3A_1887, %add3A_1902 : vector<16xi32>
        %select_n3A_1904 = arith.select %lt3A_1900, %add3A_1903, %broadcast_in_dim3A_1887 : vector<16xi1>, vector<16xi32>
        %broadcast_in_dim3A_1905 = vector.shape_cast %select_n3A_1904 : vector<16xi32> to vector<16x1xi32>
        %gather3A_1906 = vector.shape_cast %broadcast_in_dim3A_1905 : vector<16x1xi32> to vector<16xi32>
        %gather3A_1907 = tpu.dynamic_gather %get3A_439[%gather3A_1906] in [0] : vector<16xf32>, vector<16xi32> -> vector<16xf32>
        %lt3A_1908 = arith.constant 0 : i32
        %lt3A_1909 = vector.broadcast %lt3A_1908 : i32 to vector<16xi32>
        %lt3A_1910 = arith.cmpi slt, %broadcast_in_dim3A_1887, %lt3A_1909 : vector<16xi32>
        %add3A_1911 = arith.constant 16 : i32
        %add3A_1912 = vector.broadcast %add3A_1911 : i32 to vector<16xi32>
        %add3A_1913 = arith.addi %broadcast_in_dim3A_1887, %add3A_1912 : vector<16xi32>
        %select_n3A_1914 = arith.select %lt3A_1910, %add3A_1913, %broadcast_in_dim3A_1887 : vector<16xi1>, vector<16xi32>
        %broadcast_in_dim3A_1915 = vector.shape_cast %select_n3A_1914 : vector<16xi32> to vector<16x1xi32>
        %gather3A_1916 = vector.shape_cast %broadcast_in_dim3A_1915 : vector<16x1xi32> to vector<16xi32>
        %gather3A_1917 = tpu.dynamic_gather %get3A_444[%gather3A_1916] in [0] : vector<16xf32>, vector<16xi32> -> vector<16xf32>
        %sub3A_1918 = arith.subf %get3A_89, %gather3A_1897 : vector<16xf32>
        %sub3A_1919 = arith.subf %get3A_98, %gather3A_1907 : vector<16xf32>
        %sub3A_1920 = arith.subf %get3A_107, %gather3A_1917 : vector<16xf32>
        %mul3A_1921 = arith.mulf %sub3A_1918, %sub3A_1918 : vector<16xf32>
        %mul3A_1922 = arith.mulf %sub3A_1919, %sub3A_1919 : vector<16xf32>
        %add3A_1923 = arith.addf %mul3A_1921, %mul3A_1922 : vector<16xf32>
        %mul3A_1924 = arith.mulf %sub3A_1920, %sub3A_1920 : vector<16xf32>
        %add3A_1925 = arith.addf %add3A_1923, %mul3A_1924 : vector<16xf32>
        %lt3A_1926 = arith.cmpf olt, %add3A_1925, %min3A_1783 : vector<16xf32>
        %min3A_1927 = arith.minimumf %min3A_1783, %add3A_1925 : vector<16xf32>
        %add3A_1928 = arith.constant 10 : i32
        %add3A_1929 = vector.broadcast %add3A_1928 : i32 to vector<16xi32>
        %add3A_1930 = arith.addi %broadcast_in_dim3A_447, %add3A_1929 : vector<16xi32>
        %select_n3A_1931 = arith.select %lt3A_1926, %add3A_1930, %select_n3A_1787 : vector<16xi1>, vector<16xi32>
        %sub3A_1932 = arith.subf %get3A_116, %gather3A_1897 : vector<16xf32>
        %sub3A_1933 = arith.subf %get3A_125, %gather3A_1907 : vector<16xf32>
        %sub3A_1934 = arith.subf %get3A_134, %gather3A_1917 : vector<16xf32>
        %mul3A_1935 = arith.mulf %sub3A_1932, %sub3A_1932 : vector<16xf32>
        %mul3A_1936 = arith.mulf %sub3A_1933, %sub3A_1933 : vector<16xf32>
        %add3A_1937 = arith.addf %mul3A_1935, %mul3A_1936 : vector<16xf32>
        %mul3A_1938 = arith.mulf %sub3A_1934, %sub3A_1934 : vector<16xf32>
        %add3A_1939 = arith.addf %add3A_1937, %mul3A_1938 : vector<16xf32>
        %lt3A_1940 = arith.cmpf olt, %add3A_1939, %min3A_1797 : vector<16xf32>
        %min3A_1941 = arith.minimumf %min3A_1797, %add3A_1939 : vector<16xf32>
        %add3A_1942 = arith.constant 10 : i32
        %add3A_1943 = vector.broadcast %add3A_1942 : i32 to vector<16xi32>
        %add3A_1944 = arith.addi %broadcast_in_dim3A_447, %add3A_1943 : vector<16xi32>
        %select_n3A_1945 = arith.select %lt3A_1940, %add3A_1944, %select_n3A_1801 : vector<16xi1>, vector<16xi32>
        %sub3A_1946 = arith.subf %get3A_143, %gather3A_1897 : vector<16xf32>
        %sub3A_1947 = arith.subf %get3A_152, %gather3A_1907 : vector<16xf32>
        %sub3A_1948 = arith.subf %get3A_161, %gather3A_1917 : vector<16xf32>
        %mul3A_1949 = arith.mulf %sub3A_1946, %sub3A_1946 : vector<16xf32>
        %mul3A_1950 = arith.mulf %sub3A_1947, %sub3A_1947 : vector<16xf32>
        %add3A_1951 = arith.addf %mul3A_1949, %mul3A_1950 : vector<16xf32>
        %mul3A_1952 = arith.mulf %sub3A_1948, %sub3A_1948 : vector<16xf32>
        %add3A_1953 = arith.addf %add3A_1951, %mul3A_1952 : vector<16xf32>
        %lt3A_1954 = arith.cmpf olt, %add3A_1953, %min3A_1811 : vector<16xf32>
        %min3A_1955 = arith.minimumf %min3A_1811, %add3A_1953 : vector<16xf32>
        %add3A_1956 = arith.constant 10 : i32
        %add3A_1957 = vector.broadcast %add3A_1956 : i32 to vector<16xi32>
        %add3A_1958 = arith.addi %broadcast_in_dim3A_447, %add3A_1957 : vector<16xi32>
        %select_n3A_1959 = arith.select %lt3A_1954, %add3A_1958, %select_n3A_1815 : vector<16xi1>, vector<16xi32>
        %sub3A_1960 = arith.subf %get3A_170, %gather3A_1897 : vector<16xf32>
        %sub3A_1961 = arith.subf %get3A_179, %gather3A_1907 : vector<16xf32>
        %sub3A_1962 = arith.subf %get3A_188, %gather3A_1917 : vector<16xf32>
        %mul3A_1963 = arith.mulf %sub3A_1960, %sub3A_1960 : vector<16xf32>
        %mul3A_1964 = arith.mulf %sub3A_1961, %sub3A_1961 : vector<16xf32>
        %add3A_1965 = arith.addf %mul3A_1963, %mul3A_1964 : vector<16xf32>
        %mul3A_1966 = arith.mulf %sub3A_1962, %sub3A_1962 : vector<16xf32>
        %add3A_1967 = arith.addf %add3A_1965, %mul3A_1966 : vector<16xf32>
        %lt3A_1968 = arith.cmpf olt, %add3A_1967, %min3A_1825 : vector<16xf32>
        %min3A_1969 = arith.minimumf %min3A_1825, %add3A_1967 : vector<16xf32>
        %add3A_1970 = arith.constant 10 : i32
        %add3A_1971 = vector.broadcast %add3A_1970 : i32 to vector<16xi32>
        %add3A_1972 = arith.addi %broadcast_in_dim3A_447, %add3A_1971 : vector<16xi32>
        %select_n3A_1973 = arith.select %lt3A_1968, %add3A_1972, %select_n3A_1829 : vector<16xi1>, vector<16xi32>
        %sub3A_1974 = arith.subf %get3A_197, %gather3A_1897 : vector<16xf32>
        %sub3A_1975 = arith.subf %get3A_206, %gather3A_1907 : vector<16xf32>
        %sub3A_1976 = arith.subf %get3A_215, %gather3A_1917 : vector<16xf32>
        %mul3A_1977 = arith.mulf %sub3A_1974, %sub3A_1974 : vector<16xf32>
        %mul3A_1978 = arith.mulf %sub3A_1975, %sub3A_1975 : vector<16xf32>
        %add3A_1979 = arith.addf %mul3A_1977, %mul3A_1978 : vector<16xf32>
        %mul3A_1980 = arith.mulf %sub3A_1976, %sub3A_1976 : vector<16xf32>
        %add3A_1981 = arith.addf %add3A_1979, %mul3A_1980 : vector<16xf32>
        %lt3A_1982 = arith.cmpf olt, %add3A_1981, %min3A_1839 : vector<16xf32>
        %min3A_1983 = arith.minimumf %min3A_1839, %add3A_1981 : vector<16xf32>
        %add3A_1984 = arith.constant 10 : i32
        %add3A_1985 = vector.broadcast %add3A_1984 : i32 to vector<16xi32>
        %add3A_1986 = arith.addi %broadcast_in_dim3A_447, %add3A_1985 : vector<16xi32>
        %select_n3A_1987 = arith.select %lt3A_1982, %add3A_1986, %select_n3A_1843 : vector<16xi1>, vector<16xi32>
        %sub3A_1988 = arith.subf %get3A_224, %gather3A_1897 : vector<16xf32>
        %sub3A_1989 = arith.subf %get3A_233, %gather3A_1907 : vector<16xf32>
        %sub3A_1990 = arith.subf %get3A_242, %gather3A_1917 : vector<16xf32>
        %mul3A_1991 = arith.mulf %sub3A_1988, %sub3A_1988 : vector<16xf32>
        %mul3A_1992 = arith.mulf %sub3A_1989, %sub3A_1989 : vector<16xf32>
        %add3A_1993 = arith.addf %mul3A_1991, %mul3A_1992 : vector<16xf32>
        %mul3A_1994 = arith.mulf %sub3A_1990, %sub3A_1990 : vector<16xf32>
        %add3A_1995 = arith.addf %add3A_1993, %mul3A_1994 : vector<16xf32>
        %lt3A_1996 = arith.cmpf olt, %add3A_1995, %min3A_1853 : vector<16xf32>
        %min3A_1997 = arith.minimumf %min3A_1853, %add3A_1995 : vector<16xf32>
        %add3A_1998 = arith.constant 10 : i32
        %add3A_1999 = vector.broadcast %add3A_1998 : i32 to vector<16xi32>
        %add3A_2000 = arith.addi %broadcast_in_dim3A_447, %add3A_1999 : vector<16xi32>
        %select_n3A_2001 = arith.select %lt3A_1996, %add3A_2000, %select_n3A_1857 : vector<16xi1>, vector<16xi32>
        %sub3A_2002 = arith.subf %get3A_251, %gather3A_1897 : vector<16xf32>
        %sub3A_2003 = arith.subf %get3A_260, %gather3A_1907 : vector<16xf32>
        %sub3A_2004 = arith.subf %get3A_269, %gather3A_1917 : vector<16xf32>
        %mul3A_2005 = arith.mulf %sub3A_2002, %sub3A_2002 : vector<16xf32>
        %mul3A_2006 = arith.mulf %sub3A_2003, %sub3A_2003 : vector<16xf32>
        %add3A_2007 = arith.addf %mul3A_2005, %mul3A_2006 : vector<16xf32>
        %mul3A_2008 = arith.mulf %sub3A_2004, %sub3A_2004 : vector<16xf32>
        %add3A_2009 = arith.addf %add3A_2007, %mul3A_2008 : vector<16xf32>
        %lt3A_2010 = arith.cmpf olt, %add3A_2009, %min3A_1867 : vector<16xf32>
        %min3A_2011 = arith.minimumf %min3A_1867, %add3A_2009 : vector<16xf32>
        %add3A_2012 = arith.constant 10 : i32
        %add3A_2013 = vector.broadcast %add3A_2012 : i32 to vector<16xi32>
        %add3A_2014 = arith.addi %broadcast_in_dim3A_447, %add3A_2013 : vector<16xi32>
        %select_n3A_2015 = arith.select %lt3A_2010, %add3A_2014, %select_n3A_1871 : vector<16xi1>, vector<16xi32>
        %sub3A_2016 = arith.subf %get3A_278, %gather3A_1897 : vector<16xf32>
        %sub3A_2017 = arith.subf %get3A_287, %gather3A_1907 : vector<16xf32>
        %sub3A_2018 = arith.subf %get3A_296, %gather3A_1917 : vector<16xf32>
        %mul3A_2019 = arith.mulf %sub3A_2016, %sub3A_2016 : vector<16xf32>
        %mul3A_2020 = arith.mulf %sub3A_2017, %sub3A_2017 : vector<16xf32>
        %add3A_2021 = arith.addf %mul3A_2019, %mul3A_2020 : vector<16xf32>
        %mul3A_2022 = arith.mulf %sub3A_2018, %sub3A_2018 : vector<16xf32>
        %add3A_2023 = arith.addf %add3A_2021, %mul3A_2022 : vector<16xf32>
        %lt3A_2024 = arith.cmpf olt, %add3A_2023, %min3A_1881 : vector<16xf32>
        %min3A_2025 = arith.minimumf %min3A_1881, %add3A_2023 : vector<16xf32>
        %add3A_2026 = arith.constant 10 : i32
        %add3A_2027 = vector.broadcast %add3A_2026 : i32 to vector<16xi32>
        %add3A_2028 = arith.addi %broadcast_in_dim3A_447, %add3A_2027 : vector<16xi32>
        %select_n3A_2029 = arith.select %lt3A_2024, %add3A_2028, %select_n3A_1885 : vector<16xi1>, vector<16xi32>
        %broadcast_in_dim3A_2030 = arith.constant 11 : i32
        %broadcast_in_dim3A_2031 = vector.broadcast %broadcast_in_dim3A_2030 : i32 to vector<16xi32>
        %lt3A_2032 = arith.constant 0 : i32
        %lt3A_2033 = vector.broadcast %lt3A_2032 : i32 to vector<16xi32>
        %lt3A_2034 = arith.cmpi slt, %broadcast_in_dim3A_2031, %lt3A_2033 : vector<16xi32>
        %add3A_2035 = arith.constant 16 : i32
        %add3A_2036 = vector.broadcast %add3A_2035 : i32 to vector<16xi32>
        %add3A_2037 = arith.addi %broadcast_in_dim3A_2031, %add3A_2036 : vector<16xi32>
        %select_n3A_2038 = arith.select %lt3A_2034, %add3A_2037, %broadcast_in_dim3A_2031 : vector<16xi1>, vector<16xi32>
        %broadcast_in_dim3A_2039 = vector.shape_cast %select_n3A_2038 : vector<16xi32> to vector<16x1xi32>
        %gather3A_2040 = vector.shape_cast %broadcast_in_dim3A_2039 : vector<16x1xi32> to vector<16xi32>
        %gather3A_2041 = tpu.dynamic_gather %get3A_434[%gather3A_2040] in [0] : vector<16xf32>, vector<16xi32> -> vector<16xf32>
        %lt3A_2042 = arith.constant 0 : i32
        %lt3A_2043 = vector.broadcast %lt3A_2042 : i32 to vector<16xi32>
        %lt3A_2044 = arith.cmpi slt, %broadcast_in_dim3A_2031, %lt3A_2043 : vector<16xi32>
        %add3A_2045 = arith.constant 16 : i32
        %add3A_2046 = vector.broadcast %add3A_2045 : i32 to vector<16xi32>
        %add3A_2047 = arith.addi %broadcast_in_dim3A_2031, %add3A_2046 : vector<16xi32>
        %select_n3A_2048 = arith.select %lt3A_2044, %add3A_2047, %broadcast_in_dim3A_2031 : vector<16xi1>, vector<16xi32>
        %broadcast_in_dim3A_2049 = vector.shape_cast %select_n3A_2048 : vector<16xi32> to vector<16x1xi32>
        %gather3A_2050 = vector.shape_cast %broadcast_in_dim3A_2049 : vector<16x1xi32> to vector<16xi32>
        %gather3A_2051 = tpu.dynamic_gather %get3A_439[%gather3A_2050] in [0] : vector<16xf32>, vector<16xi32> -> vector<16xf32>
        %lt3A_2052 = arith.constant 0 : i32
        %lt3A_2053 = vector.broadcast %lt3A_2052 : i32 to vector<16xi32>
        %lt3A_2054 = arith.cmpi slt, %broadcast_in_dim3A_2031, %lt3A_2053 : vector<16xi32>
        %add3A_2055 = arith.constant 16 : i32
        %add3A_2056 = vector.broadcast %add3A_2055 : i32 to vector<16xi32>
        %add3A_2057 = arith.addi %broadcast_in_dim3A_2031, %add3A_2056 : vector<16xi32>
        %select_n3A_2058 = arith.select %lt3A_2054, %add3A_2057, %broadcast_in_dim3A_2031 : vector<16xi1>, vector<16xi32>
        %broadcast_in_dim3A_2059 = vector.shape_cast %select_n3A_2058 : vector<16xi32> to vector<16x1xi32>
        %gather3A_2060 = vector.shape_cast %broadcast_in_dim3A_2059 : vector<16x1xi32> to vector<16xi32>
        %gather3A_2061 = tpu.dynamic_gather %get3A_444[%gather3A_2060] in [0] : vector<16xf32>, vector<16xi32> -> vector<16xf32>
        %sub3A_2062 = arith.subf %get3A_89, %gather3A_2041 : vector<16xf32>
        %sub3A_2063 = arith.subf %get3A_98, %gather3A_2051 : vector<16xf32>
        %sub3A_2064 = arith.subf %get3A_107, %gather3A_2061 : vector<16xf32>
        %mul3A_2065 = arith.mulf %sub3A_2062, %sub3A_2062 : vector<16xf32>
        %mul3A_2066 = arith.mulf %sub3A_2063, %sub3A_2063 : vector<16xf32>
        %add3A_2067 = arith.addf %mul3A_2065, %mul3A_2066 : vector<16xf32>
        %mul3A_2068 = arith.mulf %sub3A_2064, %sub3A_2064 : vector<16xf32>
        %add3A_2069 = arith.addf %add3A_2067, %mul3A_2068 : vector<16xf32>
        %lt3A_2070 = arith.cmpf olt, %add3A_2069, %min3A_1927 : vector<16xf32>
        %min3A_2071 = arith.minimumf %min3A_1927, %add3A_2069 : vector<16xf32>
        %add3A_2072 = arith.constant 11 : i32
        %add3A_2073 = vector.broadcast %add3A_2072 : i32 to vector<16xi32>
        %add3A_2074 = arith.addi %broadcast_in_dim3A_447, %add3A_2073 : vector<16xi32>
        %select_n3A_2075 = arith.select %lt3A_2070, %add3A_2074, %select_n3A_1931 : vector<16xi1>, vector<16xi32>
        %sub3A_2076 = arith.subf %get3A_116, %gather3A_2041 : vector<16xf32>
        %sub3A_2077 = arith.subf %get3A_125, %gather3A_2051 : vector<16xf32>
        %sub3A_2078 = arith.subf %get3A_134, %gather3A_2061 : vector<16xf32>
        %mul3A_2079 = arith.mulf %sub3A_2076, %sub3A_2076 : vector<16xf32>
        %mul3A_2080 = arith.mulf %sub3A_2077, %sub3A_2077 : vector<16xf32>
        %add3A_2081 = arith.addf %mul3A_2079, %mul3A_2080 : vector<16xf32>
        %mul3A_2082 = arith.mulf %sub3A_2078, %sub3A_2078 : vector<16xf32>
        %add3A_2083 = arith.addf %add3A_2081, %mul3A_2082 : vector<16xf32>
        %lt3A_2084 = arith.cmpf olt, %add3A_2083, %min3A_1941 : vector<16xf32>
        %min3A_2085 = arith.minimumf %min3A_1941, %add3A_2083 : vector<16xf32>
        %add3A_2086 = arith.constant 11 : i32
        %add3A_2087 = vector.broadcast %add3A_2086 : i32 to vector<16xi32>
        %add3A_2088 = arith.addi %broadcast_in_dim3A_447, %add3A_2087 : vector<16xi32>
        %select_n3A_2089 = arith.select %lt3A_2084, %add3A_2088, %select_n3A_1945 : vector<16xi1>, vector<16xi32>
        %sub3A_2090 = arith.subf %get3A_143, %gather3A_2041 : vector<16xf32>
        %sub3A_2091 = arith.subf %get3A_152, %gather3A_2051 : vector<16xf32>
        %sub3A_2092 = arith.subf %get3A_161, %gather3A_2061 : vector<16xf32>
        %mul3A_2093 = arith.mulf %sub3A_2090, %sub3A_2090 : vector<16xf32>
        %mul3A_2094 = arith.mulf %sub3A_2091, %sub3A_2091 : vector<16xf32>
        %add3A_2095 = arith.addf %mul3A_2093, %mul3A_2094 : vector<16xf32>
        %mul3A_2096 = arith.mulf %sub3A_2092, %sub3A_2092 : vector<16xf32>
        %add3A_2097 = arith.addf %add3A_2095, %mul3A_2096 : vector<16xf32>
        %lt3A_2098 = arith.cmpf olt, %add3A_2097, %min3A_1955 : vector<16xf32>
        %min3A_2099 = arith.minimumf %min3A_1955, %add3A_2097 : vector<16xf32>
        %add3A_2100 = arith.constant 11 : i32
        %add3A_2101 = vector.broadcast %add3A_2100 : i32 to vector<16xi32>
        %add3A_2102 = arith.addi %broadcast_in_dim3A_447, %add3A_2101 : vector<16xi32>
        %select_n3A_2103 = arith.select %lt3A_2098, %add3A_2102, %select_n3A_1959 : vector<16xi1>, vector<16xi32>
        %sub3A_2104 = arith.subf %get3A_170, %gather3A_2041 : vector<16xf32>
        %sub3A_2105 = arith.subf %get3A_179, %gather3A_2051 : vector<16xf32>
        %sub3A_2106 = arith.subf %get3A_188, %gather3A_2061 : vector<16xf32>
        %mul3A_2107 = arith.mulf %sub3A_2104, %sub3A_2104 : vector<16xf32>
        %mul3A_2108 = arith.mulf %sub3A_2105, %sub3A_2105 : vector<16xf32>
        %add3A_2109 = arith.addf %mul3A_2107, %mul3A_2108 : vector<16xf32>
        %mul3A_2110 = arith.mulf %sub3A_2106, %sub3A_2106 : vector<16xf32>
        %add3A_2111 = arith.addf %add3A_2109, %mul3A_2110 : vector<16xf32>
        %lt3A_2112 = arith.cmpf olt, %add3A_2111, %min3A_1969 : vector<16xf32>
        %min3A_2113 = arith.minimumf %min3A_1969, %add3A_2111 : vector<16xf32>
        %add3A_2114 = arith.constant 11 : i32
        %add3A_2115 = vector.broadcast %add3A_2114 : i32 to vector<16xi32>
        %add3A_2116 = arith.addi %broadcast_in_dim3A_447, %add3A_2115 : vector<16xi32>
        %select_n3A_2117 = arith.select %lt3A_2112, %add3A_2116, %select_n3A_1973 : vector<16xi1>, vector<16xi32>
        %sub3A_2118 = arith.subf %get3A_197, %gather3A_2041 : vector<16xf32>
        %sub3A_2119 = arith.subf %get3A_206, %gather3A_2051 : vector<16xf32>
        %sub3A_2120 = arith.subf %get3A_215, %gather3A_2061 : vector<16xf32>
        %mul3A_2121 = arith.mulf %sub3A_2118, %sub3A_2118 : vector<16xf32>
        %mul3A_2122 = arith.mulf %sub3A_2119, %sub3A_2119 : vector<16xf32>
        %add3A_2123 = arith.addf %mul3A_2121, %mul3A_2122 : vector<16xf32>
        %mul3A_2124 = arith.mulf %sub3A_2120, %sub3A_2120 : vector<16xf32>
        %add3A_2125 = arith.addf %add3A_2123, %mul3A_2124 : vector<16xf32>
        %lt3A_2126 = arith.cmpf olt, %add3A_2125, %min3A_1983 : vector<16xf32>
        %min3A_2127 = arith.minimumf %min3A_1983, %add3A_2125 : vector<16xf32>
        %add3A_2128 = arith.constant 11 : i32
        %add3A_2129 = vector.broadcast %add3A_2128 : i32 to vector<16xi32>
        %add3A_2130 = arith.addi %broadcast_in_dim3A_447, %add3A_2129 : vector<16xi32>
        %select_n3A_2131 = arith.select %lt3A_2126, %add3A_2130, %select_n3A_1987 : vector<16xi1>, vector<16xi32>
        %sub3A_2132 = arith.subf %get3A_224, %gather3A_2041 : vector<16xf32>
        %sub3A_2133 = arith.subf %get3A_233, %gather3A_2051 : vector<16xf32>
        %sub3A_2134 = arith.subf %get3A_242, %gather3A_2061 : vector<16xf32>
        %mul3A_2135 = arith.mulf %sub3A_2132, %sub3A_2132 : vector<16xf32>
        %mul3A_2136 = arith.mulf %sub3A_2133, %sub3A_2133 : vector<16xf32>
        %add3A_2137 = arith.addf %mul3A_2135, %mul3A_2136 : vector<16xf32>
        %mul3A_2138 = arith.mulf %sub3A_2134, %sub3A_2134 : vector<16xf32>
        %add3A_2139 = arith.addf %add3A_2137, %mul3A_2138 : vector<16xf32>
        %lt3A_2140 = arith.cmpf olt, %add3A_2139, %min3A_1997 : vector<16xf32>
        %min3A_2141 = arith.minimumf %min3A_1997, %add3A_2139 : vector<16xf32>
        %add3A_2142 = arith.constant 11 : i32
        %add3A_2143 = vector.broadcast %add3A_2142 : i32 to vector<16xi32>
        %add3A_2144 = arith.addi %broadcast_in_dim3A_447, %add3A_2143 : vector<16xi32>
        %select_n3A_2145 = arith.select %lt3A_2140, %add3A_2144, %select_n3A_2001 : vector<16xi1>, vector<16xi32>
        %sub3A_2146 = arith.subf %get3A_251, %gather3A_2041 : vector<16xf32>
        %sub3A_2147 = arith.subf %get3A_260, %gather3A_2051 : vector<16xf32>
        %sub3A_2148 = arith.subf %get3A_269, %gather3A_2061 : vector<16xf32>
        %mul3A_2149 = arith.mulf %sub3A_2146, %sub3A_2146 : vector<16xf32>
        %mul3A_2150 = arith.mulf %sub3A_2147, %sub3A_2147 : vector<16xf32>
        %add3A_2151 = arith.addf %mul3A_2149, %mul3A_2150 : vector<16xf32>
        %mul3A_2152 = arith.mulf %sub3A_2148, %sub3A_2148 : vector<16xf32>
        %add3A_2153 = arith.addf %add3A_2151, %mul3A_2152 : vector<16xf32>
        %lt3A_2154 = arith.cmpf olt, %add3A_2153, %min3A_2011 : vector<16xf32>
        %min3A_2155 = arith.minimumf %min3A_2011, %add3A_2153 : vector<16xf32>
        %add3A_2156 = arith.constant 11 : i32
        %add3A_2157 = vector.broadcast %add3A_2156 : i32 to vector<16xi32>
        %add3A_2158 = arith.addi %broadcast_in_dim3A_447, %add3A_2157 : vector<16xi32>
        %select_n3A_2159 = arith.select %lt3A_2154, %add3A_2158, %select_n3A_2015 : vector<16xi1>, vector<16xi32>
        %sub3A_2160 = arith.subf %get3A_278, %gather3A_2041 : vector<16xf32>
        %sub3A_2161 = arith.subf %get3A_287, %gather3A_2051 : vector<16xf32>
        %sub3A_2162 = arith.subf %get3A_296, %gather3A_2061 : vector<16xf32>
        %mul3A_2163 = arith.mulf %sub3A_2160, %sub3A_2160 : vector<16xf32>
        %mul3A_2164 = arith.mulf %sub3A_2161, %sub3A_2161 : vector<16xf32>
        %add3A_2165 = arith.addf %mul3A_2163, %mul3A_2164 : vector<16xf32>
        %mul3A_2166 = arith.mulf %sub3A_2162, %sub3A_2162 : vector<16xf32>
        %add3A_2167 = arith.addf %add3A_2165, %mul3A_2166 : vector<16xf32>
        %lt3A_2168 = arith.cmpf olt, %add3A_2167, %min3A_2025 : vector<16xf32>
        %min3A_2169 = arith.minimumf %min3A_2025, %add3A_2167 : vector<16xf32>
        %add3A_2170 = arith.constant 11 : i32
        %add3A_2171 = vector.broadcast %add3A_2170 : i32 to vector<16xi32>
        %add3A_2172 = arith.addi %broadcast_in_dim3A_447, %add3A_2171 : vector<16xi32>
        %select_n3A_2173 = arith.select %lt3A_2168, %add3A_2172, %select_n3A_2029 : vector<16xi1>, vector<16xi32>
        %broadcast_in_dim3A_2174 = arith.constant 12 : i32
        %broadcast_in_dim3A_2175 = vector.broadcast %broadcast_in_dim3A_2174 : i32 to vector<16xi32>
        %lt3A_2176 = arith.constant 0 : i32
        %lt3A_2177 = vector.broadcast %lt3A_2176 : i32 to vector<16xi32>
        %lt3A_2178 = arith.cmpi slt, %broadcast_in_dim3A_2175, %lt3A_2177 : vector<16xi32>
        %add3A_2179 = arith.constant 16 : i32
        %add3A_2180 = vector.broadcast %add3A_2179 : i32 to vector<16xi32>
        %add3A_2181 = arith.addi %broadcast_in_dim3A_2175, %add3A_2180 : vector<16xi32>
        %select_n3A_2182 = arith.select %lt3A_2178, %add3A_2181, %broadcast_in_dim3A_2175 : vector<16xi1>, vector<16xi32>
        %broadcast_in_dim3A_2183 = vector.shape_cast %select_n3A_2182 : vector<16xi32> to vector<16x1xi32>
        %gather3A_2184 = vector.shape_cast %broadcast_in_dim3A_2183 : vector<16x1xi32> to vector<16xi32>
        %gather3A_2185 = tpu.dynamic_gather %get3A_434[%gather3A_2184] in [0] : vector<16xf32>, vector<16xi32> -> vector<16xf32>
        %lt3A_2186 = arith.constant 0 : i32
        %lt3A_2187 = vector.broadcast %lt3A_2186 : i32 to vector<16xi32>
        %lt3A_2188 = arith.cmpi slt, %broadcast_in_dim3A_2175, %lt3A_2187 : vector<16xi32>
        %add3A_2189 = arith.constant 16 : i32
        %add3A_2190 = vector.broadcast %add3A_2189 : i32 to vector<16xi32>
        %add3A_2191 = arith.addi %broadcast_in_dim3A_2175, %add3A_2190 : vector<16xi32>
        %select_n3A_2192 = arith.select %lt3A_2188, %add3A_2191, %broadcast_in_dim3A_2175 : vector<16xi1>, vector<16xi32>
        %broadcast_in_dim3A_2193 = vector.shape_cast %select_n3A_2192 : vector<16xi32> to vector<16x1xi32>
        %gather3A_2194 = vector.shape_cast %broadcast_in_dim3A_2193 : vector<16x1xi32> to vector<16xi32>
        %gather3A_2195 = tpu.dynamic_gather %get3A_439[%gather3A_2194] in [0] : vector<16xf32>, vector<16xi32> -> vector<16xf32>
        %lt3A_2196 = arith.constant 0 : i32
        %lt3A_2197 = vector.broadcast %lt3A_2196 : i32 to vector<16xi32>
        %lt3A_2198 = arith.cmpi slt, %broadcast_in_dim3A_2175, %lt3A_2197 : vector<16xi32>
        %add3A_2199 = arith.constant 16 : i32
        %add3A_2200 = vector.broadcast %add3A_2199 : i32 to vector<16xi32>
        %add3A_2201 = arith.addi %broadcast_in_dim3A_2175, %add3A_2200 : vector<16xi32>
        %select_n3A_2202 = arith.select %lt3A_2198, %add3A_2201, %broadcast_in_dim3A_2175 : vector<16xi1>, vector<16xi32>
        %broadcast_in_dim3A_2203 = vector.shape_cast %select_n3A_2202 : vector<16xi32> to vector<16x1xi32>
        %gather3A_2204 = vector.shape_cast %broadcast_in_dim3A_2203 : vector<16x1xi32> to vector<16xi32>
        %gather3A_2205 = tpu.dynamic_gather %get3A_444[%gather3A_2204] in [0] : vector<16xf32>, vector<16xi32> -> vector<16xf32>
        %sub3A_2206 = arith.subf %get3A_89, %gather3A_2185 : vector<16xf32>
        %sub3A_2207 = arith.subf %get3A_98, %gather3A_2195 : vector<16xf32>
        %sub3A_2208 = arith.subf %get3A_107, %gather3A_2205 : vector<16xf32>
        %mul3A_2209 = arith.mulf %sub3A_2206, %sub3A_2206 : vector<16xf32>
        %mul3A_2210 = arith.mulf %sub3A_2207, %sub3A_2207 : vector<16xf32>
        %add3A_2211 = arith.addf %mul3A_2209, %mul3A_2210 : vector<16xf32>
        %mul3A_2212 = arith.mulf %sub3A_2208, %sub3A_2208 : vector<16xf32>
        %add3A_2213 = arith.addf %add3A_2211, %mul3A_2212 : vector<16xf32>
        %lt3A_2214 = arith.cmpf olt, %add3A_2213, %min3A_2071 : vector<16xf32>
        %min3A_2215 = arith.minimumf %min3A_2071, %add3A_2213 : vector<16xf32>
        %add3A_2216 = arith.constant 12 : i32
        %add3A_2217 = vector.broadcast %add3A_2216 : i32 to vector<16xi32>
        %add3A_2218 = arith.addi %broadcast_in_dim3A_447, %add3A_2217 : vector<16xi32>
        %select_n3A_2219 = arith.select %lt3A_2214, %add3A_2218, %select_n3A_2075 : vector<16xi1>, vector<16xi32>
        %sub3A_2220 = arith.subf %get3A_116, %gather3A_2185 : vector<16xf32>
        %sub3A_2221 = arith.subf %get3A_125, %gather3A_2195 : vector<16xf32>
        %sub3A_2222 = arith.subf %get3A_134, %gather3A_2205 : vector<16xf32>
        %mul3A_2223 = arith.mulf %sub3A_2220, %sub3A_2220 : vector<16xf32>
        %mul3A_2224 = arith.mulf %sub3A_2221, %sub3A_2221 : vector<16xf32>
        %add3A_2225 = arith.addf %mul3A_2223, %mul3A_2224 : vector<16xf32>
        %mul3A_2226 = arith.mulf %sub3A_2222, %sub3A_2222 : vector<16xf32>
        %add3A_2227 = arith.addf %add3A_2225, %mul3A_2226 : vector<16xf32>
        %lt3A_2228 = arith.cmpf olt, %add3A_2227, %min3A_2085 : vector<16xf32>
        %min3A_2229 = arith.minimumf %min3A_2085, %add3A_2227 : vector<16xf32>
        %add3A_2230 = arith.constant 12 : i32
        %add3A_2231 = vector.broadcast %add3A_2230 : i32 to vector<16xi32>
        %add3A_2232 = arith.addi %broadcast_in_dim3A_447, %add3A_2231 : vector<16xi32>
        %select_n3A_2233 = arith.select %lt3A_2228, %add3A_2232, %select_n3A_2089 : vector<16xi1>, vector<16xi32>
        %sub3A_2234 = arith.subf %get3A_143, %gather3A_2185 : vector<16xf32>
        %sub3A_2235 = arith.subf %get3A_152, %gather3A_2195 : vector<16xf32>
        %sub3A_2236 = arith.subf %get3A_161, %gather3A_2205 : vector<16xf32>
        %mul3A_2237 = arith.mulf %sub3A_2234, %sub3A_2234 : vector<16xf32>
        %mul3A_2238 = arith.mulf %sub3A_2235, %sub3A_2235 : vector<16xf32>
        %add3A_2239 = arith.addf %mul3A_2237, %mul3A_2238 : vector<16xf32>
        %mul3A_2240 = arith.mulf %sub3A_2236, %sub3A_2236 : vector<16xf32>
        %add3A_2241 = arith.addf %add3A_2239, %mul3A_2240 : vector<16xf32>
        %lt3A_2242 = arith.cmpf olt, %add3A_2241, %min3A_2099 : vector<16xf32>
        %min3A_2243 = arith.minimumf %min3A_2099, %add3A_2241 : vector<16xf32>
        %add3A_2244 = arith.constant 12 : i32
        %add3A_2245 = vector.broadcast %add3A_2244 : i32 to vector<16xi32>
        %add3A_2246 = arith.addi %broadcast_in_dim3A_447, %add3A_2245 : vector<16xi32>
        %select_n3A_2247 = arith.select %lt3A_2242, %add3A_2246, %select_n3A_2103 : vector<16xi1>, vector<16xi32>
        %sub3A_2248 = arith.subf %get3A_170, %gather3A_2185 : vector<16xf32>
        %sub3A_2249 = arith.subf %get3A_179, %gather3A_2195 : vector<16xf32>
        %sub3A_2250 = arith.subf %get3A_188, %gather3A_2205 : vector<16xf32>
        %mul3A_2251 = arith.mulf %sub3A_2248, %sub3A_2248 : vector<16xf32>
        %mul3A_2252 = arith.mulf %sub3A_2249, %sub3A_2249 : vector<16xf32>
        %add3A_2253 = arith.addf %mul3A_2251, %mul3A_2252 : vector<16xf32>
        %mul3A_2254 = arith.mulf %sub3A_2250, %sub3A_2250 : vector<16xf32>
        %add3A_2255 = arith.addf %add3A_2253, %mul3A_2254 : vector<16xf32>
        %lt3A_2256 = arith.cmpf olt, %add3A_2255, %min3A_2113 : vector<16xf32>
        %min3A_2257 = arith.minimumf %min3A_2113, %add3A_2255 : vector<16xf32>
        %add3A_2258 = arith.constant 12 : i32
        %add3A_2259 = vector.broadcast %add3A_2258 : i32 to vector<16xi32>
        %add3A_2260 = arith.addi %broadcast_in_dim3A_447, %add3A_2259 : vector<16xi32>
        %select_n3A_2261 = arith.select %lt3A_2256, %add3A_2260, %select_n3A_2117 : vector<16xi1>, vector<16xi32>
        %sub3A_2262 = arith.subf %get3A_197, %gather3A_2185 : vector<16xf32>
        %sub3A_2263 = arith.subf %get3A_206, %gather3A_2195 : vector<16xf32>
        %sub3A_2264 = arith.subf %get3A_215, %gather3A_2205 : vector<16xf32>
        %mul3A_2265 = arith.mulf %sub3A_2262, %sub3A_2262 : vector<16xf32>
        %mul3A_2266 = arith.mulf %sub3A_2263, %sub3A_2263 : vector<16xf32>
        %add3A_2267 = arith.addf %mul3A_2265, %mul3A_2266 : vector<16xf32>
        %mul3A_2268 = arith.mulf %sub3A_2264, %sub3A_2264 : vector<16xf32>
        %add3A_2269 = arith.addf %add3A_2267, %mul3A_2268 : vector<16xf32>
        %lt3A_2270 = arith.cmpf olt, %add3A_2269, %min3A_2127 : vector<16xf32>
        %min3A_2271 = arith.minimumf %min3A_2127, %add3A_2269 : vector<16xf32>
        %add3A_2272 = arith.constant 12 : i32
        %add3A_2273 = vector.broadcast %add3A_2272 : i32 to vector<16xi32>
        %add3A_2274 = arith.addi %broadcast_in_dim3A_447, %add3A_2273 : vector<16xi32>
        %select_n3A_2275 = arith.select %lt3A_2270, %add3A_2274, %select_n3A_2131 : vector<16xi1>, vector<16xi32>
        %sub3A_2276 = arith.subf %get3A_224, %gather3A_2185 : vector<16xf32>
        %sub3A_2277 = arith.subf %get3A_233, %gather3A_2195 : vector<16xf32>
        %sub3A_2278 = arith.subf %get3A_242, %gather3A_2205 : vector<16xf32>
        %mul3A_2279 = arith.mulf %sub3A_2276, %sub3A_2276 : vector<16xf32>
        %mul3A_2280 = arith.mulf %sub3A_2277, %sub3A_2277 : vector<16xf32>
        %add3A_2281 = arith.addf %mul3A_2279, %mul3A_2280 : vector<16xf32>
        %mul3A_2282 = arith.mulf %sub3A_2278, %sub3A_2278 : vector<16xf32>
        %add3A_2283 = arith.addf %add3A_2281, %mul3A_2282 : vector<16xf32>
        %lt3A_2284 = arith.cmpf olt, %add3A_2283, %min3A_2141 : vector<16xf32>
        %min3A_2285 = arith.minimumf %min3A_2141, %add3A_2283 : vector<16xf32>
        %add3A_2286 = arith.constant 12 : i32
        %add3A_2287 = vector.broadcast %add3A_2286 : i32 to vector<16xi32>
        %add3A_2288 = arith.addi %broadcast_in_dim3A_447, %add3A_2287 : vector<16xi32>
        %select_n3A_2289 = arith.select %lt3A_2284, %add3A_2288, %select_n3A_2145 : vector<16xi1>, vector<16xi32>
        %sub3A_2290 = arith.subf %get3A_251, %gather3A_2185 : vector<16xf32>
        %sub3A_2291 = arith.subf %get3A_260, %gather3A_2195 : vector<16xf32>
        %sub3A_2292 = arith.subf %get3A_269, %gather3A_2205 : vector<16xf32>
        %mul3A_2293 = arith.mulf %sub3A_2290, %sub3A_2290 : vector<16xf32>
        %mul3A_2294 = arith.mulf %sub3A_2291, %sub3A_2291 : vector<16xf32>
        %add3A_2295 = arith.addf %mul3A_2293, %mul3A_2294 : vector<16xf32>
        %mul3A_2296 = arith.mulf %sub3A_2292, %sub3A_2292 : vector<16xf32>
        %add3A_2297 = arith.addf %add3A_2295, %mul3A_2296 : vector<16xf32>
        %lt3A_2298 = arith.cmpf olt, %add3A_2297, %min3A_2155 : vector<16xf32>
        %min3A_2299 = arith.minimumf %min3A_2155, %add3A_2297 : vector<16xf32>
        %add3A_2300 = arith.constant 12 : i32
        %add3A_2301 = vector.broadcast %add3A_2300 : i32 to vector<16xi32>
        %add3A_2302 = arith.addi %broadcast_in_dim3A_447, %add3A_2301 : vector<16xi32>
        %select_n3A_2303 = arith.select %lt3A_2298, %add3A_2302, %select_n3A_2159 : vector<16xi1>, vector<16xi32>
        %sub3A_2304 = arith.subf %get3A_278, %gather3A_2185 : vector<16xf32>
        %sub3A_2305 = arith.subf %get3A_287, %gather3A_2195 : vector<16xf32>
        %sub3A_2306 = arith.subf %get3A_296, %gather3A_2205 : vector<16xf32>
        %mul3A_2307 = arith.mulf %sub3A_2304, %sub3A_2304 : vector<16xf32>
        %mul3A_2308 = arith.mulf %sub3A_2305, %sub3A_2305 : vector<16xf32>
        %add3A_2309 = arith.addf %mul3A_2307, %mul3A_2308 : vector<16xf32>
        %mul3A_2310 = arith.mulf %sub3A_2306, %sub3A_2306 : vector<16xf32>
        %add3A_2311 = arith.addf %add3A_2309, %mul3A_2310 : vector<16xf32>
        %lt3A_2312 = arith.cmpf olt, %add3A_2311, %min3A_2169 : vector<16xf32>
        %min3A_2313 = arith.minimumf %min3A_2169, %add3A_2311 : vector<16xf32>
        %add3A_2314 = arith.constant 12 : i32
        %add3A_2315 = vector.broadcast %add3A_2314 : i32 to vector<16xi32>
        %add3A_2316 = arith.addi %broadcast_in_dim3A_447, %add3A_2315 : vector<16xi32>
        %select_n3A_2317 = arith.select %lt3A_2312, %add3A_2316, %select_n3A_2173 : vector<16xi1>, vector<16xi32>
        %broadcast_in_dim3A_2318 = arith.constant 13 : i32
        %broadcast_in_dim3A_2319 = vector.broadcast %broadcast_in_dim3A_2318 : i32 to vector<16xi32>
        %lt3A_2320 = arith.constant 0 : i32
        %lt3A_2321 = vector.broadcast %lt3A_2320 : i32 to vector<16xi32>
        %lt3A_2322 = arith.cmpi slt, %broadcast_in_dim3A_2319, %lt3A_2321 : vector<16xi32>
        %add3A_2323 = arith.constant 16 : i32
        %add3A_2324 = vector.broadcast %add3A_2323 : i32 to vector<16xi32>
        %add3A_2325 = arith.addi %broadcast_in_dim3A_2319, %add3A_2324 : vector<16xi32>
        %select_n3A_2326 = arith.select %lt3A_2322, %add3A_2325, %broadcast_in_dim3A_2319 : vector<16xi1>, vector<16xi32>
        %broadcast_in_dim3A_2327 = vector.shape_cast %select_n3A_2326 : vector<16xi32> to vector<16x1xi32>
        %gather3A_2328 = vector.shape_cast %broadcast_in_dim3A_2327 : vector<16x1xi32> to vector<16xi32>
        %gather3A_2329 = tpu.dynamic_gather %get3A_434[%gather3A_2328] in [0] : vector<16xf32>, vector<16xi32> -> vector<16xf32>
        %lt3A_2330 = arith.constant 0 : i32
        %lt3A_2331 = vector.broadcast %lt3A_2330 : i32 to vector<16xi32>
        %lt3A_2332 = arith.cmpi slt, %broadcast_in_dim3A_2319, %lt3A_2331 : vector<16xi32>
        %add3A_2333 = arith.constant 16 : i32
        %add3A_2334 = vector.broadcast %add3A_2333 : i32 to vector<16xi32>
        %add3A_2335 = arith.addi %broadcast_in_dim3A_2319, %add3A_2334 : vector<16xi32>
        %select_n3A_2336 = arith.select %lt3A_2332, %add3A_2335, %broadcast_in_dim3A_2319 : vector<16xi1>, vector<16xi32>
        %broadcast_in_dim3A_2337 = vector.shape_cast %select_n3A_2336 : vector<16xi32> to vector<16x1xi32>
        %gather3A_2338 = vector.shape_cast %broadcast_in_dim3A_2337 : vector<16x1xi32> to vector<16xi32>
        %gather3A_2339 = tpu.dynamic_gather %get3A_439[%gather3A_2338] in [0] : vector<16xf32>, vector<16xi32> -> vector<16xf32>
        %lt3A_2340 = arith.constant 0 : i32
        %lt3A_2341 = vector.broadcast %lt3A_2340 : i32 to vector<16xi32>
        %lt3A_2342 = arith.cmpi slt, %broadcast_in_dim3A_2319, %lt3A_2341 : vector<16xi32>
        %add3A_2343 = arith.constant 16 : i32
        %add3A_2344 = vector.broadcast %add3A_2343 : i32 to vector<16xi32>
        %add3A_2345 = arith.addi %broadcast_in_dim3A_2319, %add3A_2344 : vector<16xi32>
        %select_n3A_2346 = arith.select %lt3A_2342, %add3A_2345, %broadcast_in_dim3A_2319 : vector<16xi1>, vector<16xi32>
        %broadcast_in_dim3A_2347 = vector.shape_cast %select_n3A_2346 : vector<16xi32> to vector<16x1xi32>
        %gather3A_2348 = vector.shape_cast %broadcast_in_dim3A_2347 : vector<16x1xi32> to vector<16xi32>
        %gather3A_2349 = tpu.dynamic_gather %get3A_444[%gather3A_2348] in [0] : vector<16xf32>, vector<16xi32> -> vector<16xf32>
        %sub3A_2350 = arith.subf %get3A_89, %gather3A_2329 : vector<16xf32>
        %sub3A_2351 = arith.subf %get3A_98, %gather3A_2339 : vector<16xf32>
        %sub3A_2352 = arith.subf %get3A_107, %gather3A_2349 : vector<16xf32>
        %mul3A_2353 = arith.mulf %sub3A_2350, %sub3A_2350 : vector<16xf32>
        %mul3A_2354 = arith.mulf %sub3A_2351, %sub3A_2351 : vector<16xf32>
        %add3A_2355 = arith.addf %mul3A_2353, %mul3A_2354 : vector<16xf32>
        %mul3A_2356 = arith.mulf %sub3A_2352, %sub3A_2352 : vector<16xf32>
        %add3A_2357 = arith.addf %add3A_2355, %mul3A_2356 : vector<16xf32>
        %lt3A_2358 = arith.cmpf olt, %add3A_2357, %min3A_2215 : vector<16xf32>
        %min3A_2359 = arith.minimumf %min3A_2215, %add3A_2357 : vector<16xf32>
        %add3A_2360 = arith.constant 13 : i32
        %add3A_2361 = vector.broadcast %add3A_2360 : i32 to vector<16xi32>
        %add3A_2362 = arith.addi %broadcast_in_dim3A_447, %add3A_2361 : vector<16xi32>
        %select_n3A_2363 = arith.select %lt3A_2358, %add3A_2362, %select_n3A_2219 : vector<16xi1>, vector<16xi32>
        %sub3A_2364 = arith.subf %get3A_116, %gather3A_2329 : vector<16xf32>
        %sub3A_2365 = arith.subf %get3A_125, %gather3A_2339 : vector<16xf32>
        %sub3A_2366 = arith.subf %get3A_134, %gather3A_2349 : vector<16xf32>
        %mul3A_2367 = arith.mulf %sub3A_2364, %sub3A_2364 : vector<16xf32>
        %mul3A_2368 = arith.mulf %sub3A_2365, %sub3A_2365 : vector<16xf32>
        %add3A_2369 = arith.addf %mul3A_2367, %mul3A_2368 : vector<16xf32>
        %mul3A_2370 = arith.mulf %sub3A_2366, %sub3A_2366 : vector<16xf32>
        %add3A_2371 = arith.addf %add3A_2369, %mul3A_2370 : vector<16xf32>
        %lt3A_2372 = arith.cmpf olt, %add3A_2371, %min3A_2229 : vector<16xf32>
        %min3A_2373 = arith.minimumf %min3A_2229, %add3A_2371 : vector<16xf32>
        %add3A_2374 = arith.constant 13 : i32
        %add3A_2375 = vector.broadcast %add3A_2374 : i32 to vector<16xi32>
        %add3A_2376 = arith.addi %broadcast_in_dim3A_447, %add3A_2375 : vector<16xi32>
        %select_n3A_2377 = arith.select %lt3A_2372, %add3A_2376, %select_n3A_2233 : vector<16xi1>, vector<16xi32>
        %sub3A_2378 = arith.subf %get3A_143, %gather3A_2329 : vector<16xf32>
        %sub3A_2379 = arith.subf %get3A_152, %gather3A_2339 : vector<16xf32>
        %sub3A_2380 = arith.subf %get3A_161, %gather3A_2349 : vector<16xf32>
        %mul3A_2381 = arith.mulf %sub3A_2378, %sub3A_2378 : vector<16xf32>
        %mul3A_2382 = arith.mulf %sub3A_2379, %sub3A_2379 : vector<16xf32>
        %add3A_2383 = arith.addf %mul3A_2381, %mul3A_2382 : vector<16xf32>
        %mul3A_2384 = arith.mulf %sub3A_2380, %sub3A_2380 : vector<16xf32>
        %add3A_2385 = arith.addf %add3A_2383, %mul3A_2384 : vector<16xf32>
        %lt3A_2386 = arith.cmpf olt, %add3A_2385, %min3A_2243 : vector<16xf32>
        %min3A_2387 = arith.minimumf %min3A_2243, %add3A_2385 : vector<16xf32>
        %add3A_2388 = arith.constant 13 : i32
        %add3A_2389 = vector.broadcast %add3A_2388 : i32 to vector<16xi32>
        %add3A_2390 = arith.addi %broadcast_in_dim3A_447, %add3A_2389 : vector<16xi32>
        %select_n3A_2391 = arith.select %lt3A_2386, %add3A_2390, %select_n3A_2247 : vector<16xi1>, vector<16xi32>
        %sub3A_2392 = arith.subf %get3A_170, %gather3A_2329 : vector<16xf32>
        %sub3A_2393 = arith.subf %get3A_179, %gather3A_2339 : vector<16xf32>
        %sub3A_2394 = arith.subf %get3A_188, %gather3A_2349 : vector<16xf32>
        %mul3A_2395 = arith.mulf %sub3A_2392, %sub3A_2392 : vector<16xf32>
        %mul3A_2396 = arith.mulf %sub3A_2393, %sub3A_2393 : vector<16xf32>
        %add3A_2397 = arith.addf %mul3A_2395, %mul3A_2396 : vector<16xf32>
        %mul3A_2398 = arith.mulf %sub3A_2394, %sub3A_2394 : vector<16xf32>
        %add3A_2399 = arith.addf %add3A_2397, %mul3A_2398 : vector<16xf32>
        %lt3A_2400 = arith.cmpf olt, %add3A_2399, %min3A_2257 : vector<16xf32>
        %min3A_2401 = arith.minimumf %min3A_2257, %add3A_2399 : vector<16xf32>
        %add3A_2402 = arith.constant 13 : i32
        %add3A_2403 = vector.broadcast %add3A_2402 : i32 to vector<16xi32>
        %add3A_2404 = arith.addi %broadcast_in_dim3A_447, %add3A_2403 : vector<16xi32>
        %select_n3A_2405 = arith.select %lt3A_2400, %add3A_2404, %select_n3A_2261 : vector<16xi1>, vector<16xi32>
        %sub3A_2406 = arith.subf %get3A_197, %gather3A_2329 : vector<16xf32>
        %sub3A_2407 = arith.subf %get3A_206, %gather3A_2339 : vector<16xf32>
        %sub3A_2408 = arith.subf %get3A_215, %gather3A_2349 : vector<16xf32>
        %mul3A_2409 = arith.mulf %sub3A_2406, %sub3A_2406 : vector<16xf32>
        %mul3A_2410 = arith.mulf %sub3A_2407, %sub3A_2407 : vector<16xf32>
        %add3A_2411 = arith.addf %mul3A_2409, %mul3A_2410 : vector<16xf32>
        %mul3A_2412 = arith.mulf %sub3A_2408, %sub3A_2408 : vector<16xf32>
        %add3A_2413 = arith.addf %add3A_2411, %mul3A_2412 : vector<16xf32>
        %lt3A_2414 = arith.cmpf olt, %add3A_2413, %min3A_2271 : vector<16xf32>
        %min3A_2415 = arith.minimumf %min3A_2271, %add3A_2413 : vector<16xf32>
        %add3A_2416 = arith.constant 13 : i32
        %add3A_2417 = vector.broadcast %add3A_2416 : i32 to vector<16xi32>
        %add3A_2418 = arith.addi %broadcast_in_dim3A_447, %add3A_2417 : vector<16xi32>
        %select_n3A_2419 = arith.select %lt3A_2414, %add3A_2418, %select_n3A_2275 : vector<16xi1>, vector<16xi32>
        %sub3A_2420 = arith.subf %get3A_224, %gather3A_2329 : vector<16xf32>
        %sub3A_2421 = arith.subf %get3A_233, %gather3A_2339 : vector<16xf32>
        %sub3A_2422 = arith.subf %get3A_242, %gather3A_2349 : vector<16xf32>
        %mul3A_2423 = arith.mulf %sub3A_2420, %sub3A_2420 : vector<16xf32>
        %mul3A_2424 = arith.mulf %sub3A_2421, %sub3A_2421 : vector<16xf32>
        %add3A_2425 = arith.addf %mul3A_2423, %mul3A_2424 : vector<16xf32>
        %mul3A_2426 = arith.mulf %sub3A_2422, %sub3A_2422 : vector<16xf32>
        %add3A_2427 = arith.addf %add3A_2425, %mul3A_2426 : vector<16xf32>
        %lt3A_2428 = arith.cmpf olt, %add3A_2427, %min3A_2285 : vector<16xf32>
        %min3A_2429 = arith.minimumf %min3A_2285, %add3A_2427 : vector<16xf32>
        %add3A_2430 = arith.constant 13 : i32
        %add3A_2431 = vector.broadcast %add3A_2430 : i32 to vector<16xi32>
        %add3A_2432 = arith.addi %broadcast_in_dim3A_447, %add3A_2431 : vector<16xi32>
        %select_n3A_2433 = arith.select %lt3A_2428, %add3A_2432, %select_n3A_2289 : vector<16xi1>, vector<16xi32>
        %sub3A_2434 = arith.subf %get3A_251, %gather3A_2329 : vector<16xf32>
        %sub3A_2435 = arith.subf %get3A_260, %gather3A_2339 : vector<16xf32>
        %sub3A_2436 = arith.subf %get3A_269, %gather3A_2349 : vector<16xf32>
        %mul3A_2437 = arith.mulf %sub3A_2434, %sub3A_2434 : vector<16xf32>
        %mul3A_2438 = arith.mulf %sub3A_2435, %sub3A_2435 : vector<16xf32>
        %add3A_2439 = arith.addf %mul3A_2437, %mul3A_2438 : vector<16xf32>
        %mul3A_2440 = arith.mulf %sub3A_2436, %sub3A_2436 : vector<16xf32>
        %add3A_2441 = arith.addf %add3A_2439, %mul3A_2440 : vector<16xf32>
        %lt3A_2442 = arith.cmpf olt, %add3A_2441, %min3A_2299 : vector<16xf32>
        %min3A_2443 = arith.minimumf %min3A_2299, %add3A_2441 : vector<16xf32>
        %add3A_2444 = arith.constant 13 : i32
        %add3A_2445 = vector.broadcast %add3A_2444 : i32 to vector<16xi32>
        %add3A_2446 = arith.addi %broadcast_in_dim3A_447, %add3A_2445 : vector<16xi32>
        %select_n3A_2447 = arith.select %lt3A_2442, %add3A_2446, %select_n3A_2303 : vector<16xi1>, vector<16xi32>
        %sub3A_2448 = arith.subf %get3A_278, %gather3A_2329 : vector<16xf32>
        %sub3A_2449 = arith.subf %get3A_287, %gather3A_2339 : vector<16xf32>
        %sub3A_2450 = arith.subf %get3A_296, %gather3A_2349 : vector<16xf32>
        %mul3A_2451 = arith.mulf %sub3A_2448, %sub3A_2448 : vector<16xf32>
        %mul3A_2452 = arith.mulf %sub3A_2449, %sub3A_2449 : vector<16xf32>
        %add3A_2453 = arith.addf %mul3A_2451, %mul3A_2452 : vector<16xf32>
        %mul3A_2454 = arith.mulf %sub3A_2450, %sub3A_2450 : vector<16xf32>
        %add3A_2455 = arith.addf %add3A_2453, %mul3A_2454 : vector<16xf32>
        %lt3A_2456 = arith.cmpf olt, %add3A_2455, %min3A_2313 : vector<16xf32>
        %min3A_2457 = arith.minimumf %min3A_2313, %add3A_2455 : vector<16xf32>
        %add3A_2458 = arith.constant 13 : i32
        %add3A_2459 = vector.broadcast %add3A_2458 : i32 to vector<16xi32>
        %add3A_2460 = arith.addi %broadcast_in_dim3A_447, %add3A_2459 : vector<16xi32>
        %select_n3A_2461 = arith.select %lt3A_2456, %add3A_2460, %select_n3A_2317 : vector<16xi1>, vector<16xi32>
        %broadcast_in_dim3A_2462 = arith.constant 14 : i32
        %broadcast_in_dim3A_2463 = vector.broadcast %broadcast_in_dim3A_2462 : i32 to vector<16xi32>
        %lt3A_2464 = arith.constant 0 : i32
        %lt3A_2465 = vector.broadcast %lt3A_2464 : i32 to vector<16xi32>
        %lt3A_2466 = arith.cmpi slt, %broadcast_in_dim3A_2463, %lt3A_2465 : vector<16xi32>
        %add3A_2467 = arith.constant 16 : i32
        %add3A_2468 = vector.broadcast %add3A_2467 : i32 to vector<16xi32>
        %add3A_2469 = arith.addi %broadcast_in_dim3A_2463, %add3A_2468 : vector<16xi32>
        %select_n3A_2470 = arith.select %lt3A_2466, %add3A_2469, %broadcast_in_dim3A_2463 : vector<16xi1>, vector<16xi32>
        %broadcast_in_dim3A_2471 = vector.shape_cast %select_n3A_2470 : vector<16xi32> to vector<16x1xi32>
        %gather3A_2472 = vector.shape_cast %broadcast_in_dim3A_2471 : vector<16x1xi32> to vector<16xi32>
        %gather3A_2473 = tpu.dynamic_gather %get3A_434[%gather3A_2472] in [0] : vector<16xf32>, vector<16xi32> -> vector<16xf32>
        %lt3A_2474 = arith.constant 0 : i32
        %lt3A_2475 = vector.broadcast %lt3A_2474 : i32 to vector<16xi32>
        %lt3A_2476 = arith.cmpi slt, %broadcast_in_dim3A_2463, %lt3A_2475 : vector<16xi32>
        %add3A_2477 = arith.constant 16 : i32
        %add3A_2478 = vector.broadcast %add3A_2477 : i32 to vector<16xi32>
        %add3A_2479 = arith.addi %broadcast_in_dim3A_2463, %add3A_2478 : vector<16xi32>
        %select_n3A_2480 = arith.select %lt3A_2476, %add3A_2479, %broadcast_in_dim3A_2463 : vector<16xi1>, vector<16xi32>
        %broadcast_in_dim3A_2481 = vector.shape_cast %select_n3A_2480 : vector<16xi32> to vector<16x1xi32>
        %gather3A_2482 = vector.shape_cast %broadcast_in_dim3A_2481 : vector<16x1xi32> to vector<16xi32>
        %gather3A_2483 = tpu.dynamic_gather %get3A_439[%gather3A_2482] in [0] : vector<16xf32>, vector<16xi32> -> vector<16xf32>
        %lt3A_2484 = arith.constant 0 : i32
        %lt3A_2485 = vector.broadcast %lt3A_2484 : i32 to vector<16xi32>
        %lt3A_2486 = arith.cmpi slt, %broadcast_in_dim3A_2463, %lt3A_2485 : vector<16xi32>
        %add3A_2487 = arith.constant 16 : i32
        %add3A_2488 = vector.broadcast %add3A_2487 : i32 to vector<16xi32>
        %add3A_2489 = arith.addi %broadcast_in_dim3A_2463, %add3A_2488 : vector<16xi32>
        %select_n3A_2490 = arith.select %lt3A_2486, %add3A_2489, %broadcast_in_dim3A_2463 : vector<16xi1>, vector<16xi32>
        %broadcast_in_dim3A_2491 = vector.shape_cast %select_n3A_2490 : vector<16xi32> to vector<16x1xi32>
        %gather3A_2492 = vector.shape_cast %broadcast_in_dim3A_2491 : vector<16x1xi32> to vector<16xi32>
        %gather3A_2493 = tpu.dynamic_gather %get3A_444[%gather3A_2492] in [0] : vector<16xf32>, vector<16xi32> -> vector<16xf32>
        %sub3A_2494 = arith.subf %get3A_89, %gather3A_2473 : vector<16xf32>
        %sub3A_2495 = arith.subf %get3A_98, %gather3A_2483 : vector<16xf32>
        %sub3A_2496 = arith.subf %get3A_107, %gather3A_2493 : vector<16xf32>
        %mul3A_2497 = arith.mulf %sub3A_2494, %sub3A_2494 : vector<16xf32>
        %mul3A_2498 = arith.mulf %sub3A_2495, %sub3A_2495 : vector<16xf32>
        %add3A_2499 = arith.addf %mul3A_2497, %mul3A_2498 : vector<16xf32>
        %mul3A_2500 = arith.mulf %sub3A_2496, %sub3A_2496 : vector<16xf32>
        %add3A_2501 = arith.addf %add3A_2499, %mul3A_2500 : vector<16xf32>
        %lt3A_2502 = arith.cmpf olt, %add3A_2501, %min3A_2359 : vector<16xf32>
        %min3A_2503 = arith.minimumf %min3A_2359, %add3A_2501 : vector<16xf32>
        %add3A_2504 = arith.constant 14 : i32
        %add3A_2505 = vector.broadcast %add3A_2504 : i32 to vector<16xi32>
        %add3A_2506 = arith.addi %broadcast_in_dim3A_447, %add3A_2505 : vector<16xi32>
        %select_n3A_2507 = arith.select %lt3A_2502, %add3A_2506, %select_n3A_2363 : vector<16xi1>, vector<16xi32>
        %sub3A_2508 = arith.subf %get3A_116, %gather3A_2473 : vector<16xf32>
        %sub3A_2509 = arith.subf %get3A_125, %gather3A_2483 : vector<16xf32>
        %sub3A_2510 = arith.subf %get3A_134, %gather3A_2493 : vector<16xf32>
        %mul3A_2511 = arith.mulf %sub3A_2508, %sub3A_2508 : vector<16xf32>
        %mul3A_2512 = arith.mulf %sub3A_2509, %sub3A_2509 : vector<16xf32>
        %add3A_2513 = arith.addf %mul3A_2511, %mul3A_2512 : vector<16xf32>
        %mul3A_2514 = arith.mulf %sub3A_2510, %sub3A_2510 : vector<16xf32>
        %add3A_2515 = arith.addf %add3A_2513, %mul3A_2514 : vector<16xf32>
        %lt3A_2516 = arith.cmpf olt, %add3A_2515, %min3A_2373 : vector<16xf32>
        %min3A_2517 = arith.minimumf %min3A_2373, %add3A_2515 : vector<16xf32>
        %add3A_2518 = arith.constant 14 : i32
        %add3A_2519 = vector.broadcast %add3A_2518 : i32 to vector<16xi32>
        %add3A_2520 = arith.addi %broadcast_in_dim3A_447, %add3A_2519 : vector<16xi32>
        %select_n3A_2521 = arith.select %lt3A_2516, %add3A_2520, %select_n3A_2377 : vector<16xi1>, vector<16xi32>
        %sub3A_2522 = arith.subf %get3A_143, %gather3A_2473 : vector<16xf32>
        %sub3A_2523 = arith.subf %get3A_152, %gather3A_2483 : vector<16xf32>
        %sub3A_2524 = arith.subf %get3A_161, %gather3A_2493 : vector<16xf32>
        %mul3A_2525 = arith.mulf %sub3A_2522, %sub3A_2522 : vector<16xf32>
        %mul3A_2526 = arith.mulf %sub3A_2523, %sub3A_2523 : vector<16xf32>
        %add3A_2527 = arith.addf %mul3A_2525, %mul3A_2526 : vector<16xf32>
        %mul3A_2528 = arith.mulf %sub3A_2524, %sub3A_2524 : vector<16xf32>
        %add3A_2529 = arith.addf %add3A_2527, %mul3A_2528 : vector<16xf32>
        %lt3A_2530 = arith.cmpf olt, %add3A_2529, %min3A_2387 : vector<16xf32>
        %min3A_2531 = arith.minimumf %min3A_2387, %add3A_2529 : vector<16xf32>
        %add3A_2532 = arith.constant 14 : i32
        %add3A_2533 = vector.broadcast %add3A_2532 : i32 to vector<16xi32>
        %add3A_2534 = arith.addi %broadcast_in_dim3A_447, %add3A_2533 : vector<16xi32>
        %select_n3A_2535 = arith.select %lt3A_2530, %add3A_2534, %select_n3A_2391 : vector<16xi1>, vector<16xi32>
        %sub3A_2536 = arith.subf %get3A_170, %gather3A_2473 : vector<16xf32>
        %sub3A_2537 = arith.subf %get3A_179, %gather3A_2483 : vector<16xf32>
        %sub3A_2538 = arith.subf %get3A_188, %gather3A_2493 : vector<16xf32>
        %mul3A_2539 = arith.mulf %sub3A_2536, %sub3A_2536 : vector<16xf32>
        %mul3A_2540 = arith.mulf %sub3A_2537, %sub3A_2537 : vector<16xf32>
        %add3A_2541 = arith.addf %mul3A_2539, %mul3A_2540 : vector<16xf32>
        %mul3A_2542 = arith.mulf %sub3A_2538, %sub3A_2538 : vector<16xf32>
        %add3A_2543 = arith.addf %add3A_2541, %mul3A_2542 : vector<16xf32>
        %lt3A_2544 = arith.cmpf olt, %add3A_2543, %min3A_2401 : vector<16xf32>
        %min3A_2545 = arith.minimumf %min3A_2401, %add3A_2543 : vector<16xf32>
        %add3A_2546 = arith.constant 14 : i32
        %add3A_2547 = vector.broadcast %add3A_2546 : i32 to vector<16xi32>
        %add3A_2548 = arith.addi %broadcast_in_dim3A_447, %add3A_2547 : vector<16xi32>
        %select_n3A_2549 = arith.select %lt3A_2544, %add3A_2548, %select_n3A_2405 : vector<16xi1>, vector<16xi32>
        %sub3A_2550 = arith.subf %get3A_197, %gather3A_2473 : vector<16xf32>
        %sub3A_2551 = arith.subf %get3A_206, %gather3A_2483 : vector<16xf32>
        %sub3A_2552 = arith.subf %get3A_215, %gather3A_2493 : vector<16xf32>
        %mul3A_2553 = arith.mulf %sub3A_2550, %sub3A_2550 : vector<16xf32>
        %mul3A_2554 = arith.mulf %sub3A_2551, %sub3A_2551 : vector<16xf32>
        %add3A_2555 = arith.addf %mul3A_2553, %mul3A_2554 : vector<16xf32>
        %mul3A_2556 = arith.mulf %sub3A_2552, %sub3A_2552 : vector<16xf32>
        %add3A_2557 = arith.addf %add3A_2555, %mul3A_2556 : vector<16xf32>
        %lt3A_2558 = arith.cmpf olt, %add3A_2557, %min3A_2415 : vector<16xf32>
        %min3A_2559 = arith.minimumf %min3A_2415, %add3A_2557 : vector<16xf32>
        %add3A_2560 = arith.constant 14 : i32
        %add3A_2561 = vector.broadcast %add3A_2560 : i32 to vector<16xi32>
        %add3A_2562 = arith.addi %broadcast_in_dim3A_447, %add3A_2561 : vector<16xi32>
        %select_n3A_2563 = arith.select %lt3A_2558, %add3A_2562, %select_n3A_2419 : vector<16xi1>, vector<16xi32>
        %sub3A_2564 = arith.subf %get3A_224, %gather3A_2473 : vector<16xf32>
        %sub3A_2565 = arith.subf %get3A_233, %gather3A_2483 : vector<16xf32>
        %sub3A_2566 = arith.subf %get3A_242, %gather3A_2493 : vector<16xf32>
        %mul3A_2567 = arith.mulf %sub3A_2564, %sub3A_2564 : vector<16xf32>
        %mul3A_2568 = arith.mulf %sub3A_2565, %sub3A_2565 : vector<16xf32>
        %add3A_2569 = arith.addf %mul3A_2567, %mul3A_2568 : vector<16xf32>
        %mul3A_2570 = arith.mulf %sub3A_2566, %sub3A_2566 : vector<16xf32>
        %add3A_2571 = arith.addf %add3A_2569, %mul3A_2570 : vector<16xf32>
        %lt3A_2572 = arith.cmpf olt, %add3A_2571, %min3A_2429 : vector<16xf32>
        %min3A_2573 = arith.minimumf %min3A_2429, %add3A_2571 : vector<16xf32>
        %add3A_2574 = arith.constant 14 : i32
        %add3A_2575 = vector.broadcast %add3A_2574 : i32 to vector<16xi32>
        %add3A_2576 = arith.addi %broadcast_in_dim3A_447, %add3A_2575 : vector<16xi32>
        %select_n3A_2577 = arith.select %lt3A_2572, %add3A_2576, %select_n3A_2433 : vector<16xi1>, vector<16xi32>
        %sub3A_2578 = arith.subf %get3A_251, %gather3A_2473 : vector<16xf32>
        %sub3A_2579 = arith.subf %get3A_260, %gather3A_2483 : vector<16xf32>
        %sub3A_2580 = arith.subf %get3A_269, %gather3A_2493 : vector<16xf32>
        %mul3A_2581 = arith.mulf %sub3A_2578, %sub3A_2578 : vector<16xf32>
        %mul3A_2582 = arith.mulf %sub3A_2579, %sub3A_2579 : vector<16xf32>
        %add3A_2583 = arith.addf %mul3A_2581, %mul3A_2582 : vector<16xf32>
        %mul3A_2584 = arith.mulf %sub3A_2580, %sub3A_2580 : vector<16xf32>
        %add3A_2585 = arith.addf %add3A_2583, %mul3A_2584 : vector<16xf32>
        %lt3A_2586 = arith.cmpf olt, %add3A_2585, %min3A_2443 : vector<16xf32>
        %min3A_2587 = arith.minimumf %min3A_2443, %add3A_2585 : vector<16xf32>
        %add3A_2588 = arith.constant 14 : i32
        %add3A_2589 = vector.broadcast %add3A_2588 : i32 to vector<16xi32>
        %add3A_2590 = arith.addi %broadcast_in_dim3A_447, %add3A_2589 : vector<16xi32>
        %select_n3A_2591 = arith.select %lt3A_2586, %add3A_2590, %select_n3A_2447 : vector<16xi1>, vector<16xi32>
        %sub3A_2592 = arith.subf %get3A_278, %gather3A_2473 : vector<16xf32>
        %sub3A_2593 = arith.subf %get3A_287, %gather3A_2483 : vector<16xf32>
        %sub3A_2594 = arith.subf %get3A_296, %gather3A_2493 : vector<16xf32>
        %mul3A_2595 = arith.mulf %sub3A_2592, %sub3A_2592 : vector<16xf32>
        %mul3A_2596 = arith.mulf %sub3A_2593, %sub3A_2593 : vector<16xf32>
        %add3A_2597 = arith.addf %mul3A_2595, %mul3A_2596 : vector<16xf32>
        %mul3A_2598 = arith.mulf %sub3A_2594, %sub3A_2594 : vector<16xf32>
        %add3A_2599 = arith.addf %add3A_2597, %mul3A_2598 : vector<16xf32>
        %lt3A_2600 = arith.cmpf olt, %add3A_2599, %min3A_2457 : vector<16xf32>
        %min3A_2601 = arith.minimumf %min3A_2457, %add3A_2599 : vector<16xf32>
        %add3A_2602 = arith.constant 14 : i32
        %add3A_2603 = vector.broadcast %add3A_2602 : i32 to vector<16xi32>
        %add3A_2604 = arith.addi %broadcast_in_dim3A_447, %add3A_2603 : vector<16xi32>
        %select_n3A_2605 = arith.select %lt3A_2600, %add3A_2604, %select_n3A_2461 : vector<16xi1>, vector<16xi32>
        %broadcast_in_dim3A_2606 = arith.constant 15 : i32
        %broadcast_in_dim3A_2607 = vector.broadcast %broadcast_in_dim3A_2606 : i32 to vector<16xi32>
        %lt3A_2608 = arith.constant 0 : i32
        %lt3A_2609 = vector.broadcast %lt3A_2608 : i32 to vector<16xi32>
        %lt3A_2610 = arith.cmpi slt, %broadcast_in_dim3A_2607, %lt3A_2609 : vector<16xi32>
        %add3A_2611 = arith.constant 16 : i32
        %add3A_2612 = vector.broadcast %add3A_2611 : i32 to vector<16xi32>
        %add3A_2613 = arith.addi %broadcast_in_dim3A_2607, %add3A_2612 : vector<16xi32>
        %select_n3A_2614 = arith.select %lt3A_2610, %add3A_2613, %broadcast_in_dim3A_2607 : vector<16xi1>, vector<16xi32>
        %broadcast_in_dim3A_2615 = vector.shape_cast %select_n3A_2614 : vector<16xi32> to vector<16x1xi32>
        %gather3A_2616 = vector.shape_cast %broadcast_in_dim3A_2615 : vector<16x1xi32> to vector<16xi32>
        %gather3A_2617 = tpu.dynamic_gather %get3A_434[%gather3A_2616] in [0] : vector<16xf32>, vector<16xi32> -> vector<16xf32>
        %lt3A_2618 = arith.constant 0 : i32
        %lt3A_2619 = vector.broadcast %lt3A_2618 : i32 to vector<16xi32>
        %lt3A_2620 = arith.cmpi slt, %broadcast_in_dim3A_2607, %lt3A_2619 : vector<16xi32>
        %add3A_2621 = arith.constant 16 : i32
        %add3A_2622 = vector.broadcast %add3A_2621 : i32 to vector<16xi32>
        %add3A_2623 = arith.addi %broadcast_in_dim3A_2607, %add3A_2622 : vector<16xi32>
        %select_n3A_2624 = arith.select %lt3A_2620, %add3A_2623, %broadcast_in_dim3A_2607 : vector<16xi1>, vector<16xi32>
        %broadcast_in_dim3A_2625 = vector.shape_cast %select_n3A_2624 : vector<16xi32> to vector<16x1xi32>
        %gather3A_2626 = vector.shape_cast %broadcast_in_dim3A_2625 : vector<16x1xi32> to vector<16xi32>
        %gather3A_2627 = tpu.dynamic_gather %get3A_439[%gather3A_2626] in [0] : vector<16xf32>, vector<16xi32> -> vector<16xf32>
        %lt3A_2628 = arith.constant 0 : i32
        %lt3A_2629 = vector.broadcast %lt3A_2628 : i32 to vector<16xi32>
        %lt3A_2630 = arith.cmpi slt, %broadcast_in_dim3A_2607, %lt3A_2629 : vector<16xi32>
        %add3A_2631 = arith.constant 16 : i32
        %add3A_2632 = vector.broadcast %add3A_2631 : i32 to vector<16xi32>
        %add3A_2633 = arith.addi %broadcast_in_dim3A_2607, %add3A_2632 : vector<16xi32>
        %select_n3A_2634 = arith.select %lt3A_2630, %add3A_2633, %broadcast_in_dim3A_2607 : vector<16xi1>, vector<16xi32>
        %broadcast_in_dim3A_2635 = vector.shape_cast %select_n3A_2634 : vector<16xi32> to vector<16x1xi32>
        %gather3A_2636 = vector.shape_cast %broadcast_in_dim3A_2635 : vector<16x1xi32> to vector<16xi32>
        %gather3A_2637 = tpu.dynamic_gather %get3A_444[%gather3A_2636] in [0] : vector<16xf32>, vector<16xi32> -> vector<16xf32>
        %sub3A_2638 = arith.subf %get3A_89, %gather3A_2617 : vector<16xf32>
        %sub3A_2639 = arith.subf %get3A_98, %gather3A_2627 : vector<16xf32>
        %sub3A_2640 = arith.subf %get3A_107, %gather3A_2637 : vector<16xf32>
        %mul3A_2641 = arith.mulf %sub3A_2638, %sub3A_2638 : vector<16xf32>
        %mul3A_2642 = arith.mulf %sub3A_2639, %sub3A_2639 : vector<16xf32>
        %add3A_2643 = arith.addf %mul3A_2641, %mul3A_2642 : vector<16xf32>
        %mul3A_2644 = arith.mulf %sub3A_2640, %sub3A_2640 : vector<16xf32>
        %add3A_2645 = arith.addf %add3A_2643, %mul3A_2644 : vector<16xf32>
        %lt3A_2646 = arith.cmpf olt, %add3A_2645, %min3A_2503 : vector<16xf32>
        %min3A_2647 = arith.minimumf %min3A_2503, %add3A_2645 : vector<16xf32>
        %add3A_2648 = arith.constant 15 : i32
        %add3A_2649 = vector.broadcast %add3A_2648 : i32 to vector<16xi32>
        %add3A_2650 = arith.addi %broadcast_in_dim3A_447, %add3A_2649 : vector<16xi32>
        %select_n3A_2651 = arith.select %lt3A_2646, %add3A_2650, %select_n3A_2507 : vector<16xi1>, vector<16xi32>
        %sub3A_2652 = arith.subf %get3A_116, %gather3A_2617 : vector<16xf32>
        %sub3A_2653 = arith.subf %get3A_125, %gather3A_2627 : vector<16xf32>
        %sub3A_2654 = arith.subf %get3A_134, %gather3A_2637 : vector<16xf32>
        %mul3A_2655 = arith.mulf %sub3A_2652, %sub3A_2652 : vector<16xf32>
        %mul3A_2656 = arith.mulf %sub3A_2653, %sub3A_2653 : vector<16xf32>
        %add3A_2657 = arith.addf %mul3A_2655, %mul3A_2656 : vector<16xf32>
        %mul3A_2658 = arith.mulf %sub3A_2654, %sub3A_2654 : vector<16xf32>
        %add3A_2659 = arith.addf %add3A_2657, %mul3A_2658 : vector<16xf32>
        %lt3A_2660 = arith.cmpf olt, %add3A_2659, %min3A_2517 : vector<16xf32>
        %min3A_2661 = arith.minimumf %min3A_2517, %add3A_2659 : vector<16xf32>
        %add3A_2662 = arith.constant 15 : i32
        %add3A_2663 = vector.broadcast %add3A_2662 : i32 to vector<16xi32>
        %add3A_2664 = arith.addi %broadcast_in_dim3A_447, %add3A_2663 : vector<16xi32>
        %select_n3A_2665 = arith.select %lt3A_2660, %add3A_2664, %select_n3A_2521 : vector<16xi1>, vector<16xi32>
        %sub3A_2666 = arith.subf %get3A_143, %gather3A_2617 : vector<16xf32>
        %sub3A_2667 = arith.subf %get3A_152, %gather3A_2627 : vector<16xf32>
        %sub3A_2668 = arith.subf %get3A_161, %gather3A_2637 : vector<16xf32>
        %mul3A_2669 = arith.mulf %sub3A_2666, %sub3A_2666 : vector<16xf32>
        %mul3A_2670 = arith.mulf %sub3A_2667, %sub3A_2667 : vector<16xf32>
        %add3A_2671 = arith.addf %mul3A_2669, %mul3A_2670 : vector<16xf32>
        %mul3A_2672 = arith.mulf %sub3A_2668, %sub3A_2668 : vector<16xf32>
        %add3A_2673 = arith.addf %add3A_2671, %mul3A_2672 : vector<16xf32>
        %lt3A_2674 = arith.cmpf olt, %add3A_2673, %min3A_2531 : vector<16xf32>
        %min3A_2675 = arith.minimumf %min3A_2531, %add3A_2673 : vector<16xf32>
        %add3A_2676 = arith.constant 15 : i32
        %add3A_2677 = vector.broadcast %add3A_2676 : i32 to vector<16xi32>
        %add3A_2678 = arith.addi %broadcast_in_dim3A_447, %add3A_2677 : vector<16xi32>
        %select_n3A_2679 = arith.select %lt3A_2674, %add3A_2678, %select_n3A_2535 : vector<16xi1>, vector<16xi32>
        %sub3A_2680 = arith.subf %get3A_170, %gather3A_2617 : vector<16xf32>
        %sub3A_2681 = arith.subf %get3A_179, %gather3A_2627 : vector<16xf32>
        %sub3A_2682 = arith.subf %get3A_188, %gather3A_2637 : vector<16xf32>
        %mul3A_2683 = arith.mulf %sub3A_2680, %sub3A_2680 : vector<16xf32>
        %mul3A_2684 = arith.mulf %sub3A_2681, %sub3A_2681 : vector<16xf32>
        %add3A_2685 = arith.addf %mul3A_2683, %mul3A_2684 : vector<16xf32>
        %mul3A_2686 = arith.mulf %sub3A_2682, %sub3A_2682 : vector<16xf32>
        %add3A_2687 = arith.addf %add3A_2685, %mul3A_2686 : vector<16xf32>
        %lt3A_2688 = arith.cmpf olt, %add3A_2687, %min3A_2545 : vector<16xf32>
        %min3A_2689 = arith.minimumf %min3A_2545, %add3A_2687 : vector<16xf32>
        %add3A_2690 = arith.constant 15 : i32
        %add3A_2691 = vector.broadcast %add3A_2690 : i32 to vector<16xi32>
        %add3A_2692 = arith.addi %broadcast_in_dim3A_447, %add3A_2691 : vector<16xi32>
        %select_n3A_2693 = arith.select %lt3A_2688, %add3A_2692, %select_n3A_2549 : vector<16xi1>, vector<16xi32>
        %sub3A_2694 = arith.subf %get3A_197, %gather3A_2617 : vector<16xf32>
        %sub3A_2695 = arith.subf %get3A_206, %gather3A_2627 : vector<16xf32>
        %sub3A_2696 = arith.subf %get3A_215, %gather3A_2637 : vector<16xf32>
        %mul3A_2697 = arith.mulf %sub3A_2694, %sub3A_2694 : vector<16xf32>
        %mul3A_2698 = arith.mulf %sub3A_2695, %sub3A_2695 : vector<16xf32>
        %add3A_2699 = arith.addf %mul3A_2697, %mul3A_2698 : vector<16xf32>
        %mul3A_2700 = arith.mulf %sub3A_2696, %sub3A_2696 : vector<16xf32>
        %add3A_2701 = arith.addf %add3A_2699, %mul3A_2700 : vector<16xf32>
        %lt3A_2702 = arith.cmpf olt, %add3A_2701, %min3A_2559 : vector<16xf32>
        %min3A_2703 = arith.minimumf %min3A_2559, %add3A_2701 : vector<16xf32>
        %add3A_2704 = arith.constant 15 : i32
        %add3A_2705 = vector.broadcast %add3A_2704 : i32 to vector<16xi32>
        %add3A_2706 = arith.addi %broadcast_in_dim3A_447, %add3A_2705 : vector<16xi32>
        %select_n3A_2707 = arith.select %lt3A_2702, %add3A_2706, %select_n3A_2563 : vector<16xi1>, vector<16xi32>
        %sub3A_2708 = arith.subf %get3A_224, %gather3A_2617 : vector<16xf32>
        %sub3A_2709 = arith.subf %get3A_233, %gather3A_2627 : vector<16xf32>
        %sub3A_2710 = arith.subf %get3A_242, %gather3A_2637 : vector<16xf32>
        %mul3A_2711 = arith.mulf %sub3A_2708, %sub3A_2708 : vector<16xf32>
        %mul3A_2712 = arith.mulf %sub3A_2709, %sub3A_2709 : vector<16xf32>
        %add3A_2713 = arith.addf %mul3A_2711, %mul3A_2712 : vector<16xf32>
        %mul3A_2714 = arith.mulf %sub3A_2710, %sub3A_2710 : vector<16xf32>
        %add3A_2715 = arith.addf %add3A_2713, %mul3A_2714 : vector<16xf32>
        %lt3A_2716 = arith.cmpf olt, %add3A_2715, %min3A_2573 : vector<16xf32>
        %min3A_2717 = arith.minimumf %min3A_2573, %add3A_2715 : vector<16xf32>
        %add3A_2718 = arith.constant 15 : i32
        %add3A_2719 = vector.broadcast %add3A_2718 : i32 to vector<16xi32>
        %add3A_2720 = arith.addi %broadcast_in_dim3A_447, %add3A_2719 : vector<16xi32>
        %select_n3A_2721 = arith.select %lt3A_2716, %add3A_2720, %select_n3A_2577 : vector<16xi1>, vector<16xi32>
        %sub3A_2722 = arith.subf %get3A_251, %gather3A_2617 : vector<16xf32>
        %sub3A_2723 = arith.subf %get3A_260, %gather3A_2627 : vector<16xf32>
        %sub3A_2724 = arith.subf %get3A_269, %gather3A_2637 : vector<16xf32>
        %mul3A_2725 = arith.mulf %sub3A_2722, %sub3A_2722 : vector<16xf32>
        %mul3A_2726 = arith.mulf %sub3A_2723, %sub3A_2723 : vector<16xf32>
        %add3A_2727 = arith.addf %mul3A_2725, %mul3A_2726 : vector<16xf32>
        %mul3A_2728 = arith.mulf %sub3A_2724, %sub3A_2724 : vector<16xf32>
        %add3A_2729 = arith.addf %add3A_2727, %mul3A_2728 : vector<16xf32>
        %lt3A_2730 = arith.cmpf olt, %add3A_2729, %min3A_2587 : vector<16xf32>
        %min3A_2731 = arith.minimumf %min3A_2587, %add3A_2729 : vector<16xf32>
        %add3A_2732 = arith.constant 15 : i32
        %add3A_2733 = vector.broadcast %add3A_2732 : i32 to vector<16xi32>
        %add3A_2734 = arith.addi %broadcast_in_dim3A_447, %add3A_2733 : vector<16xi32>
        %select_n3A_2735 = arith.select %lt3A_2730, %add3A_2734, %select_n3A_2591 : vector<16xi1>, vector<16xi32>
        %sub3A_2736 = arith.subf %get3A_278, %gather3A_2617 : vector<16xf32>
        %sub3A_2737 = arith.subf %get3A_287, %gather3A_2627 : vector<16xf32>
        %sub3A_2738 = arith.subf %get3A_296, %gather3A_2637 : vector<16xf32>
        %mul3A_2739 = arith.mulf %sub3A_2736, %sub3A_2736 : vector<16xf32>
        %mul3A_2740 = arith.mulf %sub3A_2737, %sub3A_2737 : vector<16xf32>
        %add3A_2741 = arith.addf %mul3A_2739, %mul3A_2740 : vector<16xf32>
        %mul3A_2742 = arith.mulf %sub3A_2738, %sub3A_2738 : vector<16xf32>
        %add3A_2743 = arith.addf %add3A_2741, %mul3A_2742 : vector<16xf32>
        %lt3A_2744 = arith.cmpf olt, %add3A_2743, %min3A_2601 : vector<16xf32>
        %min3A_2745 = arith.minimumf %min3A_2601, %add3A_2743 : vector<16xf32>
        %add3A_2746 = arith.constant 15 : i32
        %add3A_2747 = vector.broadcast %add3A_2746 : i32 to vector<16xi32>
        %add3A_2748 = arith.addi %broadcast_in_dim3A_447, %add3A_2747 : vector<16xi32>
        %select_n3A_2749 = arith.select %lt3A_2744, %add3A_2748, %select_n3A_2605 : vector<16xi1>, vector<16xi32>
        scf.yield %min3A_2647, %select_n3A_2651, %min3A_2661, %select_n3A_2665, %min3A_2675, %select_n3A_2679, %min3A_2689, %select_n3A_2693, %min3A_2703, %select_n3A_2707, %min3A_2717, %select_n3A_2721, %min3A_2731, %select_n3A_2735, %min3A_2745, %select_n3A_2749 : vector<16xf32>, vector<16xi32>, vector<16xf32>, vector<16xi32>, vector<16xf32>, vector<16xi32>, vector<16xf32>, vector<16xi32>, vector<16xf32>, vector<16xi32>, vector<16xf32>, vector<16xi32>, vector<16xf32>, vector<16xi32>, vector<16xf32>, vector<16xi32>
      }
      %scan3A_333 = arith.constant 512 : i32
      %mul3A_334 = arith.constant 8 : i32
      %mul3A_335 = arith.muli %scan3A_81, %mul3A_334 : i32
      %add3A_336 = arith.constant 0 : i32
      %add3A_337 = arith.addi %mul3A_335, %add3A_336 : i32
      %mul3A_338 = arith.constant 16 : i32
      %mul3A_339 = arith.muli %add3A_337, %mul3A_338 : i32
      %swap3A = arith.index_cast %mul3A_339 : i32 to index
      %swap3A_340 = tpu.vector_load %arg11[%swap3A] {strides = array<i32>} : memref<256xi32, #tpu.memory_space<vmem>>, vector<16xi32>,
      %swap3A_341 = vector.shape_cast %swap3A_340 : vector<16xi32> to vector<16xi32>
      %swap3A_342 = vector.shape_cast %scan3A_332#1 : vector<16xi32> to vector<16xi32>
      tpu.vector_store %arg11[%swap3A], %swap3A_342 {strides = array<i32>} : memref<256xi32, #tpu.memory_space<vmem>>, vector<16xi32>,
      %mul3A_343 = arith.constant 8 : i32
      %mul3A_344 = arith.muli %scan3A_81, %mul3A_343 : i32
      %add3A_345 = arith.constant 1 : i32
      %add3A_346 = arith.addi %mul3A_344, %add3A_345 : i32
      %mul3A_347 = arith.constant 16 : i32
      %mul3A_348 = arith.muli %add3A_346, %mul3A_347 : i32
      %swap3A_349 = arith.index_cast %mul3A_348 : i32 to index
      %swap3A_350 = tpu.vector_load %arg11[%swap3A_349] {strides = array<i32>} : memref<256xi32, #tpu.memory_space<vmem>>, vector<16xi32>,
      %swap3A_351 = vector.shape_cast %swap3A_350 : vector<16xi32> to vector<16xi32>
      %swap3A_352 = vector.shape_cast %scan3A_332#3 : vector<16xi32> to vector<16xi32>
      tpu.vector_store %arg11[%swap3A_349], %swap3A_352 {strides = array<i32>} : memref<256xi32, #tpu.memory_space<vmem>>, vector<16xi32>,
      %mul3A_353 = arith.constant 8 : i32
      %mul3A_354 = arith.muli %scan3A_81, %mul3A_353 : i32
      %add3A_355 = arith.constant 2 : i32
      %add3A_356 = arith.addi %mul3A_354, %add3A_355 : i32
      %mul3A_357 = arith.constant 16 : i32
      %mul3A_358 = arith.muli %add3A_356, %mul3A_357 : i32
      %swap3A_359 = arith.index_cast %mul3A_358 : i32 to index
      %swap3A_360 = tpu.vector_load %arg11[%swap3A_359] {strides = array<i32>} : memref<256xi32, #tpu.memory_space<vmem>>, vector<16xi32>,
      %swap3A_361 = vector.shape_cast %swap3A_360 : vector<16xi32> to vector<16xi32>
      %swap3A_362 = vector.shape_cast %scan3A_332#5 : vector<16xi32> to vector<16xi32>
      tpu.vector_store %arg11[%swap3A_359], %swap3A_362 {strides = array<i32>} : memref<256xi32, #tpu.memory_space<vmem>>, vector<16xi32>,
      %mul3A_363 = arith.constant 8 : i32
      %mul3A_364 = arith.muli %scan3A_81, %mul3A_363 : i32
      %add3A_365 = arith.constant 3 : i32
      %add3A_366 = arith.addi %mul3A_364, %add3A_365 : i32
      %mul3A_367 = arith.constant 16 : i32
      %mul3A_368 = arith.muli %add3A_366, %mul3A_367 : i32
      %swap3A_369 = arith.index_cast %mul3A_368 : i32 to index
      %swap3A_370 = tpu.vector_load %arg11[%swap3A_369] {strides = array<i32>} : memref<256xi32, #tpu.memory_space<vmem>>, vector<16xi32>,
      %swap3A_371 = vector.shape_cast %swap3A_370 : vector<16xi32> to vector<16xi32>
      %swap3A_372 = vector.shape_cast %scan3A_332#7 : vector<16xi32> to vector<16xi32>
      tpu.vector_store %arg11[%swap3A_369], %swap3A_372 {strides = array<i32>} : memref<256xi32, #tpu.memory_space<vmem>>, vector<16xi32>,
      %mul3A_373 = arith.constant 8 : i32
      %mul3A_374 = arith.muli %scan3A_81, %mul3A_373 : i32
      %add3A_375 = arith.constant 4 : i32
      %add3A_376 = arith.addi %mul3A_374, %add3A_375 : i32
      %mul3A_377 = arith.constant 16 : i32
      %mul3A_378 = arith.muli %add3A_376, %mul3A_377 : i32
      %swap3A_379 = arith.index_cast %mul3A_378 : i32 to index
      %swap3A_380 = tpu.vector_load %arg11[%swap3A_379] {strides = array<i32>} : memref<256xi32, #tpu.memory_space<vmem>>, vector<16xi32>,
      %swap3A_381 = vector.shape_cast %swap3A_380 : vector<16xi32> to vector<16xi32>
      %swap3A_382 = vector.shape_cast %scan3A_332#9 : vector<16xi32> to vector<16xi32>
      tpu.vector_store %arg11[%swap3A_379], %swap3A_382 {strides = array<i32>} : memref<256xi32, #tpu.memory_space<vmem>>, vector<16xi32>,
      %mul3A_383 = arith.constant 8 : i32
      %mul3A_384 = arith.muli %scan3A_81, %mul3A_383 : i32
      %add3A_385 = arith.constant 5 : i32
      %add3A_386 = arith.addi %mul3A_384, %add3A_385 : i32
      %mul3A_387 = arith.constant 16 : i32
      %mul3A_388 = arith.muli %add3A_386, %mul3A_387 : i32
      %swap3A_389 = arith.index_cast %mul3A_388 : i32 to index
      %swap3A_390 = tpu.vector_load %arg11[%swap3A_389] {strides = array<i32>} : memref<256xi32, #tpu.memory_space<vmem>>, vector<16xi32>,
      %swap3A_391 = vector.shape_cast %swap3A_390 : vector<16xi32> to vector<16xi32>
      %swap3A_392 = vector.shape_cast %scan3A_332#11 : vector<16xi32> to vector<16xi32>
      tpu.vector_store %arg11[%swap3A_389], %swap3A_392 {strides = array<i32>} : memref<256xi32, #tpu.memory_space<vmem>>, vector<16xi32>,
      %mul3A_393 = arith.constant 8 : i32
      %mul3A_394 = arith.muli %scan3A_81, %mul3A_393 : i32
      %add3A_395 = arith.constant 6 : i32
      %add3A_396 = arith.addi %mul3A_394, %add3A_395 : i32
      %mul3A_397 = arith.constant 16 : i32
      %mul3A_398 = arith.muli %add3A_396, %mul3A_397 : i32
      %swap3A_399 = arith.index_cast %mul3A_398 : i32 to index
      %swap3A_400 = tpu.vector_load %arg11[%swap3A_399] {strides = array<i32>} : memref<256xi32, #tpu.memory_space<vmem>>, vector<16xi32>,
      %swap3A_401 = vector.shape_cast %swap3A_400 : vector<16xi32> to vector<16xi32>
      %swap3A_402 = vector.shape_cast %scan3A_332#13 : vector<16xi32> to vector<16xi32>
      tpu.vector_store %arg11[%swap3A_399], %swap3A_402 {strides = array<i32>} : memref<256xi32, #tpu.memory_space<vmem>>, vector<16xi32>,
      %mul3A_403 = arith.constant 8 : i32
      %mul3A_404 = arith.muli %scan3A_81, %mul3A_403 : i32
      %add3A_405 = arith.constant 7 : i32
      %add3A_406 = arith.addi %mul3A_404, %add3A_405 : i32
      %mul3A_407 = arith.constant 16 : i32
      %mul3A_408 = arith.muli %add3A_406, %mul3A_407 : i32
      %swap3A_409 = arith.index_cast %mul3A_408 : i32 to index
      %swap3A_410 = tpu.vector_load %arg11[%swap3A_409] {strides = array<i32>} : memref<256xi32, #tpu.memory_space<vmem>>, vector<16xi32>,
      %swap3A_411 = vector.shape_cast %swap3A_410 : vector<16xi32> to vector<16xi32>
      %swap3A_412 = vector.shape_cast %scan3A_332#15 : vector<16xi32> to vector<16xi32>
      tpu.vector_store %arg11[%swap3A_409], %swap3A_412 {strides = array<i32>} : memref<256xi32, #tpu.memory_space<vmem>>, vector<16xi32>,
    }
    %scan3A_78 = arith.constant 2 : i32
    %mul3A_79 = arith.constant 256 : i32
    %mul3A_80 = arith.muli %add3A, %mul3A_79 : i32
    "tpu.region"() ({
      %run_scoped3A = tpu.sem_alloc : memref<!tpu.dma_semaphore, #tpu.memory_space<semaphore_mem>>
      %dma_start3A = tpu.memref_slice %arg4[%mul3A_80] : memref<8192xi32, #tpu.memory_space<hbm>> -> memref<256xi32, #tpu.memory_space<hbm>>
      %dma_start3A_81 = tpu.memref_slice %arg4[%mul3A_80] : memref<8192xi32, #tpu.memory_space<hbm>> -> memref<256xi32, #tpu.memory_space<hbm>>
      tpu.enqueue_dma source(%arg11 : memref<256xi32, #tpu.memory_space<vmem>>) target(%dma_start3A_81 : memref<256xi32, #tpu.memory_space<hbm>>) target_semaphore(%run_scoped3A : memref<!tpu.dma_semaphore, #tpu.memory_space<semaphore_mem>>)
      %dma_wait3A = tpu.memref_slice %arg4[%mul3A_80] : memref<8192xi32, #tpu.memory_space<hbm>> -> memref<256xi32, #tpu.memory_space<hbm>>
      %dma_wait3A_82 = tpu.memref_slice %arg4[%mul3A_80] : memref<8192xi32, #tpu.memory_space<hbm>> -> memref<256xi32, #tpu.memory_space<hbm>>
      tpu.wait_dma2 semaphore(%run_scoped3A : memref<!tpu.dma_semaphore, #tpu.memory_space<semaphore_mem>>) src(%arg11 : memref<256xi32, #tpu.memory_space<vmem>>) dst(%dma_wait3A_82 : memref<256xi32, #tpu.memory_space<hbm>>)
      tpu.yield
    }) : () -> ()
    return
  }
}

module attributes {stable_mosaic.version = 14 : i64} {
  func.func @_tc_body(%arg0: i32, %arg1: i32, %arg2: i32, %arg3: memref<1x1x48x128xf32, #tpu.memory_space<vmem>>, %arg4: memref<1x1x48x128xf32, #tpu.memory_space<vmem>>, %arg5: memref<1x1x48x128xf32, #tpu.memory_space<vmem>>, %arg6: memref<1x1x2048xf32, #tpu.memory_space<smem>>, %arg7: memref<1x1x2048xf32, #tpu.memory_space<smem>>, %arg8: memref<1x1x2048xf32, #tpu.memory_space<smem>>, %arg9: memref<1x48x128xi32, #tpu.memory_space<vmem>>, %arg10: memref<48x128xf32, #tpu.memory_space<vmem>>, %arg11: memref<48x128xi32, #tpu.memory_space<vmem>>) attributes {dimension_semantics = [#tpu.dimension_semantics<arbitrary>, #tpu.dimension_semantics<arbitrary>, #tpu.dimension_semantics<arbitrary>], iteration_bounds = array<i64: 4, 1, 4>, scalar_prefetch = 0 : i64, scratch_operands = 2 : i64, tpu.core_type = #tpu.core_type<tc>, window_params = [{transform_indices = @transform_0, window_bounds = array<i64: 1, 1, 48, 128>}, {transform_indices = @transform_1, window_bounds = array<i64: 1, 1, 48, 128>}, {transform_indices = @transform_2, window_bounds = array<i64: 1, 1, 48, 128>}, {transform_indices = @transform_3, window_bounds = array<i64: 1, 1, 2048>}, {transform_indices = @transform_4, window_bounds = array<i64: 1, 1, 2048>}, {transform_indices = @transform_5, window_bounds = array<i64: 1, 1, 2048>}, {transform_indices = @transform_6, window_bounds = array<i64: 1, 48, 128>}]} {
    %eq3A = arith.constant 0 : i32
    %eq3A_0 = arith.cmpi eq, %arg2, %eq3A : i32
    %convert_element_type3A = arith.extui %eq3A_0 : i1 to i32
    %cond3A = arith.constant 0 : i32
    %cond3A_1 = arith.cmpi ne, %convert_element_type3A, %cond3A : i32
    scf.if %cond3A_1 {
      %broadcast_in_dim3A = arith.constant 0x7F800000 : f32
      %broadcast_in_dim3A_41 = vector.broadcast %broadcast_in_dim3A : f32 to vector<48x128xf32>
      %swap3A_42 = arith.constant 0 : index
      %swap3A_43 = arith.constant 0 : index
      %swap3A_44 = vector.load %arg10[%swap3A_42, %swap3A_43] : memref<48x128xf32, #tpu.memory_space<vmem>>, vector<48x128xf32>
      tpu.vector_store %arg10[%swap3A_42, %swap3A_43], %broadcast_in_dim3A_41 {strides = array<i32>} : memref<48x128xf32, #tpu.memory_space<vmem>>, vector<48x128xf32>,
      %broadcast_in_dim3A_45 = arith.constant 0 : i32
      %broadcast_in_dim3A_46 = vector.broadcast %broadcast_in_dim3A_45 : i32 to vector<48x128xi32>
      %swap3A_47 = arith.constant 0 : index
      %swap3A_48 = arith.constant 0 : index
      %swap3A_49 = vector.load %arg11[%swap3A_47, %swap3A_48] : memref<48x128xi32, #tpu.memory_space<vmem>>, vector<48x128xi32>
      tpu.vector_store %arg11[%swap3A_47, %swap3A_48], %broadcast_in_dim3A_46 {strides = array<i32>} : memref<48x128xi32, #tpu.memory_space<vmem>>, vector<48x128xi32>,
    } else {
    }
    %get3A = arith.constant 0 : index
    %get3A_2 = arith.constant 0 : index
    %get3A_3 = arith.constant 0 : index
    %get3A_4 = arith.constant 0 : index
    %get3A_5 = vector.load %arg3[%get3A, %get3A_2, %get3A_3, %get3A_4] : memref<1x1x48x128xf32, #tpu.memory_space<vmem>>, vector<1x1x48x128xf32>
    %get3A_6 = vector.shape_cast %get3A_5 : vector<1x1x48x128xf32> to vector<48x128xf32>
    %get3A_7 = arith.constant 0 : index
    %get3A_8 = arith.constant 0 : index
    %get3A_9 = arith.constant 0 : index
    %get3A_10 = arith.constant 0 : index
    %get3A_11 = vector.load %arg4[%get3A_7, %get3A_8, %get3A_9, %get3A_10] : memref<1x1x48x128xf32, #tpu.memory_space<vmem>>, vector<1x1x48x128xf32>
    %get3A_12 = vector.shape_cast %get3A_11 : vector<1x1x48x128xf32> to vector<48x128xf32>
    %get3A_13 = arith.constant 0 : index
    %get3A_14 = arith.constant 0 : index
    %get3A_15 = arith.constant 0 : index
    %get3A_16 = arith.constant 0 : index
    %get3A_17 = vector.load %arg5[%get3A_13, %get3A_14, %get3A_15, %get3A_16] : memref<1x1x48x128xf32, #tpu.memory_space<vmem>>, vector<1x1x48x128xf32>
    %get3A_18 = vector.shape_cast %get3A_17 : vector<1x1x48x128xf32> to vector<48x128xf32>
    %mul3A = arith.constant 2048 : i32
    %mul3A_19 = arith.muli %arg2, %mul3A : i32
    %get3A_20 = arith.constant 0 : index
    %get3A_21 = arith.constant 0 : index
    %get3A_22 = vector.load %arg10[%get3A_20, %get3A_21] : memref<48x128xf32, #tpu.memory_space<vmem>>, vector<48x128xf32>
    %get3A_23 = arith.constant 0 : index
    %get3A_24 = arith.constant 0 : index
    %get3A_25 = vector.load %arg11[%get3A_23, %get3A_24] : memref<48x128xi32, #tpu.memory_space<vmem>>, vector<48x128xi32>
    %scan3A = arith.constant 0 : i32
    %scan3A_26 = arith.constant 2048 : i32
    %scan3A_27 = arith.addi %scan3A, %scan3A_26 : i32
    %scan3A_28 = arith.constant 64 : i32
    %scan3A_29:2 = scf.for %scan3A_41 = %scan3A to %scan3A_27 step %scan3A_28 iter_args(%scan3A_42 = %get3A_22, %scan3A_43 = %get3A_25) -> (vector<48x128xf32>, vector<48x128xi32>)  : i32 {
      %get3A_44 = arith.constant 0 : index
      %get3A_45 = arith.constant 0 : index
      %get3A_46 = arith.index_cast %scan3A_41 : i32 to index
      %get3A_47 = memref.load %arg6[%get3A_44, %get3A_45, %get3A_46] : memref<1x1x2048xf32, #tpu.memory_space<smem>>
      %get3A_48 = arith.constant 0 : index
      %get3A_49 = arith.constant 0 : index
      %get3A_50 = arith.index_cast %scan3A_41 : i32 to index
      %get3A_51 = memref.load %arg7[%get3A_48, %get3A_49, %get3A_50] : memref<1x1x2048xf32, #tpu.memory_space<smem>>
      %get3A_52 = arith.constant 0 : index
      %get3A_53 = arith.constant 0 : index
      %get3A_54 = arith.index_cast %scan3A_41 : i32 to index
      %get3A_55 = memref.load %arg8[%get3A_52, %get3A_53, %get3A_54] : memref<1x1x2048xf32, #tpu.memory_space<smem>>
      %sub3A = vector.broadcast %get3A_47 : f32 to vector<48x128xf32>
      %sub3A_56 = arith.subf %get3A_6, %sub3A : vector<48x128xf32>
      %sub3A_57 = vector.broadcast %get3A_51 : f32 to vector<48x128xf32>
      %sub3A_58 = arith.subf %get3A_12, %sub3A_57 : vector<48x128xf32>
      %sub3A_59 = vector.broadcast %get3A_55 : f32 to vector<48x128xf32>
      %sub3A_60 = arith.subf %get3A_18, %sub3A_59 : vector<48x128xf32>
      %mul3A_61 = arith.mulf %sub3A_56, %sub3A_56 : vector<48x128xf32>
      %mul3A_62 = arith.mulf %sub3A_58, %sub3A_58 : vector<48x128xf32>
      %add3A = arith.addf %mul3A_61, %mul3A_62 : vector<48x128xf32>
      %mul3A_63 = arith.mulf %sub3A_60, %sub3A_60 : vector<48x128xf32>
      %add3A_64 = arith.addf %add3A, %mul3A_63 : vector<48x128xf32>
      %lt3A = arith.cmpf olt, %add3A_64, %scan3A_42 : vector<48x128xf32>
      %min3A = arith.minimumf %scan3A_42, %add3A_64 : vector<48x128xf32>
      %add3A_65 = arith.addi %mul3A_19, %scan3A_41 : i32
      %broadcast_in_dim3A = vector.broadcast %add3A_65 : i32 to vector<48x128xi32>
      %select_n3A = arith.select %lt3A, %broadcast_in_dim3A, %scan3A_43 : vector<48x128xi1>, vector<48x128xi32>
      %scan3A_66 = arith.constant 1 : i32
      %scan3A_67 = arith.addi %scan3A_41, %scan3A_66 : i32
      %get3A_68 = arith.constant 0 : index
      %get3A_69 = arith.constant 0 : index
      %get3A_70 = arith.index_cast %scan3A_67 : i32 to index
      %get3A_71 = memref.load %arg6[%get3A_68, %get3A_69, %get3A_70] : memref<1x1x2048xf32, #tpu.memory_space<smem>>
      %get3A_72 = arith.constant 0 : index
      %get3A_73 = arith.constant 0 : index
      %get3A_74 = arith.index_cast %scan3A_67 : i32 to index
      %get3A_75 = memref.load %arg7[%get3A_72, %get3A_73, %get3A_74] : memref<1x1x2048xf32, #tpu.memory_space<smem>>
      %get3A_76 = arith.constant 0 : index
      %get3A_77 = arith.constant 0 : index
      %get3A_78 = arith.index_cast %scan3A_67 : i32 to index
      %get3A_79 = memref.load %arg8[%get3A_76, %get3A_77, %get3A_78] : memref<1x1x2048xf32, #tpu.memory_space<smem>>
      %sub3A_80 = vector.broadcast %get3A_71 : f32 to vector<48x128xf32>
      %sub3A_81 = arith.subf %get3A_6, %sub3A_80 : vector<48x128xf32>
      %sub3A_82 = vector.broadcast %get3A_75 : f32 to vector<48x128xf32>
      %sub3A_83 = arith.subf %get3A_12, %sub3A_82 : vector<48x128xf32>
      %sub3A_84 = vector.broadcast %get3A_79 : f32 to vector<48x128xf32>
      %sub3A_85 = arith.subf %get3A_18, %sub3A_84 : vector<48x128xf32>
      %mul3A_86 = arith.mulf %sub3A_81, %sub3A_81 : vector<48x128xf32>
      %mul3A_87 = arith.mulf %sub3A_83, %sub3A_83 : vector<48x128xf32>
      %add3A_88 = arith.addf %mul3A_86, %mul3A_87 : vector<48x128xf32>
      %mul3A_89 = arith.mulf %sub3A_85, %sub3A_85 : vector<48x128xf32>
      %add3A_90 = arith.addf %add3A_88, %mul3A_89 : vector<48x128xf32>
      %lt3A_91 = arith.cmpf olt, %add3A_90, %min3A : vector<48x128xf32>
      %min3A_92 = arith.minimumf %min3A, %add3A_90 : vector<48x128xf32>
      %add3A_93 = arith.addi %mul3A_19, %scan3A_67 : i32
      %broadcast_in_dim3A_94 = vector.broadcast %add3A_93 : i32 to vector<48x128xi32>
      %select_n3A_95 = arith.select %lt3A_91, %broadcast_in_dim3A_94, %select_n3A : vector<48x128xi1>, vector<48x128xi32>
      %scan3A_96 = arith.constant 2 : i32
      %scan3A_97 = arith.addi %scan3A_41, %scan3A_96 : i32
      %get3A_98 = arith.constant 0 : index
      %get3A_99 = arith.constant 0 : index
      %get3A_100 = arith.index_cast %scan3A_97 : i32 to index
      %get3A_101 = memref.load %arg6[%get3A_98, %get3A_99, %get3A_100] : memref<1x1x2048xf32, #tpu.memory_space<smem>>
      %get3A_102 = arith.constant 0 : index
      %get3A_103 = arith.constant 0 : index
      %get3A_104 = arith.index_cast %scan3A_97 : i32 to index
      %get3A_105 = memref.load %arg7[%get3A_102, %get3A_103, %get3A_104] : memref<1x1x2048xf32, #tpu.memory_space<smem>>
      %get3A_106 = arith.constant 0 : index
      %get3A_107 = arith.constant 0 : index
      %get3A_108 = arith.index_cast %scan3A_97 : i32 to index
      %get3A_109 = memref.load %arg8[%get3A_106, %get3A_107, %get3A_108] : memref<1x1x2048xf32, #tpu.memory_space<smem>>
      %sub3A_110 = vector.broadcast %get3A_101 : f32 to vector<48x128xf32>
      %sub3A_111 = arith.subf %get3A_6, %sub3A_110 : vector<48x128xf32>
      %sub3A_112 = vector.broadcast %get3A_105 : f32 to vector<48x128xf32>
      %sub3A_113 = arith.subf %get3A_12, %sub3A_112 : vector<48x128xf32>
      %sub3A_114 = vector.broadcast %get3A_109 : f32 to vector<48x128xf32>
      %sub3A_115 = arith.subf %get3A_18, %sub3A_114 : vector<48x128xf32>
      %mul3A_116 = arith.mulf %sub3A_111, %sub3A_111 : vector<48x128xf32>
      %mul3A_117 = arith.mulf %sub3A_113, %sub3A_113 : vector<48x128xf32>
      %add3A_118 = arith.addf %mul3A_116, %mul3A_117 : vector<48x128xf32>
      %mul3A_119 = arith.mulf %sub3A_115, %sub3A_115 : vector<48x128xf32>
      %add3A_120 = arith.addf %add3A_118, %mul3A_119 : vector<48x128xf32>
      %lt3A_121 = arith.cmpf olt, %add3A_120, %min3A_92 : vector<48x128xf32>
      %min3A_122 = arith.minimumf %min3A_92, %add3A_120 : vector<48x128xf32>
      %add3A_123 = arith.addi %mul3A_19, %scan3A_97 : i32
      %broadcast_in_dim3A_124 = vector.broadcast %add3A_123 : i32 to vector<48x128xi32>
      %select_n3A_125 = arith.select %lt3A_121, %broadcast_in_dim3A_124, %select_n3A_95 : vector<48x128xi1>, vector<48x128xi32>
      %scan3A_126 = arith.constant 3 : i32
      %scan3A_127 = arith.addi %scan3A_41, %scan3A_126 : i32
      %get3A_128 = arith.constant 0 : index
      %get3A_129 = arith.constant 0 : index
      %get3A_130 = arith.index_cast %scan3A_127 : i32 to index
      %get3A_131 = memref.load %arg6[%get3A_128, %get3A_129, %get3A_130] : memref<1x1x2048xf32, #tpu.memory_space<smem>>
      %get3A_132 = arith.constant 0 : index
      %get3A_133 = arith.constant 0 : index
      %get3A_134 = arith.index_cast %scan3A_127 : i32 to index
      %get3A_135 = memref.load %arg7[%get3A_132, %get3A_133, %get3A_134] : memref<1x1x2048xf32, #tpu.memory_space<smem>>
      %get3A_136 = arith.constant 0 : index
      %get3A_137 = arith.constant 0 : index
      %get3A_138 = arith.index_cast %scan3A_127 : i32 to index
      %get3A_139 = memref.load %arg8[%get3A_136, %get3A_137, %get3A_138] : memref<1x1x2048xf32, #tpu.memory_space<smem>>
      %sub3A_140 = vector.broadcast %get3A_131 : f32 to vector<48x128xf32>
      %sub3A_141 = arith.subf %get3A_6, %sub3A_140 : vector<48x128xf32>
      %sub3A_142 = vector.broadcast %get3A_135 : f32 to vector<48x128xf32>
      %sub3A_143 = arith.subf %get3A_12, %sub3A_142 : vector<48x128xf32>
      %sub3A_144 = vector.broadcast %get3A_139 : f32 to vector<48x128xf32>
      %sub3A_145 = arith.subf %get3A_18, %sub3A_144 : vector<48x128xf32>
      %mul3A_146 = arith.mulf %sub3A_141, %sub3A_141 : vector<48x128xf32>
      %mul3A_147 = arith.mulf %sub3A_143, %sub3A_143 : vector<48x128xf32>
      %add3A_148 = arith.addf %mul3A_146, %mul3A_147 : vector<48x128xf32>
      %mul3A_149 = arith.mulf %sub3A_145, %sub3A_145 : vector<48x128xf32>
      %add3A_150 = arith.addf %add3A_148, %mul3A_149 : vector<48x128xf32>
      %lt3A_151 = arith.cmpf olt, %add3A_150, %min3A_122 : vector<48x128xf32>
      %min3A_152 = arith.minimumf %min3A_122, %add3A_150 : vector<48x128xf32>
      %add3A_153 = arith.addi %mul3A_19, %scan3A_127 : i32
      %broadcast_in_dim3A_154 = vector.broadcast %add3A_153 : i32 to vector<48x128xi32>
      %select_n3A_155 = arith.select %lt3A_151, %broadcast_in_dim3A_154, %select_n3A_125 : vector<48x128xi1>, vector<48x128xi32>
      %scan3A_156 = arith.constant 4 : i32
      %scan3A_157 = arith.addi %scan3A_41, %scan3A_156 : i32
      %get3A_158 = arith.constant 0 : index
      %get3A_159 = arith.constant 0 : index
      %get3A_160 = arith.index_cast %scan3A_157 : i32 to index
      %get3A_161 = memref.load %arg6[%get3A_158, %get3A_159, %get3A_160] : memref<1x1x2048xf32, #tpu.memory_space<smem>>
      %get3A_162 = arith.constant 0 : index
      %get3A_163 = arith.constant 0 : index
      %get3A_164 = arith.index_cast %scan3A_157 : i32 to index
      %get3A_165 = memref.load %arg7[%get3A_162, %get3A_163, %get3A_164] : memref<1x1x2048xf32, #tpu.memory_space<smem>>
      %get3A_166 = arith.constant 0 : index
      %get3A_167 = arith.constant 0 : index
      %get3A_168 = arith.index_cast %scan3A_157 : i32 to index
      %get3A_169 = memref.load %arg8[%get3A_166, %get3A_167, %get3A_168] : memref<1x1x2048xf32, #tpu.memory_space<smem>>
      %sub3A_170 = vector.broadcast %get3A_161 : f32 to vector<48x128xf32>
      %sub3A_171 = arith.subf %get3A_6, %sub3A_170 : vector<48x128xf32>
      %sub3A_172 = vector.broadcast %get3A_165 : f32 to vector<48x128xf32>
      %sub3A_173 = arith.subf %get3A_12, %sub3A_172 : vector<48x128xf32>
      %sub3A_174 = vector.broadcast %get3A_169 : f32 to vector<48x128xf32>
      %sub3A_175 = arith.subf %get3A_18, %sub3A_174 : vector<48x128xf32>
      %mul3A_176 = arith.mulf %sub3A_171, %sub3A_171 : vector<48x128xf32>
      %mul3A_177 = arith.mulf %sub3A_173, %sub3A_173 : vector<48x128xf32>
      %add3A_178 = arith.addf %mul3A_176, %mul3A_177 : vector<48x128xf32>
      %mul3A_179 = arith.mulf %sub3A_175, %sub3A_175 : vector<48x128xf32>
      %add3A_180 = arith.addf %add3A_178, %mul3A_179 : vector<48x128xf32>
      %lt3A_181 = arith.cmpf olt, %add3A_180, %min3A_152 : vector<48x128xf32>
      %min3A_182 = arith.minimumf %min3A_152, %add3A_180 : vector<48x128xf32>
      %add3A_183 = arith.addi %mul3A_19, %scan3A_157 : i32
      %broadcast_in_dim3A_184 = vector.broadcast %add3A_183 : i32 to vector<48x128xi32>
      %select_n3A_185 = arith.select %lt3A_181, %broadcast_in_dim3A_184, %select_n3A_155 : vector<48x128xi1>, vector<48x128xi32>
      %scan3A_186 = arith.constant 5 : i32
      %scan3A_187 = arith.addi %scan3A_41, %scan3A_186 : i32
      %get3A_188 = arith.constant 0 : index
      %get3A_189 = arith.constant 0 : index
      %get3A_190 = arith.index_cast %scan3A_187 : i32 to index
      %get3A_191 = memref.load %arg6[%get3A_188, %get3A_189, %get3A_190] : memref<1x1x2048xf32, #tpu.memory_space<smem>>
      %get3A_192 = arith.constant 0 : index
      %get3A_193 = arith.constant 0 : index
      %get3A_194 = arith.index_cast %scan3A_187 : i32 to index
      %get3A_195 = memref.load %arg7[%get3A_192, %get3A_193, %get3A_194] : memref<1x1x2048xf32, #tpu.memory_space<smem>>
      %get3A_196 = arith.constant 0 : index
      %get3A_197 = arith.constant 0 : index
      %get3A_198 = arith.index_cast %scan3A_187 : i32 to index
      %get3A_199 = memref.load %arg8[%get3A_196, %get3A_197, %get3A_198] : memref<1x1x2048xf32, #tpu.memory_space<smem>>
      %sub3A_200 = vector.broadcast %get3A_191 : f32 to vector<48x128xf32>
      %sub3A_201 = arith.subf %get3A_6, %sub3A_200 : vector<48x128xf32>
      %sub3A_202 = vector.broadcast %get3A_195 : f32 to vector<48x128xf32>
      %sub3A_203 = arith.subf %get3A_12, %sub3A_202 : vector<48x128xf32>
      %sub3A_204 = vector.broadcast %get3A_199 : f32 to vector<48x128xf32>
      %sub3A_205 = arith.subf %get3A_18, %sub3A_204 : vector<48x128xf32>
      %mul3A_206 = arith.mulf %sub3A_201, %sub3A_201 : vector<48x128xf32>
      %mul3A_207 = arith.mulf %sub3A_203, %sub3A_203 : vector<48x128xf32>
      %add3A_208 = arith.addf %mul3A_206, %mul3A_207 : vector<48x128xf32>
      %mul3A_209 = arith.mulf %sub3A_205, %sub3A_205 : vector<48x128xf32>
      %add3A_210 = arith.addf %add3A_208, %mul3A_209 : vector<48x128xf32>
      %lt3A_211 = arith.cmpf olt, %add3A_210, %min3A_182 : vector<48x128xf32>
      %min3A_212 = arith.minimumf %min3A_182, %add3A_210 : vector<48x128xf32>
      %add3A_213 = arith.addi %mul3A_19, %scan3A_187 : i32
      %broadcast_in_dim3A_214 = vector.broadcast %add3A_213 : i32 to vector<48x128xi32>
      %select_n3A_215 = arith.select %lt3A_211, %broadcast_in_dim3A_214, %select_n3A_185 : vector<48x128xi1>, vector<48x128xi32>
      %scan3A_216 = arith.constant 6 : i32
      %scan3A_217 = arith.addi %scan3A_41, %scan3A_216 : i32
      %get3A_218 = arith.constant 0 : index
      %get3A_219 = arith.constant 0 : index
      %get3A_220 = arith.index_cast %scan3A_217 : i32 to index
      %get3A_221 = memref.load %arg6[%get3A_218, %get3A_219, %get3A_220] : memref<1x1x2048xf32, #tpu.memory_space<smem>>
      %get3A_222 = arith.constant 0 : index
      %get3A_223 = arith.constant 0 : index
      %get3A_224 = arith.index_cast %scan3A_217 : i32 to index
      %get3A_225 = memref.load %arg7[%get3A_222, %get3A_223, %get3A_224] : memref<1x1x2048xf32, #tpu.memory_space<smem>>
      %get3A_226 = arith.constant 0 : index
      %get3A_227 = arith.constant 0 : index
      %get3A_228 = arith.index_cast %scan3A_217 : i32 to index
      %get3A_229 = memref.load %arg8[%get3A_226, %get3A_227, %get3A_228] : memref<1x1x2048xf32, #tpu.memory_space<smem>>
      %sub3A_230 = vector.broadcast %get3A_221 : f32 to vector<48x128xf32>
      %sub3A_231 = arith.subf %get3A_6, %sub3A_230 : vector<48x128xf32>
      %sub3A_232 = vector.broadcast %get3A_225 : f32 to vector<48x128xf32>
      %sub3A_233 = arith.subf %get3A_12, %sub3A_232 : vector<48x128xf32>
      %sub3A_234 = vector.broadcast %get3A_229 : f32 to vector<48x128xf32>
      %sub3A_235 = arith.subf %get3A_18, %sub3A_234 : vector<48x128xf32>
      %mul3A_236 = arith.mulf %sub3A_231, %sub3A_231 : vector<48x128xf32>
      %mul3A_237 = arith.mulf %sub3A_233, %sub3A_233 : vector<48x128xf32>
      %add3A_238 = arith.addf %mul3A_236, %mul3A_237 : vector<48x128xf32>
      %mul3A_239 = arith.mulf %sub3A_235, %sub3A_235 : vector<48x128xf32>
      %add3A_240 = arith.addf %add3A_238, %mul3A_239 : vector<48x128xf32>
      %lt3A_241 = arith.cmpf olt, %add3A_240, %min3A_212 : vector<48x128xf32>
      %min3A_242 = arith.minimumf %min3A_212, %add3A_240 : vector<48x128xf32>
      %add3A_243 = arith.addi %mul3A_19, %scan3A_217 : i32
      %broadcast_in_dim3A_244 = vector.broadcast %add3A_243 : i32 to vector<48x128xi32>
      %select_n3A_245 = arith.select %lt3A_241, %broadcast_in_dim3A_244, %select_n3A_215 : vector<48x128xi1>, vector<48x128xi32>
      %scan3A_246 = arith.constant 7 : i32
      %scan3A_247 = arith.addi %scan3A_41, %scan3A_246 : i32
      %get3A_248 = arith.constant 0 : index
      %get3A_249 = arith.constant 0 : index
      %get3A_250 = arith.index_cast %scan3A_247 : i32 to index
      %get3A_251 = memref.load %arg6[%get3A_248, %get3A_249, %get3A_250] : memref<1x1x2048xf32, #tpu.memory_space<smem>>
      %get3A_252 = arith.constant 0 : index
      %get3A_253 = arith.constant 0 : index
      %get3A_254 = arith.index_cast %scan3A_247 : i32 to index
      %get3A_255 = memref.load %arg7[%get3A_252, %get3A_253, %get3A_254] : memref<1x1x2048xf32, #tpu.memory_space<smem>>
      %get3A_256 = arith.constant 0 : index
      %get3A_257 = arith.constant 0 : index
      %get3A_258 = arith.index_cast %scan3A_247 : i32 to index
      %get3A_259 = memref.load %arg8[%get3A_256, %get3A_257, %get3A_258] : memref<1x1x2048xf32, #tpu.memory_space<smem>>
      %sub3A_260 = vector.broadcast %get3A_251 : f32 to vector<48x128xf32>
      %sub3A_261 = arith.subf %get3A_6, %sub3A_260 : vector<48x128xf32>
      %sub3A_262 = vector.broadcast %get3A_255 : f32 to vector<48x128xf32>
      %sub3A_263 = arith.subf %get3A_12, %sub3A_262 : vector<48x128xf32>
      %sub3A_264 = vector.broadcast %get3A_259 : f32 to vector<48x128xf32>
      %sub3A_265 = arith.subf %get3A_18, %sub3A_264 : vector<48x128xf32>
      %mul3A_266 = arith.mulf %sub3A_261, %sub3A_261 : vector<48x128xf32>
      %mul3A_267 = arith.mulf %sub3A_263, %sub3A_263 : vector<48x128xf32>
      %add3A_268 = arith.addf %mul3A_266, %mul3A_267 : vector<48x128xf32>
      %mul3A_269 = arith.mulf %sub3A_265, %sub3A_265 : vector<48x128xf32>
      %add3A_270 = arith.addf %add3A_268, %mul3A_269 : vector<48x128xf32>
      %lt3A_271 = arith.cmpf olt, %add3A_270, %min3A_242 : vector<48x128xf32>
      %min3A_272 = arith.minimumf %min3A_242, %add3A_270 : vector<48x128xf32>
      %add3A_273 = arith.addi %mul3A_19, %scan3A_247 : i32
      %broadcast_in_dim3A_274 = vector.broadcast %add3A_273 : i32 to vector<48x128xi32>
      %select_n3A_275 = arith.select %lt3A_271, %broadcast_in_dim3A_274, %select_n3A_245 : vector<48x128xi1>, vector<48x128xi32>
      %scan3A_276 = arith.constant 8 : i32
      %scan3A_277 = arith.addi %scan3A_41, %scan3A_276 : i32
      %get3A_278 = arith.constant 0 : index
      %get3A_279 = arith.constant 0 : index
      %get3A_280 = arith.index_cast %scan3A_277 : i32 to index
      %get3A_281 = memref.load %arg6[%get3A_278, %get3A_279, %get3A_280] : memref<1x1x2048xf32, #tpu.memory_space<smem>>
      %get3A_282 = arith.constant 0 : index
      %get3A_283 = arith.constant 0 : index
      %get3A_284 = arith.index_cast %scan3A_277 : i32 to index
      %get3A_285 = memref.load %arg7[%get3A_282, %get3A_283, %get3A_284] : memref<1x1x2048xf32, #tpu.memory_space<smem>>
      %get3A_286 = arith.constant 0 : index
      %get3A_287 = arith.constant 0 : index
      %get3A_288 = arith.index_cast %scan3A_277 : i32 to index
      %get3A_289 = memref.load %arg8[%get3A_286, %get3A_287, %get3A_288] : memref<1x1x2048xf32, #tpu.memory_space<smem>>
      %sub3A_290 = vector.broadcast %get3A_281 : f32 to vector<48x128xf32>
      %sub3A_291 = arith.subf %get3A_6, %sub3A_290 : vector<48x128xf32>
      %sub3A_292 = vector.broadcast %get3A_285 : f32 to vector<48x128xf32>
      %sub3A_293 = arith.subf %get3A_12, %sub3A_292 : vector<48x128xf32>
      %sub3A_294 = vector.broadcast %get3A_289 : f32 to vector<48x128xf32>
      %sub3A_295 = arith.subf %get3A_18, %sub3A_294 : vector<48x128xf32>
      %mul3A_296 = arith.mulf %sub3A_291, %sub3A_291 : vector<48x128xf32>
      %mul3A_297 = arith.mulf %sub3A_293, %sub3A_293 : vector<48x128xf32>
      %add3A_298 = arith.addf %mul3A_296, %mul3A_297 : vector<48x128xf32>
      %mul3A_299 = arith.mulf %sub3A_295, %sub3A_295 : vector<48x128xf32>
      %add3A_300 = arith.addf %add3A_298, %mul3A_299 : vector<48x128xf32>
      %lt3A_301 = arith.cmpf olt, %add3A_300, %min3A_272 : vector<48x128xf32>
      %min3A_302 = arith.minimumf %min3A_272, %add3A_300 : vector<48x128xf32>
      %add3A_303 = arith.addi %mul3A_19, %scan3A_277 : i32
      %broadcast_in_dim3A_304 = vector.broadcast %add3A_303 : i32 to vector<48x128xi32>
      %select_n3A_305 = arith.select %lt3A_301, %broadcast_in_dim3A_304, %select_n3A_275 : vector<48x128xi1>, vector<48x128xi32>
      %scan3A_306 = arith.constant 9 : i32
      %scan3A_307 = arith.addi %scan3A_41, %scan3A_306 : i32
      %get3A_308 = arith.constant 0 : index
      %get3A_309 = arith.constant 0 : index
      %get3A_310 = arith.index_cast %scan3A_307 : i32 to index
      %get3A_311 = memref.load %arg6[%get3A_308, %get3A_309, %get3A_310] : memref<1x1x2048xf32, #tpu.memory_space<smem>>
      %get3A_312 = arith.constant 0 : index
      %get3A_313 = arith.constant 0 : index
      %get3A_314 = arith.index_cast %scan3A_307 : i32 to index
      %get3A_315 = memref.load %arg7[%get3A_312, %get3A_313, %get3A_314] : memref<1x1x2048xf32, #tpu.memory_space<smem>>
      %get3A_316 = arith.constant 0 : index
      %get3A_317 = arith.constant 0 : index
      %get3A_318 = arith.index_cast %scan3A_307 : i32 to index
      %get3A_319 = memref.load %arg8[%get3A_316, %get3A_317, %get3A_318] : memref<1x1x2048xf32, #tpu.memory_space<smem>>
      %sub3A_320 = vector.broadcast %get3A_311 : f32 to vector<48x128xf32>
      %sub3A_321 = arith.subf %get3A_6, %sub3A_320 : vector<48x128xf32>
      %sub3A_322 = vector.broadcast %get3A_315 : f32 to vector<48x128xf32>
      %sub3A_323 = arith.subf %get3A_12, %sub3A_322 : vector<48x128xf32>
      %sub3A_324 = vector.broadcast %get3A_319 : f32 to vector<48x128xf32>
      %sub3A_325 = arith.subf %get3A_18, %sub3A_324 : vector<48x128xf32>
      %mul3A_326 = arith.mulf %sub3A_321, %sub3A_321 : vector<48x128xf32>
      %mul3A_327 = arith.mulf %sub3A_323, %sub3A_323 : vector<48x128xf32>
      %add3A_328 = arith.addf %mul3A_326, %mul3A_327 : vector<48x128xf32>
      %mul3A_329 = arith.mulf %sub3A_325, %sub3A_325 : vector<48x128xf32>
      %add3A_330 = arith.addf %add3A_328, %mul3A_329 : vector<48x128xf32>
      %lt3A_331 = arith.cmpf olt, %add3A_330, %min3A_302 : vector<48x128xf32>
      %min3A_332 = arith.minimumf %min3A_302, %add3A_330 : vector<48x128xf32>
      %add3A_333 = arith.addi %mul3A_19, %scan3A_307 : i32
      %broadcast_in_dim3A_334 = vector.broadcast %add3A_333 : i32 to vector<48x128xi32>
      %select_n3A_335 = arith.select %lt3A_331, %broadcast_in_dim3A_334, %select_n3A_305 : vector<48x128xi1>, vector<48x128xi32>
      %scan3A_336 = arith.constant 10 : i32
      %scan3A_337 = arith.addi %scan3A_41, %scan3A_336 : i32
      %get3A_338 = arith.constant 0 : index
      %get3A_339 = arith.constant 0 : index
      %get3A_340 = arith.index_cast %scan3A_337 : i32 to index
      %get3A_341 = memref.load %arg6[%get3A_338, %get3A_339, %get3A_340] : memref<1x1x2048xf32, #tpu.memory_space<smem>>
      %get3A_342 = arith.constant 0 : index
      %get3A_343 = arith.constant 0 : index
      %get3A_344 = arith.index_cast %scan3A_337 : i32 to index
      %get3A_345 = memref.load %arg7[%get3A_342, %get3A_343, %get3A_344] : memref<1x1x2048xf32, #tpu.memory_space<smem>>
      %get3A_346 = arith.constant 0 : index
      %get3A_347 = arith.constant 0 : index
      %get3A_348 = arith.index_cast %scan3A_337 : i32 to index
      %get3A_349 = memref.load %arg8[%get3A_346, %get3A_347, %get3A_348] : memref<1x1x2048xf32, #tpu.memory_space<smem>>
      %sub3A_350 = vector.broadcast %get3A_341 : f32 to vector<48x128xf32>
      %sub3A_351 = arith.subf %get3A_6, %sub3A_350 : vector<48x128xf32>
      %sub3A_352 = vector.broadcast %get3A_345 : f32 to vector<48x128xf32>
      %sub3A_353 = arith.subf %get3A_12, %sub3A_352 : vector<48x128xf32>
      %sub3A_354 = vector.broadcast %get3A_349 : f32 to vector<48x128xf32>
      %sub3A_355 = arith.subf %get3A_18, %sub3A_354 : vector<48x128xf32>
      %mul3A_356 = arith.mulf %sub3A_351, %sub3A_351 : vector<48x128xf32>
      %mul3A_357 = arith.mulf %sub3A_353, %sub3A_353 : vector<48x128xf32>
      %add3A_358 = arith.addf %mul3A_356, %mul3A_357 : vector<48x128xf32>
      %mul3A_359 = arith.mulf %sub3A_355, %sub3A_355 : vector<48x128xf32>
      %add3A_360 = arith.addf %add3A_358, %mul3A_359 : vector<48x128xf32>
      %lt3A_361 = arith.cmpf olt, %add3A_360, %min3A_332 : vector<48x128xf32>
      %min3A_362 = arith.minimumf %min3A_332, %add3A_360 : vector<48x128xf32>
      %add3A_363 = arith.addi %mul3A_19, %scan3A_337 : i32
      %broadcast_in_dim3A_364 = vector.broadcast %add3A_363 : i32 to vector<48x128xi32>
      %select_n3A_365 = arith.select %lt3A_361, %broadcast_in_dim3A_364, %select_n3A_335 : vector<48x128xi1>, vector<48x128xi32>
      %scan3A_366 = arith.constant 11 : i32
      %scan3A_367 = arith.addi %scan3A_41, %scan3A_366 : i32
      %get3A_368 = arith.constant 0 : index
      %get3A_369 = arith.constant 0 : index
      %get3A_370 = arith.index_cast %scan3A_367 : i32 to index
      %get3A_371 = memref.load %arg6[%get3A_368, %get3A_369, %get3A_370] : memref<1x1x2048xf32, #tpu.memory_space<smem>>
      %get3A_372 = arith.constant 0 : index
      %get3A_373 = arith.constant 0 : index
      %get3A_374 = arith.index_cast %scan3A_367 : i32 to index
      %get3A_375 = memref.load %arg7[%get3A_372, %get3A_373, %get3A_374] : memref<1x1x2048xf32, #tpu.memory_space<smem>>
      %get3A_376 = arith.constant 0 : index
      %get3A_377 = arith.constant 0 : index
      %get3A_378 = arith.index_cast %scan3A_367 : i32 to index
      %get3A_379 = memref.load %arg8[%get3A_376, %get3A_377, %get3A_378] : memref<1x1x2048xf32, #tpu.memory_space<smem>>
      %sub3A_380 = vector.broadcast %get3A_371 : f32 to vector<48x128xf32>
      %sub3A_381 = arith.subf %get3A_6, %sub3A_380 : vector<48x128xf32>
      %sub3A_382 = vector.broadcast %get3A_375 : f32 to vector<48x128xf32>
      %sub3A_383 = arith.subf %get3A_12, %sub3A_382 : vector<48x128xf32>
      %sub3A_384 = vector.broadcast %get3A_379 : f32 to vector<48x128xf32>
      %sub3A_385 = arith.subf %get3A_18, %sub3A_384 : vector<48x128xf32>
      %mul3A_386 = arith.mulf %sub3A_381, %sub3A_381 : vector<48x128xf32>
      %mul3A_387 = arith.mulf %sub3A_383, %sub3A_383 : vector<48x128xf32>
      %add3A_388 = arith.addf %mul3A_386, %mul3A_387 : vector<48x128xf32>
      %mul3A_389 = arith.mulf %sub3A_385, %sub3A_385 : vector<48x128xf32>
      %add3A_390 = arith.addf %add3A_388, %mul3A_389 : vector<48x128xf32>
      %lt3A_391 = arith.cmpf olt, %add3A_390, %min3A_362 : vector<48x128xf32>
      %min3A_392 = arith.minimumf %min3A_362, %add3A_390 : vector<48x128xf32>
      %add3A_393 = arith.addi %mul3A_19, %scan3A_367 : i32
      %broadcast_in_dim3A_394 = vector.broadcast %add3A_393 : i32 to vector<48x128xi32>
      %select_n3A_395 = arith.select %lt3A_391, %broadcast_in_dim3A_394, %select_n3A_365 : vector<48x128xi1>, vector<48x128xi32>
      %scan3A_396 = arith.constant 12 : i32
      %scan3A_397 = arith.addi %scan3A_41, %scan3A_396 : i32
      %get3A_398 = arith.constant 0 : index
      %get3A_399 = arith.constant 0 : index
      %get3A_400 = arith.index_cast %scan3A_397 : i32 to index
      %get3A_401 = memref.load %arg6[%get3A_398, %get3A_399, %get3A_400] : memref<1x1x2048xf32, #tpu.memory_space<smem>>
      %get3A_402 = arith.constant 0 : index
      %get3A_403 = arith.constant 0 : index
      %get3A_404 = arith.index_cast %scan3A_397 : i32 to index
      %get3A_405 = memref.load %arg7[%get3A_402, %get3A_403, %get3A_404] : memref<1x1x2048xf32, #tpu.memory_space<smem>>
      %get3A_406 = arith.constant 0 : index
      %get3A_407 = arith.constant 0 : index
      %get3A_408 = arith.index_cast %scan3A_397 : i32 to index
      %get3A_409 = memref.load %arg8[%get3A_406, %get3A_407, %get3A_408] : memref<1x1x2048xf32, #tpu.memory_space<smem>>
      %sub3A_410 = vector.broadcast %get3A_401 : f32 to vector<48x128xf32>
      %sub3A_411 = arith.subf %get3A_6, %sub3A_410 : vector<48x128xf32>
      %sub3A_412 = vector.broadcast %get3A_405 : f32 to vector<48x128xf32>
      %sub3A_413 = arith.subf %get3A_12, %sub3A_412 : vector<48x128xf32>
      %sub3A_414 = vector.broadcast %get3A_409 : f32 to vector<48x128xf32>
      %sub3A_415 = arith.subf %get3A_18, %sub3A_414 : vector<48x128xf32>
      %mul3A_416 = arith.mulf %sub3A_411, %sub3A_411 : vector<48x128xf32>
      %mul3A_417 = arith.mulf %sub3A_413, %sub3A_413 : vector<48x128xf32>
      %add3A_418 = arith.addf %mul3A_416, %mul3A_417 : vector<48x128xf32>
      %mul3A_419 = arith.mulf %sub3A_415, %sub3A_415 : vector<48x128xf32>
      %add3A_420 = arith.addf %add3A_418, %mul3A_419 : vector<48x128xf32>
      %lt3A_421 = arith.cmpf olt, %add3A_420, %min3A_392 : vector<48x128xf32>
      %min3A_422 = arith.minimumf %min3A_392, %add3A_420 : vector<48x128xf32>
      %add3A_423 = arith.addi %mul3A_19, %scan3A_397 : i32
      %broadcast_in_dim3A_424 = vector.broadcast %add3A_423 : i32 to vector<48x128xi32>
      %select_n3A_425 = arith.select %lt3A_421, %broadcast_in_dim3A_424, %select_n3A_395 : vector<48x128xi1>, vector<48x128xi32>
      %scan3A_426 = arith.constant 13 : i32
      %scan3A_427 = arith.addi %scan3A_41, %scan3A_426 : i32
      %get3A_428 = arith.constant 0 : index
      %get3A_429 = arith.constant 0 : index
      %get3A_430 = arith.index_cast %scan3A_427 : i32 to index
      %get3A_431 = memref.load %arg6[%get3A_428, %get3A_429, %get3A_430] : memref<1x1x2048xf32, #tpu.memory_space<smem>>
      %get3A_432 = arith.constant 0 : index
      %get3A_433 = arith.constant 0 : index
      %get3A_434 = arith.index_cast %scan3A_427 : i32 to index
      %get3A_435 = memref.load %arg7[%get3A_432, %get3A_433, %get3A_434] : memref<1x1x2048xf32, #tpu.memory_space<smem>>
      %get3A_436 = arith.constant 0 : index
      %get3A_437 = arith.constant 0 : index
      %get3A_438 = arith.index_cast %scan3A_427 : i32 to index
      %get3A_439 = memref.load %arg8[%get3A_436, %get3A_437, %get3A_438] : memref<1x1x2048xf32, #tpu.memory_space<smem>>
      %sub3A_440 = vector.broadcast %get3A_431 : f32 to vector<48x128xf32>
      %sub3A_441 = arith.subf %get3A_6, %sub3A_440 : vector<48x128xf32>
      %sub3A_442 = vector.broadcast %get3A_435 : f32 to vector<48x128xf32>
      %sub3A_443 = arith.subf %get3A_12, %sub3A_442 : vector<48x128xf32>
      %sub3A_444 = vector.broadcast %get3A_439 : f32 to vector<48x128xf32>
      %sub3A_445 = arith.subf %get3A_18, %sub3A_444 : vector<48x128xf32>
      %mul3A_446 = arith.mulf %sub3A_441, %sub3A_441 : vector<48x128xf32>
      %mul3A_447 = arith.mulf %sub3A_443, %sub3A_443 : vector<48x128xf32>
      %add3A_448 = arith.addf %mul3A_446, %mul3A_447 : vector<48x128xf32>
      %mul3A_449 = arith.mulf %sub3A_445, %sub3A_445 : vector<48x128xf32>
      %add3A_450 = arith.addf %add3A_448, %mul3A_449 : vector<48x128xf32>
      %lt3A_451 = arith.cmpf olt, %add3A_450, %min3A_422 : vector<48x128xf32>
      %min3A_452 = arith.minimumf %min3A_422, %add3A_450 : vector<48x128xf32>
      %add3A_453 = arith.addi %mul3A_19, %scan3A_427 : i32
      %broadcast_in_dim3A_454 = vector.broadcast %add3A_453 : i32 to vector<48x128xi32>
      %select_n3A_455 = arith.select %lt3A_451, %broadcast_in_dim3A_454, %select_n3A_425 : vector<48x128xi1>, vector<48x128xi32>
      %scan3A_456 = arith.constant 14 : i32
      %scan3A_457 = arith.addi %scan3A_41, %scan3A_456 : i32
      %get3A_458 = arith.constant 0 : index
      %get3A_459 = arith.constant 0 : index
      %get3A_460 = arith.index_cast %scan3A_457 : i32 to index
      %get3A_461 = memref.load %arg6[%get3A_458, %get3A_459, %get3A_460] : memref<1x1x2048xf32, #tpu.memory_space<smem>>
      %get3A_462 = arith.constant 0 : index
      %get3A_463 = arith.constant 0 : index
      %get3A_464 = arith.index_cast %scan3A_457 : i32 to index
      %get3A_465 = memref.load %arg7[%get3A_462, %get3A_463, %get3A_464] : memref<1x1x2048xf32, #tpu.memory_space<smem>>
      %get3A_466 = arith.constant 0 : index
      %get3A_467 = arith.constant 0 : index
      %get3A_468 = arith.index_cast %scan3A_457 : i32 to index
      %get3A_469 = memref.load %arg8[%get3A_466, %get3A_467, %get3A_468] : memref<1x1x2048xf32, #tpu.memory_space<smem>>
      %sub3A_470 = vector.broadcast %get3A_461 : f32 to vector<48x128xf32>
      %sub3A_471 = arith.subf %get3A_6, %sub3A_470 : vector<48x128xf32>
      %sub3A_472 = vector.broadcast %get3A_465 : f32 to vector<48x128xf32>
      %sub3A_473 = arith.subf %get3A_12, %sub3A_472 : vector<48x128xf32>
      %sub3A_474 = vector.broadcast %get3A_469 : f32 to vector<48x128xf32>
      %sub3A_475 = arith.subf %get3A_18, %sub3A_474 : vector<48x128xf32>
      %mul3A_476 = arith.mulf %sub3A_471, %sub3A_471 : vector<48x128xf32>
      %mul3A_477 = arith.mulf %sub3A_473, %sub3A_473 : vector<48x128xf32>
      %add3A_478 = arith.addf %mul3A_476, %mul3A_477 : vector<48x128xf32>
      %mul3A_479 = arith.mulf %sub3A_475, %sub3A_475 : vector<48x128xf32>
      %add3A_480 = arith.addf %add3A_478, %mul3A_479 : vector<48x128xf32>
      %lt3A_481 = arith.cmpf olt, %add3A_480, %min3A_452 : vector<48x128xf32>
      %min3A_482 = arith.minimumf %min3A_452, %add3A_480 : vector<48x128xf32>
      %add3A_483 = arith.addi %mul3A_19, %scan3A_457 : i32
      %broadcast_in_dim3A_484 = vector.broadcast %add3A_483 : i32 to vector<48x128xi32>
      %select_n3A_485 = arith.select %lt3A_481, %broadcast_in_dim3A_484, %select_n3A_455 : vector<48x128xi1>, vector<48x128xi32>
      %scan3A_486 = arith.constant 15 : i32
      %scan3A_487 = arith.addi %scan3A_41, %scan3A_486 : i32
      %get3A_488 = arith.constant 0 : index
      %get3A_489 = arith.constant 0 : index
      %get3A_490 = arith.index_cast %scan3A_487 : i32 to index
      %get3A_491 = memref.load %arg6[%get3A_488, %get3A_489, %get3A_490] : memref<1x1x2048xf32, #tpu.memory_space<smem>>
      %get3A_492 = arith.constant 0 : index
      %get3A_493 = arith.constant 0 : index
      %get3A_494 = arith.index_cast %scan3A_487 : i32 to index
      %get3A_495 = memref.load %arg7[%get3A_492, %get3A_493, %get3A_494] : memref<1x1x2048xf32, #tpu.memory_space<smem>>
      %get3A_496 = arith.constant 0 : index
      %get3A_497 = arith.constant 0 : index
      %get3A_498 = arith.index_cast %scan3A_487 : i32 to index
      %get3A_499 = memref.load %arg8[%get3A_496, %get3A_497, %get3A_498] : memref<1x1x2048xf32, #tpu.memory_space<smem>>
      %sub3A_500 = vector.broadcast %get3A_491 : f32 to vector<48x128xf32>
      %sub3A_501 = arith.subf %get3A_6, %sub3A_500 : vector<48x128xf32>
      %sub3A_502 = vector.broadcast %get3A_495 : f32 to vector<48x128xf32>
      %sub3A_503 = arith.subf %get3A_12, %sub3A_502 : vector<48x128xf32>
      %sub3A_504 = vector.broadcast %get3A_499 : f32 to vector<48x128xf32>
      %sub3A_505 = arith.subf %get3A_18, %sub3A_504 : vector<48x128xf32>
      %mul3A_506 = arith.mulf %sub3A_501, %sub3A_501 : vector<48x128xf32>
      %mul3A_507 = arith.mulf %sub3A_503, %sub3A_503 : vector<48x128xf32>
      %add3A_508 = arith.addf %mul3A_506, %mul3A_507 : vector<48x128xf32>
      %mul3A_509 = arith.mulf %sub3A_505, %sub3A_505 : vector<48x128xf32>
      %add3A_510 = arith.addf %add3A_508, %mul3A_509 : vector<48x128xf32>
      %lt3A_511 = arith.cmpf olt, %add3A_510, %min3A_482 : vector<48x128xf32>
      %min3A_512 = arith.minimumf %min3A_482, %add3A_510 : vector<48x128xf32>
      %add3A_513 = arith.addi %mul3A_19, %scan3A_487 : i32
      %broadcast_in_dim3A_514 = vector.broadcast %add3A_513 : i32 to vector<48x128xi32>
      %select_n3A_515 = arith.select %lt3A_511, %broadcast_in_dim3A_514, %select_n3A_485 : vector<48x128xi1>, vector<48x128xi32>
      %scan3A_516 = arith.constant 16 : i32
      %scan3A_517 = arith.addi %scan3A_41, %scan3A_516 : i32
      %get3A_518 = arith.constant 0 : index
      %get3A_519 = arith.constant 0 : index
      %get3A_520 = arith.index_cast %scan3A_517 : i32 to index
      %get3A_521 = memref.load %arg6[%get3A_518, %get3A_519, %get3A_520] : memref<1x1x2048xf32, #tpu.memory_space<smem>>
      %get3A_522 = arith.constant 0 : index
      %get3A_523 = arith.constant 0 : index
      %get3A_524 = arith.index_cast %scan3A_517 : i32 to index
      %get3A_525 = memref.load %arg7[%get3A_522, %get3A_523, %get3A_524] : memref<1x1x2048xf32, #tpu.memory_space<smem>>
      %get3A_526 = arith.constant 0 : index
      %get3A_527 = arith.constant 0 : index
      %get3A_528 = arith.index_cast %scan3A_517 : i32 to index
      %get3A_529 = memref.load %arg8[%get3A_526, %get3A_527, %get3A_528] : memref<1x1x2048xf32, #tpu.memory_space<smem>>
      %sub3A_530 = vector.broadcast %get3A_521 : f32 to vector<48x128xf32>
      %sub3A_531 = arith.subf %get3A_6, %sub3A_530 : vector<48x128xf32>
      %sub3A_532 = vector.broadcast %get3A_525 : f32 to vector<48x128xf32>
      %sub3A_533 = arith.subf %get3A_12, %sub3A_532 : vector<48x128xf32>
      %sub3A_534 = vector.broadcast %get3A_529 : f32 to vector<48x128xf32>
      %sub3A_535 = arith.subf %get3A_18, %sub3A_534 : vector<48x128xf32>
      %mul3A_536 = arith.mulf %sub3A_531, %sub3A_531 : vector<48x128xf32>
      %mul3A_537 = arith.mulf %sub3A_533, %sub3A_533 : vector<48x128xf32>
      %add3A_538 = arith.addf %mul3A_536, %mul3A_537 : vector<48x128xf32>
      %mul3A_539 = arith.mulf %sub3A_535, %sub3A_535 : vector<48x128xf32>
      %add3A_540 = arith.addf %add3A_538, %mul3A_539 : vector<48x128xf32>
      %lt3A_541 = arith.cmpf olt, %add3A_540, %min3A_512 : vector<48x128xf32>
      %min3A_542 = arith.minimumf %min3A_512, %add3A_540 : vector<48x128xf32>
      %add3A_543 = arith.addi %mul3A_19, %scan3A_517 : i32
      %broadcast_in_dim3A_544 = vector.broadcast %add3A_543 : i32 to vector<48x128xi32>
      %select_n3A_545 = arith.select %lt3A_541, %broadcast_in_dim3A_544, %select_n3A_515 : vector<48x128xi1>, vector<48x128xi32>
      %scan3A_546 = arith.constant 17 : i32
      %scan3A_547 = arith.addi %scan3A_41, %scan3A_546 : i32
      %get3A_548 = arith.constant 0 : index
      %get3A_549 = arith.constant 0 : index
      %get3A_550 = arith.index_cast %scan3A_547 : i32 to index
      %get3A_551 = memref.load %arg6[%get3A_548, %get3A_549, %get3A_550] : memref<1x1x2048xf32, #tpu.memory_space<smem>>
      %get3A_552 = arith.constant 0 : index
      %get3A_553 = arith.constant 0 : index
      %get3A_554 = arith.index_cast %scan3A_547 : i32 to index
      %get3A_555 = memref.load %arg7[%get3A_552, %get3A_553, %get3A_554] : memref<1x1x2048xf32, #tpu.memory_space<smem>>
      %get3A_556 = arith.constant 0 : index
      %get3A_557 = arith.constant 0 : index
      %get3A_558 = arith.index_cast %scan3A_547 : i32 to index
      %get3A_559 = memref.load %arg8[%get3A_556, %get3A_557, %get3A_558] : memref<1x1x2048xf32, #tpu.memory_space<smem>>
      %sub3A_560 = vector.broadcast %get3A_551 : f32 to vector<48x128xf32>
      %sub3A_561 = arith.subf %get3A_6, %sub3A_560 : vector<48x128xf32>
      %sub3A_562 = vector.broadcast %get3A_555 : f32 to vector<48x128xf32>
      %sub3A_563 = arith.subf %get3A_12, %sub3A_562 : vector<48x128xf32>
      %sub3A_564 = vector.broadcast %get3A_559 : f32 to vector<48x128xf32>
      %sub3A_565 = arith.subf %get3A_18, %sub3A_564 : vector<48x128xf32>
      %mul3A_566 = arith.mulf %sub3A_561, %sub3A_561 : vector<48x128xf32>
      %mul3A_567 = arith.mulf %sub3A_563, %sub3A_563 : vector<48x128xf32>
      %add3A_568 = arith.addf %mul3A_566, %mul3A_567 : vector<48x128xf32>
      %mul3A_569 = arith.mulf %sub3A_565, %sub3A_565 : vector<48x128xf32>
      %add3A_570 = arith.addf %add3A_568, %mul3A_569 : vector<48x128xf32>
      %lt3A_571 = arith.cmpf olt, %add3A_570, %min3A_542 : vector<48x128xf32>
      %min3A_572 = arith.minimumf %min3A_542, %add3A_570 : vector<48x128xf32>
      %add3A_573 = arith.addi %mul3A_19, %scan3A_547 : i32
      %broadcast_in_dim3A_574 = vector.broadcast %add3A_573 : i32 to vector<48x128xi32>
      %select_n3A_575 = arith.select %lt3A_571, %broadcast_in_dim3A_574, %select_n3A_545 : vector<48x128xi1>, vector<48x128xi32>
      %scan3A_576 = arith.constant 18 : i32
      %scan3A_577 = arith.addi %scan3A_41, %scan3A_576 : i32
      %get3A_578 = arith.constant 0 : index
      %get3A_579 = arith.constant 0 : index
      %get3A_580 = arith.index_cast %scan3A_577 : i32 to index
      %get3A_581 = memref.load %arg6[%get3A_578, %get3A_579, %get3A_580] : memref<1x1x2048xf32, #tpu.memory_space<smem>>
      %get3A_582 = arith.constant 0 : index
      %get3A_583 = arith.constant 0 : index
      %get3A_584 = arith.index_cast %scan3A_577 : i32 to index
      %get3A_585 = memref.load %arg7[%get3A_582, %get3A_583, %get3A_584] : memref<1x1x2048xf32, #tpu.memory_space<smem>>
      %get3A_586 = arith.constant 0 : index
      %get3A_587 = arith.constant 0 : index
      %get3A_588 = arith.index_cast %scan3A_577 : i32 to index
      %get3A_589 = memref.load %arg8[%get3A_586, %get3A_587, %get3A_588] : memref<1x1x2048xf32, #tpu.memory_space<smem>>
      %sub3A_590 = vector.broadcast %get3A_581 : f32 to vector<48x128xf32>
      %sub3A_591 = arith.subf %get3A_6, %sub3A_590 : vector<48x128xf32>
      %sub3A_592 = vector.broadcast %get3A_585 : f32 to vector<48x128xf32>
      %sub3A_593 = arith.subf %get3A_12, %sub3A_592 : vector<48x128xf32>
      %sub3A_594 = vector.broadcast %get3A_589 : f32 to vector<48x128xf32>
      %sub3A_595 = arith.subf %get3A_18, %sub3A_594 : vector<48x128xf32>
      %mul3A_596 = arith.mulf %sub3A_591, %sub3A_591 : vector<48x128xf32>
      %mul3A_597 = arith.mulf %sub3A_593, %sub3A_593 : vector<48x128xf32>
      %add3A_598 = arith.addf %mul3A_596, %mul3A_597 : vector<48x128xf32>
      %mul3A_599 = arith.mulf %sub3A_595, %sub3A_595 : vector<48x128xf32>
      %add3A_600 = arith.addf %add3A_598, %mul3A_599 : vector<48x128xf32>
      %lt3A_601 = arith.cmpf olt, %add3A_600, %min3A_572 : vector<48x128xf32>
      %min3A_602 = arith.minimumf %min3A_572, %add3A_600 : vector<48x128xf32>
      %add3A_603 = arith.addi %mul3A_19, %scan3A_577 : i32
      %broadcast_in_dim3A_604 = vector.broadcast %add3A_603 : i32 to vector<48x128xi32>
      %select_n3A_605 = arith.select %lt3A_601, %broadcast_in_dim3A_604, %select_n3A_575 : vector<48x128xi1>, vector<48x128xi32>
      %scan3A_606 = arith.constant 19 : i32
      %scan3A_607 = arith.addi %scan3A_41, %scan3A_606 : i32
      %get3A_608 = arith.constant 0 : index
      %get3A_609 = arith.constant 0 : index
      %get3A_610 = arith.index_cast %scan3A_607 : i32 to index
      %get3A_611 = memref.load %arg6[%get3A_608, %get3A_609, %get3A_610] : memref<1x1x2048xf32, #tpu.memory_space<smem>>
      %get3A_612 = arith.constant 0 : index
      %get3A_613 = arith.constant 0 : index
      %get3A_614 = arith.index_cast %scan3A_607 : i32 to index
      %get3A_615 = memref.load %arg7[%get3A_612, %get3A_613, %get3A_614] : memref<1x1x2048xf32, #tpu.memory_space<smem>>
      %get3A_616 = arith.constant 0 : index
      %get3A_617 = arith.constant 0 : index
      %get3A_618 = arith.index_cast %scan3A_607 : i32 to index
      %get3A_619 = memref.load %arg8[%get3A_616, %get3A_617, %get3A_618] : memref<1x1x2048xf32, #tpu.memory_space<smem>>
      %sub3A_620 = vector.broadcast %get3A_611 : f32 to vector<48x128xf32>
      %sub3A_621 = arith.subf %get3A_6, %sub3A_620 : vector<48x128xf32>
      %sub3A_622 = vector.broadcast %get3A_615 : f32 to vector<48x128xf32>
      %sub3A_623 = arith.subf %get3A_12, %sub3A_622 : vector<48x128xf32>
      %sub3A_624 = vector.broadcast %get3A_619 : f32 to vector<48x128xf32>
      %sub3A_625 = arith.subf %get3A_18, %sub3A_624 : vector<48x128xf32>
      %mul3A_626 = arith.mulf %sub3A_621, %sub3A_621 : vector<48x128xf32>
      %mul3A_627 = arith.mulf %sub3A_623, %sub3A_623 : vector<48x128xf32>
      %add3A_628 = arith.addf %mul3A_626, %mul3A_627 : vector<48x128xf32>
      %mul3A_629 = arith.mulf %sub3A_625, %sub3A_625 : vector<48x128xf32>
      %add3A_630 = arith.addf %add3A_628, %mul3A_629 : vector<48x128xf32>
      %lt3A_631 = arith.cmpf olt, %add3A_630, %min3A_602 : vector<48x128xf32>
      %min3A_632 = arith.minimumf %min3A_602, %add3A_630 : vector<48x128xf32>
      %add3A_633 = arith.addi %mul3A_19, %scan3A_607 : i32
      %broadcast_in_dim3A_634 = vector.broadcast %add3A_633 : i32 to vector<48x128xi32>
      %select_n3A_635 = arith.select %lt3A_631, %broadcast_in_dim3A_634, %select_n3A_605 : vector<48x128xi1>, vector<48x128xi32>
      %scan3A_636 = arith.constant 20 : i32
      %scan3A_637 = arith.addi %scan3A_41, %scan3A_636 : i32
      %get3A_638 = arith.constant 0 : index
      %get3A_639 = arith.constant 0 : index
      %get3A_640 = arith.index_cast %scan3A_637 : i32 to index
      %get3A_641 = memref.load %arg6[%get3A_638, %get3A_639, %get3A_640] : memref<1x1x2048xf32, #tpu.memory_space<smem>>
      %get3A_642 = arith.constant 0 : index
      %get3A_643 = arith.constant 0 : index
      %get3A_644 = arith.index_cast %scan3A_637 : i32 to index
      %get3A_645 = memref.load %arg7[%get3A_642, %get3A_643, %get3A_644] : memref<1x1x2048xf32, #tpu.memory_space<smem>>
      %get3A_646 = arith.constant 0 : index
      %get3A_647 = arith.constant 0 : index
      %get3A_648 = arith.index_cast %scan3A_637 : i32 to index
      %get3A_649 = memref.load %arg8[%get3A_646, %get3A_647, %get3A_648] : memref<1x1x2048xf32, #tpu.memory_space<smem>>
      %sub3A_650 = vector.broadcast %get3A_641 : f32 to vector<48x128xf32>
      %sub3A_651 = arith.subf %get3A_6, %sub3A_650 : vector<48x128xf32>
      %sub3A_652 = vector.broadcast %get3A_645 : f32 to vector<48x128xf32>
      %sub3A_653 = arith.subf %get3A_12, %sub3A_652 : vector<48x128xf32>
      %sub3A_654 = vector.broadcast %get3A_649 : f32 to vector<48x128xf32>
      %sub3A_655 = arith.subf %get3A_18, %sub3A_654 : vector<48x128xf32>
      %mul3A_656 = arith.mulf %sub3A_651, %sub3A_651 : vector<48x128xf32>
      %mul3A_657 = arith.mulf %sub3A_653, %sub3A_653 : vector<48x128xf32>
      %add3A_658 = arith.addf %mul3A_656, %mul3A_657 : vector<48x128xf32>
      %mul3A_659 = arith.mulf %sub3A_655, %sub3A_655 : vector<48x128xf32>
      %add3A_660 = arith.addf %add3A_658, %mul3A_659 : vector<48x128xf32>
      %lt3A_661 = arith.cmpf olt, %add3A_660, %min3A_632 : vector<48x128xf32>
      %min3A_662 = arith.minimumf %min3A_632, %add3A_660 : vector<48x128xf32>
      %add3A_663 = arith.addi %mul3A_19, %scan3A_637 : i32
      %broadcast_in_dim3A_664 = vector.broadcast %add3A_663 : i32 to vector<48x128xi32>
      %select_n3A_665 = arith.select %lt3A_661, %broadcast_in_dim3A_664, %select_n3A_635 : vector<48x128xi1>, vector<48x128xi32>
      %scan3A_666 = arith.constant 21 : i32
      %scan3A_667 = arith.addi %scan3A_41, %scan3A_666 : i32
      %get3A_668 = arith.constant 0 : index
      %get3A_669 = arith.constant 0 : index
      %get3A_670 = arith.index_cast %scan3A_667 : i32 to index
      %get3A_671 = memref.load %arg6[%get3A_668, %get3A_669, %get3A_670] : memref<1x1x2048xf32, #tpu.memory_space<smem>>
      %get3A_672 = arith.constant 0 : index
      %get3A_673 = arith.constant 0 : index
      %get3A_674 = arith.index_cast %scan3A_667 : i32 to index
      %get3A_675 = memref.load %arg7[%get3A_672, %get3A_673, %get3A_674] : memref<1x1x2048xf32, #tpu.memory_space<smem>>
      %get3A_676 = arith.constant 0 : index
      %get3A_677 = arith.constant 0 : index
      %get3A_678 = arith.index_cast %scan3A_667 : i32 to index
      %get3A_679 = memref.load %arg8[%get3A_676, %get3A_677, %get3A_678] : memref<1x1x2048xf32, #tpu.memory_space<smem>>
      %sub3A_680 = vector.broadcast %get3A_671 : f32 to vector<48x128xf32>
      %sub3A_681 = arith.subf %get3A_6, %sub3A_680 : vector<48x128xf32>
      %sub3A_682 = vector.broadcast %get3A_675 : f32 to vector<48x128xf32>
      %sub3A_683 = arith.subf %get3A_12, %sub3A_682 : vector<48x128xf32>
      %sub3A_684 = vector.broadcast %get3A_679 : f32 to vector<48x128xf32>
      %sub3A_685 = arith.subf %get3A_18, %sub3A_684 : vector<48x128xf32>
      %mul3A_686 = arith.mulf %sub3A_681, %sub3A_681 : vector<48x128xf32>
      %mul3A_687 = arith.mulf %sub3A_683, %sub3A_683 : vector<48x128xf32>
      %add3A_688 = arith.addf %mul3A_686, %mul3A_687 : vector<48x128xf32>
      %mul3A_689 = arith.mulf %sub3A_685, %sub3A_685 : vector<48x128xf32>
      %add3A_690 = arith.addf %add3A_688, %mul3A_689 : vector<48x128xf32>
      %lt3A_691 = arith.cmpf olt, %add3A_690, %min3A_662 : vector<48x128xf32>
      %min3A_692 = arith.minimumf %min3A_662, %add3A_690 : vector<48x128xf32>
      %add3A_693 = arith.addi %mul3A_19, %scan3A_667 : i32
      %broadcast_in_dim3A_694 = vector.broadcast %add3A_693 : i32 to vector<48x128xi32>
      %select_n3A_695 = arith.select %lt3A_691, %broadcast_in_dim3A_694, %select_n3A_665 : vector<48x128xi1>, vector<48x128xi32>
      %scan3A_696 = arith.constant 22 : i32
      %scan3A_697 = arith.addi %scan3A_41, %scan3A_696 : i32
      %get3A_698 = arith.constant 0 : index
      %get3A_699 = arith.constant 0 : index
      %get3A_700 = arith.index_cast %scan3A_697 : i32 to index
      %get3A_701 = memref.load %arg6[%get3A_698, %get3A_699, %get3A_700] : memref<1x1x2048xf32, #tpu.memory_space<smem>>
      %get3A_702 = arith.constant 0 : index
      %get3A_703 = arith.constant 0 : index
      %get3A_704 = arith.index_cast %scan3A_697 : i32 to index
      %get3A_705 = memref.load %arg7[%get3A_702, %get3A_703, %get3A_704] : memref<1x1x2048xf32, #tpu.memory_space<smem>>
      %get3A_706 = arith.constant 0 : index
      %get3A_707 = arith.constant 0 : index
      %get3A_708 = arith.index_cast %scan3A_697 : i32 to index
      %get3A_709 = memref.load %arg8[%get3A_706, %get3A_707, %get3A_708] : memref<1x1x2048xf32, #tpu.memory_space<smem>>
      %sub3A_710 = vector.broadcast %get3A_701 : f32 to vector<48x128xf32>
      %sub3A_711 = arith.subf %get3A_6, %sub3A_710 : vector<48x128xf32>
      %sub3A_712 = vector.broadcast %get3A_705 : f32 to vector<48x128xf32>
      %sub3A_713 = arith.subf %get3A_12, %sub3A_712 : vector<48x128xf32>
      %sub3A_714 = vector.broadcast %get3A_709 : f32 to vector<48x128xf32>
      %sub3A_715 = arith.subf %get3A_18, %sub3A_714 : vector<48x128xf32>
      %mul3A_716 = arith.mulf %sub3A_711, %sub3A_711 : vector<48x128xf32>
      %mul3A_717 = arith.mulf %sub3A_713, %sub3A_713 : vector<48x128xf32>
      %add3A_718 = arith.addf %mul3A_716, %mul3A_717 : vector<48x128xf32>
      %mul3A_719 = arith.mulf %sub3A_715, %sub3A_715 : vector<48x128xf32>
      %add3A_720 = arith.addf %add3A_718, %mul3A_719 : vector<48x128xf32>
      %lt3A_721 = arith.cmpf olt, %add3A_720, %min3A_692 : vector<48x128xf32>
      %min3A_722 = arith.minimumf %min3A_692, %add3A_720 : vector<48x128xf32>
      %add3A_723 = arith.addi %mul3A_19, %scan3A_697 : i32
      %broadcast_in_dim3A_724 = vector.broadcast %add3A_723 : i32 to vector<48x128xi32>
      %select_n3A_725 = arith.select %lt3A_721, %broadcast_in_dim3A_724, %select_n3A_695 : vector<48x128xi1>, vector<48x128xi32>
      %scan3A_726 = arith.constant 23 : i32
      %scan3A_727 = arith.addi %scan3A_41, %scan3A_726 : i32
      %get3A_728 = arith.constant 0 : index
      %get3A_729 = arith.constant 0 : index
      %get3A_730 = arith.index_cast %scan3A_727 : i32 to index
      %get3A_731 = memref.load %arg6[%get3A_728, %get3A_729, %get3A_730] : memref<1x1x2048xf32, #tpu.memory_space<smem>>
      %get3A_732 = arith.constant 0 : index
      %get3A_733 = arith.constant 0 : index
      %get3A_734 = arith.index_cast %scan3A_727 : i32 to index
      %get3A_735 = memref.load %arg7[%get3A_732, %get3A_733, %get3A_734] : memref<1x1x2048xf32, #tpu.memory_space<smem>>
      %get3A_736 = arith.constant 0 : index
      %get3A_737 = arith.constant 0 : index
      %get3A_738 = arith.index_cast %scan3A_727 : i32 to index
      %get3A_739 = memref.load %arg8[%get3A_736, %get3A_737, %get3A_738] : memref<1x1x2048xf32, #tpu.memory_space<smem>>
      %sub3A_740 = vector.broadcast %get3A_731 : f32 to vector<48x128xf32>
      %sub3A_741 = arith.subf %get3A_6, %sub3A_740 : vector<48x128xf32>
      %sub3A_742 = vector.broadcast %get3A_735 : f32 to vector<48x128xf32>
      %sub3A_743 = arith.subf %get3A_12, %sub3A_742 : vector<48x128xf32>
      %sub3A_744 = vector.broadcast %get3A_739 : f32 to vector<48x128xf32>
      %sub3A_745 = arith.subf %get3A_18, %sub3A_744 : vector<48x128xf32>
      %mul3A_746 = arith.mulf %sub3A_741, %sub3A_741 : vector<48x128xf32>
      %mul3A_747 = arith.mulf %sub3A_743, %sub3A_743 : vector<48x128xf32>
      %add3A_748 = arith.addf %mul3A_746, %mul3A_747 : vector<48x128xf32>
      %mul3A_749 = arith.mulf %sub3A_745, %sub3A_745 : vector<48x128xf32>
      %add3A_750 = arith.addf %add3A_748, %mul3A_749 : vector<48x128xf32>
      %lt3A_751 = arith.cmpf olt, %add3A_750, %min3A_722 : vector<48x128xf32>
      %min3A_752 = arith.minimumf %min3A_722, %add3A_750 : vector<48x128xf32>
      %add3A_753 = arith.addi %mul3A_19, %scan3A_727 : i32
      %broadcast_in_dim3A_754 = vector.broadcast %add3A_753 : i32 to vector<48x128xi32>
      %select_n3A_755 = arith.select %lt3A_751, %broadcast_in_dim3A_754, %select_n3A_725 : vector<48x128xi1>, vector<48x128xi32>
      %scan3A_756 = arith.constant 24 : i32
      %scan3A_757 = arith.addi %scan3A_41, %scan3A_756 : i32
      %get3A_758 = arith.constant 0 : index
      %get3A_759 = arith.constant 0 : index
      %get3A_760 = arith.index_cast %scan3A_757 : i32 to index
      %get3A_761 = memref.load %arg6[%get3A_758, %get3A_759, %get3A_760] : memref<1x1x2048xf32, #tpu.memory_space<smem>>
      %get3A_762 = arith.constant 0 : index
      %get3A_763 = arith.constant 0 : index
      %get3A_764 = arith.index_cast %scan3A_757 : i32 to index
      %get3A_765 = memref.load %arg7[%get3A_762, %get3A_763, %get3A_764] : memref<1x1x2048xf32, #tpu.memory_space<smem>>
      %get3A_766 = arith.constant 0 : index
      %get3A_767 = arith.constant 0 : index
      %get3A_768 = arith.index_cast %scan3A_757 : i32 to index
      %get3A_769 = memref.load %arg8[%get3A_766, %get3A_767, %get3A_768] : memref<1x1x2048xf32, #tpu.memory_space<smem>>
      %sub3A_770 = vector.broadcast %get3A_761 : f32 to vector<48x128xf32>
      %sub3A_771 = arith.subf %get3A_6, %sub3A_770 : vector<48x128xf32>
      %sub3A_772 = vector.broadcast %get3A_765 : f32 to vector<48x128xf32>
      %sub3A_773 = arith.subf %get3A_12, %sub3A_772 : vector<48x128xf32>
      %sub3A_774 = vector.broadcast %get3A_769 : f32 to vector<48x128xf32>
      %sub3A_775 = arith.subf %get3A_18, %sub3A_774 : vector<48x128xf32>
      %mul3A_776 = arith.mulf %sub3A_771, %sub3A_771 : vector<48x128xf32>
      %mul3A_777 = arith.mulf %sub3A_773, %sub3A_773 : vector<48x128xf32>
      %add3A_778 = arith.addf %mul3A_776, %mul3A_777 : vector<48x128xf32>
      %mul3A_779 = arith.mulf %sub3A_775, %sub3A_775 : vector<48x128xf32>
      %add3A_780 = arith.addf %add3A_778, %mul3A_779 : vector<48x128xf32>
      %lt3A_781 = arith.cmpf olt, %add3A_780, %min3A_752 : vector<48x128xf32>
      %min3A_782 = arith.minimumf %min3A_752, %add3A_780 : vector<48x128xf32>
      %add3A_783 = arith.addi %mul3A_19, %scan3A_757 : i32
      %broadcast_in_dim3A_784 = vector.broadcast %add3A_783 : i32 to vector<48x128xi32>
      %select_n3A_785 = arith.select %lt3A_781, %broadcast_in_dim3A_784, %select_n3A_755 : vector<48x128xi1>, vector<48x128xi32>
      %scan3A_786 = arith.constant 25 : i32
      %scan3A_787 = arith.addi %scan3A_41, %scan3A_786 : i32
      %get3A_788 = arith.constant 0 : index
      %get3A_789 = arith.constant 0 : index
      %get3A_790 = arith.index_cast %scan3A_787 : i32 to index
      %get3A_791 = memref.load %arg6[%get3A_788, %get3A_789, %get3A_790] : memref<1x1x2048xf32, #tpu.memory_space<smem>>
      %get3A_792 = arith.constant 0 : index
      %get3A_793 = arith.constant 0 : index
      %get3A_794 = arith.index_cast %scan3A_787 : i32 to index
      %get3A_795 = memref.load %arg7[%get3A_792, %get3A_793, %get3A_794] : memref<1x1x2048xf32, #tpu.memory_space<smem>>
      %get3A_796 = arith.constant 0 : index
      %get3A_797 = arith.constant 0 : index
      %get3A_798 = arith.index_cast %scan3A_787 : i32 to index
      %get3A_799 = memref.load %arg8[%get3A_796, %get3A_797, %get3A_798] : memref<1x1x2048xf32, #tpu.memory_space<smem>>
      %sub3A_800 = vector.broadcast %get3A_791 : f32 to vector<48x128xf32>
      %sub3A_801 = arith.subf %get3A_6, %sub3A_800 : vector<48x128xf32>
      %sub3A_802 = vector.broadcast %get3A_795 : f32 to vector<48x128xf32>
      %sub3A_803 = arith.subf %get3A_12, %sub3A_802 : vector<48x128xf32>
      %sub3A_804 = vector.broadcast %get3A_799 : f32 to vector<48x128xf32>
      %sub3A_805 = arith.subf %get3A_18, %sub3A_804 : vector<48x128xf32>
      %mul3A_806 = arith.mulf %sub3A_801, %sub3A_801 : vector<48x128xf32>
      %mul3A_807 = arith.mulf %sub3A_803, %sub3A_803 : vector<48x128xf32>
      %add3A_808 = arith.addf %mul3A_806, %mul3A_807 : vector<48x128xf32>
      %mul3A_809 = arith.mulf %sub3A_805, %sub3A_805 : vector<48x128xf32>
      %add3A_810 = arith.addf %add3A_808, %mul3A_809 : vector<48x128xf32>
      %lt3A_811 = arith.cmpf olt, %add3A_810, %min3A_782 : vector<48x128xf32>
      %min3A_812 = arith.minimumf %min3A_782, %add3A_810 : vector<48x128xf32>
      %add3A_813 = arith.addi %mul3A_19, %scan3A_787 : i32
      %broadcast_in_dim3A_814 = vector.broadcast %add3A_813 : i32 to vector<48x128xi32>
      %select_n3A_815 = arith.select %lt3A_811, %broadcast_in_dim3A_814, %select_n3A_785 : vector<48x128xi1>, vector<48x128xi32>
      %scan3A_816 = arith.constant 26 : i32
      %scan3A_817 = arith.addi %scan3A_41, %scan3A_816 : i32
      %get3A_818 = arith.constant 0 : index
      %get3A_819 = arith.constant 0 : index
      %get3A_820 = arith.index_cast %scan3A_817 : i32 to index
      %get3A_821 = memref.load %arg6[%get3A_818, %get3A_819, %get3A_820] : memref<1x1x2048xf32, #tpu.memory_space<smem>>
      %get3A_822 = arith.constant 0 : index
      %get3A_823 = arith.constant 0 : index
      %get3A_824 = arith.index_cast %scan3A_817 : i32 to index
      %get3A_825 = memref.load %arg7[%get3A_822, %get3A_823, %get3A_824] : memref<1x1x2048xf32, #tpu.memory_space<smem>>
      %get3A_826 = arith.constant 0 : index
      %get3A_827 = arith.constant 0 : index
      %get3A_828 = arith.index_cast %scan3A_817 : i32 to index
      %get3A_829 = memref.load %arg8[%get3A_826, %get3A_827, %get3A_828] : memref<1x1x2048xf32, #tpu.memory_space<smem>>
      %sub3A_830 = vector.broadcast %get3A_821 : f32 to vector<48x128xf32>
      %sub3A_831 = arith.subf %get3A_6, %sub3A_830 : vector<48x128xf32>
      %sub3A_832 = vector.broadcast %get3A_825 : f32 to vector<48x128xf32>
      %sub3A_833 = arith.subf %get3A_12, %sub3A_832 : vector<48x128xf32>
      %sub3A_834 = vector.broadcast %get3A_829 : f32 to vector<48x128xf32>
      %sub3A_835 = arith.subf %get3A_18, %sub3A_834 : vector<48x128xf32>
      %mul3A_836 = arith.mulf %sub3A_831, %sub3A_831 : vector<48x128xf32>
      %mul3A_837 = arith.mulf %sub3A_833, %sub3A_833 : vector<48x128xf32>
      %add3A_838 = arith.addf %mul3A_836, %mul3A_837 : vector<48x128xf32>
      %mul3A_839 = arith.mulf %sub3A_835, %sub3A_835 : vector<48x128xf32>
      %add3A_840 = arith.addf %add3A_838, %mul3A_839 : vector<48x128xf32>
      %lt3A_841 = arith.cmpf olt, %add3A_840, %min3A_812 : vector<48x128xf32>
      %min3A_842 = arith.minimumf %min3A_812, %add3A_840 : vector<48x128xf32>
      %add3A_843 = arith.addi %mul3A_19, %scan3A_817 : i32
      %broadcast_in_dim3A_844 = vector.broadcast %add3A_843 : i32 to vector<48x128xi32>
      %select_n3A_845 = arith.select %lt3A_841, %broadcast_in_dim3A_844, %select_n3A_815 : vector<48x128xi1>, vector<48x128xi32>
      %scan3A_846 = arith.constant 27 : i32
      %scan3A_847 = arith.addi %scan3A_41, %scan3A_846 : i32
      %get3A_848 = arith.constant 0 : index
      %get3A_849 = arith.constant 0 : index
      %get3A_850 = arith.index_cast %scan3A_847 : i32 to index
      %get3A_851 = memref.load %arg6[%get3A_848, %get3A_849, %get3A_850] : memref<1x1x2048xf32, #tpu.memory_space<smem>>
      %get3A_852 = arith.constant 0 : index
      %get3A_853 = arith.constant 0 : index
      %get3A_854 = arith.index_cast %scan3A_847 : i32 to index
      %get3A_855 = memref.load %arg7[%get3A_852, %get3A_853, %get3A_854] : memref<1x1x2048xf32, #tpu.memory_space<smem>>
      %get3A_856 = arith.constant 0 : index
      %get3A_857 = arith.constant 0 : index
      %get3A_858 = arith.index_cast %scan3A_847 : i32 to index
      %get3A_859 = memref.load %arg8[%get3A_856, %get3A_857, %get3A_858] : memref<1x1x2048xf32, #tpu.memory_space<smem>>
      %sub3A_860 = vector.broadcast %get3A_851 : f32 to vector<48x128xf32>
      %sub3A_861 = arith.subf %get3A_6, %sub3A_860 : vector<48x128xf32>
      %sub3A_862 = vector.broadcast %get3A_855 : f32 to vector<48x128xf32>
      %sub3A_863 = arith.subf %get3A_12, %sub3A_862 : vector<48x128xf32>
      %sub3A_864 = vector.broadcast %get3A_859 : f32 to vector<48x128xf32>
      %sub3A_865 = arith.subf %get3A_18, %sub3A_864 : vector<48x128xf32>
      %mul3A_866 = arith.mulf %sub3A_861, %sub3A_861 : vector<48x128xf32>
      %mul3A_867 = arith.mulf %sub3A_863, %sub3A_863 : vector<48x128xf32>
      %add3A_868 = arith.addf %mul3A_866, %mul3A_867 : vector<48x128xf32>
      %mul3A_869 = arith.mulf %sub3A_865, %sub3A_865 : vector<48x128xf32>
      %add3A_870 = arith.addf %add3A_868, %mul3A_869 : vector<48x128xf32>
      %lt3A_871 = arith.cmpf olt, %add3A_870, %min3A_842 : vector<48x128xf32>
      %min3A_872 = arith.minimumf %min3A_842, %add3A_870 : vector<48x128xf32>
      %add3A_873 = arith.addi %mul3A_19, %scan3A_847 : i32
      %broadcast_in_dim3A_874 = vector.broadcast %add3A_873 : i32 to vector<48x128xi32>
      %select_n3A_875 = arith.select %lt3A_871, %broadcast_in_dim3A_874, %select_n3A_845 : vector<48x128xi1>, vector<48x128xi32>
      %scan3A_876 = arith.constant 28 : i32
      %scan3A_877 = arith.addi %scan3A_41, %scan3A_876 : i32
      %get3A_878 = arith.constant 0 : index
      %get3A_879 = arith.constant 0 : index
      %get3A_880 = arith.index_cast %scan3A_877 : i32 to index
      %get3A_881 = memref.load %arg6[%get3A_878, %get3A_879, %get3A_880] : memref<1x1x2048xf32, #tpu.memory_space<smem>>
      %get3A_882 = arith.constant 0 : index
      %get3A_883 = arith.constant 0 : index
      %get3A_884 = arith.index_cast %scan3A_877 : i32 to index
      %get3A_885 = memref.load %arg7[%get3A_882, %get3A_883, %get3A_884] : memref<1x1x2048xf32, #tpu.memory_space<smem>>
      %get3A_886 = arith.constant 0 : index
      %get3A_887 = arith.constant 0 : index
      %get3A_888 = arith.index_cast %scan3A_877 : i32 to index
      %get3A_889 = memref.load %arg8[%get3A_886, %get3A_887, %get3A_888] : memref<1x1x2048xf32, #tpu.memory_space<smem>>
      %sub3A_890 = vector.broadcast %get3A_881 : f32 to vector<48x128xf32>
      %sub3A_891 = arith.subf %get3A_6, %sub3A_890 : vector<48x128xf32>
      %sub3A_892 = vector.broadcast %get3A_885 : f32 to vector<48x128xf32>
      %sub3A_893 = arith.subf %get3A_12, %sub3A_892 : vector<48x128xf32>
      %sub3A_894 = vector.broadcast %get3A_889 : f32 to vector<48x128xf32>
      %sub3A_895 = arith.subf %get3A_18, %sub3A_894 : vector<48x128xf32>
      %mul3A_896 = arith.mulf %sub3A_891, %sub3A_891 : vector<48x128xf32>
      %mul3A_897 = arith.mulf %sub3A_893, %sub3A_893 : vector<48x128xf32>
      %add3A_898 = arith.addf %mul3A_896, %mul3A_897 : vector<48x128xf32>
      %mul3A_899 = arith.mulf %sub3A_895, %sub3A_895 : vector<48x128xf32>
      %add3A_900 = arith.addf %add3A_898, %mul3A_899 : vector<48x128xf32>
      %lt3A_901 = arith.cmpf olt, %add3A_900, %min3A_872 : vector<48x128xf32>
      %min3A_902 = arith.minimumf %min3A_872, %add3A_900 : vector<48x128xf32>
      %add3A_903 = arith.addi %mul3A_19, %scan3A_877 : i32
      %broadcast_in_dim3A_904 = vector.broadcast %add3A_903 : i32 to vector<48x128xi32>
      %select_n3A_905 = arith.select %lt3A_901, %broadcast_in_dim3A_904, %select_n3A_875 : vector<48x128xi1>, vector<48x128xi32>
      %scan3A_906 = arith.constant 29 : i32
      %scan3A_907 = arith.addi %scan3A_41, %scan3A_906 : i32
      %get3A_908 = arith.constant 0 : index
      %get3A_909 = arith.constant 0 : index
      %get3A_910 = arith.index_cast %scan3A_907 : i32 to index
      %get3A_911 = memref.load %arg6[%get3A_908, %get3A_909, %get3A_910] : memref<1x1x2048xf32, #tpu.memory_space<smem>>
      %get3A_912 = arith.constant 0 : index
      %get3A_913 = arith.constant 0 : index
      %get3A_914 = arith.index_cast %scan3A_907 : i32 to index
      %get3A_915 = memref.load %arg7[%get3A_912, %get3A_913, %get3A_914] : memref<1x1x2048xf32, #tpu.memory_space<smem>>
      %get3A_916 = arith.constant 0 : index
      %get3A_917 = arith.constant 0 : index
      %get3A_918 = arith.index_cast %scan3A_907 : i32 to index
      %get3A_919 = memref.load %arg8[%get3A_916, %get3A_917, %get3A_918] : memref<1x1x2048xf32, #tpu.memory_space<smem>>
      %sub3A_920 = vector.broadcast %get3A_911 : f32 to vector<48x128xf32>
      %sub3A_921 = arith.subf %get3A_6, %sub3A_920 : vector<48x128xf32>
      %sub3A_922 = vector.broadcast %get3A_915 : f32 to vector<48x128xf32>
      %sub3A_923 = arith.subf %get3A_12, %sub3A_922 : vector<48x128xf32>
      %sub3A_924 = vector.broadcast %get3A_919 : f32 to vector<48x128xf32>
      %sub3A_925 = arith.subf %get3A_18, %sub3A_924 : vector<48x128xf32>
      %mul3A_926 = arith.mulf %sub3A_921, %sub3A_921 : vector<48x128xf32>
      %mul3A_927 = arith.mulf %sub3A_923, %sub3A_923 : vector<48x128xf32>
      %add3A_928 = arith.addf %mul3A_926, %mul3A_927 : vector<48x128xf32>
      %mul3A_929 = arith.mulf %sub3A_925, %sub3A_925 : vector<48x128xf32>
      %add3A_930 = arith.addf %add3A_928, %mul3A_929 : vector<48x128xf32>
      %lt3A_931 = arith.cmpf olt, %add3A_930, %min3A_902 : vector<48x128xf32>
      %min3A_932 = arith.minimumf %min3A_902, %add3A_930 : vector<48x128xf32>
      %add3A_933 = arith.addi %mul3A_19, %scan3A_907 : i32
      %broadcast_in_dim3A_934 = vector.broadcast %add3A_933 : i32 to vector<48x128xi32>
      %select_n3A_935 = arith.select %lt3A_931, %broadcast_in_dim3A_934, %select_n3A_905 : vector<48x128xi1>, vector<48x128xi32>
      %scan3A_936 = arith.constant 30 : i32
      %scan3A_937 = arith.addi %scan3A_41, %scan3A_936 : i32
      %get3A_938 = arith.constant 0 : index
      %get3A_939 = arith.constant 0 : index
      %get3A_940 = arith.index_cast %scan3A_937 : i32 to index
      %get3A_941 = memref.load %arg6[%get3A_938, %get3A_939, %get3A_940] : memref<1x1x2048xf32, #tpu.memory_space<smem>>
      %get3A_942 = arith.constant 0 : index
      %get3A_943 = arith.constant 0 : index
      %get3A_944 = arith.index_cast %scan3A_937 : i32 to index
      %get3A_945 = memref.load %arg7[%get3A_942, %get3A_943, %get3A_944] : memref<1x1x2048xf32, #tpu.memory_space<smem>>
      %get3A_946 = arith.constant 0 : index
      %get3A_947 = arith.constant 0 : index
      %get3A_948 = arith.index_cast %scan3A_937 : i32 to index
      %get3A_949 = memref.load %arg8[%get3A_946, %get3A_947, %get3A_948] : memref<1x1x2048xf32, #tpu.memory_space<smem>>
      %sub3A_950 = vector.broadcast %get3A_941 : f32 to vector<48x128xf32>
      %sub3A_951 = arith.subf %get3A_6, %sub3A_950 : vector<48x128xf32>
      %sub3A_952 = vector.broadcast %get3A_945 : f32 to vector<48x128xf32>
      %sub3A_953 = arith.subf %get3A_12, %sub3A_952 : vector<48x128xf32>
      %sub3A_954 = vector.broadcast %get3A_949 : f32 to vector<48x128xf32>
      %sub3A_955 = arith.subf %get3A_18, %sub3A_954 : vector<48x128xf32>
      %mul3A_956 = arith.mulf %sub3A_951, %sub3A_951 : vector<48x128xf32>
      %mul3A_957 = arith.mulf %sub3A_953, %sub3A_953 : vector<48x128xf32>
      %add3A_958 = arith.addf %mul3A_956, %mul3A_957 : vector<48x128xf32>
      %mul3A_959 = arith.mulf %sub3A_955, %sub3A_955 : vector<48x128xf32>
      %add3A_960 = arith.addf %add3A_958, %mul3A_959 : vector<48x128xf32>
      %lt3A_961 = arith.cmpf olt, %add3A_960, %min3A_932 : vector<48x128xf32>
      %min3A_962 = arith.minimumf %min3A_932, %add3A_960 : vector<48x128xf32>
      %add3A_963 = arith.addi %mul3A_19, %scan3A_937 : i32
      %broadcast_in_dim3A_964 = vector.broadcast %add3A_963 : i32 to vector<48x128xi32>
      %select_n3A_965 = arith.select %lt3A_961, %broadcast_in_dim3A_964, %select_n3A_935 : vector<48x128xi1>, vector<48x128xi32>
      %scan3A_966 = arith.constant 31 : i32
      %scan3A_967 = arith.addi %scan3A_41, %scan3A_966 : i32
      %get3A_968 = arith.constant 0 : index
      %get3A_969 = arith.constant 0 : index
      %get3A_970 = arith.index_cast %scan3A_967 : i32 to index
      %get3A_971 = memref.load %arg6[%get3A_968, %get3A_969, %get3A_970] : memref<1x1x2048xf32, #tpu.memory_space<smem>>
      %get3A_972 = arith.constant 0 : index
      %get3A_973 = arith.constant 0 : index
      %get3A_974 = arith.index_cast %scan3A_967 : i32 to index
      %get3A_975 = memref.load %arg7[%get3A_972, %get3A_973, %get3A_974] : memref<1x1x2048xf32, #tpu.memory_space<smem>>
      %get3A_976 = arith.constant 0 : index
      %get3A_977 = arith.constant 0 : index
      %get3A_978 = arith.index_cast %scan3A_967 : i32 to index
      %get3A_979 = memref.load %arg8[%get3A_976, %get3A_977, %get3A_978] : memref<1x1x2048xf32, #tpu.memory_space<smem>>
      %sub3A_980 = vector.broadcast %get3A_971 : f32 to vector<48x128xf32>
      %sub3A_981 = arith.subf %get3A_6, %sub3A_980 : vector<48x128xf32>
      %sub3A_982 = vector.broadcast %get3A_975 : f32 to vector<48x128xf32>
      %sub3A_983 = arith.subf %get3A_12, %sub3A_982 : vector<48x128xf32>
      %sub3A_984 = vector.broadcast %get3A_979 : f32 to vector<48x128xf32>
      %sub3A_985 = arith.subf %get3A_18, %sub3A_984 : vector<48x128xf32>
      %mul3A_986 = arith.mulf %sub3A_981, %sub3A_981 : vector<48x128xf32>
      %mul3A_987 = arith.mulf %sub3A_983, %sub3A_983 : vector<48x128xf32>
      %add3A_988 = arith.addf %mul3A_986, %mul3A_987 : vector<48x128xf32>
      %mul3A_989 = arith.mulf %sub3A_985, %sub3A_985 : vector<48x128xf32>
      %add3A_990 = arith.addf %add3A_988, %mul3A_989 : vector<48x128xf32>
      %lt3A_991 = arith.cmpf olt, %add3A_990, %min3A_962 : vector<48x128xf32>
      %min3A_992 = arith.minimumf %min3A_962, %add3A_990 : vector<48x128xf32>
      %add3A_993 = arith.addi %mul3A_19, %scan3A_967 : i32
      %broadcast_in_dim3A_994 = vector.broadcast %add3A_993 : i32 to vector<48x128xi32>
      %select_n3A_995 = arith.select %lt3A_991, %broadcast_in_dim3A_994, %select_n3A_965 : vector<48x128xi1>, vector<48x128xi32>
      %scan3A_996 = arith.constant 32 : i32
      %scan3A_997 = arith.addi %scan3A_41, %scan3A_996 : i32
      %get3A_998 = arith.constant 0 : index
      %get3A_999 = arith.constant 0 : index
      %get3A_1000 = arith.index_cast %scan3A_997 : i32 to index
      %get3A_1001 = memref.load %arg6[%get3A_998, %get3A_999, %get3A_1000] : memref<1x1x2048xf32, #tpu.memory_space<smem>>
      %get3A_1002 = arith.constant 0 : index
      %get3A_1003 = arith.constant 0 : index
      %get3A_1004 = arith.index_cast %scan3A_997 : i32 to index
      %get3A_1005 = memref.load %arg7[%get3A_1002, %get3A_1003, %get3A_1004] : memref<1x1x2048xf32, #tpu.memory_space<smem>>
      %get3A_1006 = arith.constant 0 : index
      %get3A_1007 = arith.constant 0 : index
      %get3A_1008 = arith.index_cast %scan3A_997 : i32 to index
      %get3A_1009 = memref.load %arg8[%get3A_1006, %get3A_1007, %get3A_1008] : memref<1x1x2048xf32, #tpu.memory_space<smem>>
      %sub3A_1010 = vector.broadcast %get3A_1001 : f32 to vector<48x128xf32>
      %sub3A_1011 = arith.subf %get3A_6, %sub3A_1010 : vector<48x128xf32>
      %sub3A_1012 = vector.broadcast %get3A_1005 : f32 to vector<48x128xf32>
      %sub3A_1013 = arith.subf %get3A_12, %sub3A_1012 : vector<48x128xf32>
      %sub3A_1014 = vector.broadcast %get3A_1009 : f32 to vector<48x128xf32>
      %sub3A_1015 = arith.subf %get3A_18, %sub3A_1014 : vector<48x128xf32>
      %mul3A_1016 = arith.mulf %sub3A_1011, %sub3A_1011 : vector<48x128xf32>
      %mul3A_1017 = arith.mulf %sub3A_1013, %sub3A_1013 : vector<48x128xf32>
      %add3A_1018 = arith.addf %mul3A_1016, %mul3A_1017 : vector<48x128xf32>
      %mul3A_1019 = arith.mulf %sub3A_1015, %sub3A_1015 : vector<48x128xf32>
      %add3A_1020 = arith.addf %add3A_1018, %mul3A_1019 : vector<48x128xf32>
      %lt3A_1021 = arith.cmpf olt, %add3A_1020, %min3A_992 : vector<48x128xf32>
      %min3A_1022 = arith.minimumf %min3A_992, %add3A_1020 : vector<48x128xf32>
      %add3A_1023 = arith.addi %mul3A_19, %scan3A_997 : i32
      %broadcast_in_dim3A_1024 = vector.broadcast %add3A_1023 : i32 to vector<48x128xi32>
      %select_n3A_1025 = arith.select %lt3A_1021, %broadcast_in_dim3A_1024, %select_n3A_995 : vector<48x128xi1>, vector<48x128xi32>
      %scan3A_1026 = arith.constant 33 : i32
      %scan3A_1027 = arith.addi %scan3A_41, %scan3A_1026 : i32
      %get3A_1028 = arith.constant 0 : index
      %get3A_1029 = arith.constant 0 : index
      %get3A_1030 = arith.index_cast %scan3A_1027 : i32 to index
      %get3A_1031 = memref.load %arg6[%get3A_1028, %get3A_1029, %get3A_1030] : memref<1x1x2048xf32, #tpu.memory_space<smem>>
      %get3A_1032 = arith.constant 0 : index
      %get3A_1033 = arith.constant 0 : index
      %get3A_1034 = arith.index_cast %scan3A_1027 : i32 to index
      %get3A_1035 = memref.load %arg7[%get3A_1032, %get3A_1033, %get3A_1034] : memref<1x1x2048xf32, #tpu.memory_space<smem>>
      %get3A_1036 = arith.constant 0 : index
      %get3A_1037 = arith.constant 0 : index
      %get3A_1038 = arith.index_cast %scan3A_1027 : i32 to index
      %get3A_1039 = memref.load %arg8[%get3A_1036, %get3A_1037, %get3A_1038] : memref<1x1x2048xf32, #tpu.memory_space<smem>>
      %sub3A_1040 = vector.broadcast %get3A_1031 : f32 to vector<48x128xf32>
      %sub3A_1041 = arith.subf %get3A_6, %sub3A_1040 : vector<48x128xf32>
      %sub3A_1042 = vector.broadcast %get3A_1035 : f32 to vector<48x128xf32>
      %sub3A_1043 = arith.subf %get3A_12, %sub3A_1042 : vector<48x128xf32>
      %sub3A_1044 = vector.broadcast %get3A_1039 : f32 to vector<48x128xf32>
      %sub3A_1045 = arith.subf %get3A_18, %sub3A_1044 : vector<48x128xf32>
      %mul3A_1046 = arith.mulf %sub3A_1041, %sub3A_1041 : vector<48x128xf32>
      %mul3A_1047 = arith.mulf %sub3A_1043, %sub3A_1043 : vector<48x128xf32>
      %add3A_1048 = arith.addf %mul3A_1046, %mul3A_1047 : vector<48x128xf32>
      %mul3A_1049 = arith.mulf %sub3A_1045, %sub3A_1045 : vector<48x128xf32>
      %add3A_1050 = arith.addf %add3A_1048, %mul3A_1049 : vector<48x128xf32>
      %lt3A_1051 = arith.cmpf olt, %add3A_1050, %min3A_1022 : vector<48x128xf32>
      %min3A_1052 = arith.minimumf %min3A_1022, %add3A_1050 : vector<48x128xf32>
      %add3A_1053 = arith.addi %mul3A_19, %scan3A_1027 : i32
      %broadcast_in_dim3A_1054 = vector.broadcast %add3A_1053 : i32 to vector<48x128xi32>
      %select_n3A_1055 = arith.select %lt3A_1051, %broadcast_in_dim3A_1054, %select_n3A_1025 : vector<48x128xi1>, vector<48x128xi32>
      %scan3A_1056 = arith.constant 34 : i32
      %scan3A_1057 = arith.addi %scan3A_41, %scan3A_1056 : i32
      %get3A_1058 = arith.constant 0 : index
      %get3A_1059 = arith.constant 0 : index
      %get3A_1060 = arith.index_cast %scan3A_1057 : i32 to index
      %get3A_1061 = memref.load %arg6[%get3A_1058, %get3A_1059, %get3A_1060] : memref<1x1x2048xf32, #tpu.memory_space<smem>>
      %get3A_1062 = arith.constant 0 : index
      %get3A_1063 = arith.constant 0 : index
      %get3A_1064 = arith.index_cast %scan3A_1057 : i32 to index
      %get3A_1065 = memref.load %arg7[%get3A_1062, %get3A_1063, %get3A_1064] : memref<1x1x2048xf32, #tpu.memory_space<smem>>
      %get3A_1066 = arith.constant 0 : index
      %get3A_1067 = arith.constant 0 : index
      %get3A_1068 = arith.index_cast %scan3A_1057 : i32 to index
      %get3A_1069 = memref.load %arg8[%get3A_1066, %get3A_1067, %get3A_1068] : memref<1x1x2048xf32, #tpu.memory_space<smem>>
      %sub3A_1070 = vector.broadcast %get3A_1061 : f32 to vector<48x128xf32>
      %sub3A_1071 = arith.subf %get3A_6, %sub3A_1070 : vector<48x128xf32>
      %sub3A_1072 = vector.broadcast %get3A_1065 : f32 to vector<48x128xf32>
      %sub3A_1073 = arith.subf %get3A_12, %sub3A_1072 : vector<48x128xf32>
      %sub3A_1074 = vector.broadcast %get3A_1069 : f32 to vector<48x128xf32>
      %sub3A_1075 = arith.subf %get3A_18, %sub3A_1074 : vector<48x128xf32>
      %mul3A_1076 = arith.mulf %sub3A_1071, %sub3A_1071 : vector<48x128xf32>
      %mul3A_1077 = arith.mulf %sub3A_1073, %sub3A_1073 : vector<48x128xf32>
      %add3A_1078 = arith.addf %mul3A_1076, %mul3A_1077 : vector<48x128xf32>
      %mul3A_1079 = arith.mulf %sub3A_1075, %sub3A_1075 : vector<48x128xf32>
      %add3A_1080 = arith.addf %add3A_1078, %mul3A_1079 : vector<48x128xf32>
      %lt3A_1081 = arith.cmpf olt, %add3A_1080, %min3A_1052 : vector<48x128xf32>
      %min3A_1082 = arith.minimumf %min3A_1052, %add3A_1080 : vector<48x128xf32>
      %add3A_1083 = arith.addi %mul3A_19, %scan3A_1057 : i32
      %broadcast_in_dim3A_1084 = vector.broadcast %add3A_1083 : i32 to vector<48x128xi32>
      %select_n3A_1085 = arith.select %lt3A_1081, %broadcast_in_dim3A_1084, %select_n3A_1055 : vector<48x128xi1>, vector<48x128xi32>
      %scan3A_1086 = arith.constant 35 : i32
      %scan3A_1087 = arith.addi %scan3A_41, %scan3A_1086 : i32
      %get3A_1088 = arith.constant 0 : index
      %get3A_1089 = arith.constant 0 : index
      %get3A_1090 = arith.index_cast %scan3A_1087 : i32 to index
      %get3A_1091 = memref.load %arg6[%get3A_1088, %get3A_1089, %get3A_1090] : memref<1x1x2048xf32, #tpu.memory_space<smem>>
      %get3A_1092 = arith.constant 0 : index
      %get3A_1093 = arith.constant 0 : index
      %get3A_1094 = arith.index_cast %scan3A_1087 : i32 to index
      %get3A_1095 = memref.load %arg7[%get3A_1092, %get3A_1093, %get3A_1094] : memref<1x1x2048xf32, #tpu.memory_space<smem>>
      %get3A_1096 = arith.constant 0 : index
      %get3A_1097 = arith.constant 0 : index
      %get3A_1098 = arith.index_cast %scan3A_1087 : i32 to index
      %get3A_1099 = memref.load %arg8[%get3A_1096, %get3A_1097, %get3A_1098] : memref<1x1x2048xf32, #tpu.memory_space<smem>>
      %sub3A_1100 = vector.broadcast %get3A_1091 : f32 to vector<48x128xf32>
      %sub3A_1101 = arith.subf %get3A_6, %sub3A_1100 : vector<48x128xf32>
      %sub3A_1102 = vector.broadcast %get3A_1095 : f32 to vector<48x128xf32>
      %sub3A_1103 = arith.subf %get3A_12, %sub3A_1102 : vector<48x128xf32>
      %sub3A_1104 = vector.broadcast %get3A_1099 : f32 to vector<48x128xf32>
      %sub3A_1105 = arith.subf %get3A_18, %sub3A_1104 : vector<48x128xf32>
      %mul3A_1106 = arith.mulf %sub3A_1101, %sub3A_1101 : vector<48x128xf32>
      %mul3A_1107 = arith.mulf %sub3A_1103, %sub3A_1103 : vector<48x128xf32>
      %add3A_1108 = arith.addf %mul3A_1106, %mul3A_1107 : vector<48x128xf32>
      %mul3A_1109 = arith.mulf %sub3A_1105, %sub3A_1105 : vector<48x128xf32>
      %add3A_1110 = arith.addf %add3A_1108, %mul3A_1109 : vector<48x128xf32>
      %lt3A_1111 = arith.cmpf olt, %add3A_1110, %min3A_1082 : vector<48x128xf32>
      %min3A_1112 = arith.minimumf %min3A_1082, %add3A_1110 : vector<48x128xf32>
      %add3A_1113 = arith.addi %mul3A_19, %scan3A_1087 : i32
      %broadcast_in_dim3A_1114 = vector.broadcast %add3A_1113 : i32 to vector<48x128xi32>
      %select_n3A_1115 = arith.select %lt3A_1111, %broadcast_in_dim3A_1114, %select_n3A_1085 : vector<48x128xi1>, vector<48x128xi32>
      %scan3A_1116 = arith.constant 36 : i32
      %scan3A_1117 = arith.addi %scan3A_41, %scan3A_1116 : i32
      %get3A_1118 = arith.constant 0 : index
      %get3A_1119 = arith.constant 0 : index
      %get3A_1120 = arith.index_cast %scan3A_1117 : i32 to index
      %get3A_1121 = memref.load %arg6[%get3A_1118, %get3A_1119, %get3A_1120] : memref<1x1x2048xf32, #tpu.memory_space<smem>>
      %get3A_1122 = arith.constant 0 : index
      %get3A_1123 = arith.constant 0 : index
      %get3A_1124 = arith.index_cast %scan3A_1117 : i32 to index
      %get3A_1125 = memref.load %arg7[%get3A_1122, %get3A_1123, %get3A_1124] : memref<1x1x2048xf32, #tpu.memory_space<smem>>
      %get3A_1126 = arith.constant 0 : index
      %get3A_1127 = arith.constant 0 : index
      %get3A_1128 = arith.index_cast %scan3A_1117 : i32 to index
      %get3A_1129 = memref.load %arg8[%get3A_1126, %get3A_1127, %get3A_1128] : memref<1x1x2048xf32, #tpu.memory_space<smem>>
      %sub3A_1130 = vector.broadcast %get3A_1121 : f32 to vector<48x128xf32>
      %sub3A_1131 = arith.subf %get3A_6, %sub3A_1130 : vector<48x128xf32>
      %sub3A_1132 = vector.broadcast %get3A_1125 : f32 to vector<48x128xf32>
      %sub3A_1133 = arith.subf %get3A_12, %sub3A_1132 : vector<48x128xf32>
      %sub3A_1134 = vector.broadcast %get3A_1129 : f32 to vector<48x128xf32>
      %sub3A_1135 = arith.subf %get3A_18, %sub3A_1134 : vector<48x128xf32>
      %mul3A_1136 = arith.mulf %sub3A_1131, %sub3A_1131 : vector<48x128xf32>
      %mul3A_1137 = arith.mulf %sub3A_1133, %sub3A_1133 : vector<48x128xf32>
      %add3A_1138 = arith.addf %mul3A_1136, %mul3A_1137 : vector<48x128xf32>
      %mul3A_1139 = arith.mulf %sub3A_1135, %sub3A_1135 : vector<48x128xf32>
      %add3A_1140 = arith.addf %add3A_1138, %mul3A_1139 : vector<48x128xf32>
      %lt3A_1141 = arith.cmpf olt, %add3A_1140, %min3A_1112 : vector<48x128xf32>
      %min3A_1142 = arith.minimumf %min3A_1112, %add3A_1140 : vector<48x128xf32>
      %add3A_1143 = arith.addi %mul3A_19, %scan3A_1117 : i32
      %broadcast_in_dim3A_1144 = vector.broadcast %add3A_1143 : i32 to vector<48x128xi32>
      %select_n3A_1145 = arith.select %lt3A_1141, %broadcast_in_dim3A_1144, %select_n3A_1115 : vector<48x128xi1>, vector<48x128xi32>
      %scan3A_1146 = arith.constant 37 : i32
      %scan3A_1147 = arith.addi %scan3A_41, %scan3A_1146 : i32
      %get3A_1148 = arith.constant 0 : index
      %get3A_1149 = arith.constant 0 : index
      %get3A_1150 = arith.index_cast %scan3A_1147 : i32 to index
      %get3A_1151 = memref.load %arg6[%get3A_1148, %get3A_1149, %get3A_1150] : memref<1x1x2048xf32, #tpu.memory_space<smem>>
      %get3A_1152 = arith.constant 0 : index
      %get3A_1153 = arith.constant 0 : index
      %get3A_1154 = arith.index_cast %scan3A_1147 : i32 to index
      %get3A_1155 = memref.load %arg7[%get3A_1152, %get3A_1153, %get3A_1154] : memref<1x1x2048xf32, #tpu.memory_space<smem>>
      %get3A_1156 = arith.constant 0 : index
      %get3A_1157 = arith.constant 0 : index
      %get3A_1158 = arith.index_cast %scan3A_1147 : i32 to index
      %get3A_1159 = memref.load %arg8[%get3A_1156, %get3A_1157, %get3A_1158] : memref<1x1x2048xf32, #tpu.memory_space<smem>>
      %sub3A_1160 = vector.broadcast %get3A_1151 : f32 to vector<48x128xf32>
      %sub3A_1161 = arith.subf %get3A_6, %sub3A_1160 : vector<48x128xf32>
      %sub3A_1162 = vector.broadcast %get3A_1155 : f32 to vector<48x128xf32>
      %sub3A_1163 = arith.subf %get3A_12, %sub3A_1162 : vector<48x128xf32>
      %sub3A_1164 = vector.broadcast %get3A_1159 : f32 to vector<48x128xf32>
      %sub3A_1165 = arith.subf %get3A_18, %sub3A_1164 : vector<48x128xf32>
      %mul3A_1166 = arith.mulf %sub3A_1161, %sub3A_1161 : vector<48x128xf32>
      %mul3A_1167 = arith.mulf %sub3A_1163, %sub3A_1163 : vector<48x128xf32>
      %add3A_1168 = arith.addf %mul3A_1166, %mul3A_1167 : vector<48x128xf32>
      %mul3A_1169 = arith.mulf %sub3A_1165, %sub3A_1165 : vector<48x128xf32>
      %add3A_1170 = arith.addf %add3A_1168, %mul3A_1169 : vector<48x128xf32>
      %lt3A_1171 = arith.cmpf olt, %add3A_1170, %min3A_1142 : vector<48x128xf32>
      %min3A_1172 = arith.minimumf %min3A_1142, %add3A_1170 : vector<48x128xf32>
      %add3A_1173 = arith.addi %mul3A_19, %scan3A_1147 : i32
      %broadcast_in_dim3A_1174 = vector.broadcast %add3A_1173 : i32 to vector<48x128xi32>
      %select_n3A_1175 = arith.select %lt3A_1171, %broadcast_in_dim3A_1174, %select_n3A_1145 : vector<48x128xi1>, vector<48x128xi32>
      %scan3A_1176 = arith.constant 38 : i32
      %scan3A_1177 = arith.addi %scan3A_41, %scan3A_1176 : i32
      %get3A_1178 = arith.constant 0 : index
      %get3A_1179 = arith.constant 0 : index
      %get3A_1180 = arith.index_cast %scan3A_1177 : i32 to index
      %get3A_1181 = memref.load %arg6[%get3A_1178, %get3A_1179, %get3A_1180] : memref<1x1x2048xf32, #tpu.memory_space<smem>>
      %get3A_1182 = arith.constant 0 : index
      %get3A_1183 = arith.constant 0 : index
      %get3A_1184 = arith.index_cast %scan3A_1177 : i32 to index
      %get3A_1185 = memref.load %arg7[%get3A_1182, %get3A_1183, %get3A_1184] : memref<1x1x2048xf32, #tpu.memory_space<smem>>
      %get3A_1186 = arith.constant 0 : index
      %get3A_1187 = arith.constant 0 : index
      %get3A_1188 = arith.index_cast %scan3A_1177 : i32 to index
      %get3A_1189 = memref.load %arg8[%get3A_1186, %get3A_1187, %get3A_1188] : memref<1x1x2048xf32, #tpu.memory_space<smem>>
      %sub3A_1190 = vector.broadcast %get3A_1181 : f32 to vector<48x128xf32>
      %sub3A_1191 = arith.subf %get3A_6, %sub3A_1190 : vector<48x128xf32>
      %sub3A_1192 = vector.broadcast %get3A_1185 : f32 to vector<48x128xf32>
      %sub3A_1193 = arith.subf %get3A_12, %sub3A_1192 : vector<48x128xf32>
      %sub3A_1194 = vector.broadcast %get3A_1189 : f32 to vector<48x128xf32>
      %sub3A_1195 = arith.subf %get3A_18, %sub3A_1194 : vector<48x128xf32>
      %mul3A_1196 = arith.mulf %sub3A_1191, %sub3A_1191 : vector<48x128xf32>
      %mul3A_1197 = arith.mulf %sub3A_1193, %sub3A_1193 : vector<48x128xf32>
      %add3A_1198 = arith.addf %mul3A_1196, %mul3A_1197 : vector<48x128xf32>
      %mul3A_1199 = arith.mulf %sub3A_1195, %sub3A_1195 : vector<48x128xf32>
      %add3A_1200 = arith.addf %add3A_1198, %mul3A_1199 : vector<48x128xf32>
      %lt3A_1201 = arith.cmpf olt, %add3A_1200, %min3A_1172 : vector<48x128xf32>
      %min3A_1202 = arith.minimumf %min3A_1172, %add3A_1200 : vector<48x128xf32>
      %add3A_1203 = arith.addi %mul3A_19, %scan3A_1177 : i32
      %broadcast_in_dim3A_1204 = vector.broadcast %add3A_1203 : i32 to vector<48x128xi32>
      %select_n3A_1205 = arith.select %lt3A_1201, %broadcast_in_dim3A_1204, %select_n3A_1175 : vector<48x128xi1>, vector<48x128xi32>
      %scan3A_1206 = arith.constant 39 : i32
      %scan3A_1207 = arith.addi %scan3A_41, %scan3A_1206 : i32
      %get3A_1208 = arith.constant 0 : index
      %get3A_1209 = arith.constant 0 : index
      %get3A_1210 = arith.index_cast %scan3A_1207 : i32 to index
      %get3A_1211 = memref.load %arg6[%get3A_1208, %get3A_1209, %get3A_1210] : memref<1x1x2048xf32, #tpu.memory_space<smem>>
      %get3A_1212 = arith.constant 0 : index
      %get3A_1213 = arith.constant 0 : index
      %get3A_1214 = arith.index_cast %scan3A_1207 : i32 to index
      %get3A_1215 = memref.load %arg7[%get3A_1212, %get3A_1213, %get3A_1214] : memref<1x1x2048xf32, #tpu.memory_space<smem>>
      %get3A_1216 = arith.constant 0 : index
      %get3A_1217 = arith.constant 0 : index
      %get3A_1218 = arith.index_cast %scan3A_1207 : i32 to index
      %get3A_1219 = memref.load %arg8[%get3A_1216, %get3A_1217, %get3A_1218] : memref<1x1x2048xf32, #tpu.memory_space<smem>>
      %sub3A_1220 = vector.broadcast %get3A_1211 : f32 to vector<48x128xf32>
      %sub3A_1221 = arith.subf %get3A_6, %sub3A_1220 : vector<48x128xf32>
      %sub3A_1222 = vector.broadcast %get3A_1215 : f32 to vector<48x128xf32>
      %sub3A_1223 = arith.subf %get3A_12, %sub3A_1222 : vector<48x128xf32>
      %sub3A_1224 = vector.broadcast %get3A_1219 : f32 to vector<48x128xf32>
      %sub3A_1225 = arith.subf %get3A_18, %sub3A_1224 : vector<48x128xf32>
      %mul3A_1226 = arith.mulf %sub3A_1221, %sub3A_1221 : vector<48x128xf32>
      %mul3A_1227 = arith.mulf %sub3A_1223, %sub3A_1223 : vector<48x128xf32>
      %add3A_1228 = arith.addf %mul3A_1226, %mul3A_1227 : vector<48x128xf32>
      %mul3A_1229 = arith.mulf %sub3A_1225, %sub3A_1225 : vector<48x128xf32>
      %add3A_1230 = arith.addf %add3A_1228, %mul3A_1229 : vector<48x128xf32>
      %lt3A_1231 = arith.cmpf olt, %add3A_1230, %min3A_1202 : vector<48x128xf32>
      %min3A_1232 = arith.minimumf %min3A_1202, %add3A_1230 : vector<48x128xf32>
      %add3A_1233 = arith.addi %mul3A_19, %scan3A_1207 : i32
      %broadcast_in_dim3A_1234 = vector.broadcast %add3A_1233 : i32 to vector<48x128xi32>
      %select_n3A_1235 = arith.select %lt3A_1231, %broadcast_in_dim3A_1234, %select_n3A_1205 : vector<48x128xi1>, vector<48x128xi32>
      %scan3A_1236 = arith.constant 40 : i32
      %scan3A_1237 = arith.addi %scan3A_41, %scan3A_1236 : i32
      %get3A_1238 = arith.constant 0 : index
      %get3A_1239 = arith.constant 0 : index
      %get3A_1240 = arith.index_cast %scan3A_1237 : i32 to index
      %get3A_1241 = memref.load %arg6[%get3A_1238, %get3A_1239, %get3A_1240] : memref<1x1x2048xf32, #tpu.memory_space<smem>>
      %get3A_1242 = arith.constant 0 : index
      %get3A_1243 = arith.constant 0 : index
      %get3A_1244 = arith.index_cast %scan3A_1237 : i32 to index
      %get3A_1245 = memref.load %arg7[%get3A_1242, %get3A_1243, %get3A_1244] : memref<1x1x2048xf32, #tpu.memory_space<smem>>
      %get3A_1246 = arith.constant 0 : index
      %get3A_1247 = arith.constant 0 : index
      %get3A_1248 = arith.index_cast %scan3A_1237 : i32 to index
      %get3A_1249 = memref.load %arg8[%get3A_1246, %get3A_1247, %get3A_1248] : memref<1x1x2048xf32, #tpu.memory_space<smem>>
      %sub3A_1250 = vector.broadcast %get3A_1241 : f32 to vector<48x128xf32>
      %sub3A_1251 = arith.subf %get3A_6, %sub3A_1250 : vector<48x128xf32>
      %sub3A_1252 = vector.broadcast %get3A_1245 : f32 to vector<48x128xf32>
      %sub3A_1253 = arith.subf %get3A_12, %sub3A_1252 : vector<48x128xf32>
      %sub3A_1254 = vector.broadcast %get3A_1249 : f32 to vector<48x128xf32>
      %sub3A_1255 = arith.subf %get3A_18, %sub3A_1254 : vector<48x128xf32>
      %mul3A_1256 = arith.mulf %sub3A_1251, %sub3A_1251 : vector<48x128xf32>
      %mul3A_1257 = arith.mulf %sub3A_1253, %sub3A_1253 : vector<48x128xf32>
      %add3A_1258 = arith.addf %mul3A_1256, %mul3A_1257 : vector<48x128xf32>
      %mul3A_1259 = arith.mulf %sub3A_1255, %sub3A_1255 : vector<48x128xf32>
      %add3A_1260 = arith.addf %add3A_1258, %mul3A_1259 : vector<48x128xf32>
      %lt3A_1261 = arith.cmpf olt, %add3A_1260, %min3A_1232 : vector<48x128xf32>
      %min3A_1262 = arith.minimumf %min3A_1232, %add3A_1260 : vector<48x128xf32>
      %add3A_1263 = arith.addi %mul3A_19, %scan3A_1237 : i32
      %broadcast_in_dim3A_1264 = vector.broadcast %add3A_1263 : i32 to vector<48x128xi32>
      %select_n3A_1265 = arith.select %lt3A_1261, %broadcast_in_dim3A_1264, %select_n3A_1235 : vector<48x128xi1>, vector<48x128xi32>
      %scan3A_1266 = arith.constant 41 : i32
      %scan3A_1267 = arith.addi %scan3A_41, %scan3A_1266 : i32
      %get3A_1268 = arith.constant 0 : index
      %get3A_1269 = arith.constant 0 : index
      %get3A_1270 = arith.index_cast %scan3A_1267 : i32 to index
      %get3A_1271 = memref.load %arg6[%get3A_1268, %get3A_1269, %get3A_1270] : memref<1x1x2048xf32, #tpu.memory_space<smem>>
      %get3A_1272 = arith.constant 0 : index
      %get3A_1273 = arith.constant 0 : index
      %get3A_1274 = arith.index_cast %scan3A_1267 : i32 to index
      %get3A_1275 = memref.load %arg7[%get3A_1272, %get3A_1273, %get3A_1274] : memref<1x1x2048xf32, #tpu.memory_space<smem>>
      %get3A_1276 = arith.constant 0 : index
      %get3A_1277 = arith.constant 0 : index
      %get3A_1278 = arith.index_cast %scan3A_1267 : i32 to index
      %get3A_1279 = memref.load %arg8[%get3A_1276, %get3A_1277, %get3A_1278] : memref<1x1x2048xf32, #tpu.memory_space<smem>>
      %sub3A_1280 = vector.broadcast %get3A_1271 : f32 to vector<48x128xf32>
      %sub3A_1281 = arith.subf %get3A_6, %sub3A_1280 : vector<48x128xf32>
      %sub3A_1282 = vector.broadcast %get3A_1275 : f32 to vector<48x128xf32>
      %sub3A_1283 = arith.subf %get3A_12, %sub3A_1282 : vector<48x128xf32>
      %sub3A_1284 = vector.broadcast %get3A_1279 : f32 to vector<48x128xf32>
      %sub3A_1285 = arith.subf %get3A_18, %sub3A_1284 : vector<48x128xf32>
      %mul3A_1286 = arith.mulf %sub3A_1281, %sub3A_1281 : vector<48x128xf32>
      %mul3A_1287 = arith.mulf %sub3A_1283, %sub3A_1283 : vector<48x128xf32>
      %add3A_1288 = arith.addf %mul3A_1286, %mul3A_1287 : vector<48x128xf32>
      %mul3A_1289 = arith.mulf %sub3A_1285, %sub3A_1285 : vector<48x128xf32>
      %add3A_1290 = arith.addf %add3A_1288, %mul3A_1289 : vector<48x128xf32>
      %lt3A_1291 = arith.cmpf olt, %add3A_1290, %min3A_1262 : vector<48x128xf32>
      %min3A_1292 = arith.minimumf %min3A_1262, %add3A_1290 : vector<48x128xf32>
      %add3A_1293 = arith.addi %mul3A_19, %scan3A_1267 : i32
      %broadcast_in_dim3A_1294 = vector.broadcast %add3A_1293 : i32 to vector<48x128xi32>
      %select_n3A_1295 = arith.select %lt3A_1291, %broadcast_in_dim3A_1294, %select_n3A_1265 : vector<48x128xi1>, vector<48x128xi32>
      %scan3A_1296 = arith.constant 42 : i32
      %scan3A_1297 = arith.addi %scan3A_41, %scan3A_1296 : i32
      %get3A_1298 = arith.constant 0 : index
      %get3A_1299 = arith.constant 0 : index
      %get3A_1300 = arith.index_cast %scan3A_1297 : i32 to index
      %get3A_1301 = memref.load %arg6[%get3A_1298, %get3A_1299, %get3A_1300] : memref<1x1x2048xf32, #tpu.memory_space<smem>>
      %get3A_1302 = arith.constant 0 : index
      %get3A_1303 = arith.constant 0 : index
      %get3A_1304 = arith.index_cast %scan3A_1297 : i32 to index
      %get3A_1305 = memref.load %arg7[%get3A_1302, %get3A_1303, %get3A_1304] : memref<1x1x2048xf32, #tpu.memory_space<smem>>
      %get3A_1306 = arith.constant 0 : index
      %get3A_1307 = arith.constant 0 : index
      %get3A_1308 = arith.index_cast %scan3A_1297 : i32 to index
      %get3A_1309 = memref.load %arg8[%get3A_1306, %get3A_1307, %get3A_1308] : memref<1x1x2048xf32, #tpu.memory_space<smem>>
      %sub3A_1310 = vector.broadcast %get3A_1301 : f32 to vector<48x128xf32>
      %sub3A_1311 = arith.subf %get3A_6, %sub3A_1310 : vector<48x128xf32>
      %sub3A_1312 = vector.broadcast %get3A_1305 : f32 to vector<48x128xf32>
      %sub3A_1313 = arith.subf %get3A_12, %sub3A_1312 : vector<48x128xf32>
      %sub3A_1314 = vector.broadcast %get3A_1309 : f32 to vector<48x128xf32>
      %sub3A_1315 = arith.subf %get3A_18, %sub3A_1314 : vector<48x128xf32>
      %mul3A_1316 = arith.mulf %sub3A_1311, %sub3A_1311 : vector<48x128xf32>
      %mul3A_1317 = arith.mulf %sub3A_1313, %sub3A_1313 : vector<48x128xf32>
      %add3A_1318 = arith.addf %mul3A_1316, %mul3A_1317 : vector<48x128xf32>
      %mul3A_1319 = arith.mulf %sub3A_1315, %sub3A_1315 : vector<48x128xf32>
      %add3A_1320 = arith.addf %add3A_1318, %mul3A_1319 : vector<48x128xf32>
      %lt3A_1321 = arith.cmpf olt, %add3A_1320, %min3A_1292 : vector<48x128xf32>
      %min3A_1322 = arith.minimumf %min3A_1292, %add3A_1320 : vector<48x128xf32>
      %add3A_1323 = arith.addi %mul3A_19, %scan3A_1297 : i32
      %broadcast_in_dim3A_1324 = vector.broadcast %add3A_1323 : i32 to vector<48x128xi32>
      %select_n3A_1325 = arith.select %lt3A_1321, %broadcast_in_dim3A_1324, %select_n3A_1295 : vector<48x128xi1>, vector<48x128xi32>
      %scan3A_1326 = arith.constant 43 : i32
      %scan3A_1327 = arith.addi %scan3A_41, %scan3A_1326 : i32
      %get3A_1328 = arith.constant 0 : index
      %get3A_1329 = arith.constant 0 : index
      %get3A_1330 = arith.index_cast %scan3A_1327 : i32 to index
      %get3A_1331 = memref.load %arg6[%get3A_1328, %get3A_1329, %get3A_1330] : memref<1x1x2048xf32, #tpu.memory_space<smem>>
      %get3A_1332 = arith.constant 0 : index
      %get3A_1333 = arith.constant 0 : index
      %get3A_1334 = arith.index_cast %scan3A_1327 : i32 to index
      %get3A_1335 = memref.load %arg7[%get3A_1332, %get3A_1333, %get3A_1334] : memref<1x1x2048xf32, #tpu.memory_space<smem>>
      %get3A_1336 = arith.constant 0 : index
      %get3A_1337 = arith.constant 0 : index
      %get3A_1338 = arith.index_cast %scan3A_1327 : i32 to index
      %get3A_1339 = memref.load %arg8[%get3A_1336, %get3A_1337, %get3A_1338] : memref<1x1x2048xf32, #tpu.memory_space<smem>>
      %sub3A_1340 = vector.broadcast %get3A_1331 : f32 to vector<48x128xf32>
      %sub3A_1341 = arith.subf %get3A_6, %sub3A_1340 : vector<48x128xf32>
      %sub3A_1342 = vector.broadcast %get3A_1335 : f32 to vector<48x128xf32>
      %sub3A_1343 = arith.subf %get3A_12, %sub3A_1342 : vector<48x128xf32>
      %sub3A_1344 = vector.broadcast %get3A_1339 : f32 to vector<48x128xf32>
      %sub3A_1345 = arith.subf %get3A_18, %sub3A_1344 : vector<48x128xf32>
      %mul3A_1346 = arith.mulf %sub3A_1341, %sub3A_1341 : vector<48x128xf32>
      %mul3A_1347 = arith.mulf %sub3A_1343, %sub3A_1343 : vector<48x128xf32>
      %add3A_1348 = arith.addf %mul3A_1346, %mul3A_1347 : vector<48x128xf32>
      %mul3A_1349 = arith.mulf %sub3A_1345, %sub3A_1345 : vector<48x128xf32>
      %add3A_1350 = arith.addf %add3A_1348, %mul3A_1349 : vector<48x128xf32>
      %lt3A_1351 = arith.cmpf olt, %add3A_1350, %min3A_1322 : vector<48x128xf32>
      %min3A_1352 = arith.minimumf %min3A_1322, %add3A_1350 : vector<48x128xf32>
      %add3A_1353 = arith.addi %mul3A_19, %scan3A_1327 : i32
      %broadcast_in_dim3A_1354 = vector.broadcast %add3A_1353 : i32 to vector<48x128xi32>
      %select_n3A_1355 = arith.select %lt3A_1351, %broadcast_in_dim3A_1354, %select_n3A_1325 : vector<48x128xi1>, vector<48x128xi32>
      %scan3A_1356 = arith.constant 44 : i32
      %scan3A_1357 = arith.addi %scan3A_41, %scan3A_1356 : i32
      %get3A_1358 = arith.constant 0 : index
      %get3A_1359 = arith.constant 0 : index
      %get3A_1360 = arith.index_cast %scan3A_1357 : i32 to index
      %get3A_1361 = memref.load %arg6[%get3A_1358, %get3A_1359, %get3A_1360] : memref<1x1x2048xf32, #tpu.memory_space<smem>>
      %get3A_1362 = arith.constant 0 : index
      %get3A_1363 = arith.constant 0 : index
      %get3A_1364 = arith.index_cast %scan3A_1357 : i32 to index
      %get3A_1365 = memref.load %arg7[%get3A_1362, %get3A_1363, %get3A_1364] : memref<1x1x2048xf32, #tpu.memory_space<smem>>
      %get3A_1366 = arith.constant 0 : index
      %get3A_1367 = arith.constant 0 : index
      %get3A_1368 = arith.index_cast %scan3A_1357 : i32 to index
      %get3A_1369 = memref.load %arg8[%get3A_1366, %get3A_1367, %get3A_1368] : memref<1x1x2048xf32, #tpu.memory_space<smem>>
      %sub3A_1370 = vector.broadcast %get3A_1361 : f32 to vector<48x128xf32>
      %sub3A_1371 = arith.subf %get3A_6, %sub3A_1370 : vector<48x128xf32>
      %sub3A_1372 = vector.broadcast %get3A_1365 : f32 to vector<48x128xf32>
      %sub3A_1373 = arith.subf %get3A_12, %sub3A_1372 : vector<48x128xf32>
      %sub3A_1374 = vector.broadcast %get3A_1369 : f32 to vector<48x128xf32>
      %sub3A_1375 = arith.subf %get3A_18, %sub3A_1374 : vector<48x128xf32>
      %mul3A_1376 = arith.mulf %sub3A_1371, %sub3A_1371 : vector<48x128xf32>
      %mul3A_1377 = arith.mulf %sub3A_1373, %sub3A_1373 : vector<48x128xf32>
      %add3A_1378 = arith.addf %mul3A_1376, %mul3A_1377 : vector<48x128xf32>
      %mul3A_1379 = arith.mulf %sub3A_1375, %sub3A_1375 : vector<48x128xf32>
      %add3A_1380 = arith.addf %add3A_1378, %mul3A_1379 : vector<48x128xf32>
      %lt3A_1381 = arith.cmpf olt, %add3A_1380, %min3A_1352 : vector<48x128xf32>
      %min3A_1382 = arith.minimumf %min3A_1352, %add3A_1380 : vector<48x128xf32>
      %add3A_1383 = arith.addi %mul3A_19, %scan3A_1357 : i32
      %broadcast_in_dim3A_1384 = vector.broadcast %add3A_1383 : i32 to vector<48x128xi32>
      %select_n3A_1385 = arith.select %lt3A_1381, %broadcast_in_dim3A_1384, %select_n3A_1355 : vector<48x128xi1>, vector<48x128xi32>
      %scan3A_1386 = arith.constant 45 : i32
      %scan3A_1387 = arith.addi %scan3A_41, %scan3A_1386 : i32
      %get3A_1388 = arith.constant 0 : index
      %get3A_1389 = arith.constant 0 : index
      %get3A_1390 = arith.index_cast %scan3A_1387 : i32 to index
      %get3A_1391 = memref.load %arg6[%get3A_1388, %get3A_1389, %get3A_1390] : memref<1x1x2048xf32, #tpu.memory_space<smem>>
      %get3A_1392 = arith.constant 0 : index
      %get3A_1393 = arith.constant 0 : index
      %get3A_1394 = arith.index_cast %scan3A_1387 : i32 to index
      %get3A_1395 = memref.load %arg7[%get3A_1392, %get3A_1393, %get3A_1394] : memref<1x1x2048xf32, #tpu.memory_space<smem>>
      %get3A_1396 = arith.constant 0 : index
      %get3A_1397 = arith.constant 0 : index
      %get3A_1398 = arith.index_cast %scan3A_1387 : i32 to index
      %get3A_1399 = memref.load %arg8[%get3A_1396, %get3A_1397, %get3A_1398] : memref<1x1x2048xf32, #tpu.memory_space<smem>>
      %sub3A_1400 = vector.broadcast %get3A_1391 : f32 to vector<48x128xf32>
      %sub3A_1401 = arith.subf %get3A_6, %sub3A_1400 : vector<48x128xf32>
      %sub3A_1402 = vector.broadcast %get3A_1395 : f32 to vector<48x128xf32>
      %sub3A_1403 = arith.subf %get3A_12, %sub3A_1402 : vector<48x128xf32>
      %sub3A_1404 = vector.broadcast %get3A_1399 : f32 to vector<48x128xf32>
      %sub3A_1405 = arith.subf %get3A_18, %sub3A_1404 : vector<48x128xf32>
      %mul3A_1406 = arith.mulf %sub3A_1401, %sub3A_1401 : vector<48x128xf32>
      %mul3A_1407 = arith.mulf %sub3A_1403, %sub3A_1403 : vector<48x128xf32>
      %add3A_1408 = arith.addf %mul3A_1406, %mul3A_1407 : vector<48x128xf32>
      %mul3A_1409 = arith.mulf %sub3A_1405, %sub3A_1405 : vector<48x128xf32>
      %add3A_1410 = arith.addf %add3A_1408, %mul3A_1409 : vector<48x128xf32>
      %lt3A_1411 = arith.cmpf olt, %add3A_1410, %min3A_1382 : vector<48x128xf32>
      %min3A_1412 = arith.minimumf %min3A_1382, %add3A_1410 : vector<48x128xf32>
      %add3A_1413 = arith.addi %mul3A_19, %scan3A_1387 : i32
      %broadcast_in_dim3A_1414 = vector.broadcast %add3A_1413 : i32 to vector<48x128xi32>
      %select_n3A_1415 = arith.select %lt3A_1411, %broadcast_in_dim3A_1414, %select_n3A_1385 : vector<48x128xi1>, vector<48x128xi32>
      %scan3A_1416 = arith.constant 46 : i32
      %scan3A_1417 = arith.addi %scan3A_41, %scan3A_1416 : i32
      %get3A_1418 = arith.constant 0 : index
      %get3A_1419 = arith.constant 0 : index
      %get3A_1420 = arith.index_cast %scan3A_1417 : i32 to index
      %get3A_1421 = memref.load %arg6[%get3A_1418, %get3A_1419, %get3A_1420] : memref<1x1x2048xf32, #tpu.memory_space<smem>>
      %get3A_1422 = arith.constant 0 : index
      %get3A_1423 = arith.constant 0 : index
      %get3A_1424 = arith.index_cast %scan3A_1417 : i32 to index
      %get3A_1425 = memref.load %arg7[%get3A_1422, %get3A_1423, %get3A_1424] : memref<1x1x2048xf32, #tpu.memory_space<smem>>
      %get3A_1426 = arith.constant 0 : index
      %get3A_1427 = arith.constant 0 : index
      %get3A_1428 = arith.index_cast %scan3A_1417 : i32 to index
      %get3A_1429 = memref.load %arg8[%get3A_1426, %get3A_1427, %get3A_1428] : memref<1x1x2048xf32, #tpu.memory_space<smem>>
      %sub3A_1430 = vector.broadcast %get3A_1421 : f32 to vector<48x128xf32>
      %sub3A_1431 = arith.subf %get3A_6, %sub3A_1430 : vector<48x128xf32>
      %sub3A_1432 = vector.broadcast %get3A_1425 : f32 to vector<48x128xf32>
      %sub3A_1433 = arith.subf %get3A_12, %sub3A_1432 : vector<48x128xf32>
      %sub3A_1434 = vector.broadcast %get3A_1429 : f32 to vector<48x128xf32>
      %sub3A_1435 = arith.subf %get3A_18, %sub3A_1434 : vector<48x128xf32>
      %mul3A_1436 = arith.mulf %sub3A_1431, %sub3A_1431 : vector<48x128xf32>
      %mul3A_1437 = arith.mulf %sub3A_1433, %sub3A_1433 : vector<48x128xf32>
      %add3A_1438 = arith.addf %mul3A_1436, %mul3A_1437 : vector<48x128xf32>
      %mul3A_1439 = arith.mulf %sub3A_1435, %sub3A_1435 : vector<48x128xf32>
      %add3A_1440 = arith.addf %add3A_1438, %mul3A_1439 : vector<48x128xf32>
      %lt3A_1441 = arith.cmpf olt, %add3A_1440, %min3A_1412 : vector<48x128xf32>
      %min3A_1442 = arith.minimumf %min3A_1412, %add3A_1440 : vector<48x128xf32>
      %add3A_1443 = arith.addi %mul3A_19, %scan3A_1417 : i32
      %broadcast_in_dim3A_1444 = vector.broadcast %add3A_1443 : i32 to vector<48x128xi32>
      %select_n3A_1445 = arith.select %lt3A_1441, %broadcast_in_dim3A_1444, %select_n3A_1415 : vector<48x128xi1>, vector<48x128xi32>
      %scan3A_1446 = arith.constant 47 : i32
      %scan3A_1447 = arith.addi %scan3A_41, %scan3A_1446 : i32
      %get3A_1448 = arith.constant 0 : index
      %get3A_1449 = arith.constant 0 : index
      %get3A_1450 = arith.index_cast %scan3A_1447 : i32 to index
      %get3A_1451 = memref.load %arg6[%get3A_1448, %get3A_1449, %get3A_1450] : memref<1x1x2048xf32, #tpu.memory_space<smem>>
      %get3A_1452 = arith.constant 0 : index
      %get3A_1453 = arith.constant 0 : index
      %get3A_1454 = arith.index_cast %scan3A_1447 : i32 to index
      %get3A_1455 = memref.load %arg7[%get3A_1452, %get3A_1453, %get3A_1454] : memref<1x1x2048xf32, #tpu.memory_space<smem>>
      %get3A_1456 = arith.constant 0 : index
      %get3A_1457 = arith.constant 0 : index
      %get3A_1458 = arith.index_cast %scan3A_1447 : i32 to index
      %get3A_1459 = memref.load %arg8[%get3A_1456, %get3A_1457, %get3A_1458] : memref<1x1x2048xf32, #tpu.memory_space<smem>>
      %sub3A_1460 = vector.broadcast %get3A_1451 : f32 to vector<48x128xf32>
      %sub3A_1461 = arith.subf %get3A_6, %sub3A_1460 : vector<48x128xf32>
      %sub3A_1462 = vector.broadcast %get3A_1455 : f32 to vector<48x128xf32>
      %sub3A_1463 = arith.subf %get3A_12, %sub3A_1462 : vector<48x128xf32>
      %sub3A_1464 = vector.broadcast %get3A_1459 : f32 to vector<48x128xf32>
      %sub3A_1465 = arith.subf %get3A_18, %sub3A_1464 : vector<48x128xf32>
      %mul3A_1466 = arith.mulf %sub3A_1461, %sub3A_1461 : vector<48x128xf32>
      %mul3A_1467 = arith.mulf %sub3A_1463, %sub3A_1463 : vector<48x128xf32>
      %add3A_1468 = arith.addf %mul3A_1466, %mul3A_1467 : vector<48x128xf32>
      %mul3A_1469 = arith.mulf %sub3A_1465, %sub3A_1465 : vector<48x128xf32>
      %add3A_1470 = arith.addf %add3A_1468, %mul3A_1469 : vector<48x128xf32>
      %lt3A_1471 = arith.cmpf olt, %add3A_1470, %min3A_1442 : vector<48x128xf32>
      %min3A_1472 = arith.minimumf %min3A_1442, %add3A_1470 : vector<48x128xf32>
      %add3A_1473 = arith.addi %mul3A_19, %scan3A_1447 : i32
      %broadcast_in_dim3A_1474 = vector.broadcast %add3A_1473 : i32 to vector<48x128xi32>
      %select_n3A_1475 = arith.select %lt3A_1471, %broadcast_in_dim3A_1474, %select_n3A_1445 : vector<48x128xi1>, vector<48x128xi32>
      %scan3A_1476 = arith.constant 48 : i32
      %scan3A_1477 = arith.addi %scan3A_41, %scan3A_1476 : i32
      %get3A_1478 = arith.constant 0 : index
      %get3A_1479 = arith.constant 0 : index
      %get3A_1480 = arith.index_cast %scan3A_1477 : i32 to index
      %get3A_1481 = memref.load %arg6[%get3A_1478, %get3A_1479, %get3A_1480] : memref<1x1x2048xf32, #tpu.memory_space<smem>>
      %get3A_1482 = arith.constant 0 : index
      %get3A_1483 = arith.constant 0 : index
      %get3A_1484 = arith.index_cast %scan3A_1477 : i32 to index
      %get3A_1485 = memref.load %arg7[%get3A_1482, %get3A_1483, %get3A_1484] : memref<1x1x2048xf32, #tpu.memory_space<smem>>
      %get3A_1486 = arith.constant 0 : index
      %get3A_1487 = arith.constant 0 : index
      %get3A_1488 = arith.index_cast %scan3A_1477 : i32 to index
      %get3A_1489 = memref.load %arg8[%get3A_1486, %get3A_1487, %get3A_1488] : memref<1x1x2048xf32, #tpu.memory_space<smem>>
      %sub3A_1490 = vector.broadcast %get3A_1481 : f32 to vector<48x128xf32>
      %sub3A_1491 = arith.subf %get3A_6, %sub3A_1490 : vector<48x128xf32>
      %sub3A_1492 = vector.broadcast %get3A_1485 : f32 to vector<48x128xf32>
      %sub3A_1493 = arith.subf %get3A_12, %sub3A_1492 : vector<48x128xf32>
      %sub3A_1494 = vector.broadcast %get3A_1489 : f32 to vector<48x128xf32>
      %sub3A_1495 = arith.subf %get3A_18, %sub3A_1494 : vector<48x128xf32>
      %mul3A_1496 = arith.mulf %sub3A_1491, %sub3A_1491 : vector<48x128xf32>
      %mul3A_1497 = arith.mulf %sub3A_1493, %sub3A_1493 : vector<48x128xf32>
      %add3A_1498 = arith.addf %mul3A_1496, %mul3A_1497 : vector<48x128xf32>
      %mul3A_1499 = arith.mulf %sub3A_1495, %sub3A_1495 : vector<48x128xf32>
      %add3A_1500 = arith.addf %add3A_1498, %mul3A_1499 : vector<48x128xf32>
      %lt3A_1501 = arith.cmpf olt, %add3A_1500, %min3A_1472 : vector<48x128xf32>
      %min3A_1502 = arith.minimumf %min3A_1472, %add3A_1500 : vector<48x128xf32>
      %add3A_1503 = arith.addi %mul3A_19, %scan3A_1477 : i32
      %broadcast_in_dim3A_1504 = vector.broadcast %add3A_1503 : i32 to vector<48x128xi32>
      %select_n3A_1505 = arith.select %lt3A_1501, %broadcast_in_dim3A_1504, %select_n3A_1475 : vector<48x128xi1>, vector<48x128xi32>
      %scan3A_1506 = arith.constant 49 : i32
      %scan3A_1507 = arith.addi %scan3A_41, %scan3A_1506 : i32
      %get3A_1508 = arith.constant 0 : index
      %get3A_1509 = arith.constant 0 : index
      %get3A_1510 = arith.index_cast %scan3A_1507 : i32 to index
      %get3A_1511 = memref.load %arg6[%get3A_1508, %get3A_1509, %get3A_1510] : memref<1x1x2048xf32, #tpu.memory_space<smem>>
      %get3A_1512 = arith.constant 0 : index
      %get3A_1513 = arith.constant 0 : index
      %get3A_1514 = arith.index_cast %scan3A_1507 : i32 to index
      %get3A_1515 = memref.load %arg7[%get3A_1512, %get3A_1513, %get3A_1514] : memref<1x1x2048xf32, #tpu.memory_space<smem>>
      %get3A_1516 = arith.constant 0 : index
      %get3A_1517 = arith.constant 0 : index
      %get3A_1518 = arith.index_cast %scan3A_1507 : i32 to index
      %get3A_1519 = memref.load %arg8[%get3A_1516, %get3A_1517, %get3A_1518] : memref<1x1x2048xf32, #tpu.memory_space<smem>>
      %sub3A_1520 = vector.broadcast %get3A_1511 : f32 to vector<48x128xf32>
      %sub3A_1521 = arith.subf %get3A_6, %sub3A_1520 : vector<48x128xf32>
      %sub3A_1522 = vector.broadcast %get3A_1515 : f32 to vector<48x128xf32>
      %sub3A_1523 = arith.subf %get3A_12, %sub3A_1522 : vector<48x128xf32>
      %sub3A_1524 = vector.broadcast %get3A_1519 : f32 to vector<48x128xf32>
      %sub3A_1525 = arith.subf %get3A_18, %sub3A_1524 : vector<48x128xf32>
      %mul3A_1526 = arith.mulf %sub3A_1521, %sub3A_1521 : vector<48x128xf32>
      %mul3A_1527 = arith.mulf %sub3A_1523, %sub3A_1523 : vector<48x128xf32>
      %add3A_1528 = arith.addf %mul3A_1526, %mul3A_1527 : vector<48x128xf32>
      %mul3A_1529 = arith.mulf %sub3A_1525, %sub3A_1525 : vector<48x128xf32>
      %add3A_1530 = arith.addf %add3A_1528, %mul3A_1529 : vector<48x128xf32>
      %lt3A_1531 = arith.cmpf olt, %add3A_1530, %min3A_1502 : vector<48x128xf32>
      %min3A_1532 = arith.minimumf %min3A_1502, %add3A_1530 : vector<48x128xf32>
      %add3A_1533 = arith.addi %mul3A_19, %scan3A_1507 : i32
      %broadcast_in_dim3A_1534 = vector.broadcast %add3A_1533 : i32 to vector<48x128xi32>
      %select_n3A_1535 = arith.select %lt3A_1531, %broadcast_in_dim3A_1534, %select_n3A_1505 : vector<48x128xi1>, vector<48x128xi32>
      %scan3A_1536 = arith.constant 50 : i32
      %scan3A_1537 = arith.addi %scan3A_41, %scan3A_1536 : i32
      %get3A_1538 = arith.constant 0 : index
      %get3A_1539 = arith.constant 0 : index
      %get3A_1540 = arith.index_cast %scan3A_1537 : i32 to index
      %get3A_1541 = memref.load %arg6[%get3A_1538, %get3A_1539, %get3A_1540] : memref<1x1x2048xf32, #tpu.memory_space<smem>>
      %get3A_1542 = arith.constant 0 : index
      %get3A_1543 = arith.constant 0 : index
      %get3A_1544 = arith.index_cast %scan3A_1537 : i32 to index
      %get3A_1545 = memref.load %arg7[%get3A_1542, %get3A_1543, %get3A_1544] : memref<1x1x2048xf32, #tpu.memory_space<smem>>
      %get3A_1546 = arith.constant 0 : index
      %get3A_1547 = arith.constant 0 : index
      %get3A_1548 = arith.index_cast %scan3A_1537 : i32 to index
      %get3A_1549 = memref.load %arg8[%get3A_1546, %get3A_1547, %get3A_1548] : memref<1x1x2048xf32, #tpu.memory_space<smem>>
      %sub3A_1550 = vector.broadcast %get3A_1541 : f32 to vector<48x128xf32>
      %sub3A_1551 = arith.subf %get3A_6, %sub3A_1550 : vector<48x128xf32>
      %sub3A_1552 = vector.broadcast %get3A_1545 : f32 to vector<48x128xf32>
      %sub3A_1553 = arith.subf %get3A_12, %sub3A_1552 : vector<48x128xf32>
      %sub3A_1554 = vector.broadcast %get3A_1549 : f32 to vector<48x128xf32>
      %sub3A_1555 = arith.subf %get3A_18, %sub3A_1554 : vector<48x128xf32>
      %mul3A_1556 = arith.mulf %sub3A_1551, %sub3A_1551 : vector<48x128xf32>
      %mul3A_1557 = arith.mulf %sub3A_1553, %sub3A_1553 : vector<48x128xf32>
      %add3A_1558 = arith.addf %mul3A_1556, %mul3A_1557 : vector<48x128xf32>
      %mul3A_1559 = arith.mulf %sub3A_1555, %sub3A_1555 : vector<48x128xf32>
      %add3A_1560 = arith.addf %add3A_1558, %mul3A_1559 : vector<48x128xf32>
      %lt3A_1561 = arith.cmpf olt, %add3A_1560, %min3A_1532 : vector<48x128xf32>
      %min3A_1562 = arith.minimumf %min3A_1532, %add3A_1560 : vector<48x128xf32>
      %add3A_1563 = arith.addi %mul3A_19, %scan3A_1537 : i32
      %broadcast_in_dim3A_1564 = vector.broadcast %add3A_1563 : i32 to vector<48x128xi32>
      %select_n3A_1565 = arith.select %lt3A_1561, %broadcast_in_dim3A_1564, %select_n3A_1535 : vector<48x128xi1>, vector<48x128xi32>
      %scan3A_1566 = arith.constant 51 : i32
      %scan3A_1567 = arith.addi %scan3A_41, %scan3A_1566 : i32
      %get3A_1568 = arith.constant 0 : index
      %get3A_1569 = arith.constant 0 : index
      %get3A_1570 = arith.index_cast %scan3A_1567 : i32 to index
      %get3A_1571 = memref.load %arg6[%get3A_1568, %get3A_1569, %get3A_1570] : memref<1x1x2048xf32, #tpu.memory_space<smem>>
      %get3A_1572 = arith.constant 0 : index
      %get3A_1573 = arith.constant 0 : index
      %get3A_1574 = arith.index_cast %scan3A_1567 : i32 to index
      %get3A_1575 = memref.load %arg7[%get3A_1572, %get3A_1573, %get3A_1574] : memref<1x1x2048xf32, #tpu.memory_space<smem>>
      %get3A_1576 = arith.constant 0 : index
      %get3A_1577 = arith.constant 0 : index
      %get3A_1578 = arith.index_cast %scan3A_1567 : i32 to index
      %get3A_1579 = memref.load %arg8[%get3A_1576, %get3A_1577, %get3A_1578] : memref<1x1x2048xf32, #tpu.memory_space<smem>>
      %sub3A_1580 = vector.broadcast %get3A_1571 : f32 to vector<48x128xf32>
      %sub3A_1581 = arith.subf %get3A_6, %sub3A_1580 : vector<48x128xf32>
      %sub3A_1582 = vector.broadcast %get3A_1575 : f32 to vector<48x128xf32>
      %sub3A_1583 = arith.subf %get3A_12, %sub3A_1582 : vector<48x128xf32>
      %sub3A_1584 = vector.broadcast %get3A_1579 : f32 to vector<48x128xf32>
      %sub3A_1585 = arith.subf %get3A_18, %sub3A_1584 : vector<48x128xf32>
      %mul3A_1586 = arith.mulf %sub3A_1581, %sub3A_1581 : vector<48x128xf32>
      %mul3A_1587 = arith.mulf %sub3A_1583, %sub3A_1583 : vector<48x128xf32>
      %add3A_1588 = arith.addf %mul3A_1586, %mul3A_1587 : vector<48x128xf32>
      %mul3A_1589 = arith.mulf %sub3A_1585, %sub3A_1585 : vector<48x128xf32>
      %add3A_1590 = arith.addf %add3A_1588, %mul3A_1589 : vector<48x128xf32>
      %lt3A_1591 = arith.cmpf olt, %add3A_1590, %min3A_1562 : vector<48x128xf32>
      %min3A_1592 = arith.minimumf %min3A_1562, %add3A_1590 : vector<48x128xf32>
      %add3A_1593 = arith.addi %mul3A_19, %scan3A_1567 : i32
      %broadcast_in_dim3A_1594 = vector.broadcast %add3A_1593 : i32 to vector<48x128xi32>
      %select_n3A_1595 = arith.select %lt3A_1591, %broadcast_in_dim3A_1594, %select_n3A_1565 : vector<48x128xi1>, vector<48x128xi32>
      %scan3A_1596 = arith.constant 52 : i32
      %scan3A_1597 = arith.addi %scan3A_41, %scan3A_1596 : i32
      %get3A_1598 = arith.constant 0 : index
      %get3A_1599 = arith.constant 0 : index
      %get3A_1600 = arith.index_cast %scan3A_1597 : i32 to index
      %get3A_1601 = memref.load %arg6[%get3A_1598, %get3A_1599, %get3A_1600] : memref<1x1x2048xf32, #tpu.memory_space<smem>>
      %get3A_1602 = arith.constant 0 : index
      %get3A_1603 = arith.constant 0 : index
      %get3A_1604 = arith.index_cast %scan3A_1597 : i32 to index
      %get3A_1605 = memref.load %arg7[%get3A_1602, %get3A_1603, %get3A_1604] : memref<1x1x2048xf32, #tpu.memory_space<smem>>
      %get3A_1606 = arith.constant 0 : index
      %get3A_1607 = arith.constant 0 : index
      %get3A_1608 = arith.index_cast %scan3A_1597 : i32 to index
      %get3A_1609 = memref.load %arg8[%get3A_1606, %get3A_1607, %get3A_1608] : memref<1x1x2048xf32, #tpu.memory_space<smem>>
      %sub3A_1610 = vector.broadcast %get3A_1601 : f32 to vector<48x128xf32>
      %sub3A_1611 = arith.subf %get3A_6, %sub3A_1610 : vector<48x128xf32>
      %sub3A_1612 = vector.broadcast %get3A_1605 : f32 to vector<48x128xf32>
      %sub3A_1613 = arith.subf %get3A_12, %sub3A_1612 : vector<48x128xf32>
      %sub3A_1614 = vector.broadcast %get3A_1609 : f32 to vector<48x128xf32>
      %sub3A_1615 = arith.subf %get3A_18, %sub3A_1614 : vector<48x128xf32>
      %mul3A_1616 = arith.mulf %sub3A_1611, %sub3A_1611 : vector<48x128xf32>
      %mul3A_1617 = arith.mulf %sub3A_1613, %sub3A_1613 : vector<48x128xf32>
      %add3A_1618 = arith.addf %mul3A_1616, %mul3A_1617 : vector<48x128xf32>
      %mul3A_1619 = arith.mulf %sub3A_1615, %sub3A_1615 : vector<48x128xf32>
      %add3A_1620 = arith.addf %add3A_1618, %mul3A_1619 : vector<48x128xf32>
      %lt3A_1621 = arith.cmpf olt, %add3A_1620, %min3A_1592 : vector<48x128xf32>
      %min3A_1622 = arith.minimumf %min3A_1592, %add3A_1620 : vector<48x128xf32>
      %add3A_1623 = arith.addi %mul3A_19, %scan3A_1597 : i32
      %broadcast_in_dim3A_1624 = vector.broadcast %add3A_1623 : i32 to vector<48x128xi32>
      %select_n3A_1625 = arith.select %lt3A_1621, %broadcast_in_dim3A_1624, %select_n3A_1595 : vector<48x128xi1>, vector<48x128xi32>
      %scan3A_1626 = arith.constant 53 : i32
      %scan3A_1627 = arith.addi %scan3A_41, %scan3A_1626 : i32
      %get3A_1628 = arith.constant 0 : index
      %get3A_1629 = arith.constant 0 : index
      %get3A_1630 = arith.index_cast %scan3A_1627 : i32 to index
      %get3A_1631 = memref.load %arg6[%get3A_1628, %get3A_1629, %get3A_1630] : memref<1x1x2048xf32, #tpu.memory_space<smem>>
      %get3A_1632 = arith.constant 0 : index
      %get3A_1633 = arith.constant 0 : index
      %get3A_1634 = arith.index_cast %scan3A_1627 : i32 to index
      %get3A_1635 = memref.load %arg7[%get3A_1632, %get3A_1633, %get3A_1634] : memref<1x1x2048xf32, #tpu.memory_space<smem>>
      %get3A_1636 = arith.constant 0 : index
      %get3A_1637 = arith.constant 0 : index
      %get3A_1638 = arith.index_cast %scan3A_1627 : i32 to index
      %get3A_1639 = memref.load %arg8[%get3A_1636, %get3A_1637, %get3A_1638] : memref<1x1x2048xf32, #tpu.memory_space<smem>>
      %sub3A_1640 = vector.broadcast %get3A_1631 : f32 to vector<48x128xf32>
      %sub3A_1641 = arith.subf %get3A_6, %sub3A_1640 : vector<48x128xf32>
      %sub3A_1642 = vector.broadcast %get3A_1635 : f32 to vector<48x128xf32>
      %sub3A_1643 = arith.subf %get3A_12, %sub3A_1642 : vector<48x128xf32>
      %sub3A_1644 = vector.broadcast %get3A_1639 : f32 to vector<48x128xf32>
      %sub3A_1645 = arith.subf %get3A_18, %sub3A_1644 : vector<48x128xf32>
      %mul3A_1646 = arith.mulf %sub3A_1641, %sub3A_1641 : vector<48x128xf32>
      %mul3A_1647 = arith.mulf %sub3A_1643, %sub3A_1643 : vector<48x128xf32>
      %add3A_1648 = arith.addf %mul3A_1646, %mul3A_1647 : vector<48x128xf32>
      %mul3A_1649 = arith.mulf %sub3A_1645, %sub3A_1645 : vector<48x128xf32>
      %add3A_1650 = arith.addf %add3A_1648, %mul3A_1649 : vector<48x128xf32>
      %lt3A_1651 = arith.cmpf olt, %add3A_1650, %min3A_1622 : vector<48x128xf32>
      %min3A_1652 = arith.minimumf %min3A_1622, %add3A_1650 : vector<48x128xf32>
      %add3A_1653 = arith.addi %mul3A_19, %scan3A_1627 : i32
      %broadcast_in_dim3A_1654 = vector.broadcast %add3A_1653 : i32 to vector<48x128xi32>
      %select_n3A_1655 = arith.select %lt3A_1651, %broadcast_in_dim3A_1654, %select_n3A_1625 : vector<48x128xi1>, vector<48x128xi32>
      %scan3A_1656 = arith.constant 54 : i32
      %scan3A_1657 = arith.addi %scan3A_41, %scan3A_1656 : i32
      %get3A_1658 = arith.constant 0 : index
      %get3A_1659 = arith.constant 0 : index
      %get3A_1660 = arith.index_cast %scan3A_1657 : i32 to index
      %get3A_1661 = memref.load %arg6[%get3A_1658, %get3A_1659, %get3A_1660] : memref<1x1x2048xf32, #tpu.memory_space<smem>>
      %get3A_1662 = arith.constant 0 : index
      %get3A_1663 = arith.constant 0 : index
      %get3A_1664 = arith.index_cast %scan3A_1657 : i32 to index
      %get3A_1665 = memref.load %arg7[%get3A_1662, %get3A_1663, %get3A_1664] : memref<1x1x2048xf32, #tpu.memory_space<smem>>
      %get3A_1666 = arith.constant 0 : index
      %get3A_1667 = arith.constant 0 : index
      %get3A_1668 = arith.index_cast %scan3A_1657 : i32 to index
      %get3A_1669 = memref.load %arg8[%get3A_1666, %get3A_1667, %get3A_1668] : memref<1x1x2048xf32, #tpu.memory_space<smem>>
      %sub3A_1670 = vector.broadcast %get3A_1661 : f32 to vector<48x128xf32>
      %sub3A_1671 = arith.subf %get3A_6, %sub3A_1670 : vector<48x128xf32>
      %sub3A_1672 = vector.broadcast %get3A_1665 : f32 to vector<48x128xf32>
      %sub3A_1673 = arith.subf %get3A_12, %sub3A_1672 : vector<48x128xf32>
      %sub3A_1674 = vector.broadcast %get3A_1669 : f32 to vector<48x128xf32>
      %sub3A_1675 = arith.subf %get3A_18, %sub3A_1674 : vector<48x128xf32>
      %mul3A_1676 = arith.mulf %sub3A_1671, %sub3A_1671 : vector<48x128xf32>
      %mul3A_1677 = arith.mulf %sub3A_1673, %sub3A_1673 : vector<48x128xf32>
      %add3A_1678 = arith.addf %mul3A_1676, %mul3A_1677 : vector<48x128xf32>
      %mul3A_1679 = arith.mulf %sub3A_1675, %sub3A_1675 : vector<48x128xf32>
      %add3A_1680 = arith.addf %add3A_1678, %mul3A_1679 : vector<48x128xf32>
      %lt3A_1681 = arith.cmpf olt, %add3A_1680, %min3A_1652 : vector<48x128xf32>
      %min3A_1682 = arith.minimumf %min3A_1652, %add3A_1680 : vector<48x128xf32>
      %add3A_1683 = arith.addi %mul3A_19, %scan3A_1657 : i32
      %broadcast_in_dim3A_1684 = vector.broadcast %add3A_1683 : i32 to vector<48x128xi32>
      %select_n3A_1685 = arith.select %lt3A_1681, %broadcast_in_dim3A_1684, %select_n3A_1655 : vector<48x128xi1>, vector<48x128xi32>
      %scan3A_1686 = arith.constant 55 : i32
      %scan3A_1687 = arith.addi %scan3A_41, %scan3A_1686 : i32
      %get3A_1688 = arith.constant 0 : index
      %get3A_1689 = arith.constant 0 : index
      %get3A_1690 = arith.index_cast %scan3A_1687 : i32 to index
      %get3A_1691 = memref.load %arg6[%get3A_1688, %get3A_1689, %get3A_1690] : memref<1x1x2048xf32, #tpu.memory_space<smem>>
      %get3A_1692 = arith.constant 0 : index
      %get3A_1693 = arith.constant 0 : index
      %get3A_1694 = arith.index_cast %scan3A_1687 : i32 to index
      %get3A_1695 = memref.load %arg7[%get3A_1692, %get3A_1693, %get3A_1694] : memref<1x1x2048xf32, #tpu.memory_space<smem>>
      %get3A_1696 = arith.constant 0 : index
      %get3A_1697 = arith.constant 0 : index
      %get3A_1698 = arith.index_cast %scan3A_1687 : i32 to index
      %get3A_1699 = memref.load %arg8[%get3A_1696, %get3A_1697, %get3A_1698] : memref<1x1x2048xf32, #tpu.memory_space<smem>>
      %sub3A_1700 = vector.broadcast %get3A_1691 : f32 to vector<48x128xf32>
      %sub3A_1701 = arith.subf %get3A_6, %sub3A_1700 : vector<48x128xf32>
      %sub3A_1702 = vector.broadcast %get3A_1695 : f32 to vector<48x128xf32>
      %sub3A_1703 = arith.subf %get3A_12, %sub3A_1702 : vector<48x128xf32>
      %sub3A_1704 = vector.broadcast %get3A_1699 : f32 to vector<48x128xf32>
      %sub3A_1705 = arith.subf %get3A_18, %sub3A_1704 : vector<48x128xf32>
      %mul3A_1706 = arith.mulf %sub3A_1701, %sub3A_1701 : vector<48x128xf32>
      %mul3A_1707 = arith.mulf %sub3A_1703, %sub3A_1703 : vector<48x128xf32>
      %add3A_1708 = arith.addf %mul3A_1706, %mul3A_1707 : vector<48x128xf32>
      %mul3A_1709 = arith.mulf %sub3A_1705, %sub3A_1705 : vector<48x128xf32>
      %add3A_1710 = arith.addf %add3A_1708, %mul3A_1709 : vector<48x128xf32>
      %lt3A_1711 = arith.cmpf olt, %add3A_1710, %min3A_1682 : vector<48x128xf32>
      %min3A_1712 = arith.minimumf %min3A_1682, %add3A_1710 : vector<48x128xf32>
      %add3A_1713 = arith.addi %mul3A_19, %scan3A_1687 : i32
      %broadcast_in_dim3A_1714 = vector.broadcast %add3A_1713 : i32 to vector<48x128xi32>
      %select_n3A_1715 = arith.select %lt3A_1711, %broadcast_in_dim3A_1714, %select_n3A_1685 : vector<48x128xi1>, vector<48x128xi32>
      %scan3A_1716 = arith.constant 56 : i32
      %scan3A_1717 = arith.addi %scan3A_41, %scan3A_1716 : i32
      %get3A_1718 = arith.constant 0 : index
      %get3A_1719 = arith.constant 0 : index
      %get3A_1720 = arith.index_cast %scan3A_1717 : i32 to index
      %get3A_1721 = memref.load %arg6[%get3A_1718, %get3A_1719, %get3A_1720] : memref<1x1x2048xf32, #tpu.memory_space<smem>>
      %get3A_1722 = arith.constant 0 : index
      %get3A_1723 = arith.constant 0 : index
      %get3A_1724 = arith.index_cast %scan3A_1717 : i32 to index
      %get3A_1725 = memref.load %arg7[%get3A_1722, %get3A_1723, %get3A_1724] : memref<1x1x2048xf32, #tpu.memory_space<smem>>
      %get3A_1726 = arith.constant 0 : index
      %get3A_1727 = arith.constant 0 : index
      %get3A_1728 = arith.index_cast %scan3A_1717 : i32 to index
      %get3A_1729 = memref.load %arg8[%get3A_1726, %get3A_1727, %get3A_1728] : memref<1x1x2048xf32, #tpu.memory_space<smem>>
      %sub3A_1730 = vector.broadcast %get3A_1721 : f32 to vector<48x128xf32>
      %sub3A_1731 = arith.subf %get3A_6, %sub3A_1730 : vector<48x128xf32>
      %sub3A_1732 = vector.broadcast %get3A_1725 : f32 to vector<48x128xf32>
      %sub3A_1733 = arith.subf %get3A_12, %sub3A_1732 : vector<48x128xf32>
      %sub3A_1734 = vector.broadcast %get3A_1729 : f32 to vector<48x128xf32>
      %sub3A_1735 = arith.subf %get3A_18, %sub3A_1734 : vector<48x128xf32>
      %mul3A_1736 = arith.mulf %sub3A_1731, %sub3A_1731 : vector<48x128xf32>
      %mul3A_1737 = arith.mulf %sub3A_1733, %sub3A_1733 : vector<48x128xf32>
      %add3A_1738 = arith.addf %mul3A_1736, %mul3A_1737 : vector<48x128xf32>
      %mul3A_1739 = arith.mulf %sub3A_1735, %sub3A_1735 : vector<48x128xf32>
      %add3A_1740 = arith.addf %add3A_1738, %mul3A_1739 : vector<48x128xf32>
      %lt3A_1741 = arith.cmpf olt, %add3A_1740, %min3A_1712 : vector<48x128xf32>
      %min3A_1742 = arith.minimumf %min3A_1712, %add3A_1740 : vector<48x128xf32>
      %add3A_1743 = arith.addi %mul3A_19, %scan3A_1717 : i32
      %broadcast_in_dim3A_1744 = vector.broadcast %add3A_1743 : i32 to vector<48x128xi32>
      %select_n3A_1745 = arith.select %lt3A_1741, %broadcast_in_dim3A_1744, %select_n3A_1715 : vector<48x128xi1>, vector<48x128xi32>
      %scan3A_1746 = arith.constant 57 : i32
      %scan3A_1747 = arith.addi %scan3A_41, %scan3A_1746 : i32
      %get3A_1748 = arith.constant 0 : index
      %get3A_1749 = arith.constant 0 : index
      %get3A_1750 = arith.index_cast %scan3A_1747 : i32 to index
      %get3A_1751 = memref.load %arg6[%get3A_1748, %get3A_1749, %get3A_1750] : memref<1x1x2048xf32, #tpu.memory_space<smem>>
      %get3A_1752 = arith.constant 0 : index
      %get3A_1753 = arith.constant 0 : index
      %get3A_1754 = arith.index_cast %scan3A_1747 : i32 to index
      %get3A_1755 = memref.load %arg7[%get3A_1752, %get3A_1753, %get3A_1754] : memref<1x1x2048xf32, #tpu.memory_space<smem>>
      %get3A_1756 = arith.constant 0 : index
      %get3A_1757 = arith.constant 0 : index
      %get3A_1758 = arith.index_cast %scan3A_1747 : i32 to index
      %get3A_1759 = memref.load %arg8[%get3A_1756, %get3A_1757, %get3A_1758] : memref<1x1x2048xf32, #tpu.memory_space<smem>>
      %sub3A_1760 = vector.broadcast %get3A_1751 : f32 to vector<48x128xf32>
      %sub3A_1761 = arith.subf %get3A_6, %sub3A_1760 : vector<48x128xf32>
      %sub3A_1762 = vector.broadcast %get3A_1755 : f32 to vector<48x128xf32>
      %sub3A_1763 = arith.subf %get3A_12, %sub3A_1762 : vector<48x128xf32>
      %sub3A_1764 = vector.broadcast %get3A_1759 : f32 to vector<48x128xf32>
      %sub3A_1765 = arith.subf %get3A_18, %sub3A_1764 : vector<48x128xf32>
      %mul3A_1766 = arith.mulf %sub3A_1761, %sub3A_1761 : vector<48x128xf32>
      %mul3A_1767 = arith.mulf %sub3A_1763, %sub3A_1763 : vector<48x128xf32>
      %add3A_1768 = arith.addf %mul3A_1766, %mul3A_1767 : vector<48x128xf32>
      %mul3A_1769 = arith.mulf %sub3A_1765, %sub3A_1765 : vector<48x128xf32>
      %add3A_1770 = arith.addf %add3A_1768, %mul3A_1769 : vector<48x128xf32>
      %lt3A_1771 = arith.cmpf olt, %add3A_1770, %min3A_1742 : vector<48x128xf32>
      %min3A_1772 = arith.minimumf %min3A_1742, %add3A_1770 : vector<48x128xf32>
      %add3A_1773 = arith.addi %mul3A_19, %scan3A_1747 : i32
      %broadcast_in_dim3A_1774 = vector.broadcast %add3A_1773 : i32 to vector<48x128xi32>
      %select_n3A_1775 = arith.select %lt3A_1771, %broadcast_in_dim3A_1774, %select_n3A_1745 : vector<48x128xi1>, vector<48x128xi32>
      %scan3A_1776 = arith.constant 58 : i32
      %scan3A_1777 = arith.addi %scan3A_41, %scan3A_1776 : i32
      %get3A_1778 = arith.constant 0 : index
      %get3A_1779 = arith.constant 0 : index
      %get3A_1780 = arith.index_cast %scan3A_1777 : i32 to index
      %get3A_1781 = memref.load %arg6[%get3A_1778, %get3A_1779, %get3A_1780] : memref<1x1x2048xf32, #tpu.memory_space<smem>>
      %get3A_1782 = arith.constant 0 : index
      %get3A_1783 = arith.constant 0 : index
      %get3A_1784 = arith.index_cast %scan3A_1777 : i32 to index
      %get3A_1785 = memref.load %arg7[%get3A_1782, %get3A_1783, %get3A_1784] : memref<1x1x2048xf32, #tpu.memory_space<smem>>
      %get3A_1786 = arith.constant 0 : index
      %get3A_1787 = arith.constant 0 : index
      %get3A_1788 = arith.index_cast %scan3A_1777 : i32 to index
      %get3A_1789 = memref.load %arg8[%get3A_1786, %get3A_1787, %get3A_1788] : memref<1x1x2048xf32, #tpu.memory_space<smem>>
      %sub3A_1790 = vector.broadcast %get3A_1781 : f32 to vector<48x128xf32>
      %sub3A_1791 = arith.subf %get3A_6, %sub3A_1790 : vector<48x128xf32>
      %sub3A_1792 = vector.broadcast %get3A_1785 : f32 to vector<48x128xf32>
      %sub3A_1793 = arith.subf %get3A_12, %sub3A_1792 : vector<48x128xf32>
      %sub3A_1794 = vector.broadcast %get3A_1789 : f32 to vector<48x128xf32>
      %sub3A_1795 = arith.subf %get3A_18, %sub3A_1794 : vector<48x128xf32>
      %mul3A_1796 = arith.mulf %sub3A_1791, %sub3A_1791 : vector<48x128xf32>
      %mul3A_1797 = arith.mulf %sub3A_1793, %sub3A_1793 : vector<48x128xf32>
      %add3A_1798 = arith.addf %mul3A_1796, %mul3A_1797 : vector<48x128xf32>
      %mul3A_1799 = arith.mulf %sub3A_1795, %sub3A_1795 : vector<48x128xf32>
      %add3A_1800 = arith.addf %add3A_1798, %mul3A_1799 : vector<48x128xf32>
      %lt3A_1801 = arith.cmpf olt, %add3A_1800, %min3A_1772 : vector<48x128xf32>
      %min3A_1802 = arith.minimumf %min3A_1772, %add3A_1800 : vector<48x128xf32>
      %add3A_1803 = arith.addi %mul3A_19, %scan3A_1777 : i32
      %broadcast_in_dim3A_1804 = vector.broadcast %add3A_1803 : i32 to vector<48x128xi32>
      %select_n3A_1805 = arith.select %lt3A_1801, %broadcast_in_dim3A_1804, %select_n3A_1775 : vector<48x128xi1>, vector<48x128xi32>
      %scan3A_1806 = arith.constant 59 : i32
      %scan3A_1807 = arith.addi %scan3A_41, %scan3A_1806 : i32
      %get3A_1808 = arith.constant 0 : index
      %get3A_1809 = arith.constant 0 : index
      %get3A_1810 = arith.index_cast %scan3A_1807 : i32 to index
      %get3A_1811 = memref.load %arg6[%get3A_1808, %get3A_1809, %get3A_1810] : memref<1x1x2048xf32, #tpu.memory_space<smem>>
      %get3A_1812 = arith.constant 0 : index
      %get3A_1813 = arith.constant 0 : index
      %get3A_1814 = arith.index_cast %scan3A_1807 : i32 to index
      %get3A_1815 = memref.load %arg7[%get3A_1812, %get3A_1813, %get3A_1814] : memref<1x1x2048xf32, #tpu.memory_space<smem>>
      %get3A_1816 = arith.constant 0 : index
      %get3A_1817 = arith.constant 0 : index
      %get3A_1818 = arith.index_cast %scan3A_1807 : i32 to index
      %get3A_1819 = memref.load %arg8[%get3A_1816, %get3A_1817, %get3A_1818] : memref<1x1x2048xf32, #tpu.memory_space<smem>>
      %sub3A_1820 = vector.broadcast %get3A_1811 : f32 to vector<48x128xf32>
      %sub3A_1821 = arith.subf %get3A_6, %sub3A_1820 : vector<48x128xf32>
      %sub3A_1822 = vector.broadcast %get3A_1815 : f32 to vector<48x128xf32>
      %sub3A_1823 = arith.subf %get3A_12, %sub3A_1822 : vector<48x128xf32>
      %sub3A_1824 = vector.broadcast %get3A_1819 : f32 to vector<48x128xf32>
      %sub3A_1825 = arith.subf %get3A_18, %sub3A_1824 : vector<48x128xf32>
      %mul3A_1826 = arith.mulf %sub3A_1821, %sub3A_1821 : vector<48x128xf32>
      %mul3A_1827 = arith.mulf %sub3A_1823, %sub3A_1823 : vector<48x128xf32>
      %add3A_1828 = arith.addf %mul3A_1826, %mul3A_1827 : vector<48x128xf32>
      %mul3A_1829 = arith.mulf %sub3A_1825, %sub3A_1825 : vector<48x128xf32>
      %add3A_1830 = arith.addf %add3A_1828, %mul3A_1829 : vector<48x128xf32>
      %lt3A_1831 = arith.cmpf olt, %add3A_1830, %min3A_1802 : vector<48x128xf32>
      %min3A_1832 = arith.minimumf %min3A_1802, %add3A_1830 : vector<48x128xf32>
      %add3A_1833 = arith.addi %mul3A_19, %scan3A_1807 : i32
      %broadcast_in_dim3A_1834 = vector.broadcast %add3A_1833 : i32 to vector<48x128xi32>
      %select_n3A_1835 = arith.select %lt3A_1831, %broadcast_in_dim3A_1834, %select_n3A_1805 : vector<48x128xi1>, vector<48x128xi32>
      %scan3A_1836 = arith.constant 60 : i32
      %scan3A_1837 = arith.addi %scan3A_41, %scan3A_1836 : i32
      %get3A_1838 = arith.constant 0 : index
      %get3A_1839 = arith.constant 0 : index
      %get3A_1840 = arith.index_cast %scan3A_1837 : i32 to index
      %get3A_1841 = memref.load %arg6[%get3A_1838, %get3A_1839, %get3A_1840] : memref<1x1x2048xf32, #tpu.memory_space<smem>>
      %get3A_1842 = arith.constant 0 : index
      %get3A_1843 = arith.constant 0 : index
      %get3A_1844 = arith.index_cast %scan3A_1837 : i32 to index
      %get3A_1845 = memref.load %arg7[%get3A_1842, %get3A_1843, %get3A_1844] : memref<1x1x2048xf32, #tpu.memory_space<smem>>
      %get3A_1846 = arith.constant 0 : index
      %get3A_1847 = arith.constant 0 : index
      %get3A_1848 = arith.index_cast %scan3A_1837 : i32 to index
      %get3A_1849 = memref.load %arg8[%get3A_1846, %get3A_1847, %get3A_1848] : memref<1x1x2048xf32, #tpu.memory_space<smem>>
      %sub3A_1850 = vector.broadcast %get3A_1841 : f32 to vector<48x128xf32>
      %sub3A_1851 = arith.subf %get3A_6, %sub3A_1850 : vector<48x128xf32>
      %sub3A_1852 = vector.broadcast %get3A_1845 : f32 to vector<48x128xf32>
      %sub3A_1853 = arith.subf %get3A_12, %sub3A_1852 : vector<48x128xf32>
      %sub3A_1854 = vector.broadcast %get3A_1849 : f32 to vector<48x128xf32>
      %sub3A_1855 = arith.subf %get3A_18, %sub3A_1854 : vector<48x128xf32>
      %mul3A_1856 = arith.mulf %sub3A_1851, %sub3A_1851 : vector<48x128xf32>
      %mul3A_1857 = arith.mulf %sub3A_1853, %sub3A_1853 : vector<48x128xf32>
      %add3A_1858 = arith.addf %mul3A_1856, %mul3A_1857 : vector<48x128xf32>
      %mul3A_1859 = arith.mulf %sub3A_1855, %sub3A_1855 : vector<48x128xf32>
      %add3A_1860 = arith.addf %add3A_1858, %mul3A_1859 : vector<48x128xf32>
      %lt3A_1861 = arith.cmpf olt, %add3A_1860, %min3A_1832 : vector<48x128xf32>
      %min3A_1862 = arith.minimumf %min3A_1832, %add3A_1860 : vector<48x128xf32>
      %add3A_1863 = arith.addi %mul3A_19, %scan3A_1837 : i32
      %broadcast_in_dim3A_1864 = vector.broadcast %add3A_1863 : i32 to vector<48x128xi32>
      %select_n3A_1865 = arith.select %lt3A_1861, %broadcast_in_dim3A_1864, %select_n3A_1835 : vector<48x128xi1>, vector<48x128xi32>
      %scan3A_1866 = arith.constant 61 : i32
      %scan3A_1867 = arith.addi %scan3A_41, %scan3A_1866 : i32
      %get3A_1868 = arith.constant 0 : index
      %get3A_1869 = arith.constant 0 : index
      %get3A_1870 = arith.index_cast %scan3A_1867 : i32 to index
      %get3A_1871 = memref.load %arg6[%get3A_1868, %get3A_1869, %get3A_1870] : memref<1x1x2048xf32, #tpu.memory_space<smem>>
      %get3A_1872 = arith.constant 0 : index
      %get3A_1873 = arith.constant 0 : index
      %get3A_1874 = arith.index_cast %scan3A_1867 : i32 to index
      %get3A_1875 = memref.load %arg7[%get3A_1872, %get3A_1873, %get3A_1874] : memref<1x1x2048xf32, #tpu.memory_space<smem>>
      %get3A_1876 = arith.constant 0 : index
      %get3A_1877 = arith.constant 0 : index
      %get3A_1878 = arith.index_cast %scan3A_1867 : i32 to index
      %get3A_1879 = memref.load %arg8[%get3A_1876, %get3A_1877, %get3A_1878] : memref<1x1x2048xf32, #tpu.memory_space<smem>>
      %sub3A_1880 = vector.broadcast %get3A_1871 : f32 to vector<48x128xf32>
      %sub3A_1881 = arith.subf %get3A_6, %sub3A_1880 : vector<48x128xf32>
      %sub3A_1882 = vector.broadcast %get3A_1875 : f32 to vector<48x128xf32>
      %sub3A_1883 = arith.subf %get3A_12, %sub3A_1882 : vector<48x128xf32>
      %sub3A_1884 = vector.broadcast %get3A_1879 : f32 to vector<48x128xf32>
      %sub3A_1885 = arith.subf %get3A_18, %sub3A_1884 : vector<48x128xf32>
      %mul3A_1886 = arith.mulf %sub3A_1881, %sub3A_1881 : vector<48x128xf32>
      %mul3A_1887 = arith.mulf %sub3A_1883, %sub3A_1883 : vector<48x128xf32>
      %add3A_1888 = arith.addf %mul3A_1886, %mul3A_1887 : vector<48x128xf32>
      %mul3A_1889 = arith.mulf %sub3A_1885, %sub3A_1885 : vector<48x128xf32>
      %add3A_1890 = arith.addf %add3A_1888, %mul3A_1889 : vector<48x128xf32>
      %lt3A_1891 = arith.cmpf olt, %add3A_1890, %min3A_1862 : vector<48x128xf32>
      %min3A_1892 = arith.minimumf %min3A_1862, %add3A_1890 : vector<48x128xf32>
      %add3A_1893 = arith.addi %mul3A_19, %scan3A_1867 : i32
      %broadcast_in_dim3A_1894 = vector.broadcast %add3A_1893 : i32 to vector<48x128xi32>
      %select_n3A_1895 = arith.select %lt3A_1891, %broadcast_in_dim3A_1894, %select_n3A_1865 : vector<48x128xi1>, vector<48x128xi32>
      %scan3A_1896 = arith.constant 62 : i32
      %scan3A_1897 = arith.addi %scan3A_41, %scan3A_1896 : i32
      %get3A_1898 = arith.constant 0 : index
      %get3A_1899 = arith.constant 0 : index
      %get3A_1900 = arith.index_cast %scan3A_1897 : i32 to index
      %get3A_1901 = memref.load %arg6[%get3A_1898, %get3A_1899, %get3A_1900] : memref<1x1x2048xf32, #tpu.memory_space<smem>>
      %get3A_1902 = arith.constant 0 : index
      %get3A_1903 = arith.constant 0 : index
      %get3A_1904 = arith.index_cast %scan3A_1897 : i32 to index
      %get3A_1905 = memref.load %arg7[%get3A_1902, %get3A_1903, %get3A_1904] : memref<1x1x2048xf32, #tpu.memory_space<smem>>
      %get3A_1906 = arith.constant 0 : index
      %get3A_1907 = arith.constant 0 : index
      %get3A_1908 = arith.index_cast %scan3A_1897 : i32 to index
      %get3A_1909 = memref.load %arg8[%get3A_1906, %get3A_1907, %get3A_1908] : memref<1x1x2048xf32, #tpu.memory_space<smem>>
      %sub3A_1910 = vector.broadcast %get3A_1901 : f32 to vector<48x128xf32>
      %sub3A_1911 = arith.subf %get3A_6, %sub3A_1910 : vector<48x128xf32>
      %sub3A_1912 = vector.broadcast %get3A_1905 : f32 to vector<48x128xf32>
      %sub3A_1913 = arith.subf %get3A_12, %sub3A_1912 : vector<48x128xf32>
      %sub3A_1914 = vector.broadcast %get3A_1909 : f32 to vector<48x128xf32>
      %sub3A_1915 = arith.subf %get3A_18, %sub3A_1914 : vector<48x128xf32>
      %mul3A_1916 = arith.mulf %sub3A_1911, %sub3A_1911 : vector<48x128xf32>
      %mul3A_1917 = arith.mulf %sub3A_1913, %sub3A_1913 : vector<48x128xf32>
      %add3A_1918 = arith.addf %mul3A_1916, %mul3A_1917 : vector<48x128xf32>
      %mul3A_1919 = arith.mulf %sub3A_1915, %sub3A_1915 : vector<48x128xf32>
      %add3A_1920 = arith.addf %add3A_1918, %mul3A_1919 : vector<48x128xf32>
      %lt3A_1921 = arith.cmpf olt, %add3A_1920, %min3A_1892 : vector<48x128xf32>
      %min3A_1922 = arith.minimumf %min3A_1892, %add3A_1920 : vector<48x128xf32>
      %add3A_1923 = arith.addi %mul3A_19, %scan3A_1897 : i32
      %broadcast_in_dim3A_1924 = vector.broadcast %add3A_1923 : i32 to vector<48x128xi32>
      %select_n3A_1925 = arith.select %lt3A_1921, %broadcast_in_dim3A_1924, %select_n3A_1895 : vector<48x128xi1>, vector<48x128xi32>
      %scan3A_1926 = arith.constant 63 : i32
      %scan3A_1927 = arith.addi %scan3A_41, %scan3A_1926 : i32
      %get3A_1928 = arith.constant 0 : index
      %get3A_1929 = arith.constant 0 : index
      %get3A_1930 = arith.index_cast %scan3A_1927 : i32 to index
      %get3A_1931 = memref.load %arg6[%get3A_1928, %get3A_1929, %get3A_1930] : memref<1x1x2048xf32, #tpu.memory_space<smem>>
      %get3A_1932 = arith.constant 0 : index
      %get3A_1933 = arith.constant 0 : index
      %get3A_1934 = arith.index_cast %scan3A_1927 : i32 to index
      %get3A_1935 = memref.load %arg7[%get3A_1932, %get3A_1933, %get3A_1934] : memref<1x1x2048xf32, #tpu.memory_space<smem>>
      %get3A_1936 = arith.constant 0 : index
      %get3A_1937 = arith.constant 0 : index
      %get3A_1938 = arith.index_cast %scan3A_1927 : i32 to index
      %get3A_1939 = memref.load %arg8[%get3A_1936, %get3A_1937, %get3A_1938] : memref<1x1x2048xf32, #tpu.memory_space<smem>>
      %sub3A_1940 = vector.broadcast %get3A_1931 : f32 to vector<48x128xf32>
      %sub3A_1941 = arith.subf %get3A_6, %sub3A_1940 : vector<48x128xf32>
      %sub3A_1942 = vector.broadcast %get3A_1935 : f32 to vector<48x128xf32>
      %sub3A_1943 = arith.subf %get3A_12, %sub3A_1942 : vector<48x128xf32>
      %sub3A_1944 = vector.broadcast %get3A_1939 : f32 to vector<48x128xf32>
      %sub3A_1945 = arith.subf %get3A_18, %sub3A_1944 : vector<48x128xf32>
      %mul3A_1946 = arith.mulf %sub3A_1941, %sub3A_1941 : vector<48x128xf32>
      %mul3A_1947 = arith.mulf %sub3A_1943, %sub3A_1943 : vector<48x128xf32>
      %add3A_1948 = arith.addf %mul3A_1946, %mul3A_1947 : vector<48x128xf32>
      %mul3A_1949 = arith.mulf %sub3A_1945, %sub3A_1945 : vector<48x128xf32>
      %add3A_1950 = arith.addf %add3A_1948, %mul3A_1949 : vector<48x128xf32>
      %lt3A_1951 = arith.cmpf olt, %add3A_1950, %min3A_1922 : vector<48x128xf32>
      %min3A_1952 = arith.minimumf %min3A_1922, %add3A_1950 : vector<48x128xf32>
      %add3A_1953 = arith.addi %mul3A_19, %scan3A_1927 : i32
      %broadcast_in_dim3A_1954 = vector.broadcast %add3A_1953 : i32 to vector<48x128xi32>
      %select_n3A_1955 = arith.select %lt3A_1951, %broadcast_in_dim3A_1954, %select_n3A_1925 : vector<48x128xi1>, vector<48x128xi32>
      scf.yield %min3A_1952, %select_n3A_1955 : vector<48x128xf32>, vector<48x128xi32>
    }
    %scan3A_30 = arith.constant 2048 : i32
    %swap3A = arith.constant 0 : index
    %swap3A_31 = arith.constant 0 : index
    %swap3A_32 = vector.load %arg10[%swap3A, %swap3A_31] : memref<48x128xf32, #tpu.memory_space<vmem>>, vector<48x128xf32>
    tpu.vector_store %arg10[%swap3A, %swap3A_31], %scan3A_29#0 {strides = array<i32>} : memref<48x128xf32, #tpu.memory_space<vmem>>, vector<48x128xf32>,
    %swap3A_33 = arith.constant 0 : index
    %swap3A_34 = arith.constant 0 : index
    %swap3A_35 = vector.load %arg11[%swap3A_33, %swap3A_34] : memref<48x128xi32, #tpu.memory_space<vmem>>, vector<48x128xi32>
    tpu.vector_store %arg11[%swap3A_33, %swap3A_34], %scan3A_29#1 {strides = array<i32>} : memref<48x128xi32, #tpu.memory_space<vmem>>, vector<48x128xi32>,
    %eq3A_36 = arith.constant 3 : i32
    %eq3A_37 = arith.cmpi eq, %arg2, %eq3A_36 : i32
    %convert_element_type3A_38 = arith.extui %eq3A_37 : i1 to i32
    %cond3A_39 = arith.constant 0 : i32
    %cond3A_40 = arith.cmpi ne, %convert_element_type3A_38, %cond3A_39 : i32
    scf.if %cond3A_40 {
      %swap3A_41 = arith.constant 0 : index
      %swap3A_42 = arith.constant 0 : index
      %swap3A_43 = arith.constant 0 : index
      %swap3A_44 = vector.load %arg9[%swap3A_41, %swap3A_42, %swap3A_43] : memref<1x48x128xi32, #tpu.memory_space<vmem>>, vector<1x48x128xi32>
      %swap3A_45 = vector.shape_cast %swap3A_44 : vector<1x48x128xi32> to vector<48x128xi32>
      %swap3A_46 = vector.shape_cast %scan3A_29#1 : vector<48x128xi32> to vector<1x48x128xi32>
      tpu.vector_store %arg9[%swap3A_41, %swap3A_42, %swap3A_43], %swap3A_46 {strides = array<i32>} : memref<1x48x128xi32, #tpu.memory_space<vmem>>, vector<1x48x128xi32>,
    } else {
    }
    return
  }
  func.func @transform_0(%arg0: i32, %arg1: i32, %arg2: i32) -> (i32, i32, i32, i32) {
    %c0_i32 = arith.constant 0 : i32
    %c0_i32_0 = arith.constant 0 : i32
    %c0_i32_1 = arith.constant 0 : i32
    return %arg0, %c0_i32, %arg1, %c0_i32_0 : i32, i32, i32, i32
  }
  func.func @transform_1(%arg0: i32, %arg1: i32, %arg2: i32) -> (i32, i32, i32, i32) {
    %c1_i32 = arith.constant 1 : i32
    %c0_i32 = arith.constant 0 : i32
    %c0_i32_0 = arith.constant 0 : i32
    return %arg0, %c1_i32, %arg1, %c0_i32 : i32, i32, i32, i32
  }
  func.func @transform_2(%arg0: i32, %arg1: i32, %arg2: i32) -> (i32, i32, i32, i32) {
    %c2_i32 = arith.constant 2 : i32
    %c0_i32 = arith.constant 0 : i32
    %c0_i32_0 = arith.constant 0 : i32
    return %arg0, %c2_i32, %arg1, %c0_i32 : i32, i32, i32, i32
  }
  func.func @transform_3(%arg0: i32, %arg1: i32, %arg2: i32) -> (i32, i32, i32) {
    %mul3A = arith.constant 3 : i32
    %mul3A_0 = arith.muli %arg0, %mul3A : i32
    %add3A = arith.constant 0 : i32
    %add3A_1 = arith.addi %mul3A_0, %add3A : i32
    %mul3A_2 = arith.constant 4 : i32
    %mul3A_3 = arith.muli %add3A_1, %mul3A_2 : i32
    %add3A_4 = arith.addi %mul3A_3, %arg2 : i32
    %c0_i32 = arith.constant 0 : i32
    %c0_i32_5 = arith.constant 0 : i32
    %c0_i32_6 = arith.constant 0 : i32
    return %add3A_4, %c0_i32, %c0_i32_5 : i32, i32, i32
  }
  func.func @transform_4(%arg0: i32, %arg1: i32, %arg2: i32) -> (i32, i32, i32) {
    %mul3A = arith.constant 3 : i32
    %mul3A_0 = arith.muli %arg0, %mul3A : i32
    %add3A = arith.constant 1 : i32
    %add3A_1 = arith.addi %mul3A_0, %add3A : i32
    %mul3A_2 = arith.constant 4 : i32
    %mul3A_3 = arith.muli %add3A_1, %mul3A_2 : i32
    %add3A_4 = arith.addi %mul3A_3, %arg2 : i32
    %c0_i32 = arith.constant 0 : i32
    %c0_i32_5 = arith.constant 0 : i32
    %c0_i32_6 = arith.constant 0 : i32
    return %add3A_4, %c0_i32, %c0_i32_5 : i32, i32, i32
  }
  func.func @transform_5(%arg0: i32, %arg1: i32, %arg2: i32) -> (i32, i32, i32) {
    %mul3A = arith.constant 3 : i32
    %mul3A_0 = arith.muli %arg0, %mul3A : i32
    %add3A = arith.constant 2 : i32
    %add3A_1 = arith.addi %mul3A_0, %add3A : i32
    %mul3A_2 = arith.constant 4 : i32
    %mul3A_3 = arith.muli %add3A_1, %mul3A_2 : i32
    %add3A_4 = arith.addi %mul3A_3, %arg2 : i32
    %c0_i32 = arith.constant 0 : i32
    %c0_i32_5 = arith.constant 0 : i32
    %c0_i32_6 = arith.constant 0 : i32
    return %add3A_4, %c0_i32, %c0_i32_5 : i32, i32, i32
  }
  func.func @transform_6(%arg0: i32, %arg1: i32, %arg2: i32) -> (i32, i32, i32) {
    %c0_i32 = arith.constant 0 : i32
    %c0_i32_0 = arith.constant 0 : i32
    return %arg0, %arg1, %c0_i32 : i32, i32, i32
  }
}

</mosaic_0001>

<sc_bundles>
// kernel: kernel.4.cloned.1.call-start
scs
__scs_entry_jumppad:
0x0: {  	(pc) =	sbr.rel $0x88, $3  }
0x1: {  	(tag) =	ssettag $0x0;
	lr =	simm.s32 $0x1  }
0x2: {  	[smem:$0x3F9F] =	sst lr;
	_ =	strace $0xD0000000  }
0x3: {  	_ = 	snop  }
0x4: {  	_ = 	snop  }
0x5: {  	_ = 	snop  }
0x6: {  	_ = 	snop  }
0x7: {  	_ = 	snop  }
__scs_overlays_trampoline_lowered:
0x8: {  	[smem:$0x3FAE] =	sst s0  }
0x9: {  	[smem:$0x3FAF] =	sst s1  }
0xa: {  	[smem:$0x3FB0] =	sst s2  }
0xb: {  	[smem:$0x3FB1] =	sst s3  }
0xc: {  	[smem:$0x3FB2] =	sst s4  }
0xd: {  	[smem:$0x3FB3] =	sst s5  }
0xe: {  	[smem:$0x3FB4] =	sst s6  }
0xf: {  	[smem:$0x3FB5] =	sst s7  }
0x10: {  	[smem:$0x3FB6] =	sst s8  }
0x11: {  	[smem:$0x3FB7] =	sst s9;
	s0 =	simm.s32 @!p0 $0x0  }
0x12: {  	s1 =	sld [smem:$0x3F9D];
	s0 =	simm.s32 @p0 $0x1  }
0x13: {  	[smem:$0x3FB8] =	sst s0;
	s0 =	simm.s32 @!p1 $0x0  }
0x14: {  	s2 =	sld [smem:$0x3F9C];
	s0 =	simm.s32 @p1 $0x1  }
0x15: {  	[smem:$0x3FB9] =	sst s0;
	s0 =	simm.s32 @!p2 $0x0  }
0x16: {  	s3 =	sld [smem:$0x3FDB];
	s0 =	simm.s32 @p2 $0x1  }
0x17: {  	s4 =	simm.s32 $0x1BF5;
	[smem:$0x3FBB] =	sst s0  }
0x18: {  	s0 =	sld [smem:$0x3F9E];
	_ =	swait.ge [sflag:s4], $0x0  }
0x19: {  	s7 =	sld [smem:$0x3F9F]  }
0x1a: {  	s8 =	sadd.s32 $0xFFFFE003, lr  }
0x1b: {  	s9 =	sadd.s32 $0xFFFFFEF7, lr;
	s5 =	simm.s32 $0xFFFFFFFF;
	p2 =	slt.u32 s8, $0xFFFFF086  }
0x1c: {  	p1 =	slt.u32 s9, $0xF7A;
	s5 =	simm.s32 @!p2 $0x0  }
0x1d: {  	s5 =	simm.s32 @p1 $0x1;
	p0 =	seq.s32 s7, s2  }
0x1e: {  	s7 =	smul.u32 @!p0 $0xF7A, s2;
	p2 =	seq.s32 @!p0 s5, $0x0  }
0x1f: {  	s9 =	smul.u32 $0xF7A, s1;
	s8 =	simm.s32 @!p0 $0x1BF5;
	p2 =	por !p2, p0  }
0x20: {  	[sflag:s8] =	ssyncset.s32 @!p0 $0xFFFFF086;
	s6 =	sadd.s32 @!p0 s3, s7;
	s7 =	simm.s32 @!p0 $0x108  }
0x21: {  	s3 =	sadd.s32 s3, s9;
	s6 =	sadd.s32 @!p0 $0x88, s6;
	s7 =	simm.s32 @p2 $0x1082  }
0x22: {  	[simem:s7], [sflag:s8] =	dma.local @!p0 [hbm:s6], $0xF7A  }
0x23: {  	s9 =	sor.u32 $0xD0000000, s2;
	s6 =	simm.s32 $0x108;
	_ =	swait.ge @!p0 [sflag:s8], $0x0  }
0x24: {  	s3 =	sadd.s32 $0x88, s3;
	s6 =	simm.s32 @!p1 $0x1082;
	[sflag:s4] =	ssyncset.s32 $0xFFFFF086  }
0x25: {  	[simem:s6], [sflag:s4] =	dma.local [hbm:s3], $0xF7A  }
0x26: {  	[smem:$0x3F9F] =	sst s1;
	(tag) =	ssettag s2;
	_ =	strace s9  }
0x27: {  	s1 =	sld [smem:$0x3FAF]  }
0x28: {  	s2 =	sld [smem:$0x3FB0]  }
0x29: {  	s4 =	sld [smem:$0x3FB2]  }
0x2a: {  	p0 =	seq.s32 s5, $0x0;
	s5 =	sld [smem:$0x3FB3]  }
0x2b: {  	s6 =	sld [smem:$0x3FB4]  }
0x2c: {  	s7 =	sld [smem:$0x3FB5]  }
0x2d: {  	s3 =	simm.s32 $0x108;
	s8 =	sld [smem:$0x3FB6]  }
0x2e: {  	s3 =	simm.s32 @!p0 $0x1082;
	s9 =	sld [smem:$0x3FB7]  }
0x2f: {  	lr =	sadd.s32 s0, s3;
	s0 =	sld [smem:$0x3FAE]  }
0x30: {  	s3 =	sld [smem:$0x3FB1]  }
0x31: {  	[smem:$0x3FBA] =	sst s10  }
0x32: {  	s10 =	sld [smem:$0x3FB8];
	_ =	sdelay $0x3  }
0x33: {  	p0 =	seq.s32 s10, $0x1;
	s10 =	sld [smem:$0x3FBA];
	_ =	sdelay $0x3  }
0x34: {  	[smem:$0x3FBA] =	sst s10  }
0x35: {  	s10 =	sld [smem:$0x3FB9];
	_ =	sdelay $0x3  }
0x36: {  	p1 =	seq.s32 s10, $0x1;
	s10 =	sld [smem:$0x3FBA];
	_ =	sdelay $0x3  }
0x37: {  	[smem:$0x3FBA] =	sst s10  }
0x38: {  	s10 =	sld [smem:$0x3FBB]  }
0x39: {  	_ = 	snop;
	(pc) =	sbr.ind lr, $3  }
0x3a: {  	_ = 	snop  }
0x3b: {  	_ = 	snop  }
0x3c: {  	p2 =	seq.s32 s10, $0x1;
	s10 =	sld [smem:$0x3FBA]  }
0x3d: {  	_ =	shalt  }
0x3e: {  	_ =	shalt  }
0x3f: {  	_ =	shalt  }
0x40: {  	_ =	shalt  }
0x41: {  	_ =	shalt  }
0x42: {  	_ =	shalt  }
0x43: {  	_ =	shalt  }
0x44: {  	_ =	shalt  }
0x45: {  	_ =	shalt  }
0x46: {  	_ =	shalt  }
0x47: {  	_ =	shalt  }
0x48: {  	_ =	shalt  }
0x49: {  	_ =	shalt  }
0x4a: {  	_ =	shalt  }
0x4b: {  	_ =	shalt  }
0x4c: {  	_ =	shalt  }
0x4d: {  	_ =	shalt  }
0x4e: {  	_ =	shalt  }
0x4f: {  	_ =	shalt  }
0x50: {  	_ =	shalt  }
0x51: {  	_ =	shalt  }
0x52: {  	_ =	shalt  }
0x53: {  	_ =	shalt  }
0x54: {  	_ =	shalt  }
0x55: {  	_ =	shalt  }
0x56: {  	_ =	shalt  }
0x57: {  	_ =	shalt  }
0x58: {  	_ =	shalt  }
0x59: {  	_ =	shalt  }
0x5a: {  	_ =	shalt  }
0x5b: {  	_ =	shalt  }
0x5c: {  	_ =	shalt  }
0x5d: {  	_ =	shalt  }
0x5e: {  	_ =	shalt  }
0x5f: {  	_ =	shalt  }
0x60: {  	_ =	shalt  }
0x61: {  	_ =	shalt  }
0x62: {  	_ =	shalt  }
0x63: {  	_ =	shalt  }
0x64: {  	_ =	shalt  }
0x65: {  	_ =	shalt  }
0x66: {  	_ =	shalt  }
0x67: {  	_ =	shalt  }
0x68: {  	_ =	shalt  }
0x69: {  	_ =	shalt  }
0x6a: {  	_ =	shalt  }
0x6b: {  	_ =	shalt  }
0x6c: {  	_ =	shalt  }
0x6d: {  	_ =	shalt  }
0x6e: {  	_ =	shalt  }
0x6f: {  	_ =	shalt  }
0x70: {  	_ =	shalt  }
0x71: {  	_ =	shalt  }
0x72: {  	_ =	shalt  }
0x73: {  	_ =	shalt  }
0x74: {  	_ =	shalt  }
0x75: {  	_ =	shalt  }
0x76: {  	_ =	shalt  }
0x77: {  	_ =	shalt  }
0x78: {  	_ =	shalt  }
0x79: {  	_ =	shalt  }
0x7a: {  	_ =	shalt  }
0x7b: {  	_ =	shalt  }
0x7c: {  	_ =	shalt  }
0x7d: {  	_ =	shalt  }
0x7e: {  	_ =	shalt  }
0x7f: {  	_ =	shalt  }
0x80: {  	_ =	shalt  }
0x81: {  	_ =	shalt  }
0x82: {  	_ =	shalt  }
0x83: {  	_ =	shalt  }
0x84: {  	_ =	shalt  }
0x85: {  	_ =	shalt  }
0x86: {  	_ =	shalt  }
0x87: {  	_ =	shalt  }
.Lfunc_end0:
.L_simem_size_0:
called_computation_lowered:
.L_overlay_start_0:
0x88: {  	s2 =	sld [smem:$0x3FD9]  }
0x89: {  	s3 =	sld [smem:$0x3FFE];
	_ =	sdelay $0x1  }
0x8a: {  	s1 =	srdreg.scid  }
0x8b: {  	s0 =	sand.u32 $0x1, s1  }
0x8c: {  	s17 =	sshll.u32 s0, $0xA;
	s2 =	sadd.s32 s3, s2  }
0x8d: {  	s2 =	sadd.s32 s2, s17  }
0x8e: {  	[smem:$0x3FC6] =	sst s2  }
0x8f: {  	_ = 	snop  }
0x90: {  	s2 =	sld [smem:$0x3FD0];
	(tm) =	ssettm $0x1  }
0x91: {  	s18 =	sld [smem:$0x3FFB];
	_ =	sdelay $0x3  }
0x92: {  	_ =	strace s18  }
0x93: {  	s3 =	sld [smem:$0x3FFC];
	_ =	sdelay $0x3  }
0x94: {  	_ =	strace s3  }
0x95: {  	s3 =	sld [smem:$0x3FFD];
	_ =	sdelay $0x3  }
0x96: {  	_ =	strace s3  }
0x97: {  	_ =	strace $0x8FFFFFFF  }
0x98: {  	s19 =	sld [smem:$0x3FDB];
	_ =	sdelay $0x1  }
0x99: {  	s4 =	simm.s32 $_scs_section_size  }
0x9a: {  	s5 =	simm.s32 $_size__tile_overlayer_lowered;
	s6 =	simm.s32 $_tile_overlayer_lowered  }
0x9b: {  	s22 =	simm.s32 $0x1BFF;
	s21 =	sshll.u32 s6, $0x1;
	s3 =	sadd.s32 s4, s19  }
0x9c: {  	s7 =	simm.s32 $0x0;
	s20 =	sshll.u32 s5, $0x1;
	s5 =	sadd.s32 s21, s3  }
0x9d: {  	[timem:s7], [sflag:s22] =	dma.local [hbm:s5], s20  }
0x9e: {  	_ =	swait.ge [sflag:s22], s20  }
0x9f: {  	s4 =	ssub.s32 $0x0, s20;
	[sflag:s22] =	ssyncset.done $0x0  }
0xa0: {  	[sflag:s22] =	ssyncadd.s32 s4;
	_ =	sdelay $0x1  }
0xa1: {  	s23 =	simm.s32 $0x1B8B  }
0xa2: {  	_ =	swait.ge [sflag:s23], $0x1  }
0xa3: {  	[sflag:s23] =	ssyncset.done $0x0  }
0xa4: {  	s25 =	simm.s32 $0x1B8E;
	s24 =	sld [smem:$0x3FFE];
	[sflag:s23] =	ssyncadd.s32 $0xFFFFFFFF  }
0xa5: {  	s26 =	simm.s32 $execute0_lowered;
	[smem:$0x3FD2] =	sst s25  }
0xa6: {  	s5 =	sshll.u32 s26, $0x1;
	_ =	strace $0x80000046;
	[dreg:$0x1] =	wrdreg $0xFFFFFFFF  }
0xa7: {  	s28 =	simm.s32 $_size_execute0_lowered;
	s3 =	sadd.s32 s3, s5;
	[dreg:$0x0] =	wrdreg $0x0  }
0xa8: {  	s5 =	sshll.u32 s28, $0x1;
	[dreg:$0x2] =	wrdreg s3  }
0xa9: {  	[dreg:$0x3] =	wrdreg s5  }
0xaa: {  	[dreg:$0x4] =	wrdreg $0xC0  }
0xab: {  	_ =	task [dreg:s7], $0x5FFFF  }
0xac: {  	[dreg:$0x1] =	wrdreg $0xFFFFFFFF  }
0xad: {  	[dreg:$0x0] =	wrdreg $0x60  }
0xae: {  	[dreg:$0x2] =	wrdreg s24  }
0xaf: {  	[dreg:$0x3] =	wrdreg s2  }
0xb0: {  	[dreg:$0x4] =	wrdreg $0x9  }
0xb1: {  	_ =	task.clear_ibuf [dreg:s7], $0x5FFFF;
	_ =	strace $0x90000046  }
0xb2: {  	s29 =	simm.s32 $0x9;
	_ =	strace $0x80000048  }
0xb3: {  	_ =	swait.ge [sflag:s29], $0x1  }
0xb4: {  	[sflag:s29] =	ssyncadd.s32 $0xFFFFFFFF  }
0xb5: {  	_ =	strace $0x90000048  }
0xb6: {  	_ =	sfence  }
0xb7: {  	s30 =	sld [smem:$0x0];
	_ =	sdelay $0x2  }
0xb8: {  	s31 =	sshll.u32 s1, $0xD;
	s1 =	sshrl.u32 s1, $0x2  }
0xb9: {  	s3 =	sand.u32 $0x4000, s31;
	s1 =	sadd.s32 s1, s30  }
0xba: {  	s0 =	sor.u32 s3, s0;
	s1 =	sshll.u32 s1, $0x11  }
0xbb: {  	s0 =	sor.u32 s1, s0  }
0xbc: {  	s0 =	sadd.s32 $0x8F2B, s0  }
0xbd: {  	[sflag:s0] =	ssyncadd.remote.s32 $0x1  }
0xbe: {  	_ =	sfence.sel $0xFFFF  }
0xbf: {  	[dreg:$0x0] =	wrdreg $0xFFFFFFFF;
	(pc) =	sbr.abs _section_cstart, $3  }
0xc0: {  	[dreg:$0x1] =	wrdreg $0xFFFFFFFF  }
0xc1: {  	_ =	task.clear_ibuf [dreg:s7], $0x2FFFF;
	_ =	strace $0x9FFFFFFF  }
0xc2: {  	(tm) =	ssettm $0x7FFFFFFF  }
0xc3: {  	_ =	shalt  }
tec
execute0_lowered:
.L_overlay_start_1:
0x0: {  	(tag) =	ssettag $0x1  }
0x1: {  	s3 =	rddreg [dreg:$0x0]  }
0x2: {  	s9 =	rddreg [dreg:$0x1]  }
0x3: {  	s0 =	rddreg [dreg:$0x2]  }
0x4: {  	s2 =	simm.s32 $0x0;
	s4 =	srdreg.scid;
	s1 =	stileid.u32  }
0x5: {  	s15 =	simm.s32 $0x2300;
	s16 =	simm.s32 $0x4300;
	s17 =	simm.s32 $0x6300  }
0x6: {  	s18 =	simm.s32 $0x0;
	[smem:$0x7FF] =	sst s2;
	s4 =	sand.u32 $0x1, s4  }
0x7: {  	s5 =	sshll.u32 s1, $0x1;
	s25 =	sshrl.u32 s1, $0x2;
	s8 =	sadd.s32 $0x800, s3  }
0x8: {  	s11 =	sadd.s32 $0x3800, s3;
	_ =	strace $0x80000047;
	s7 =	sor.u32 s4, s5  }
0x9: {  	s4 =	ssub.s32 $0x2, s4;
	s5 =	smul.u32 $0x6000, s25;
	s6 =	sshll.u32 s7, $0x8  }
0xa: {  	s10 =	sshrl.u32 s4, $0x1;
	s31 =	sshll.u32 s7, $0x5;
	s6 =	sor.u32 $0x1800, s6  }
0xb: {  	s10 =	ssub.s32 s4, s10;
	s12 =	sadd.s32 $0x2000, s5;
	s13 =	sadd.s32 $0x4000, s5  }
0xc: {  	s14 =	sshrl.u32 s5, $0x3;
	s9 =	sadd.s32 s9, s31;
	s26 =	sor.u32 s5, s6  }
0xd: {  	s28 =	sor.u32 s12, s6;
	s6 =	sor.u32 s13, s6;
	s29 =	sshrl.u32 s12, $0x3  }
0xe: {  	s30 =	sshrl.u32 s13, $0x3;
	s10 =	smax.u32 s10, $0x1;
	s12 =	simm.s32 $0x100  }
0xf: {  	v0 =	vimm.s32 $0x0;
	s13 =	simm.s32 $0x200;
	s3 =	sshrl.u32 s26, $0x3;
	s4 =	sshrl.u32 s28, $0x3  }
0x10: {  	v7 =	vimm.s32 $0x1;
	v8 =	vimm.s32 $0x2;
	v12 =	vimm.s32 $0x6;
	s6 =	sshrl.u32 s6, $0x3;
	s7 =	sadd.s32 s11, s29;
	s3 =	sadd.s32 s8, s3  }
0x11: {  	v13 =	vimm.s32 $0x7;
	v14 =	vimm.s32 $0x8;
	v15 =	vimm.s32 $0x9;
	s4 =	sadd.s32 s8, s4;
	s5 =	sadd.s32 s8, s6;
	s6 =	sadd.s32 s11, s14  }
0x12: {  	v9 =	vimm.s32 $0xA;
	v10 =	vimm.s32 $0xB;
	v11 =	vimm.s32 $0xC;
	s8 =	sadd.s32 s11, s30;
	s11 =	simm.s32 $0x1;
	s14 =	simm.s32 $0x300  }
.LBB2_1:
0x13: {  	[tilespmem:s2], [sflag:$0x1] =	stream.linear.gather [hbm4b:s3+s2], $0x100, $0x38;
	[tilespmem:$0x6400] =	vst v63  }
0x14: {  	_ =	swait.ge [sflag:s11], $0x100  }
0x15: {  	[sflag:s11] =	ssyncset.done $0x0  }
0x16: {  	[sflag:s11] =	ssyncadd.s32 $0xFFFFFF00  }
0x17: {  	[tilespmem:s12], [sflag:$0x1] =	stream.linear.gather [hbm4b:s4+s2], $0x100, $0x38;
	[tilespmem:$0x6400] =	vst v63  }
0x18: {  	_ =	swait.ge [sflag:s11], $0x100  }
0x19: {  	[sflag:s11] =	ssyncset.done $0x0  }
0x1a: {  	[sflag:s11] =	ssyncadd.s32 $0xFFFFFF00  }
0x1b: {  	[tilespmem:s13], [sflag:$0x1] =	stream.linear.gather [hbm4b:s5+s2], $0x100, $0x38;
	[tilespmem:$0x6400] =	vst v63  }
0x1c: {  	_ =	swait.ge [sflag:s11], $0x100  }
0x1d: {  	[sflag:s11] =	ssyncset.done $0x0  }
0x1e: {  	[sflag:s11] =	ssyncadd.s32 $0xFFFFFF00  }
0x1f: {  	[tilespmem:s14], [sflag:$0x1] =	stream.linear.gather [hbm4b:s6+s2], $0x2000, $0x38;
	[tilespmem:$0x6400] =	vst v63  }
0x20: {  	_ =	swait.ge [sflag:s11], $0x2000  }
0x21: {  	[sflag:s11] =	ssyncset.done $0x0  }
0x22: {  	[sflag:s11] =	ssyncadd.s32 $0xFFFFE000  }
0x23: {  	[tilespmem:s15], [sflag:$0x1] =	stream.linear.gather [hbm4b:s7+s2], $0x2000, $0x38;
	[tilespmem:$0x6400] =	vst v63  }
0x24: {  	_ =	swait.ge [sflag:s11], $0x2000  }
0x25: {  	[sflag:s11] =	ssyncset.done $0x0  }
0x26: {  	[sflag:s11] =	ssyncadd.s32 $0xFFFFE000  }
0x27: {  	[tilespmem:s16], [sflag:$0x1] =	stream.linear.gather [hbm4b:s8+s2], $0x2000, $0x38;
	[tilespmem:$0x6400] =	vst v63  }
0x28: {  	_ =	swait.ge [sflag:s11], $0x2000  }
0x29: {  	[sflag:s11] =	ssyncset.done $0x0  }
0x2a: {  	p1 =	por $0x1, $0x1;
	s19 =	simm.s32 $0x0;
	[sflag:s11] =	ssyncadd.s32 $0xFFFFE000  }
.LBB2_2:
0x2b: {  	v16 =	vld [tilespmem:s19+$0x0]  }
0x2c: {  	v17 =	vld [tilespmem:s19+$0x100]  }
0x2d: {  	v18 =	vld [tilespmem:s19+$0x200]  }
0x2e: {  	v20 =	vld [tilespmem:s19+$0x110]  }
0x2f: {  	v21 =	vld [tilespmem:s19+$0x210]  }
0x30: {  	v23 =	vld [tilespmem:s19+$0x120]  }
0x31: {  	v24 =	vld [tilespmem:s19+$0x220]  }
0x32: {  	v26 =	vld [tilespmem:s19+$0x130]  }
0x33: {  	v27 =	vld [tilespmem:s19+$0x230]  }
0x34: {  	v29 =	vld [tilespmem:s19+$0x140]  }
0x35: {  	v30 =	vld [tilespmem:s19+$0x240]  }
0x36: {  	v32 =	vld [tilespmem:s19+$0x150]  }
0x37: {  	v33 =	vld [tilespmem:s19+$0x250]  }
0x38: {  	v35 =	vld [tilespmem:s19+$0x160]  }
0x39: {  	v36 =	vld [tilespmem:s19+$0x260]  }
0x3a: {  	v38 =	vld [tilespmem:s19+$0x170]  }
0x3b: {  	s20 =	sor.u32 $0x10, s19;
	v39 =	vld [tilespmem:s19+$0x270]  }
0x3c: {  	s21 =	sor.u32 $0x20, s19;
	v19 =	vld [tilespmem:s20+$0x0]  }
0x3d: {  	s22 =	sor.u32 $0x30, s19;
	v44 =	vimm.f32 $+Inf;
	v22 =	vld [tilespmem:s21+$0x0]  }
0x3e: {  	s23 =	sor.u32 $0x40, s19;
	v45 =	vimm.s32 $0x0;
	v46 =	vimm.s32 $0x0;
	v47 =	vimm.f32 $+Inf;
	v25 =	vld [tilespmem:s22+$0x0]  }
0x3f: {  	s24 =	sor.u32 $0x50, s19;
	v50 =	vimm.s32 $0x0;
	v48 =	vimm.f32 $+Inf;
	v52 =	vimm.s32 $0x0;
	v28 =	vld [tilespmem:s23+$0x0]  }
0x40: {  	s25 =	sor.u32 $0x60, s19;
	v49 =	vimm.f32 $+Inf;
	v53 =	vimm.s32 $0x0;
	v51 =	vimm.f32 $+Inf;
	v31 =	vld [tilespmem:s24+$0x0]  }
0x41: {  	s26 =	sor.u32 $0x70, s19;
	s28 =	simm.s32 $0x0;
	v57 =	vimm.s32 $0x0;
	v54 =	vimm.f32 $+Inf;
	v58 =	vimm.s32 $0x0;
	p0 =	por p1, p1;
	v34 =	vld [tilespmem:s25+$0x0]  }
0x42: {  	s29 =	simm.s32 $0x300;
	s30 =	simm.s32 $0x2300;
	s31 =	simm.s32 $0x4300;
	v56 =	vimm.f32 $+Inf;
	v59 =	vimm.s32 $0x0;
	v55 =	vimm.f32 $+Inf;
	v37 =	vld [tilespmem:s26+$0x0]  }
.LBB2_3:
0x43: {  	v42 =	vld [tilespmem:s29+$0x0]  }
0x44: {  	v43 =	vld [tilespmem:s30+$0x0]  }
0x45: {  	v41 =	vld [tilespmem:s31+$0x0];
	_ =	sdelay $0x3  }
0x46: {  	v60 =	vperm.xlane v42, v0;
	v61 =	vperm.xlane v43, v0  }
0x47: {  	v62 =	vperm.xlane v41, v0  }
0x48: {  	v40 =	vsub.f32 v16, v60;
	v63 =	vsub.f32 v17, v61  }
0x49: {  	v0 =	vsub.f32 v18, v62;
	v1 =	vsub.f32 v19, v60  }
0x4a: {  	v2 =	vsub.f32 v20, v61;
	v3 =	vsub.f32 v22, v60  }
0x4b: {  	v4 =	vsub.f32 v23, v61;
	v40 =	vmul.f32 v40, v40;
	v63 =	vmul.f32 v63, v63  }
0x4c: {  	v5 =	vsub.f32 v32, v61;
	v0 =	vmul.f32 v0, v0;
	v1 =	vmul.f32 v1, v1  }
0x4d: {  	v2 =	vmul.f32 v2, v2;
	v40 =	vadd.f32 v63, v40;
	v63 =	vsub.f32 v21, v62  }
0x4e: {  	v6 =	vsub.f32 v35, v61;
	v3 =	vmul.f32 v3, v3;
	v4 =	vmul.f32 v4, v4  }
0x4f: {  	v1 =	vadd.f32 v2, v1;
	v0 =	vadd.f32 v0, v40;
	v2 =	vmul.f32 v63, v63  }
0x50: {  	v5 =	vmul.f32 v5, v5;
	v6 =	vmul.f32 v6, v6;
	v63 =	vsub.f32 v24, v62  }
0x51: {  	vm0 =	vlt.f32 v0, v55;
	v0 =	vmin.f32 v55, v0;
	v1 =	vadd.f32 v2, v1  }
0x52: {  	v2 =	vadd.f32 v4, v3;
	v3 =	vmul.f32 v63, v63;
	v55 =	vsub.f32 v25, v60  }
0x53: {  	v63 =	vsub.f32 v26, v61;
	v4 =	vsel vm0, s28, v59;
	v59 =	vsub.f32 v28, v60  }
0x54: {  	vm4 =	vlt.f32 v1, v56;
	v1 =	vmin.f32 v56, v1;
	v2 =	vadd.f32 v3, v2  }
0x55: {  	v3 =	vsub.f32 v27, v62;
	v55 =	vmul.f32 v55, v55;
	v56 =	vmul.f32 v63, v63  }
0x56: {  	v40 =	vmov s28;
	v63 =	vsub.f32 v29, v61;
	v61 =	vsub.f32 v38, v61  }
0x57: {  	v58 =	vsel vm4, s28, v58;
	v59 =	vmul.f32 v59, v59;
	v55 =	vadd.f32 v56, v55  }
0x58: {  	v3 =	vmul.f32 v3, v3;
	v56 =	vsub.f32 v30, v62;
	v63 =	vmul.f32 v63, v63  }
0x59: {  	vm5 =	vlt.f32 v2, v54;
	v2 =	vmin.f32 v54, v2;
	v54 =	vsub.f32 v31, v60  }
0x5a: {  	v3 =	vadd.f32 v3, v55;
	v55 =	vadd.f32 v63, v59;
	v56 =	vmul.f32 v56, v56  }
0x5b: {  	v59 =	vsub.f32 v33, v62;
	v54 =	vmul.f32 v54, v54;
	v63 =	vsub.f32 v34, v60  }
0x5c: {  	v57 =	vsel vm5, s28, v57;
	v60 =	vsub.f32 v37, v60;
	v55 =	vadd.f32 v56, v55  }
0x5d: {  	v5 =	vadd.f32 v5, v54;
	v54 =	vmul.f32 v59, v59;
	v56 =	vsub.f32 v36, v62  }
0x5e: {  	v63 =	vmul.f32 v63, v63;
	vm6 =	vlt.f32 v3, v51;
	v3 =	vmin.f32 v51, v3  }
0x5f: {  	v51 =	vmul.f32 v61, v61;
	v53 =	vsel vm6, s28, v53;
	vm1 =	vlt.f32 v55, v49  }
0x60: {  	v5 =	vadd.f32 v54, v5;
	v6 =	vadd.f32 v6, v63;
	v59 =	vmul.f32 v56, v56  }
0x61: {  	v49 =	vmin.f32 v49, v55;
	v54 =	vperm.xlane v42, v7;
	v55 =	vperm.xlane v43, v7  }
0x62: {  	v56 =	vsub.f32 v39, v62;
	v52 =	vsel vm1, s28, v52;
	vm7 =	vlt.f32 v5, v48  }
0x63: {  	v5 =	vmin.f32 v48, v5;
	v6 =	vadd.f32 v59, v6;
	v61 =	vsub.f32 v17, v55  }
0x64: {  	v59 =	vperm.xlane v41, v7;
	v62 =	vsub.f32 v20, v55;
	v63 =	vsub.f32 v29, v55  }
0x65: {  	v7 =	vsub.f32 v32, v55;
	v48 =	vsel vm7, s28, v50;
	v50 =	vmul.f32 v60, v60  }
0x66: {  	v60 =	vsub.f32 v16, v54;
	vm8 =	vlt.f32 v6, v47;
	v6 =	vmin.f32 v47, v6  }
0x67: {  	v7 =	vmul.f32 v7, v7;
	v47 =	vadd.f32 v51, v50;
	v50 =	vmul.f32 v56, v56  }
0x68: {  	v51 =	vsub.f32 v18, v59;
	v56 =	vmul.f32 v60, v60;
	v60 =	vmul.f32 v61, v61  }
0x69: {  	v46 =	vsel vm8, s28, v46;
	v61 =	vsub.f32 v19, v54;
	v47 =	vadd.f32 v50, v47  }
0x6a: {  	v50 =	vadd.f32 v60, v56;
	v51 =	vmul.f32 v51, v51;
	v56 =	vsub.f32 v21, v59  }
0x6b: {  	v60 =	vmul.f32 v61, v61;
	v61 =	vmul.f32 v62, v62;
	v62 =	vsub.f32 v26, v55  }
0x6c: {  	vm9 =	vlt.f32 v47, v44;
	v44 =	vmin.f32 v44, v47;
	v47 =	vadd.f32 v51, v50  }
0x6d: {  	v50 =	vadd.f32 v61, v60;
	v51 =	vmul.f32 v56, v56;
	v56 =	vsub.f32 v22, v54  }
0x6e: {  	v60 =	vsub.f32 v23, v55;
	v61 =	vsub.f32 v25, v54;
	v62 =	vmul.f32 v62, v62  }
0x6f: {  	v45 =	vsel vm9, s28, v45;
	vm10 =	vlt.f32 v47, v0;
	v50 =	vadd.f32 v51, v50  }
0x70: {  	v51 =	vsub.f32 v24, v59;
	v56 =	vmul.f32 v56, v56;
	v60 =	vmul.f32 v60, v60  }
0x71: {  	v0 =	vmin.f32 v0, v47;
	v47 =	vor.u32 $0x1, v40;
	v61 =	vmul.f32 v61, v61  }
0x72: {  	v56 =	vadd.f32 v60, v56;
	v51 =	vmul.f32 v51, v51;
	v60 =	vsub.f32 v27, v59  }
0x73: {  	vm11 =	vlt.f32 v50, v1;
	v1 =	vmin.f32 v1, v50;
	v50 =	vsub.f32 v28, v54  }
0x74: {  	v51 =	vadd.f32 v51, v56;
	v56 =	vadd.f32 v62, v61;
	v60 =	vmul.f32 v60, v60  }
0x75: {  	v61 =	vsub.f32 v30, v59;
	v50 =	vmul.f32 v50, v50;
	v62 =	vmul.f32 v63, v63  }
0x76: {  	v4 =	vsel vm10, v47, v4;
	v58 =	vsel vm11, v47, v58;
	v63 =	vsub.f32 v31, v54  }
0x77: {  	v56 =	vadd.f32 v60, v56;
	v50 =	vadd.f32 v62, v50;
	v60 =	vmul.f32 v61, v61  }
0x78: {  	v61 =	vsub.f32 v33, v59;
	v62 =	vmul.f32 v63, v63;
	vm12 =	vlt.f32 v51, v2  }
0x79: {  	v2 =	vmin.f32 v2, v51;
	v57 =	vsel vm12, v47, v57;
	vm13 =	vlt.f32 v56, v3  }
0x7a: {  	v50 =	vadd.f32 v60, v50;
	v7 =	vadd.f32 v7, v62;
	v63 =	vmul.f32 v61, v61  }
0x7b: {  	v3 =	vmin.f32 v3, v56;
	v60 =	vsub.f32 v34, v54;
	v61 =	vsub.f32 v35, v55  }
0x7c: {  	v54 =	vsub.f32 v37, v54;
	v55 =	vsub.f32 v38, v55;
	v56 =	vperm.xlane v43, v8  }
0x7d: {  	v53 =	vsel vm13, v47, v53;
	vm14 =	vlt.f32 v50, v49;
	v49 =	vmin.f32 v49, v50  }
0x7e: {  	v7 =	vadd.f32 v63, v7;
	v51 =	vmul.f32 v60, v60;
	v54 =	vmul.f32 v54, v54  }
0x7f: {  	v55 =	vmul.f32 v55, v55;
	v50 =	vsel vm14, v47, v52;
	v52 =	vmul.f32 v61, v61  }
0x80: {  	vm15 =	vlt.f32 v7, v5;
	v5 =	vmin.f32 v5, v7;
	v7 =	vsub.f32 v36, v59  }
0x81: {  	v60 =	vperm.xlane v41, v8;
	v51 =	vadd.f32 v52, v51;
	v52 =	vperm.xlane v42, v8  }
0x82: {  	v62 =	vsub.f32 v17, v56;
	v59 =	vsub.f32 v39, v59;
	v7 =	vmul.f32 v7, v7  }
0x83: {  	v48 =	vsel vm15, v47, v48;
	v8 =	vimm.s32 $0x3;
	v61 =	vsub.f32 v16, v52  }
0x84: {  	v7 =	vadd.f32 v7, v51;
	v51 =	vadd.f32 v55, v54;
	v54 =	vmul.f32 v59, v59  }
0x85: {  	v55 =	vsub.f32 v18, v60;
	v59 =	vmul.f32 v61, v61;
	v61 =	vmul.f32 v62, v62  }
0x86: {  	vm4 =	vlt.f32 v7, v6;
	v6 =	vmin.f32 v6, v7;
	v7 =	vadd.f32 v54, v51  }
0x87: {  	v63 =	vsub.f32 v19, v52;
	v62 =	vmul.f32 v55, v55;
	v51 =	vadd.f32 v61, v59  }
0x88: {  	v46 =	vsel vm4, v47, v46;
	v61 =	vsub.f32 v20, v56;
	vm5 =	vlt.f32 v7, v44  }
0x89: {  	v7 =	vmin.f32 v44, v7;
	v44 =	vsel vm5, v47, v45;
	v45 =	vadd.f32 v62, v51  }
0x8a: {  	v47 =	vsub.f32 v21, v60;
	v51 =	vmul.f32 v63, v63;
	v62 =	vmul.f32 v61, v61  }
0x8b: {  	v59 =	vor.u32 $0x2, v40;
	v63 =	vsub.f32 v22, v52;
	v61 =	vsub.f32 v23, v56  }
0x8c: {  	vm6 =	vlt.f32 v45, v0;
	v0 =	vmin.f32 v0, v45;
	v45 =	vadd.f32 v62, v51  }
0x8d: {  	v47 =	vmul.f32 v47, v47;
	v51 =	vsub.f32 v24, v60;
	v54 =	vmul.f32 v63, v63  }
0x8e: {  	v55 =	vmul.f32 v61, v61;
	v61 =	vsub.f32 v25, v52;
	v62 =	vsub.f32 v26, v56  }
0x8f: {  	v63 =	vsub.f32 v28, v52;
	v45 =	vadd.f32 v47, v45;
	v51 =	vmul.f32 v51, v51  }
0x90: {  	v47 =	vadd.f32 v55, v54;
	v55 =	vmul.f32 v61, v61;
	v61 =	vmul.f32 v62, v62  }
0x91: {  	v4 =	vsel vm6, v59, v4;
	v54 =	vsub.f32 v27, v60;
	vm7 =	vlt.f32 v45, v1  }
0x92: {  	v1 =	vmin.f32 v1, v45;
	v45 =	vadd.f32 v51, v47;
	v47 =	vadd.f32 v61, v55  }
0x93: {  	v62 =	vmul.f32 v54, v54;
	v61 =	vsub.f32 v29, v56;
	v51 =	vmul.f32 v63, v63  }
0x94: {  	v54 =	vsel vm7, v59, v58;
	v58 =	vsub.f32 v31, v52;
	vm8 =	vlt.f32 v45, v2  }
0x95: {  	v2 =	vmin.f32 v2, v45;
	v45 =	vadd.f32 v62, v47;
	v47 =	vsub.f32 v30, v60  }
0x96: {  	v55 =	vmul.f32 v61, v61;
	v61 =	vsub.f32 v32, v56;
	v62 =	vsub.f32 v35, v56  }
0x97: {  	v57 =	vsel vm8, v59, v57;
	v58 =	vmul.f32 v58, v58;
	vm9 =	vlt.f32 v45, v3  }
0x98: {  	v51 =	vadd.f32 v55, v51;
	v47 =	vmul.f32 v47, v47;
	v55 =	vsub.f32 v33, v60  }
0x99: {  	v61 =	vmul.f32 v61, v61;
	v3 =	vmin.f32 v3, v45;
	v45 =	vsub.f32 v34, v52  }
0x9a: {  	v52 =	vsub.f32 v37, v52;
	v53 =	vsel vm9, v59, v53;
	v47 =	vadd.f32 v47, v51  }
0x9b: {  	v51 =	vadd.f32 v61, v58;
	v55 =	vmul.f32 v55, v55;
	v58 =	vsub.f32 v36, v60  }
0x9c: {  	v45 =	vmul.f32 v45, v45;
	v61 =	vmul.f32 v62, v62;
	v60 =	vsub.f32 v39, v60  }
0x9d: {  	vm10 =	vlt.f32 v47, v49;
	v47 =	vmin.f32 v49, v47;
	v62 =	vadd.f32 v55, v51  }
0x9e: {  	v45 =	vadd.f32 v61, v45;
	v63 =	vmul.f32 v58, v58;
	v61 =	vmul.f32 v52, v52  }
0x9f: {  	v58 =	vsub.f32 v38, v56;
	v55 =	vperm.xlane v42, v8;
	v56 =	vperm.xlane v43, v8  }
0xa0: {  	v49 =	vmul.f32 v60, v60;
	v52 =	vperm.xlane v41, v8;
	vm11 =	vlt.f32 v62, v5  }
0xa1: {  	v5 =	vmin.f32 v5, v62;
	v45 =	vadd.f32 v63, v45;
	v62 =	vmul.f32 v58, v58  }
0xa2: {  	v8 =	vimm.s32 $0x4;
	v58 =	vsub.f32 v16, v55;
	v60 =	vsub.f32 v17, v56  }
0xa3: {  	v50 =	vsel vm10, v59, v50;
	v63 =	vsub.f32 v35, v56;
	v51 =	vadd.f32 v62, v61  }
0xa4: {  	v48 =	vsel vm11, v59, v48;
	vm12 =	vlt.f32 v45, v6;
	v6 =	vmin.f32 v6, v45  }
0xa5: {  	v61 =	vsub.f32 v20, v56;
	v45 =	vsel vm12, v59, v46;
	v46 =	vadd.f32 v49, v51  }
0xa6: {  	v49 =	vsub.f32 v18, v52;
	v51 =	vmul.f32 v58, v58;
	v58 =	vmul.f32 v60, v60  }
0xa7: {  	v62 =	vsub.f32 v32, v56;
	v60 =	vsub.f32 v19, v55;
	vm13 =	vlt.f32 v46, v7  }
0xa8: {  	v7 =	vmin.f32 v7, v46;
	v46 =	vadd.f32 v58, v51;
	v49 =	vmul.f32 v49, v49  }
0xa9: {  	v51 =	vsub.f32 v21, v52;
	v58 =	vmul.f32 v60, v60;
	v60 =	vmul.f32 v61, v61  }
0xaa: {  	v61 =	vsub.f32 v23, v56;
	v44 =	vsel vm13, v59, v44;
	v59 =	vsub.f32 v22, v55  }
0xab: {  	v46 =	vadd.f32 v49, v46;
	v49 =	vadd.f32 v60, v58;
	v51 =	vmul.f32 v51, v51  }
0xac: {  	v58 =	vsub.f32 v24, v52;
	v60 =	vmul.f32 v61, v61;
	v59 =	vmul.f32 v59, v59  }
0xad: {  	v61 =	vsub.f32 v29, v56;
	vm14 =	vlt.f32 v46, v0;
	v0 =	vmin.f32 v0, v46  }
0xae: {  	v49 =	vadd.f32 v51, v49;
	v58 =	vmul.f32 v58, v58;
	v51 =	vadd.f32 v60, v59  }
0xaf: {  	v46 =	vor.u32 $0x3, v40;
	v59 =	vsub.f32 v25, v55;
	v60 =	vsub.f32 v26, v56  }
0xb0: {  	vm15 =	vlt.f32 v49, v1;
	v1 =	vmin.f32 v1, v49;
	v49 =	vadd.f32 v58, v51  }
0xb1: {  	v51 =	vsub.f32 v27, v52;
	v58 =	vmul.f32 v59, v59;
	v59 =	vmul.f32 v60, v60  }
0xb2: {  	v61 =	vmul.f32 v61, v61;
	v60 =	vsub.f32 v28, v55;
	vm4 =	vlt.f32 v49, v2  }
0xb3: {  	v58 =	vadd.f32 v59, v58;
	v51 =	vmul.f32 v51, v51;
	v59 =	vsub.f32 v30, v52  }
0xb4: {  	v60 =	vmul.f32 v60, v60;
	v2 =	vmin.f32 v2, v49;
	v49 =	vsub.f32 v31, v55  }
0xb5: {  	v4 =	vsel vm14, v46, v4;
	v51 =	vadd.f32 v51, v58;
	v59 =	vmul.f32 v59, v59  }
0xb6: {  	v58 =	vadd.f32 v61, v60;
	v49 =	vmul.f32 v49, v49;
	v61 =	vmul.f32 v62, v62  }
0xb7: {  	v54 =	vsel vm15, v46, v54;
	v60 =	vsub.f32 v33, v52;
	v62 =	vsub.f32 v34, v55  }
0xb8: {  	v57 =	vsel vm4, v46, v57;
	v58 =	vadd.f32 v59, v58;
	v49 =	vadd.f32 v61, v49  }
0xb9: {  	v59 =	vmul.f32 v60, v60;
	v60 =	vsub.f32 v36, v52;
	v61 =	vmul.f32 v62, v62  }
0xba: {  	v62 =	vmul.f32 v63, v63;
	vm5 =	vlt.f32 v51, v3;
	v3 =	vmin.f32 v3, v51  }
0xbb: {  	v52 =	vsub.f32 v39, v52;
	v53 =	vsel vm5, v46, v53;
	vm6 =	vlt.f32 v58, v47  }
0xbc: {  	v49 =	vadd.f32 v59, v49;
	v63 =	vadd.f32 v62, v61;
	v60 =	vmul.f32 v60, v60  }
0xbd: {  	v47 =	vmin.f32 v47, v58;
	v62 =	vsub.f32 v38, v56;
	v56 =	vperm.xlane v42, v8  }
0xbe: {  	v61 =	vsub.f32 v37, v55;
	v58 =	vperm.xlane v43, v8;
	v59 =	vperm.xlane v41, v8  }
0xbf: {  	v8 =	vimm.s32 $0x5;
	v50 =	vsel vm6, v46, v50;
	vm7 =	vlt.f32 v49, v5  }
0xc0: {  	v5 =	vmin.f32 v5, v49;
	v49 =	vadd.f32 v60, v63;
	v51 =	vmul.f32 v61, v61  }
0xc1: {  	v55 =	vmul.f32 v62, v62;
	v60 =	vsub.f32 v16, v56;
	v61 =	vsub.f32 v17, v58  }
0xc2: {  	v62 =	vsub.f32 v20, v58;
	v48 =	vsel vm7, v46, v48;
	vm8 =	vlt.f32 v49, v6  }
0xc3: {  	v6 =	vmin.f32 v6, v49;
	v49 =	vadd.f32 v55, v51;
	v51 =	vmul.f32 v52, v52  }
0xc4: {  	v52 =	vsub.f32 v18, v59;
	v55 =	vmul.f32 v60, v60;
	v60 =	vmul.f32 v61, v61  }
0xc5: {  	v61 =	vsub.f32 v19, v56;
	v45 =	vsel vm8, v46, v45;
	v49 =	vadd.f32 v51, v49  }
0xc6: {  	v51 =	vadd.f32 v60, v55;
	v52 =	vmul.f32 v52, v52;
	v55 =	vsub.f32 v21, v59  }
0xc7: {  	v60 =	vmul.f32 v61, v61;
	v61 =	vmul.f32 v62, v62;
	v62 =	vsub.f32 v23, v58  }
0xc8: {  	vm9 =	vlt.f32 v49, v7;
	v7 =	vmin.f32 v7, v49;
	v49 =	vadd.f32 v52, v51  }
0xc9: {  	v63 =	vadd.f32 v61, v60;
	v60 =	vmul.f32 v55, v55;
	v61 =	vsub.f32 v22, v56  }
0xca: {  	v51 =	vsub.f32 v24, v59;
	v55 =	vmul.f32 v62, v62;
	v62 =	vsub.f32 v29, v58  }
0xcb: {  	v44 =	vsel vm9, v46, v44;
	vm10 =	vlt.f32 v49, v0;
	v0 =	vmin.f32 v0, v49  }
0xcc: {  	v49 =	vor.u32 $0x4, v40;
	v46 =	vadd.f32 v60, v63;
	v52 =	vmul.f32 v61, v61  }
0xcd: {  	v60 =	vsub.f32 v25, v56;
	v61 =	vsub.f32 v26, v58;
	v51 =	vmul.f32 v51, v51  }
0xce: {  	v63 =	vsub.f32 v32, v58;
	v4 =	vsel vm10, v49, v4;
	v52 =	vadd.f32 v55, v52  }
0xcf: {  	v55 =	vsub.f32 v27, v59;
	v60 =	vmul.f32 v60, v60;
	v61 =	vmul.f32 v61, v61  }
0xd0: {  	vm11 =	vlt.f32 v46, v1;
	v1 =	vmin.f32 v1, v46;
	v46 =	vsub.f32 v28, v56  }
0xd1: {  	v51 =	vadd.f32 v51, v52;
	v52 =	vadd.f32 v61, v60;
	v55 =	vmul.f32 v55, v55  }
0xd2: {  	v60 =	vsub.f32 v30, v59;
	v46 =	vmul.f32 v46, v46;
	v61 =	vmul.f32 v62, v62  }
0xd3: {  	v54 =	vsel vm11, v49, v54;
	v62 =	vsub.f32 v31, v56;
	v52 =	vadd.f32 v55, v52  }
0xd4: {  	v46 =	vadd.f32 v61, v46;
	v55 =	vmul.f32 v60, v60;
	v60 =	vsub.f32 v33, v59  }
0xd5: {  	v61 =	vmul.f32 v62, v62;
	v62 =	vmul.f32 v63, v63;
	vm12 =	vlt.f32 v51, v2  }
0xd6: {  	v2 =	vmin.f32 v2, v51;
	v57 =	vsel vm12, v49, v57;
	vm13 =	vlt.f32 v52, v3  }
0xd7: {  	v46 =	vadd.f32 v55, v46;
	v63 =	vadd.f32 v62, v61;
	v60 =	vmul.f32 v60, v60  }
0xd8: {  	v3 =	vmin.f32 v3, v52;
	v62 =	vsub.f32 v34, v56;
	v52 =	vsel vm13, v49, v53  }
0xd9: {  	vm14 =	vlt.f32 v46, v47;
	v46 =	vmin.f32 v47, v46;
	v61 =	vadd.f32 v60, v63  }
0xda: {  	v63 =	vsub.f32 v35, v58;
	v60 =	vsub.f32 v36, v59;
	v51 =	vmul.f32 v62, v62  }
0xdb: {  	v62 =	vsub.f32 v38, v58;
	v58 =	vperm.xlane v43, v8;
	v59 =	vsub.f32 v39, v59  }
0xdc: {  	v50 =	vsel vm14, v49, v50;
	vm15 =	vlt.f32 v61, v5;
	v53 =	vmul.f32 v63, v63  }
0xdd: {  	v5 =	vmin.f32 v5, v61;
	v47 =	vmul.f32 v60, v60;
	v61 =	vsub.f32 v37, v56  }
0xde: {  	v56 =	vmul.f32 v62, v62;
	v51 =	vadd.f32 v53, v51;
	v53 =	vperm.xlane v42, v8  }
0xdf: {  	v60 =	vperm.xlane v41, v8;
	v62 =	vsub.f32 v17, v58;
	v55 =	vmul.f32 v61, v61  }
0xe0: {  	v48 =	vsel vm15, v49, v48;
	v61 =	vsub.f32 v16, v53;
	v47 =	vadd.f32 v47, v51  }
0xe1: {  	v51 =	vadd.f32 v56, v55;
	v55 =	vmul.f32 v59, v59;
	v56 =	vsub.f32 v18, v60  }
0xe2: {  	v59 =	vmul.f32 v61, v61;
	v61 =	vmul.f32 v62, v62;
	vm4 =	vlt.f32 v47, v6  }
0xe3: {  	v6 =	vmin.f32 v6, v47;
	v47 =	vadd.f32 v55, v51;
	v63 =	vmul.f32 v56, v56  }
0xe4: {  	v62 =	vsub.f32 v20, v58;
	v45 =	vsel vm4, v49, v45;
	v51 =	vadd.f32 v61, v59  }
0xe5: {  	vm5 =	vlt.f32 v47, v7;
	v61 =	vsub.f32 v19, v53;
	v7 =	vmin.f32 v7, v47  }
0xe6: {  	v59 =	vor.u32 $0x5, v40;
	v44 =	vsel vm5, v49, v44;
	v49 =	vsub.f32 v21, v60  }
0xe7: {  	v47 =	vadd.f32 v63, v51;
	v51 =	vmul.f32 v61, v61;
	v63 =	vmul.f32 v62, v62  }
0xe8: {  	v61 =	vsub.f32 v22, v53;
	v62 =	vsub.f32 v23, v58;
	v49 =	vmul.f32 v49, v49  }
0xe9: {  	vm6 =	vlt.f32 v47, v0;
	v0 =	vmin.f32 v0, v47;
	v47 =	vadd.f32 v63, v51  }
0xea: {  	v51 =	vsub.f32 v24, v60;
	v55 =	vmul.f32 v61, v61;
	v56 =	vmul.f32 v62, v62  }
0xeb: {  	v61 =	vsub.f32 v25, v53;
	v62 =	vsub.f32 v26, v58;
	v4 =	vsel vm6, v59, v4  }
0xec: {  	v47 =	vadd.f32 v49, v47;
	v49 =	vadd.f32 v56, v55;
	v51 =	vmul.f32 v51, v51  }
0xed: {  	v55 =	vsub.f32 v27, v60;
	v56 =	vmul.f32 v61, v61;
	v61 =	vmul.f32 v62, v62  }
0xee: {  	v62 =	vsub.f32 v29, v58;
	vm7 =	vlt.f32 v47, v1;
	v1 =	vmin.f32 v1, v47  }
0xef: {  	v47 =	vadd.f32 v51, v49;
	v49 =	vadd.f32 v61, v56;
	v63 =	vmul.f32 v55, v55  }
0xf0: {  	v61 =	vsub.f32 v28, v53;
	v55 =	vmul.f32 v62, v62;
	v62 =	vsub.f32 v35, v58  }
0xf1: {  	v54 =	vsel vm7, v59, v54;
	vm8 =	vlt.f32 v47, v2;
	v2 =	vmin.f32 v2, v47  }
0xf2: {  	v47 =	vadd.f32 v63, v49;
	v49 =	vsub.f32 v30, v60;
	v51 =	vmul.f32 v61, v61  }
0xf3: {  	v61 =	vsub.f32 v32, v58;
	v58 =	vsub.f32 v38, v58;
	v56 =	vsel vm8, v59, v57  }
0xf4: {  	v57 =	vsub.f32 v31, v53;
	vm9 =	vlt.f32 v47, v3;
	v51 =	vadd.f32 v55, v51  }
0xf5: {  	v49 =	vmul.f32 v49, v49;
	v55 =	vsub.f32 v33, v60;
	v61 =	vmul.f32 v61, v61  }
0xf6: {  	v3 =	vmin.f32 v3, v47;
	v47 =	vsub.f32 v34, v53;
	v57 =	vmul.f32 v57, v57  }
0xf7: {  	v53 =	vsub.f32 v37, v53;
	v52 =	vsel vm9, v59, v52;
	v49 =	vadd.f32 v49, v51  }
0xf8: {  	v55 =	vmul.f32 v55, v55;
	v47 =	vmul.f32 v47, v47;
	v51 =	vadd.f32 v61, v57  }
0xf9: {  	v57 =	vsub.f32 v36, v60;
	v61 =	vmul.f32 v62, v62;
	v60 =	vsub.f32 v39, v60  }
0xfa: {  	v62 =	vmul.f32 v58, v58;
	vm10 =	vlt.f32 v49, v46;
	v46 =	vmin.f32 v46, v49  }
0xfb: {  	v63 =	vadd.f32 v55, v51;
	v47 =	vadd.f32 v61, v47;
	v57 =	vmul.f32 v57, v57  }
0xfc: {  	v50 =	vsel vm10, v59, v50;
	v61 =	vmul.f32 v53, v53;
	v55 =	vperm.xlane v42, v12  }
0xfd: {  	v49 =	vmul.f32 v60, v60;
	v53 =	vperm.xlane v41, v12;
	vm11 =	vlt.f32 v63, v5  }
0xfe: {  	v5 =	vmin.f32 v5, v63;
	v47 =	vadd.f32 v57, v47;
	v57 =	vperm.xlane v43, v12  }
0xff: {  	v51 =	vadd.f32 v62, v61;
	v58 =	vsub.f32 v16, v55;
	v48 =	vsel vm11, v59, v48  }
0x100: {  	vm12 =	vlt.f32 v47, v6;
	v60 =	vsub.f32 v17, v57;
	v6 =	vmin.f32 v6, v47  }
0x101: {  	v47 =	vadd.f32 v49, v51;
	v49 =	vsub.f32 v18, v53;
	v51 =	vmul.f32 v58, v58  }
0x102: {  	v61 =	vsub.f32 v20, v57;
	v62 =	vsub.f32 v32, v57;
	v45 =	vsel vm12, v59, v45  }
0x103: {  	v58 =	vmul.f32 v60, v60;
	vm13 =	vlt.f32 v47, v7;
	v60 =	vsub.f32 v19, v55  }
0x104: {  	v7 =	vmin.f32 v7, v47;
	v44 =	vsel vm13, v59, v44;
	v59 =	vsub.f32 v22, v55  }
0x105: {  	v49 =	vmul.f32 v49, v49;
	v47 =	vadd.f32 v58, v51;
	v51 =	vsub.f32 v21, v53  }
0x106: {  	v58 =	vmul.f32 v60, v60;
	v60 =	vmul.f32 v61, v61;
	v61 =	vsub.f32 v23, v57  }
0x107: {  	v63 =	vsub.f32 v35, v57;
	v59 =	vmul.f32 v59, v59;
	v47 =	vadd.f32 v49, v47  }
0x108: {  	v49 =	vadd.f32 v60, v58;
	v51 =	vmul.f32 v51, v51;
	v60 =	vmul.f32 v61, v61  }
0x109: {  	v58 =	vsub.f32 v24, v53;
	v61 =	vsub.f32 v29, v57;
	vm14 =	vlt.f32 v47, v0  }
0x10a: {  	v0 =	vmin.f32 v0, v47;
	v49 =	vadd.f32 v51, v49;
	v51 =	vadd.f32 v60, v59  }
0x10b: {  	v58 =	vmul.f32 v58, v58;
	v59 =	vsub.f32 v25, v55;
	v60 =	vsub.f32 v26, v57  }
0x10c: {  	v47 =	vor.u32 $0x6, v40;
	vm15 =	vlt.f32 v49, v1;
	v1 =	vmin.f32 v1, v49  }
0x10d: {  	v49 =	vadd.f32 v58, v51;
	v58 =	vmul.f32 v59, v59;
	v59 =	vmul.f32 v60, v60  }
0x10e: {  	v61 =	vmul.f32 v61, v61;
	v51 =	vsub.f32 v27, v53;
	v60 =	vsub.f32 v28, v55  }
0x10f: {  	v4 =	vsel vm14, v47, v4;
	v54 =	vsel vm15, v47, v54;
	v58 =	vadd.f32 v59, v58  }
0x110: {  	v51 =	vmul.f32 v51, v51;
	v59 =	vsub.f32 v30, v53;
	v60 =	vmul.f32 v60, v60  }
0x111: {  	vm4 =	vlt.f32 v49, v2;
	v2 =	vmin.f32 v2, v49;
	v49 =	vsub.f32 v31, v55  }
0x112: {  	v51 =	vadd.f32 v51, v58;
	v58 =	vadd.f32 v61, v60;
	v59 =	vmul.f32 v59, v59  }
0x113: {  	v60 =	vsub.f32 v33, v53;
	v49 =	vmul.f32 v49, v49;
	v61 =	vmul.f32 v62, v62  }
0x114: {  	v56 =	vsel vm4, v47, v56;
	v62 =	vsub.f32 v34, v55;
	v58 =	vadd.f32 v59, v58  }
0x115: {  	v49 =	vadd.f32 v61, v49;
	v59 =	vmul.f32 v60, v60;
	v60 =	vsub.f32 v36, v53  }
0x116: {  	v61 =	vmul.f32 v62, v62;
	v62 =	vmul.f32 v63, v63;
	vm5 =	vlt.f32 v51, v3  }
0x117: {  	v3 =	vmin.f32 v3, v51;
	v53 =	vsub.f32 v39, v53;
	v52 =	vsel vm5, v47, v52  }
0x118: {  	vm6 =	vlt.f32 v58, v46;
	v49 =	vadd.f32 v59, v49;
	v63 =	vadd.f32 v62, v61  }
0x119: {  	v60 =	vmul.f32 v60, v60;
	v46 =	vmin.f32 v46, v58;
	v61 =	vsub.f32 v37, v55  }
0x11a: {  	v62 =	vsub.f32 v38, v57;
	v57 =	vperm.xlane v42, v13;
	v58 =	vperm.xlane v43, v13  }
0x11b: {  	v59 =	vperm.xlane v41, v13;
	v50 =	vsel vm6, v47, v50;
	vm7 =	vlt.f32 v49, v5  }
0x11c: {  	v5 =	vmin.f32 v5, v49;
	v49 =	vadd.f32 v60, v63;
	v51 =	vmul.f32 v61, v61  }
0x11d: {  	v55 =	vmul.f32 v62, v62;
	v60 =	vsub.f32 v16, v57;
	v61 =	vsub.f32 v17, v58  }
0x11e: {  	v62 =	vsub.f32 v20, v58;
	v48 =	vsel vm7, v47, v48;
	vm8 =	vlt.f32 v49, v6  }
0x11f: {  	v6 =	vmin.f32 v6, v49;
	v49 =	vadd.f32 v55, v51;
	v51 =	vmul.f32 v53, v53  }
0x120: {  	v53 =	vsub.f32 v18, v59;
	v55 =	vmul.f32 v60, v60;
	v60 =	vmul.f32 v61, v61  }
0x121: {  	v61 =	vsub.f32 v19, v57;
	v45 =	vsel vm8, v47, v45;
	v49 =	vadd.f32 v51, v49  }
0x122: {  	v51 =	vadd.f32 v60, v55;
	v53 =	vmul.f32 v53, v53;
	v55 =	vsub.f32 v21, v59  }
0x123: {  	v60 =	vmul.f32 v61, v61;
	v61 =	vmul.f32 v62, v62;
	v62 =	vsub.f32 v23, v58  }
0x124: {  	vm9 =	vlt.f32 v49, v7;
	v7 =	vmin.f32 v7, v49;
	v49 =	vadd.f32 v53, v51  }
0x125: {  	v63 =	vadd.f32 v61, v60;
	v60 =	vmul.f32 v55, v55;
	v61 =	vsub.f32 v22, v57  }
0x126: {  	v51 =	vsub.f32 v24, v59;
	v55 =	vmul.f32 v62, v62;
	v62 =	vsub.f32 v29, v58  }
0x127: {  	v44 =	vsel vm9, v47, v44;
	vm10 =	vlt.f32 v49, v0;
	v0 =	vmin.f32 v0, v49  }
0x128: {  	v49 =	vor.u32 $0x7, v40;
	v47 =	vadd.f32 v60, v63;
	v53 =	vmul.f32 v61, v61  }
0x129: {  	v60 =	vsub.f32 v25, v57;
	v61 =	vsub.f32 v26, v58;
	v51 =	vmul.f32 v51, v51  }
0x12a: {  	v63 =	vsub.f32 v32, v58;
	v4 =	vsel vm10, v49, v4;
	v53 =	vadd.f32 v55, v53  }
0x12b: {  	v55 =	vsub.f32 v27, v59;
	v60 =	vmul.f32 v60, v60;
	v61 =	vmul.f32 v61, v61  }
0x12c: {  	vm11 =	vlt.f32 v47, v1;
	v1 =	vmin.f32 v1, v47;
	v47 =	vsub.f32 v28, v57  }
0x12d: {  	v51 =	vadd.f32 v51, v53;
	v53 =	vadd.f32 v61, v60;
	v55 =	vmul.f32 v55, v55  }
0x12e: {  	v60 =	vsub.f32 v30, v59;
	v47 =	vmul.f32 v47, v47;
	v61 =	vmul.f32 v62, v62  }
0x12f: {  	v54 =	vsel vm11, v49, v54;
	v62 =	vsub.f32 v31, v57;
	v53 =	vadd.f32 v55, v53  }
0x130: {  	v47 =	vadd.f32 v61, v47;
	v55 =	vmul.f32 v60, v60;
	v60 =	vsub.f32 v33, v59  }
0x131: {  	v61 =	vmul.f32 v62, v62;
	v62 =	vmul.f32 v63, v63;
	vm12 =	vlt.f32 v51, v2  }
0x132: {  	v2 =	vmin.f32 v2, v51;
	v56 =	vsel vm12, v49, v56;
	vm13 =	vlt.f32 v53, v3  }
0x133: {  	v47 =	vadd.f32 v55, v47;
	v63 =	vadd.f32 v62, v61;
	v60 =	vmul.f32 v60, v60  }
0x134: {  	v3 =	vmin.f32 v3, v53;
	v62 =	vsub.f32 v34, v57;
	v52 =	vsel vm13, v49, v52  }
0x135: {  	vm14 =	vlt.f32 v47, v46;
	v46 =	vmin.f32 v46, v47;
	v61 =	vadd.f32 v60, v63  }
0x136: {  	v63 =	vsub.f32 v35, v58;
	v60 =	vsub.f32 v36, v59;
	v51 =	vmul.f32 v62, v62  }
0x137: {  	v62 =	vsub.f32 v38, v58;
	v58 =	vperm.xlane v43, v14;
	v59 =	vsub.f32 v39, v59  }
0x138: {  	v50 =	vsel vm14, v49, v50;
	vm15 =	vlt.f32 v61, v5;
	v53 =	vmul.f32 v63, v63  }
0x139: {  	v5 =	vmin.f32 v5, v61;
	v47 =	vmul.f32 v60, v60;
	v61 =	vsub.f32 v37, v57  }
0x13a: {  	v57 =	vmul.f32 v62, v62;
	v51 =	vadd.f32 v53, v51;
	v53 =	vperm.xlane v42, v14  }
0x13b: {  	v60 =	vperm.xlane v41, v14;
	v62 =	vsub.f32 v17, v58;
	v55 =	vmul.f32 v61, v61  }
0x13c: {  	v48 =	vsel vm15, v49, v48;
	v61 =	vsub.f32 v16, v53;
	v47 =	vadd.f32 v47, v51  }
0x13d: {  	v51 =	vadd.f32 v57, v55;
	v55 =	vmul.f32 v59, v59;
	v57 =	vsub.f32 v18, v60  }
0x13e: {  	v59 =	vmul.f32 v61, v61;
	v61 =	vmul.f32 v62, v62;
	vm4 =	vlt.f32 v47, v6  }
0x13f: {  	v6 =	vmin.f32 v6, v47;
	v47 =	vadd.f32 v55, v51;
	v63 =	vmul.f32 v57, v57  }
0x140: {  	v62 =	vsub.f32 v20, v58;
	v45 =	vsel vm4, v49, v45;
	v51 =	vadd.f32 v61, v59  }
0x141: {  	vm5 =	vlt.f32 v47, v7;
	v61 =	vsub.f32 v19, v53;
	v7 =	vmin.f32 v7, v47  }
0x142: {  	v59 =	vor.u32 $0x8, v40;
	v44 =	vsel vm5, v49, v44;
	v49 =	vsub.f32 v21, v60  }
0x143: {  	v47 =	vadd.f32 v63, v51;
	v51 =	vmul.f32 v61, v61;
	v63 =	vmul.f32 v62, v62  }
0x144: {  	v61 =	vsub.f32 v22, v53;
	v62 =	vsub.f32 v23, v58;
	v49 =	vmul.f32 v49, v49  }
0x145: {  	vm6 =	vlt.f32 v47, v0;
	v0 =	vmin.f32 v0, v47;
	v47 =	vadd.f32 v63, v51  }
0x146: {  	v51 =	vsub.f32 v24, v60;
	v55 =	vmul.f32 v61, v61;
	v57 =	vmul.f32 v62, v62  }
0x147: {  	v61 =	vsub.f32 v25, v53;
	v62 =	vsub.f32 v26, v58;
	v4 =	vsel vm6, v59, v4  }
0x148: {  	v47 =	vadd.f32 v49, v47;
	v49 =	vadd.f32 v57, v55;
	v51 =	vmul.f32 v51, v51  }
0x149: {  	v55 =	vsub.f32 v27, v60;
	v57 =	vmul.f32 v61, v61;
	v61 =	vmul.f32 v62, v62  }
0x14a: {  	v62 =	vsub.f32 v29, v58;
	vm7 =	vlt.f32 v47, v1;
	v1 =	vmin.f32 v1, v47  }
0x14b: {  	v47 =	vadd.f32 v51, v49;
	v49 =	vadd.f32 v61, v57;
	v63 =	vmul.f32 v55, v55  }
0x14c: {  	v61 =	vsub.f32 v28, v53;
	v55 =	vmul.f32 v62, v62;
	v57 =	vsub.f32 v31, v53  }
0x14d: {  	v62 =	vsub.f32 v35, v58;
	v54 =	vsel vm7, v59, v54;
	vm8 =	vlt.f32 v47, v2  }
0x14e: {  	v2 =	vmin.f32 v2, v47;
	v47 =	vadd.f32 v63, v49;
	v49 =	vsub.f32 v30, v60  }
0x14f: {  	v51 =	vmul.f32 v61, v61;
	v61 =	vsub.f32 v32, v58;
	v57 =	vmul.f32 v57, v57  }
0x150: {  	v58 =	vsub.f32 v38, v58;
	v56 =	vsel vm8, v59, v56;
	vm9 =	vlt.f32 v47, v3  }
0x151: {  	v51 =	vadd.f32 v55, v51;
	v49 =	vmul.f32 v49, v49;
	v55 =	vsub.f32 v33, v60  }
0x152: {  	v61 =	vmul.f32 v61, v61;
	v3 =	vmin.f32 v3, v47;
	v47 =	vsub.f32 v34, v53  }
0x153: {  	v53 =	vsub.f32 v37, v53;
	v52 =	vsel vm9, v59, v52;
	v49 =	vadd.f32 v49, v51  }
0x154: {  	v51 =	vadd.f32 v61, v57;
	v55 =	vmul.f32 v55, v55;
	v57 =	vsub.f32 v36, v60  }
0x155: {  	v47 =	vmul.f32 v47, v47;
	v61 =	vmul.f32 v62, v62;
	v60 =	vsub.f32 v39, v60  }
0x156: {  	v62 =	vmul.f32 v58, v58;
	vm10 =	vlt.f32 v49, v46;
	v63 =	vadd.f32 v55, v51  }
0x157: {  	v47 =	vadd.f32 v61, v47;
	v57 =	vmul.f32 v57, v57;
	v61 =	vmul.f32 v53, v53  }
0x158: {  	v46 =	vmin.f32 v46, v49;
	v55 =	vperm.xlane v42, v15;
	v49 =	vmul.f32 v60, v60  }
0x159: {  	v53 =	vperm.xlane v41, v15;
	v50 =	vsel vm10, v59, v50;
	vm11 =	vlt.f32 v63, v5  }
0x15a: {  	v5 =	vmin.f32 v5, v63;
	v47 =	vadd.f32 v57, v47;
	v57 =	vperm.xlane v43, v15  }
0x15b: {  	v51 =	vadd.f32 v62, v61;
	v58 =	vsub.f32 v16, v55;
	v48 =	vsel vm11, v59, v48  }
0x15c: {  	vm12 =	vlt.f32 v47, v6;
	v60 =	vsub.f32 v17, v57;
	v6 =	vmin.f32 v6, v47  }
0x15d: {  	v47 =	vadd.f32 v49, v51;
	v49 =	vsub.f32 v18, v53;
	v51 =	vmul.f32 v58, v58  }
0x15e: {  	v61 =	vsub.f32 v20, v57;
	v62 =	vsub.f32 v32, v57;
	v45 =	vsel vm12, v59, v45  }
0x15f: {  	v58 =	vmul.f32 v60, v60;
	vm13 =	vlt.f32 v47, v7;
	v60 =	vsub.f32 v19, v55  }
0x160: {  	v7 =	vmin.f32 v7, v47;
	v44 =	vsel vm13, v59, v44;
	v59 =	vsub.f32 v22, v55  }
0x161: {  	v49 =	vmul.f32 v49, v49;
	v47 =	vadd.f32 v58, v51;
	v51 =	vsub.f32 v21, v53  }
0x162: {  	v58 =	vmul.f32 v60, v60;
	v60 =	vmul.f32 v61, v61;
	v61 =	vsub.f32 v23, v57  }
0x163: {  	v63 =	vsub.f32 v35, v57;
	v59 =	vmul.f32 v59, v59;
	v47 =	vadd.f32 v49, v47  }
0x164: {  	v49 =	vadd.f32 v60, v58;
	v51 =	vmul.f32 v51, v51;
	v60 =	vmul.f32 v61, v61  }
0x165: {  	v58 =	vsub.f32 v24, v53;
	v61 =	vsub.f32 v29, v57  }
0x166: {  	vm14 =	vlt.f32 v47, v0;
	v49 =	vadd.f32 v51, v49;
	v51 =	vadd.f32 v60, v59  }
0x167: {  	v58 =	vmul.f32 v58, v58;
	v59 =	vsub.f32 v25, v55;
	v60 =	vsub.f32 v26, v57  }
0x168: {  	v0 =	vmin.f32 v0, v47;
	vm15 =	vlt.f32 v49, v1;
	v1 =	vmin.f32 v1, v49  }
0x169: {  	v49 =	vadd.f32 v58, v51;
	v58 =	vmul.f32 v59, v59;
	v59 =	vmul.f32 v60, v60  }
0x16a: {  	v47 =	vor.u32 $0x9, v40;
	v51 =	vsub.f32 v27, v53;
	v60 =	vsub.f32 v28, v55  }
0x16b: {  	v61 =	vmul.f32 v61, v61;
	v4 =	vsel vm14, v47, v4;
	v58 =	vadd.f32 v59, v58  }
0x16c: {  	v51 =	vmul.f32 v51, v51;
	v59 =	vsub.f32 v30, v53;
	v60 =	vmul.f32 v60, v60  }
0x16d: {  	vm4 =	vlt.f32 v49, v2;
	v2 =	vmin.f32 v2, v49;
	v49 =	vsub.f32 v31, v55  }
0x16e: {  	v51 =	vadd.f32 v51, v58;
	v58 =	vadd.f32 v61, v60;
	v59 =	vmul.f32 v59, v59  }
0x16f: {  	v60 =	vsub.f32 v33, v53;
	v49 =	vmul.f32 v49, v49;
	v61 =	vmul.f32 v62, v62  }
0x170: {  	v54 =	vsel vm15, v47, v54;
	v56 =	vsel vm4, v47, v56;
	v62 =	vsub.f32 v34, v55  }
0x171: {  	v58 =	vadd.f32 v59, v58;
	v49 =	vadd.f32 v61, v49;
	v59 =	vmul.f32 v60, v60  }
0x172: {  	v60 =	vsub.f32 v36, v53;
	v61 =	vmul.f32 v62, v62;
	v62 =	vmul.f32 v63, v63  }
0x173: {  	vm5 =	vlt.f32 v51, v3;
	v3 =	vmin.f32 v3, v51;
	v53 =	vsub.f32 v39, v53  }
0x174: {  	v52 =	vsel vm5, v47, v52;
	vm6 =	vlt.f32 v58, v46;
	v49 =	vadd.f32 v59, v49  }
0x175: {  	v63 =	vadd.f32 v62, v61;
	v60 =	vmul.f32 v60, v60;
	v46 =	vmin.f32 v46, v58  }
0x176: {  	v61 =	vsub.f32 v37, v55;
	v62 =	vsub.f32 v38, v57;
	v57 =	vperm.xlane v42, v9  }
0x177: {  	v58 =	vperm.xlane v43, v9;
	v59 =	vperm.xlane v41, v9;
	v50 =	vsel vm6, v47, v50  }
0x178: {  	vm7 =	vlt.f32 v49, v5;
	v5 =	vmin.f32 v5, v49;
	v49 =	vadd.f32 v60, v63  }
0x179: {  	v51 =	vmul.f32 v61, v61;
	v55 =	vmul.f32 v62, v62;
	v60 =	vsub.f32 v16, v57  }
0x17a: {  	v61 =	vsub.f32 v17, v58;
	v62 =	vsub.f32 v20, v58;
	vm8 =	vlt.f32 v49, v6  }
0x17b: {  	v6 =	vmin.f32 v6, v49;
	v49 =	vadd.f32 v55, v51;
	v51 =	vmul.f32 v53, v53  }
0x17c: {  	v53 =	vsub.f32 v18, v59;
	v55 =	vmul.f32 v60, v60;
	v60 =	vmul.f32 v61, v61  }
0x17d: {  	v48 =	vsel vm7, v47, v48;
	v61 =	vsub.f32 v19, v57;
	v45 =	vsel vm8, v47, v45  }
0x17e: {  	v49 =	vadd.f32 v51, v49;
	v51 =	vadd.f32 v60, v55;
	v53 =	vmul.f32 v53, v53  }
0x17f: {  	v55 =	vsub.f32 v21, v59;
	v60 =	vmul.f32 v61, v61;
	v61 =	vmul.f32 v62, v62  }
0x180: {  	v62 =	vsub.f32 v23, v58;
	vm9 =	vlt.f32 v49, v7;
	v7 =	vmin.f32 v7, v49  }
0x181: {  	v49 =	vadd.f32 v53, v51;
	v63 =	vadd.f32 v61, v60;
	v60 =	vmul.f32 v55, v55  }
0x182: {  	v61 =	vsub.f32 v22, v57;
	v51 =	vsub.f32 v24, v59;
	v55 =	vmul.f32 v62, v62  }
0x183: {  	v62 =	vsub.f32 v29, v58;
	v44 =	vsel vm9, v47, v44;
	vm10 =	vlt.f32 v49, v0  }
0x184: {  	v0 =	vmin.f32 v0, v49;
	v47 =	vadd.f32 v60, v63;
	v53 =	vmul.f32 v61, v61  }
0x185: {  	v49 =	vor.u32 $0xA, v40;
	v60 =	vsub.f32 v25, v57;
	v61 =	vsub.f32 v26, v58  }
0x186: {  	v51 =	vmul.f32 v51, v51;
	v63 =	vsub.f32 v32, v58;
	v53 =	vadd.f32 v55, v53  }
0x187: {  	v55 =	vsub.f32 v27, v59;
	v60 =	vmul.f32 v60, v60;
	v61 =	vmul.f32 v61, v61  }
0x188: {  	vm11 =	vlt.f32 v47, v1;
	v1 =	vmin.f32 v1, v47;
	v47 =	vsub.f32 v28, v57  }
0x189: {  	v51 =	vadd.f32 v51, v53;
	v53 =	vadd.f32 v61, v60;
	v55 =	vmul.f32 v55, v55  }
0x18a: {  	v60 =	vsub.f32 v30, v59;
	v47 =	vmul.f32 v47, v47;
	v61 =	vmul.f32 v62, v62  }
0x18b: {  	v4 =	vsel vm10, v49, v4;
	v62 =	vsub.f32 v31, v57;
	v53 =	vadd.f32 v55, v53  }
0x18c: {  	v47 =	vadd.f32 v61, v47;
	v55 =	vmul.f32 v60, v60;
	v60 =	vsub.f32 v33, v59  }
0x18d: {  	v61 =	vmul.f32 v62, v62;
	v62 =	vmul.f32 v63, v63;
	vm12 =	vlt.f32 v51, v2  }
0x18e: {  	v54 =	vsel vm11, v49, v54;
	v2 =	vmin.f32 v2, v51;
	v56 =	vsel vm12, v49, v56  }
0x18f: {  	v47 =	vadd.f32 v55, v47;
	v63 =	vadd.f32 v62, v61;
	v60 =	vmul.f32 v60, v60  }
0x190: {  	vm13 =	vlt.f32 v53, v3;
	v3 =	vmin.f32 v3, v53;
	v62 =	vsub.f32 v34, v57  }
0x191: {  	v52 =	vsel vm13, v49, v52;
	vm14 =	vlt.f32 v47, v46;
	v61 =	vadd.f32 v60, v63  }
0x192: {  	v46 =	vmin.f32 v46, v47;
	v63 =	vsub.f32 v35, v58;
	v60 =	vsub.f32 v36, v59  }
0x193: {  	v51 =	vmul.f32 v62, v62;
	v62 =	vsub.f32 v38, v58;
	v58 =	vperm.xlane v43, v10  }
0x194: {  	v59 =	vsub.f32 v39, v59;
	vm15 =	vlt.f32 v61, v5;
	v53 =	vmul.f32 v63, v63  }
0x195: {  	v5 =	vmin.f32 v5, v61;
	v47 =	vmul.f32 v60, v60;
	v61 =	vsub.f32 v37, v57  }
0x196: {  	v60 =	vperm.xlane v41, v10;
	v51 =	vadd.f32 v53, v51;
	v53 =	vperm.xlane v42, v10  }
0x197: {  	v57 =	vmul.f32 v62, v62;
	v62 =	vsub.f32 v17, v58;
	v55 =	vmul.f32 v61, v61  }
0x198: {  	v50 =	vsel vm14, v49, v50;
	v8 =	vsub.f32 v33, v60;
	v61 =	vsub.f32 v16, v53  }
0x199: {  	v48 =	vsel vm15, v49, v48;
	v47 =	vadd.f32 v47, v51;
	v51 =	vadd.f32 v57, v55  }
0x19a: {  	v55 =	vmul.f32 v59, v59;
	v57 =	vsub.f32 v18, v60;
	v8 =	vmul.f32 v8, v8  }
0x19b: {  	v59 =	vmul.f32 v61, v61;
	v61 =	vmul.f32 v62, v62;
	vm4 =	vlt.f32 v47, v6  }
0x19c: {  	v6 =	vmin.f32 v6, v47;
	v47 =	vadd.f32 v55, v51;
	v63 =	vmul.f32 v57, v57  }
0x19d: {  	v62 =	vsub.f32 v20, v58;
	v45 =	vsel vm4, v49, v45;
	v51 =	vadd.f32 v61, v59  }
0x19e: {  	vm5 =	vlt.f32 v47, v7;
	v61 =	vsub.f32 v19, v53;
	v7 =	vmin.f32 v7, v47  }
0x19f: {  	v59 =	vor.u32 $0xB, v40;
	v44 =	vsel vm5, v49, v44;
	v49 =	vsub.f32 v21, v60  }
0x1a0: {  	v47 =	vadd.f32 v63, v51;
	v51 =	vmul.f32 v61, v61;
	v63 =	vmul.f32 v62, v62  }
0x1a1: {  	v61 =	vsub.f32 v22, v53;
	v62 =	vsub.f32 v23, v58;
	v49 =	vmul.f32 v49, v49  }
0x1a2: {  	vm6 =	vlt.f32 v47, v0;
	v0 =	vmin.f32 v0, v47;
	v47 =	vadd.f32 v63, v51  }
0x1a3: {  	v51 =	vsub.f32 v24, v60;
	v55 =	vmul.f32 v61, v61;
	v57 =	vmul.f32 v62, v62  }
0x1a4: {  	v61 =	vsub.f32 v25, v53;
	v62 =	vsub.f32 v26, v58;
	v4 =	vsel vm6, v59, v4  }
0x1a5: {  	v47 =	vadd.f32 v49, v47;
	v49 =	vadd.f32 v57, v55;
	v51 =	vmul.f32 v51, v51  }
0x1a6: {  	v63 =	vmul.f32 v61, v61;
	v61 =	vmul.f32 v62, v62;
	v62 =	vsub.f32 v27, v60  }
0x1a7: {  	v55 =	vsub.f32 v28, v53;
	v57 =	vsub.f32 v29, v58;
	vm7 =	vlt.f32 v47, v1  }
0x1a8: {  	v1 =	vmin.f32 v1, v47;
	v47 =	vadd.f32 v51, v49;
	v51 =	vmul.f32 v62, v62  }
0x1a9: {  	v62 =	vsub.f32 v32, v58;
	v55 =	vmul.f32 v55, v55;
	v57 =	vmul.f32 v57, v57  }
0x1aa: {  	v49 =	vsel vm7, v59, v54;
	v54 =	vadd.f32 v61, v63;
	v61 =	vsub.f32 v31, v53  }
0x1ab: {  	v63 =	vsub.f32 v30, v60;
	vm8 =	vlt.f32 v47, v2;
	v62 =	vmul.f32 v62, v62  }
0x1ac: {  	v2 =	vmin.f32 v2, v47;
	v61 =	vmul.f32 v61, v61;
	v51 =	vadd.f32 v51, v54  }
0x1ad: {  	v54 =	vadd.f32 v57, v55;
	v63 =	vmul.f32 v63, v63;
	v56 =	vsel vm8, v59, v56  }
0x1ae: {  	v57 =	vsub.f32 v36, v60;
	v61 =	vadd.f32 v62, v61;
	vm9 =	vlt.f32 v51, v3  }
0x1af: {  	v54 =	vadd.f32 v63, v54;
	v3 =	vmin.f32 v3, v51;
	v62 =	vsub.f32 v34, v53  }
0x1b0: {  	v63 =	vsub.f32 v35, v58;
	v53 =	vsub.f32 v37, v53;
	v51 =	vsel vm9, v59, v52  }
0x1b1: {  	v8 =	vadd.f32 v8, v61;
	vm10 =	vlt.f32 v54, v46;
	v47 =	vmul.f32 v62, v62  }
0x1b2: {  	v46 =	vmin.f32 v46, v54;
	v52 =	vmul.f32 v63, v63;
	v54 =	vmul.f32 v57, v57  }
0x1b3: {  	v61 =	vsub.f32 v38, v58;
	v57 =	vperm.xlane v43, v11;
	v58 =	vsub.f32 v39, v60  }
0x1b4: {  	v53 =	vmul.f32 v53, v53;
	v47 =	vadd.f32 v52, v47;
	v52 =	vperm.xlane v42, v11  }
0x1b5: {  	v60 =	vperm.xlane v41, v11;
	v50 =	vsel vm10, v59, v50;
	v55 =	vmul.f32 v61, v61  }
0x1b6: {  	vm11 =	vlt.f32 v8, v5;
	v62 =	vsub.f32 v17, v57;
	v61 =	vsub.f32 v16, v52  }
0x1b7: {  	v47 =	vadd.f32 v54, v47;
	v53 =	vadd.f32 v55, v53;
	v54 =	vmul.f32 v58, v58  }
0x1b8: {  	v5 =	vmin.f32 v5, v8;
	v8 =	vsel vm11, v59, v48;
	v55 =	vsub.f32 v18, v60  }
0x1b9: {  	v58 =	vmul.f32 v61, v61;
	v61 =	vmul.f32 v62, v62;
	v48 =	vadd.f32 v54, v53  }
0x1ba: {  	vm12 =	vlt.f32 v47, v6;
	v63 =	vmul.f32 v55, v55;
	v6 =	vmin.f32 v6, v47  }
0x1bb: {  	v54 =	vsub.f32 v21, v60;
	v55 =	vsub.f32 v22, v52;
	v45 =	vsel vm12, v59, v45  }
0x1bc: {  	v62 =	vadd.f32 v61, v58;
	vm13 =	vlt.f32 v48, v7;
	v58 =	vsub.f32 v19, v52  }
0x1bd: {  	v7 =	vmin.f32 v7, v48;
	v61 =	vsub.f32 v20, v57;
	v55 =	vmul.f32 v55, v55  }
0x1be: {  	v44 =	vsel vm13, v59, v44;
	v59 =	vsub.f32 v25, v52;
	v48 =	vmul.f32 v58, v58  }
0x1bf: {  	v58 =	vsub.f32 v23, v57;
	v53 =	vmul.f32 v61, v61;
	v61 =	vsub.f32 v26, v57  }
0x1c0: {  	v47 =	vadd.f32 v63, v62;
	v62 =	vsub.f32 v24, v60;
	v59 =	vmul.f32 v59, v59  }
0x1c1: {  	v63 =	vsub.f32 v27, v60;
	v58 =	vmul.f32 v58, v58;
	v61 =	vmul.f32 v61, v61  }
0x1c2: {  	v48 =	vadd.f32 v53, v48;
	v53 =	vmul.f32 v54, v54;
	vm14 =	vlt.f32 v47, v0  }
0x1c3: {  	v0 =	vmin.f32 v0, v47;
	v47 =	vsub.f32 v31, v52;
	v54 =	vadd.f32 v58, v55  }
0x1c4: {  	v55 =	vmul.f32 v62, v62;
	v58 =	vadd.f32 v61, v59;
	v59 =	vmul.f32 v63, v63  }
0x1c5: {  	v63 =	vimm.s32 $0xD;
	v62 =	vadd.f32 v53, v48;
	v48 =	vor.u32 $0xC, v40  }
0x1c6: {  	v61 =	vsub.f32 v30, v60;
	v47 =	vmul.f32 v47, v47;
	v4 =	vsel vm14, v48, v4  }
0x1c7: {  	v53 =	vadd.f32 v55, v54;
	v54 =	vadd.f32 v59, v58;
	vm15 =	vlt.f32 v62, v1  }
0x1c8: {  	v55 =	vsub.f32 v28, v52;
	v58 =	vsub.f32 v29, v57;
	v1 =	vmin.f32 v1, v62  }
0x1c9: {  	v59 =	vsub.f32 v32, v57;
	v62 =	vsub.f32 v33, v60;
	v61 =	vmul.f32 v61, v61  }
0x1ca: {  	v49 =	vsel vm15, v48, v49;
	v55 =	vmul.f32 v55, v55;
	v58 =	vmul.f32 v58, v58  }
0x1cb: {  	v59 =	vmul.f32 v59, v59;
	v62 =	vmul.f32 v62, v62;
	vm4 =	vlt.f32 v53, v2  }
0x1cc: {  	v2 =	vmin.f32 v2, v53;
	vm5 =	vlt.f32 v54, v3;
	v55 =	vadd.f32 v58, v55  }
0x1cd: {  	v3 =	vmin.f32 v3, v54;
	v47 =	vadd.f32 v59, v47;
	v59 =	vsub.f32 v34, v52  }
0x1ce: {  	v51 =	vsel vm5, v48, v51;
	v52 =	vsub.f32 v37, v52;
	v58 =	vadd.f32 v61, v55  }
0x1cf: {  	v55 =	vsel vm4, v48, v56;
	v47 =	vadd.f32 v62, v47;
	v61 =	vsub.f32 v35, v57  }
0x1d0: {  	v62 =	vsub.f32 v36, v60;
	v54 =	vmul.f32 v59, v59;
	v56 =	vperm.xlane v42, v63  }
0x1d1: {  	v57 =	vsub.f32 v38, v57;
	v52 =	vmul.f32 v52, v52;
	v60 =	vsub.f32 v39, v60  }
0x1d2: {  	vm6 =	vlt.f32 v58, v46;
	v46 =	vmin.f32 v46, v58;
	vm2 =	vlt.f32 v47, v5  }
0x1d3: {  	v5 =	vmin.f32 v5, v47;
	v58 =	vperm.xlane v43, v63;
	v47 =	vmul.f32 v61, v61  }
0x1d4: {  	v53 =	vmul.f32 v62, v62;
	v59 =	vsub.f32 v16, v56;
	v62 =	vimm.s32 $0xE  }
0x1d5: {  	v50 =	vsel vm6, v48, v50;
	v61 =	vsub.f32 v17, v58;
	v47 =	vadd.f32 v47, v54  }
0x1d6: {  	v8 =	vsel vm2, v48, v8;
	v54 =	vmul.f32 v57, v57;
	v57 =	vperm.xlane v41, v63  }
0x1d7: {  	v59 =	vmul.f32 v59, v59;
	v61 =	vmul.f32 v61, v61;
	v47 =	vadd.f32 v53, v47  }
0x1d8: {  	v53 =	vsub.f32 v18, v57;
	v52 =	vadd.f32 v54, v52;
	v54 =	vmul.f32 v60, v60  }
0x1d9: {  	v63 =	vimm.s32 $0xF;
	v60 =	vsub.f32 v19, v56;
	v59 =	vadd.f32 v61, v59  }
0x1da: {  	v53 =	vmul.f32 v53, v53;
	v61 =	vsub.f32 v20, v58;
	v52 =	vadd.f32 v54, v52  }
0x1db: {  	v54 =	vmul.f32 v60, v60;
	vm7 =	vlt.f32 v47, v6;
	v60 =	vsub.f32 v22, v56  }
0x1dc: {  	v6 =	vmin.f32 v6, v47;
	v47 =	vsub.f32 v21, v57;
	v45 =	vsel vm7, v48, v45  }
0x1dd: {  	v53 =	vadd.f32 v53, v59;
	v59 =	vmul.f32 v61, v61;
	v61 =	vsub.f32 v23, v58  }
0x1de: {  	v60 =	vmul.f32 v60, v60;
	vm8 =	vlt.f32 v52, v7;
	v47 =	vmul.f32 v47, v47  }
0x1df: {  	v7 =	vmin.f32 v7, v52;
	v44 =	vsel vm8, v48, v44;
	v48 =	vor.u32 $0xD, v40  }
0x1e0: {  	v54 =	vadd.f32 v59, v54;
	v59 =	vsub.f32 v24, v57;
	v61 =	vmul.f32 v61, v61  }
0x1e1: {  	vm9 =	vlt.f32 v53, v0;
	v0 =	vmin.f32 v0, v53;
	v53 =	vsub.f32 v25, v56  }
0x1e2: {  	v61 =	vadd.f32 v61, v60;
	v59 =	vmul.f32 v59, v59;
	v47 =	vadd.f32 v47, v54  }
0x1e3: {  	v4 =	vsel vm9, v48, v4;
	v54 =	vsub.f32 v26, v58;
	v53 =	vmul.f32 v53, v53  }
0x1e4: {  	v52 =	vadd.f32 v59, v61;
	vm10 =	vlt.f32 v47, v1;
	v1 =	vmin.f32 v1, v47  }
0x1e5: {  	v47 =	vsub.f32 v28, v56;
	v59 =	vsub.f32 v29, v58;
	v54 =	vmul.f32 v54, v54  }
0x1e6: {  	v60 =	vsub.f32 v27, v57;
	v61 =	vsub.f32 v30, v57;
	v49 =	vsel vm10, v48, v49  }
0x1e7: {  	v47 =	vmul.f32 v47, v47;
	v59 =	vmul.f32 v59, v59;
	v53 =	vadd.f32 v54, v53  }
0x1e8: {  	v54 =	vmul.f32 v60, v60;
	vm11 =	vlt.f32 v52, v2;
	v60 =	vsub.f32 v31, v56  }
0x1e9: {  	v2 =	vmin.f32 v2, v52;
	v55 =	vsel vm11, v48, v55;
	v47 =	vadd.f32 v59, v47  }
0x1ea: {  	v59 =	vmul.f32 v61, v61;
	v61 =	vsub.f32 v32, v58;
	v52 =	vadd.f32 v54, v53  }
0x1eb: {  	v53 =	vsub.f32 v33, v57;
	v54 =	vmul.f32 v60, v60;
	v60 =	vsub.f32 v34, v56  }
0x1ec: {  	v47 =	vadd.f32 v59, v47;
	v59 =	vmul.f32 v61, v61;
	v61 =	vsub.f32 v35, v58  }
0x1ed: {  	vm12 =	vlt.f32 v52, v3;
	v53 =	vmul.f32 v53, v53;
	v60 =	vmul.f32 v60, v60  }
0x1ee: {  	v3 =	vmin.f32 v3, v52;
	v51 =	vsel vm12, v48, v51;
	v54 =	vadd.f32 v59, v54  }
0x1ef: {  	v59 =	vsub.f32 v36, v57;
	v61 =	vmul.f32 v61, v61;
	vm13 =	vlt.f32 v47, v46  }
0x1f0: {  	v47 =	vmin.f32 v46, v47;
	v57 =	vsub.f32 v39, v57;
	v52 =	vadd.f32 v53, v54  }
0x1f1: {  	v53 =	vadd.f32 v61, v60;
	v60 =	vmul.f32 v59, v59;
	v61 =	vsub.f32 v37, v56  }
0x1f2: {  	v59 =	vsub.f32 v38, v58;
	v56 =	vperm.xlane v43, v62;
	v58 =	vperm.xlane v41, v62  }
0x1f3: {  	v50 =	vsel vm13, v48, v50;
	v43 =	vperm.xlane v43, v63;
	v41 =	vperm.xlane v41, v63  }
0x1f4: {  	vm14 =	vlt.f32 v52, v5;
	v53 =	vadd.f32 v60, v53;
	v46 =	vmul.f32 v61, v61  }
0x1f5: {  	v5 =	vmin.f32 v5, v52;
	v52 =	vperm.xlane v42, v62;
	v54 =	vmul.f32 v59, v59  }
0x1f6: {  	v61 =	vsub.f32 v17, v56;
	v62 =	vsub.f32 v21, v58;
	v42 =	vperm.xlane v42, v63  }
0x1f7: {  	vm15 =	vlt.f32 v53, v6;
	v60 =	vsub.f32 v16, v52;
	v6 =	vmin.f32 v6, v53  }
0x1f8: {  	v46 =	vadd.f32 v54, v46;
	v54 =	vmul.f32 v57, v57;
	v57 =	vsub.f32 v18, v58  }
0x1f9: {  	v53 =	vmul.f32 v61, v61;
	v61 =	vsub.f32 v20, v56;
	v59 =	vmul.f32 v60, v60  }
0x1fa: {  	v8 =	vsel vm14, v48, v8;
	v63 =	vsub.f32 v22, v42;
	v60 =	vsub.f32 v19, v52  }
0x1fb: {  	v46 =	vadd.f32 v54, v46;
	v54 =	vmul.f32 v57, v57;
	v53 =	vadd.f32 v53, v59  }
0x1fc: {  	v57 =	vmul.f32 v60, v60;
	v59 =	vmul.f32 v61, v61;
	v60 =	vsel vm15, v48, v45  }
0x1fd: {  	vm4 =	vlt.f32 v46, v7;
	v45 =	vmul.f32 v62, v62;
	v62 =	vsub.f32 v23, v56  }
0x1fe: {  	v7 =	vmin.f32 v7, v46;
	v46 =	vadd.f32 v54, v53;
	v53 =	vadd.f32 v59, v57  }
0x1ff: {  	v61 =	vsub.f32 v22, v52;
	v44 =	vsel vm4, v48, v44;
	v48 =	vmul.f32 v62, v62  }
0x200: {  	v62 =	vsub.f32 v26, v56;
	vm5 =	vlt.f32 v46, v0;
	v45 =	vadd.f32 v45, v53  }
0x201: {  	v0 =	vmin.f32 v0, v46;
	v46 =	vmul.f32 v61, v61;
	v61 =	vsub.f32 v25, v52  }
0x202: {  	v59 =	vsub.f32 v24, v58;
	v57 =	vmul.f32 v62, v62;
	vm6 =	vlt.f32 v45, v1  }
0x203: {  	v46 =	vadd.f32 v48, v46;
	v48 =	vsub.f32 v27, v58;
	v54 =	vmul.f32 v61, v61  }
0x204: {  	v1 =	vmin.f32 v1, v45;
	v45 =	vsub.f32 v28, v52;
	v61 =	vsub.f32 v29, v56  }
0x205: {  	v53 =	vor.u32 $0xE, v40;
	v59 =	vmul.f32 v59, v59;
	v48 =	vmul.f32 v48, v48  }
0x206: {  	v54 =	vadd.f32 v57, v54;
	v62 =	vmul.f32 v45, v45;
	v61 =	vmul.f32 v61, v61  }
0x207: {  	v57 =	vsub.f32 v30, v58;
	v59 =	vadd.f32 v59, v46;
	v45 =	vsel vm5, v53, v4  }
0x208: {  	v46 =	vsel vm6, v53, v49;
	v4 =	vadd.f32 v48, v54;
	v48 =	vadd.f32 v61, v62  }
0x209: {  	v49 =	vmul.f32 v57, v57;
	vm7 =	vlt.f32 v59, v2;
	v61 =	vsub.f32 v31, v52  }
0x20a: {  	v62 =	vsub.f32 v32, v56;
	v2 =	vmin.f32 v2, v59;
	v59 =	vsub.f32 v35, v56  }
0x20b: {  	vm8 =	vlt.f32 v4, v3;
	v48 =	vadd.f32 v49, v48;
	v49 =	vsub.f32 v33, v58  }
0x20c: {  	v54 =	vmul.f32 v61, v61;
	v57 =	vmul.f32 v62, v62;
	v3 =	vmin.f32 v3, v4  }
0x20d: {  	v4 =	vsub.f32 v34, v52;
	v61 =	vsel vm7, v53, v55;
	v55 =	vsub.f32 v36, v58  }
0x20e: {  	v62 =	vsel vm8, v53, v51;
	v51 =	vsub.f32 v37, v52;
	v49 =	vmul.f32 v49, v49  }
0x20f: {  	v54 =	vadd.f32 v57, v54;
	v4 =	vmul.f32 v4, v4;
	v57 =	vmul.f32 v59, v59  }
0x210: {  	vm9 =	vlt.f32 v48, v47;
	v47 =	vmin.f32 v47, v48;
	v59 =	vmul.f32 v55, v55  }
0x211: {  	v50 =	vsel vm9, v53, v50;
	v48 =	vadd.f32 v49, v54;
	v4 =	vadd.f32 v57, v4  }
0x212: {  	v57 =	vsub.f32 v38, v56;
	v54 =	vmul.f32 v51, v51;
	v56 =	vsub.f32 v16, v42  }
0x213: {  	vm10 =	vlt.f32 v48, v5;
	v5 =	vmin.f32 v5, v48;
	v4 =	vadd.f32 v59, v4  }
0x214: {  	v59 =	vsub.f32 v39, v58;
	v55 =	vmul.f32 v57, v57;
	v57 =	vsub.f32 v17, v43  }
0x215: {  	v58 =	vsub.f32 v18, v41;
	v51 =	vmul.f32 v56, v56;
	v56 =	vsub.f32 v26, v43  }
0x216: {  	vm11 =	vlt.f32 v4, v6;
	v49 =	vadd.f32 v55, v54;
	v48 =	vmul.f32 v59, v59  }
0x217: {  	v4 =	vmin.f32 v6, v4;
	v52 =	vmul.f32 v57, v57;
	v59 =	vsub.f32 v19, v42  }
0x218: {  	v57 =	vsub.f32 v38, v43;
	v6 =	vsel vm11, v53, v60;
	v60 =	vsub.f32 v20, v43  }
0x219: {  	v8 =	vsel vm10, v53, v8;
	v48 =	vadd.f32 v48, v49;
	v51 =	vadd.f32 v52, v51  }
0x21a: {  	v49 =	vmul.f32 v58, v58;
	v52 =	vsub.f32 v21, v41;
	v54 =	vmul.f32 v59, v59  }
0x21b: {  	v59 =	vsub.f32 v34, v42;
	v58 =	vsub.f32 v36, v41;
	v55 =	vmul.f32 v60, v60  }
0x21c: {  	v60 =	vsub.f32 v23, v43;
	vm12 =	vlt.f32 v48, v7;
	v7 =	vmin.f32 v7, v48  }
0x21d: {  	v48 =	vadd.f32 v49, v51;
	v52 =	vmul.f32 v52, v52;
	v59 =	vmul.f32 v59, v59  }
0x21e: {  	v51 =	vadd.f32 v55, v54;
	v54 =	vmul.f32 v63, v63;
	v49 =	vmul.f32 v60, v60  }
0x21f: {  	v55 =	vsub.f32 v25, v42;
	v60 =	vsel vm12, v53, v44;
	v63 =	vsub.f32 v29, v43  }
0x220: {  	v53 =	vmul.f32 v56, v56;
	v56 =	vsub.f32 v31, v42;
	v44 =	vadd.f32 v52, v51  }
0x221: {  	v49 =	vadd.f32 v49, v54;
	v52 =	vmul.f32 v55, v55;
	v54 =	vsub.f32 v28, v42  }
0x222: {  	vm13 =	vlt.f32 v48, v0;
	v51 =	vsub.f32 v24, v41;
	v55 =	vmin.f32 v0, v48  }
0x223: {  	v0 =	vsub.f32 v27, v41;
	v48 =	vadd.f32 v53, v52;
	v53 =	vmul.f32 v54, v54  }
0x224: {  	v52 =	vsub.f32 v30, v41;
	v54 =	vmul.f32 v63, v63;
	v51 =	vmul.f32 v51, v51  }
0x225: {  	v63 =	vsub.f32 v32, v43;
	v0 =	vmul.f32 v0, v0;
	vm14 =	vlt.f32 v44, v1  }
0x226: {  	v53 =	vadd.f32 v54, v53;
	v52 =	vmul.f32 v52, v52;
	v49 =	vadd.f32 v51, v49  }
0x227: {  	v51 =	vmul.f32 v56, v56;
	v63 =	vmul.f32 v63, v63;
	v0 =	vadd.f32 v0, v48  }
0x228: {  	v56 =	vmin.f32 v1, v44;
	v1 =	vsub.f32 v33, v41;
	v41 =	vsub.f32 v39, v41  }
0x229: {  	v44 =	vadd.f32 v63, v51;
	vm15 =	vlt.f32 v49, v2;
	v63 =	vsub.f32 v35, v43  }
0x22a: {  	v54 =	vmin.f32 v2, v49;
	v2 =	vsub.f32 v37, v42;
	v42 =	vmul.f32 v57, v57  }
0x22b: {  	v48 =	vadd.f32 v52, v53;
	v1 =	vmul.f32 v1, v1;
	v63 =	vmul.f32 v63, v63  }
0x22c: {  	v43 =	vmul.f32 v58, v58;
	vm3 =	vlt.f32 v0, v3;
	v2 =	vmul.f32 v2, v2  }
0x22d: {  	v51 =	vmin.f32 v3, v0;
	v0 =	vadd.f32 v1, v44;
	v49 =	vadd.f32 v63, v59  }
0x22e: {  	v41 =	vmul.f32 v41, v41;
	vm4 =	vlt.f32 v48, v47;
	v2 =	vadd.f32 v42, v2  }
0x22f: {  	vm5 =	vlt.f32 v0, v5;
	v1 =	vadd.f32 v43, v49;
	v49 =	vmin.f32 v47, v48  }
0x230: {  	p1 =	sne.s32 s28, $0x1FF0;
	v2 =	vadd.f32 v41, v2;
	v48 =	vmin.f32 v5, v0;
	v0 =	vor.u32 $0xF, v40  }
.Ltmp0:
0x231: {  	v59 =	vsel vm13, v0, v45;
	v58 =	vsel vm14, v0, v46;
	v57 =	vsel vm15, v0, v61;
	(pc) =	sbr.rel @p1 .LBB2_3-.Ltmp0, $4  }
0x232: {  	v53 =	vsel vm3, v0, v62;
	v52 =	vsel vm4, v0, v50;
	v50 =	vsel vm5, v0, v8  }
0x233: {  	v8 =	vimm.s32 $0x2;
	vm6 =	vlt.f32 v1, v4;
	v47 =	vmin.f32 v4, v1  }
0x234: {  	s29 =	sadd.s32 $0x10, s29;
	vm7 =	vlt.f32 v2, v7;
	v44 =	vmin.f32 v7, v2;
	v7 =	vimm.s32 $0x1  }
0x235: {  	s30 =	sadd.s32 $0x10, s30;
	s31 =	sadd.s32 $0x10, s31;
	s28 =	sadd.s32 $0x10, s28;
	v46 =	vsel vm6, v0, v6;
	v45 =	vsel vm7, v0, v60;
	v0 =	vimm.s32 $0x0  }
0x236: {  	[tilespmem:s19+$0x6300] =	vst v59  }
0x237: {  	[tilespmem:s20+$0x6300] =	vst v58  }
0x238: {  	[tilespmem:s21+$0x6300] =	vst v57  }
.Ltmp1:
0x239: {  	[tilespmem:s22+$0x6300] =	vst v53;
	(pc) =	sbr.rel @p0 .LBB2_2-.Ltmp1, $4  }
0x23a: {  	[tilespmem:s23+$0x6300] =	vst v52  }
0x23b: {  	[tilespmem:s24+$0x6300] =	vst v50  }
0x23c: {  	[tilespmem:s25+$0x6300] =	vst v46  }
0x23d: {  	s19 =	simm.s32 $0x80;
	p1 =	por $0x0, $0x0;
	[tilespmem:s26+$0x6300] =	vst v45  }
0x23e: {  	s18 =	sadd.s32 $0x1, s18  }
0x23f: {  	p0 =	sne.s32 s18, s10  }
.Ltmp2:
0x240: {  	_ = 	snop;
	(pc) =	sbr.rel @p0 .LBB2_1-.Ltmp2, $4  }
0x241: {  	[hbm4b:s9+s2] =	stream.linear.scatter [tilespmem:s17], [sflag:$0x1], $0x100, $0x38;
	[tilespmem:$0x6400] =	vst v63  }
0x242: {  	_ =	swait.ge [sflag:s11], $0x100  }
0x243: {  	[sflag:s11] =	ssyncset.done $0x0  }
0x244: {  	[sflag:s11] =	ssyncadd.s32 $0xFFFFFF00  }
0x245: {  	_ =	sfence.sel $0x180000  }
0x246: {  	[bflag:$0x0] =	sbarrier.arrive $0xFFFF  }
0x247: {  	p0 =	sne.s32 s1, $0x0;
	_ =	strace $0x90000047  }
0x248: {  	s0 =	sadd.s32 @!p0 $0x100000, s0;
	[bflag:$0x2] =	sbarrier.arrive $0xFFFF  }
0x249: {  	[sflag:s0] =	ssyncadd.tile.s32 @!p0 $0x1;
	_ =	shalt  }
.Lfunc_end2:
_tile_overlayer_lowered:
.L_overlay_start_2:
0x24a: {  	(tag) =	ssettag $0x2  }
0x24b: {  	s0 =	rddreg [dreg:$0x0];
	s2 =	stileid.u32  }
0x24c: {  	s1 =	rddreg [dreg:$0x1];
	p0 =	sne.s32 s2, $0x0  }
0x24d: {  	s3 =	rddreg [dreg:$0x2];
	[bflag:$0x3] =	sbarrier.arrive $0xFFFF;
	s2 =	simm.s32 @!p0 $0x1C01  }
0x24e: {  	[timem:s3], [sflag:s2] =	dma.local @!p0 [hbm:s0], s1  }
0x24f: {  	s0 =	simm.s32 @!p0 $0x1  }
0x250: {  	_ =	swait.ge @!p0 [sflag:s0], s1  }
0x251: {  	s1 =	ssub.s32 @!p0 $0x0, s1;
	[sflag:s0] =	ssyncset.done @!p0 $0x0  }
0x252: {  	[sflag:s0] =	ssyncadd.s32 @!p0 s1  }
0x253: {  	[bflag:$0x3] =	sbarrier.arrive $0xFFFF  }
0x254: {  	_ =	shalt  }

</sc_bundles>
